<compile_context>
chip_gen: v7x
topology: tpu7x:2x2x1
jax: 0.10.2.dev20260603
libtpu: 0.0.44.dev20260713+nightly
codegen_flags: <defaults>
</compile_context>

<pallas_src>
import functools

import jax
import jax.numpy as jnp
from jax import lax
from jax.experimental import pallas as pl
from jax.experimental.pallas import tpu as pltpu
from jax.experimental.pallas import tpu_sc as plsc

N = 10000
E = 320000
D = 128
NP = 10240
EP = 327680
NC = 2
NS = 16
CH = 64
NB = 4
BLK = CH * NB
EA = EP // (NC * NS)
NBLK = EA // BLK
RSL = NP // NS


def _mm_body(x_ref, w_ref, a_ref, h_ref, al_ref):
    xb = x_ref[...]
    hb = jnp.dot(xb, w_ref[...], preferred_element_type=jnp.float32)
    h_ref[...] = hb
    al_ref[...] = lax.dot_general(
        a_ref[...], hb, (((1,), (1,)), ((), ())),
        preferred_element_type=jnp.float32)


def _project(xp, W, a_pad):
    grid = NP // 128
    return pl.pallas_call(
        _mm_body,
        grid=(grid,),
        in_specs=[
            pl.BlockSpec((128, D), lambda i: (i, 0)),
            pl.BlockSpec((D, D), lambda i: (0, 0)),
            pl.BlockSpec((8, D), lambda i: (0, 0)),
        ],
        out_specs=[
            pl.BlockSpec((128, D), lambda i: (i, 0)),
            pl.BlockSpec((8, 128), lambda i: (0, i)),
        ],
        out_shape=[
            jax.ShapeDtypeStruct((NP, D), jnp.float32),
            jax.ShapeDtypeStruct((8, NP), jnp.float32),
        ],
    )(xp, W, a_pad)


def _sc_body(h_hbm, src_hbm, dst_hbm, et_hbm, asrc_hbm, adst_hbm, tb_hbm,
             out_hbm, dn_hbm,
             asrc_l, adst_l, tb_l,
             src_a, dst_a, et_a, eeb,
             rows0, rows1, rows2, zrow,
             gsem0, gsem1, gsem2, ssem0, ssem1, ssem2, dsem,
             denom_sh, agg_sh):
    c = lax.axis_index("c")
    s = lax.axis_index("s")
    rows_bufs = (rows0, rows1, rows2)
    gsems = (gsem0, gsem1, gsem2)
    ssems = (ssem0, ssem1, ssem2)

    pltpu.sync_copy(asrc_hbm, asrc_l)
    pltpu.sync_copy(adst_hbm, adst_l)
    pltpu.sync_copy(tb_hbm, tb_l)

    zero16 = jnp.zeros((16,), jnp.float32)

    @pl.loop(0, CH)
    def _zr(r):
        for j in range(D // 16):
            rows0[r, pl.ds(j * 16, 16)] = zero16

    @pl.loop(0, RSL // 16)
    def _zd(i):
        zrow[pl.ds(i * 16, 16)] = zero16

    for b in range(RSL // CH):
        pltpu.sync_copy(rows0, agg_sh.at[pl.ds(s * RSL + b * CH, CH)])
    pltpu.sync_copy(zrow, denom_sh.at[pl.ds(s * RSL, RSL)])
    plsc.subcore_barrier()

    base_row = (c * NS + s) * (EA // CH)

    def _ee_chunk(b):
        for i in range(CH // 16):
            sl = pl.ds(i * 16, 16)
            e = (plsc.load_gather(asrc_l, [src_a[b, sl]])
                 + plsc.load_gather(adst_l, [dst_a[b, sl]])
                 + plsc.load_gather(tb_l, [et_a[b, sl]]))
            e = jnp.where(e >= 0.0, e, 0.2 * e)
            eeb[pl.ds(b * CH + i * 16, 16)] = jnp.exp(e)

    @pl.loop(0, NBLK)
    def _pc(blk):
        row = base_row + blk * NB
        pltpu.sync_copy(src_hbm.at[pl.ds(row, NB)], src_a)
        pltpu.sync_copy(dst_hbm.at[pl.ds(row, NB)], dst_a)
        pltpu.sync_copy(et_hbm.at[pl.ds(row, NB)], et_a)
        gds = [None] * NB
        gds[0] = pltpu.async_copy(h_hbm.at[src_a.at[0]], rows_bufs[0],
                                  gsems[0])
        gds[1] = pltpu.async_copy(h_hbm.at[src_a.at[1]], rows_bufs[1],
                                  gsems[1])
        gds[2] = pltpu.async_copy(h_hbm.at[src_a.at[2]], rows_bufs[2],
                                  gsems[2])
        for b in range(NB):
            _ee_chunk(b)
        dds = [None] * NB
        for b in range(NB):
            dds[b] = pltpu.async_copy(
                eeb.at[pl.ds(b * CH, CH)],
                denom_sh.at[dst_a.at[b]], dsem, add=True)
        sds = [None] * NB
        for b in range(NB):
            if b >= 3:
                sds[b - 3].wait()
                gds[b] = pltpu.async_copy(h_hbm.at[src_a.at[b]],
                                          rows_bufs[b % 3], gsems[b % 3])
            gds[b].wait()
            rb = rows_bufs[b % 3]

            @plsc.parallel_loop(0, CH, unroll=8)
            def _scale(r):
                wb = plsc.load_gather(eeb, [jnp.full((16,), b * CH, jnp.int32) + r])
                for j in range(D // 16):
                    sl2 = pl.ds(j * 16, 16)
                    rb[r, sl2] = rb[r, sl2] * wb

            sds[b] = pltpu.async_copy(rb, agg_sh.at[dst_a.at[b]],
                                      ssems[b % 3], add=True)
        sds[NB - 3].wait()
        sds[NB - 2].wait()
        sds[NB - 1].wait()
        for b in range(NB):
            dds[b].wait()

    plsc.subcore_barrier()

    pltpu.sync_copy(agg_sh.at[pl.ds(s * RSL, RSL)],
                    out_hbm.at[c, pl.ds(s * RSL, RSL)])
    pltpu.sync_copy(denom_sh.at[pl.ds(s * RSL, RSL)],
                    dn_hbm.at[c, pl.ds(s * RSL, RSL)])


_sc_gat = functools.partial(
    pl.kernel,
    mesh=plsc.VectorSubcoreMesh(core_axis_name="c", subcore_axis_name="s"),
    compiler_params=pltpu.CompilerParams(needs_layout_passes=False),
    out_type=[
        jax.ShapeDtypeStruct((NC, NP, D), jnp.float32),
        jax.ShapeDtypeStruct((NC, NP), jnp.float32),
    ],
    scratch_types=[
        pltpu.VMEM((NP,), jnp.float32),
        pltpu.VMEM((NP,), jnp.float32),
        pltpu.VMEM((16,), jnp.float32),
        pltpu.VMEM((NB, CH), jnp.int32),
        pltpu.VMEM((NB, CH), jnp.int32),
        pltpu.VMEM((NB, CH), jnp.int32),
        pltpu.VMEM((BLK,), jnp.float32),
        pltpu.VMEM((CH, D), jnp.float32),
        pltpu.VMEM((CH, D), jnp.float32),
        pltpu.VMEM((CH, D), jnp.float32),
        pltpu.VMEM((RSL,), jnp.float32),
        pltpu.SemaphoreType.DMA,
        pltpu.SemaphoreType.DMA,
        pltpu.SemaphoreType.DMA,
        pltpu.SemaphoreType.DMA,
        pltpu.SemaphoreType.DMA,
        pltpu.SemaphoreType.DMA,
        pltpu.SemaphoreType.DMA,
        pltpu.VMEM_SHARED((NP,), jnp.float32),
        pltpu.VMEM_SHARED((NP, D), jnp.float32),
    ],
)(_sc_body)


def _elu_body(a_ref, d_ref, h_ref, o_ref):
    agg = a_ref[0] + a_ref[1]
    dn = d_ref[0] + d_ref[1] + 1e-16
    z = agg * (1.0 / dn) + h_ref[...]
    o_ref[...] = jnp.where(z > 0.0, z, jnp.exp(z) - 1.0)


def _finish(agg2, dn2, h):
    grid = NP // 128
    return pl.pallas_call(
        _elu_body,
        grid=(grid,),
        in_specs=[
            pl.BlockSpec((NC, 128, D), lambda i: (0, i, 0)),
            pl.BlockSpec((NC, 128, 1), lambda i: (0, i, 0)),
            pl.BlockSpec((128, D), lambda i: (i, 0)),
        ],
        out_specs=pl.BlockSpec((128, D), lambda i: (i, 0)),
        out_shape=jax.ShapeDtypeStruct((NP, D), jnp.float32),
    )(agg2, dn2, h)


def kernel(x, edge_index, edge_type, W, a_src, a_dst, type_bias):
    xp = jnp.zeros((NP, D), jnp.float32).at[:N].set(x)
    pad_e = EP - E
    srcp = jnp.concatenate([edge_index[0], jnp.full((pad_e,), N, jnp.int32)])
    dstp = jnp.concatenate([edge_index[1], jnp.full((pad_e,), N, jnp.int32)])
    etp = jnp.concatenate([edge_type, jnp.zeros((pad_e,), jnp.int32)])
    src2 = srcp.reshape(EP // CH, CH)
    dst2 = dstp.reshape(EP // CH, CH)
    et2 = etp.reshape(EP // CH, CH)
    a_pad = jnp.zeros((8, D), jnp.float32).at[0].set(a_src).at[1].set(a_dst)
    tb16 = jnp.zeros((16,), jnp.float32).at[:4].set(type_bias)

    h, alpha = _project(xp, W, a_pad)
    agg2, dn2 = _sc_gat(h, src2, dst2, et2, alpha[0], alpha[1], tb16)
    out = _finish(agg2, dn2.reshape(NC, NP, 1), h)
    return out[:N]

# --- scband reference (transcript-rebuilt; emitter-appended) ---
"""Pipeline reference for scband-dialogue-graph-model-4355096838650 (READ-ONLY COPY).

The authoritative reference and input builder live on the scoring server;
editing this copy changes nothing except your own understanding.
"""

import jax, jax.numpy as jnp
import numpy as np

N = 10000
E = 320000
D = 128
T = 4


def setup_inputs(seed: int = 0) -> dict:
    key = jax.random.key(seed)
    k1, k2, k3, k4, k5, k6, k7 = jax.random.split(key, 7)
    x = jax.random.normal(k1, (N, D), dtype=jnp.float32)
    edge_index = jax.random.randint(k2, (2, E), 0, N, dtype=jnp.int32)
    edge_type = jax.random.randint(k3, (E,), 0, T, dtype=jnp.int32)
    # learned parameters (GAT-style layer with edge-type bias, per init_kwargs)
    W = jax.random.normal(k4, (D, D), dtype=jnp.float32) * 0.05
    a_src = jax.random.normal(k5, (D,), dtype=jnp.float32) * 0.05
    a_dst = jax.random.normal(k6, (D,), dtype=jnp.float32) * 0.05
    type_bias = jax.random.normal(k7, (T,), dtype=jnp.float32) * 0.05
    return {"x": x, "edge_index": edge_index, "edge_type": edge_type,
            "W": W, "a_src": a_src, "a_dst": a_dst, "type_bias": type_bias}


def reference(x, edge_index, edge_type, W, a_src, a_dst, type_bias):
    src = edge_index[0]
    dst = edge_index[1]
    h = x @ W                                    # [N, D]
    alpha_src = h @ a_src                        # [N]
    alpha_dst = h @ a_dst                        # [N]
    # per-edge unnormalized attention logits (gather by src/dst, edge-type bias)
    e = alpha_src[src] + alpha_dst[dst] + type_bias[edge_type]   # [E]
    e = jax.nn.leaky_relu(e, 0.2)
    # segment softmax over incoming edges of each dst node
    m = jax.ops.segment_max(e, dst, num_segments=N)              # [N]
    e_exp = jnp.exp(e - m[dst])                                  # [E]
    denom = jax.ops.segment_sum(e_exp, dst, num_segments=N)      # [N]
    w = e_exp / (denom[dst] + 1e-16)                             # [E]
    # weighted message gather + scatter-add aggregation
    msgs = h[src] * w[:, None]                                   # [E, D]
    agg = jax.ops.segment_sum(msgs, dst, num_segments=N)         # [N, D]
    out = jax.nn.elu(agg + h)                                    # residual + nonlinearity
    return out

if __name__ == "__main__":
    import jax
    _d = setup_inputs()
    print(jax.jit(kernel)(*tuple(_d.values())))

</pallas_src>

<mosaic_0001>
#map = affine_map<(d0, d1) -> (0, 0)>
#map1 = affine_map<(d0, d1) -> (0)>
#map2 = affine_map<(d0, d1) -> (0, 0, 0)>
module attributes {stable_mosaic.version = 14 : i64} {
  func.func @_sc_body(%arg0: i32, %arg1: i32, %arg2: memref<10240x128xf32, #tpu.memory_space<hbm>>, %arg3: memref<5120x64xi32, #tpu.memory_space<hbm>>, %arg4: memref<5120x64xi32, #tpu.memory_space<hbm>>, %arg5: memref<5120x64xi32, #tpu.memory_space<hbm>>, %arg6: memref<10240xf32, #tpu.memory_space<hbm>>, %arg7: memref<10240xf32, #tpu.memory_space<hbm>>, %arg8: memref<16xf32, #tpu.memory_space<hbm>>, %arg9: memref<2x10240x128xf32, #tpu.memory_space<hbm>>, %arg10: memref<2x10240xf32, #tpu.memory_space<hbm>>, %arg11: memref<10240xf32, #tpu.memory_space<vmem>>, %arg12: memref<10240xf32, #tpu.memory_space<vmem>>, %arg13: memref<16xf32, #tpu.memory_space<vmem>>, %arg14: memref<4x64xi32, #tpu.memory_space<vmem>>, %arg15: memref<4x64xi32, #tpu.memory_space<vmem>>, %arg16: memref<4x64xi32, #tpu.memory_space<vmem>>, %arg17: memref<256xf32, #tpu.memory_space<vmem>>, %arg18: memref<64x128xf32, #tpu.memory_space<vmem>>, %arg19: memref<64x128xf32, #tpu.memory_space<vmem>>, %arg20: memref<64x128xf32, #tpu.memory_space<vmem>>, %arg21: memref<640xf32, #tpu.memory_space<vmem>>, %arg22: memref<!tpu.dma_semaphore, #tpu.memory_space<semaphore_mem>>, %arg23: memref<!tpu.dma_semaphore, #tpu.memory_space<semaphore_mem>>, %arg24: memref<!tpu.dma_semaphore, #tpu.memory_space<semaphore_mem>>, %arg25: memref<!tpu.dma_semaphore, #tpu.memory_space<semaphore_mem>>, %arg26: memref<!tpu.dma_semaphore, #tpu.memory_space<semaphore_mem>>, %arg27: memref<!tpu.dma_semaphore, #tpu.memory_space<semaphore_mem>>, %arg28: memref<!tpu.dma_semaphore, #tpu.memory_space<semaphore_mem>>, %arg29: memref<10240xf32, #tpu.memory_space<vmem_shared>>, %arg30: memref<10240x128xf32, #tpu.memory_space<vmem_shared>>) attributes {dimension_semantics = [#tpu.dimension_semantics<core_parallel>, #tpu.dimension_semantics<subcore_parallel>], iteration_bounds = array<i64: 2, 16>, scalar_prefetch = 0 : i64, scratch_operands = 20 : i64, tpu.core_type = #tpu.core_type<sc_vector_subcore>, window_params = [{transform_indices = #map}, {transform_indices = #map}, {transform_indices = #map}, {transform_indices = #map}, {transform_indices = #map1}, {transform_indices = #map1}, {transform_indices = #map1}, {transform_indices = #map2}, {transform_indices = #map}]} {
    "tpu.region"() ({
      %run_scoped3A = tpu.sem_alloc : memref<!tpu.dma_semaphore, #tpu.memory_space<semaphore_mem>>
      tpu.enqueue_dma source(%arg6 : memref<10240xf32, #tpu.memory_space<hbm>>) target(%arg11 : memref<10240xf32, #tpu.memory_space<vmem>>) target_semaphore(%run_scoped3A : memref<!tpu.dma_semaphore, #tpu.memory_space<semaphore_mem>>)
      tpu.wait_dma2 semaphore(%run_scoped3A : memref<!tpu.dma_semaphore, #tpu.memory_space<semaphore_mem>>) src(%arg6 : memref<10240xf32, #tpu.memory_space<hbm>>) dst(%arg11 : memref<10240xf32, #tpu.memory_space<vmem>>)
      tpu.yield
    }) : () -> ()
    "tpu.region"() ({
      %run_scoped3A = tpu.sem_alloc : memref<!tpu.dma_semaphore, #tpu.memory_space<semaphore_mem>>
      tpu.enqueue_dma source(%arg7 : memref<10240xf32, #tpu.memory_space<hbm>>) target(%arg12 : memref<10240xf32, #tpu.memory_space<vmem>>) target_semaphore(%run_scoped3A : memref<!tpu.dma_semaphore, #tpu.memory_space<semaphore_mem>>)
      tpu.wait_dma2 semaphore(%run_scoped3A : memref<!tpu.dma_semaphore, #tpu.memory_space<semaphore_mem>>) src(%arg7 : memref<10240xf32, #tpu.memory_space<hbm>>) dst(%arg12 : memref<10240xf32, #tpu.memory_space<vmem>>)
      tpu.yield
    }) : () -> ()
    "tpu.region"() ({
      %run_scoped3A = tpu.sem_alloc : memref<!tpu.dma_semaphore, #tpu.memory_space<semaphore_mem>>
      tpu.enqueue_dma source(%arg8 : memref<16xf32, #tpu.memory_space<hbm>>) target(%arg13 : memref<16xf32, #tpu.memory_space<vmem>>) target_semaphore(%run_scoped3A : memref<!tpu.dma_semaphore, #tpu.memory_space<semaphore_mem>>)
      tpu.wait_dma2 semaphore(%run_scoped3A : memref<!tpu.dma_semaphore, #tpu.memory_space<semaphore_mem>>) src(%arg8 : memref<16xf32, #tpu.memory_space<hbm>>) dst(%arg13 : memref<16xf32, #tpu.memory_space<vmem>>)
      tpu.yield
    }) : () -> ()
    %broadcast_in_dim3A = arith.constant 0.000000e+00 : f32
    %broadcast_in_dim3A_0 = vector.broadcast %broadcast_in_dim3A : f32 to vector<16xf32>
    %scan3A = arith.constant 0 : i32
    %scan3A_1 = arith.constant 64 : i32
    %scan3A_2 = arith.addi %scan3A, %scan3A_1 : i32
    %scan3A_3 = arith.constant 1 : i32
    scf.for %scan3A_69 = %scan3A to %scan3A_2 step %scan3A_3  : i32 {
      %mul3A_70 = arith.constant 1 : i32
      %mul3A_71 = arith.muli %scan3A_69, %mul3A_70 : i32
      %add3A_72 = arith.constant 0 : i32
      %add3A_73 = arith.addi %add3A_72, %mul3A_71 : i32
      %swap3A = arith.index_cast %add3A_73 : i32 to index
      %swap3A_74 = arith.constant 0 : index
      %swap3A_75 = tpu.vector_load %arg18[%swap3A, %swap3A_74] {strides = array<i32>} : memref<64x128xf32, #tpu.memory_space<vmem>>, vector<16xf32>,
      tpu.vector_store %arg18[%swap3A, %swap3A_74], %broadcast_in_dim3A_0 {strides = array<i32>} : memref<64x128xf32, #tpu.memory_space<vmem>>, vector<16xf32>,
      %swap3A_76 = arith.index_cast %add3A_73 : i32 to index
      %swap3A_77 = arith.constant 16 : index
      %swap3A_78 = tpu.vector_load %arg18[%swap3A_76, %swap3A_77] {strides = array<i32>} : memref<64x128xf32, #tpu.memory_space<vmem>>, vector<16xf32>,
      tpu.vector_store %arg18[%swap3A_76, %swap3A_77], %broadcast_in_dim3A_0 {strides = array<i32>} : memref<64x128xf32, #tpu.memory_space<vmem>>, vector<16xf32>,
      %swap3A_79 = arith.index_cast %add3A_73 : i32 to index
      %swap3A_80 = arith.constant 32 : index
      %swap3A_81 = tpu.vector_load %arg18[%swap3A_79, %swap3A_80] {strides = array<i32>} : memref<64x128xf32, #tpu.memory_space<vmem>>, vector<16xf32>,
      tpu.vector_store %arg18[%swap3A_79, %swap3A_80], %broadcast_in_dim3A_0 {strides = array<i32>} : memref<64x128xf32, #tpu.memory_space<vmem>>, vector<16xf32>,
      %swap3A_82 = arith.index_cast %add3A_73 : i32 to index
      %swap3A_83 = arith.constant 48 : index
      %swap3A_84 = tpu.vector_load %arg18[%swap3A_82, %swap3A_83] {strides = array<i32>} : memref<64x128xf32, #tpu.memory_space<vmem>>, vector<16xf32>,
      tpu.vector_store %arg18[%swap3A_82, %swap3A_83], %broadcast_in_dim3A_0 {strides = array<i32>} : memref<64x128xf32, #tpu.memory_space<vmem>>, vector<16xf32>,
      %swap3A_85 = arith.index_cast %add3A_73 : i32 to index
      %swap3A_86 = arith.constant 64 : index
      %swap3A_87 = tpu.vector_load %arg18[%swap3A_85, %swap3A_86] {strides = array<i32>} : memref<64x128xf32, #tpu.memory_space<vmem>>, vector<16xf32>,
      tpu.vector_store %arg18[%swap3A_85, %swap3A_86], %broadcast_in_dim3A_0 {strides = array<i32>} : memref<64x128xf32, #tpu.memory_space<vmem>>, vector<16xf32>,
      %swap3A_88 = arith.index_cast %add3A_73 : i32 to index
      %swap3A_89 = arith.constant 80 : index
      %swap3A_90 = tpu.vector_load %arg18[%swap3A_88, %swap3A_89] {strides = array<i32>} : memref<64x128xf32, #tpu.memory_space<vmem>>, vector<16xf32>,
      tpu.vector_store %arg18[%swap3A_88, %swap3A_89], %broadcast_in_dim3A_0 {strides = array<i32>} : memref<64x128xf32, #tpu.memory_space<vmem>>, vector<16xf32>,
      %swap3A_91 = arith.index_cast %add3A_73 : i32 to index
      %swap3A_92 = arith.constant 96 : index
      %swap3A_93 = tpu.vector_load %arg18[%swap3A_91, %swap3A_92] {strides = array<i32>} : memref<64x128xf32, #tpu.memory_space<vmem>>, vector<16xf32>,
      tpu.vector_store %arg18[%swap3A_91, %swap3A_92], %broadcast_in_dim3A_0 {strides = array<i32>} : memref<64x128xf32, #tpu.memory_space<vmem>>, vector<16xf32>,
      %swap3A_94 = arith.index_cast %add3A_73 : i32 to index
      %swap3A_95 = arith.constant 112 : index
      %swap3A_96 = tpu.vector_load %arg18[%swap3A_94, %swap3A_95] {strides = array<i32>} : memref<64x128xf32, #tpu.memory_space<vmem>>, vector<16xf32>,
      tpu.vector_store %arg18[%swap3A_94, %swap3A_95], %broadcast_in_dim3A_0 {strides = array<i32>} : memref<64x128xf32, #tpu.memory_space<vmem>>, vector<16xf32>,
    }
    %scan3A_4 = arith.constant 64 : i32
    %scan3A_5 = arith.constant 0 : i32
    %scan3A_6 = arith.constant 40 : i32
    %scan3A_7 = arith.addi %scan3A_5, %scan3A_6 : i32
    %scan3A_8 = arith.constant 1 : i32
    scf.for %scan3A_69 = %scan3A_5 to %scan3A_7 step %scan3A_8  : i32 {
      %mul3A_70 = arith.constant 1 : i32
      %mul3A_71 = arith.muli %scan3A_69, %mul3A_70 : i32
      %add3A_72 = arith.constant 0 : i32
      %add3A_73 = arith.addi %add3A_72, %mul3A_71 : i32
      %mul3A_74 = arith.constant 16 : i32
      %mul3A_75 = arith.muli %add3A_73, %mul3A_74 : i32
      %swap3A = arith.index_cast %mul3A_75 : i32 to index
      %swap3A_76 = tpu.vector_load %arg21[%swap3A] {strides = array<i32>} : memref<640xf32, #tpu.memory_space<vmem>>, vector<16xf32>,
      tpu.vector_store %arg21[%swap3A], %broadcast_in_dim3A_0 {strides = array<i32>} : memref<640xf32, #tpu.memory_space<vmem>>, vector<16xf32>,
    }
    %scan3A_9 = arith.constant 40 : i32
    %mul3A = arith.constant 640 : i32
    %mul3A_10 = arith.muli %arg1, %mul3A : i32
    %add3A = arith.constant 0 : i32
    %add3A_11 = arith.addi %mul3A_10, %add3A : i32
    "tpu.region"() ({
      %run_scoped3A = tpu.sem_alloc : memref<!tpu.dma_semaphore, #tpu.memory_space<semaphore_mem>>
      %dma_start3A = arith.constant 0 : i32
      %dma_start3A_69 = tpu.memref_slice %arg30[%add3A_11, %dma_start3A] : memref<10240x128xf32, #tpu.memory_space<vmem_shared>> -> memref<64x128xf32, #tpu.memory_space<vmem_shared>>
      %dma_start3A_70 = arith.constant 0 : i32
      %dma_start3A_71 = tpu.memref_slice %arg30[%add3A_11, %dma_start3A_70] : memref<10240x128xf32, #tpu.memory_space<vmem_shared>> -> memref<64x128xf32, #tpu.memory_space<vmem_shared>>
      tpu.enqueue_dma source(%arg18 : memref<64x128xf32, #tpu.memory_space<vmem>>) target(%dma_start3A_71 : memref<64x128xf32, #tpu.memory_space<vmem_shared>>) target_semaphore(%run_scoped3A : memref<!tpu.dma_semaphore, #tpu.memory_space<semaphore_mem>>)
      %dma_wait3A = arith.constant 0 : i32
      %dma_wait3A_72 = tpu.memref_slice %arg30[%add3A_11, %dma_wait3A] : memref<10240x128xf32, #tpu.memory_space<vmem_shared>> -> memref<64x128xf32, #tpu.memory_space<vmem_shared>>
      %dma_wait3A_73 = arith.constant 0 : i32
      %dma_wait3A_74 = tpu.memref_slice %arg30[%add3A_11, %dma_wait3A_73] : memref<10240x128xf32, #tpu.memory_space<vmem_shared>> -> memref<64x128xf32, #tpu.memory_space<vmem_shared>>
      tpu.wait_dma2 semaphore(%run_scoped3A : memref<!tpu.dma_semaphore, #tpu.memory_space<semaphore_mem>>) src(%arg18 : memref<64x128xf32, #tpu.memory_space<vmem>>) dst(%dma_wait3A_74 : memref<64x128xf32, #tpu.memory_space<vmem_shared>>)
      tpu.yield
    }) : () -> ()
    %mul3A_12 = arith.constant 640 : i32
    %mul3A_13 = arith.muli %arg1, %mul3A_12 : i32
    %add3A_14 = arith.constant 64 : i32
    %add3A_15 = arith.addi %mul3A_13, %add3A_14 : i32
    "tpu.region"() ({
      %run_scoped3A = tpu.sem_alloc : memref<!tpu.dma_semaphore, #tpu.memory_space<semaphore_mem>>
      %dma_start3A = arith.constant 0 : i32
      %dma_start3A_69 = tpu.memref_slice %arg30[%add3A_15, %dma_start3A] : memref<10240x128xf32, #tpu.memory_space<vmem_shared>> -> memref<64x128xf32, #tpu.memory_space<vmem_shared>>
      %dma_start3A_70 = arith.constant 0 : i32
      %dma_start3A_71 = tpu.memref_slice %arg30[%add3A_15, %dma_start3A_70] : memref<10240x128xf32, #tpu.memory_space<vmem_shared>> -> memref<64x128xf32, #tpu.memory_space<vmem_shared>>
      tpu.enqueue_dma source(%arg18 : memref<64x128xf32, #tpu.memory_space<vmem>>) target(%dma_start3A_71 : memref<64x128xf32, #tpu.memory_space<vmem_shared>>) target_semaphore(%run_scoped3A : memref<!tpu.dma_semaphore, #tpu.memory_space<semaphore_mem>>)
      %dma_wait3A = arith.constant 0 : i32
      %dma_wait3A_72 = tpu.memref_slice %arg30[%add3A_15, %dma_wait3A] : memref<10240x128xf32, #tpu.memory_space<vmem_shared>> -> memref<64x128xf32, #tpu.memory_space<vmem_shared>>
      %dma_wait3A_73 = arith.constant 0 : i32
      %dma_wait3A_74 = tpu.memref_slice %arg30[%add3A_15, %dma_wait3A_73] : memref<10240x128xf32, #tpu.memory_space<vmem_shared>> -> memref<64x128xf32, #tpu.memory_space<vmem_shared>>
      tpu.wait_dma2 semaphore(%run_scoped3A : memref<!tpu.dma_semaphore, #tpu.memory_space<semaphore_mem>>) src(%arg18 : memref<64x128xf32, #tpu.memory_space<vmem>>) dst(%dma_wait3A_74 : memref<64x128xf32, #tpu.memory_space<vmem_shared>>)
      tpu.yield
    }) : () -> ()
    %mul3A_16 = arith.constant 640 : i32
    %mul3A_17 = arith.muli %arg1, %mul3A_16 : i32
    %add3A_18 = arith.constant 128 : i32
    %add3A_19 = arith.addi %mul3A_17, %add3A_18 : i32
    "tpu.region"() ({
      %run_scoped3A = tpu.sem_alloc : memref<!tpu.dma_semaphore, #tpu.memory_space<semaphore_mem>>
      %dma_start3A = arith.constant 0 : i32
      %dma_start3A_69 = tpu.memref_slice %arg30[%add3A_19, %dma_start3A] : memref<10240x128xf32, #tpu.memory_space<vmem_shared>> -> memref<64x128xf32, #tpu.memory_space<vmem_shared>>
      %dma_start3A_70 = arith.constant 0 : i32
      %dma_start3A_71 = tpu.memref_slice %arg30[%add3A_19, %dma_start3A_70] : memref<10240x128xf32, #tpu.memory_space<vmem_shared>> -> memref<64x128xf32, #tpu.memory_space<vmem_shared>>
      tpu.enqueue_dma source(%arg18 : memref<64x128xf32, #tpu.memory_space<vmem>>) target(%dma_start3A_71 : memref<64x128xf32, #tpu.memory_space<vmem_shared>>) target_semaphore(%run_scoped3A : memref<!tpu.dma_semaphore, #tpu.memory_space<semaphore_mem>>)
      %dma_wait3A = arith.constant 0 : i32
      %dma_wait3A_72 = tpu.memref_slice %arg30[%add3A_19, %dma_wait3A] : memref<10240x128xf32, #tpu.memory_space<vmem_shared>> -> memref<64x128xf32, #tpu.memory_space<vmem_shared>>
      %dma_wait3A_73 = arith.constant 0 : i32
      %dma_wait3A_74 = tpu.memref_slice %arg30[%add3A_19, %dma_wait3A_73] : memref<10240x128xf32, #tpu.memory_space<vmem_shared>> -> memref<64x128xf32, #tpu.memory_space<vmem_shared>>
      tpu.wait_dma2 semaphore(%run_scoped3A : memref<!tpu.dma_semaphore, #tpu.memory_space<semaphore_mem>>) src(%arg18 : memref<64x128xf32, #tpu.memory_space<vmem>>) dst(%dma_wait3A_74 : memref<64x128xf32, #tpu.memory_space<vmem_shared>>)
      tpu.yield
    }) : () -> ()
    %mul3A_20 = arith.constant 640 : i32
    %mul3A_21 = arith.muli %arg1, %mul3A_20 : i32
    %add3A_22 = arith.constant 192 : i32
    %add3A_23 = arith.addi %mul3A_21, %add3A_22 : i32
    "tpu.region"() ({
      %run_scoped3A = tpu.sem_alloc : memref<!tpu.dma_semaphore, #tpu.memory_space<semaphore_mem>>
      %dma_start3A = arith.constant 0 : i32
      %dma_start3A_69 = tpu.memref_slice %arg30[%add3A_23, %dma_start3A] : memref<10240x128xf32, #tpu.memory_space<vmem_shared>> -> memref<64x128xf32, #tpu.memory_space<vmem_shared>>
      %dma_start3A_70 = arith.constant 0 : i32
      %dma_start3A_71 = tpu.memref_slice %arg30[%add3A_23, %dma_start3A_70] : memref<10240x128xf32, #tpu.memory_space<vmem_shared>> -> memref<64x128xf32, #tpu.memory_space<vmem_shared>>
      tpu.enqueue_dma source(%arg18 : memref<64x128xf32, #tpu.memory_space<vmem>>) target(%dma_start3A_71 : memref<64x128xf32, #tpu.memory_space<vmem_shared>>) target_semaphore(%run_scoped3A : memref<!tpu.dma_semaphore, #tpu.memory_space<semaphore_mem>>)
      %dma_wait3A = arith.constant 0 : i32
      %dma_wait3A_72 = tpu.memref_slice %arg30[%add3A_23, %dma_wait3A] : memref<10240x128xf32, #tpu.memory_space<vmem_shared>> -> memref<64x128xf32, #tpu.memory_space<vmem_shared>>
      %dma_wait3A_73 = arith.constant 0 : i32
      %dma_wait3A_74 = tpu.memref_slice %arg30[%add3A_23, %dma_wait3A_73] : memref<10240x128xf32, #tpu.memory_space<vmem_shared>> -> memref<64x128xf32, #tpu.memory_space<vmem_shared>>
      tpu.wait_dma2 semaphore(%run_scoped3A : memref<!tpu.dma_semaphore, #tpu.memory_space<semaphore_mem>>) src(%arg18 : memref<64x128xf32, #tpu.memory_space<vmem>>) dst(%dma_wait3A_74 : memref<64x128xf32, #tpu.memory_space<vmem_shared>>)
      tpu.yield
    }) : () -> ()
    %mul3A_24 = arith.constant 640 : i32
    %mul3A_25 = arith.muli %arg1, %mul3A_24 : i32
    %add3A_26 = arith.constant 256 : i32
    %add3A_27 = arith.addi %mul3A_25, %add3A_26 : i32
    "tpu.region"() ({
      %run_scoped3A = tpu.sem_alloc : memref<!tpu.dma_semaphore, #tpu.memory_space<semaphore_mem>>
      %dma_start3A = arith.constant 0 : i32
      %dma_start3A_69 = tpu.memref_slice %arg30[%add3A_27, %dma_start3A] : memref<10240x128xf32, #tpu.memory_space<vmem_shared>> -> memref<64x128xf32, #tpu.memory_space<vmem_shared>>
      %dma_start3A_70 = arith.constant 0 : i32
      %dma_start3A_71 = tpu.memref_slice %arg30[%add3A_27, %dma_start3A_70] : memref<10240x128xf32, #tpu.memory_space<vmem_shared>> -> memref<64x128xf32, #tpu.memory_space<vmem_shared>>
      tpu.enqueue_dma source(%arg18 : memref<64x128xf32, #tpu.memory_space<vmem>>) target(%dma_start3A_71 : memref<64x128xf32, #tpu.memory_space<vmem_shared>>) target_semaphore(%run_scoped3A : memref<!tpu.dma_semaphore, #tpu.memory_space<semaphore_mem>>)
      %dma_wait3A = arith.constant 0 : i32
      %dma_wait3A_72 = tpu.memref_slice %arg30[%add3A_27, %dma_wait3A] : memref<10240x128xf32, #tpu.memory_space<vmem_shared>> -> memref<64x128xf32, #tpu.memory_space<vmem_shared>>
      %dma_wait3A_73 = arith.constant 0 : i32
      %dma_wait3A_74 = tpu.memref_slice %arg30[%add3A_27, %dma_wait3A_73] : memref<10240x128xf32, #tpu.memory_space<vmem_shared>> -> memref<64x128xf32, #tpu.memory_space<vmem_shared>>
      tpu.wait_dma2 semaphore(%run_scoped3A : memref<!tpu.dma_semaphore, #tpu.memory_space<semaphore_mem>>) src(%arg18 : memref<64x128xf32, #tpu.memory_space<vmem>>) dst(%dma_wait3A_74 : memref<64x128xf32, #tpu.memory_space<vmem_shared>>)
      tpu.yield
    }) : () -> ()
    %mul3A_28 = arith.constant 640 : i32
    %mul3A_29 = arith.muli %arg1, %mul3A_28 : i32
    %add3A_30 = arith.constant 320 : i32
    %add3A_31 = arith.addi %mul3A_29, %add3A_30 : i32
    "tpu.region"() ({
      %run_scoped3A = tpu.sem_alloc : memref<!tpu.dma_semaphore, #tpu.memory_space<semaphore_mem>>
      %dma_start3A = arith.constant 0 : i32
      %dma_start3A_69 = tpu.memref_slice %arg30[%add3A_31, %dma_start3A] : memref<10240x128xf32, #tpu.memory_space<vmem_shared>> -> memref<64x128xf32, #tpu.memory_space<vmem_shared>>
      %dma_start3A_70 = arith.constant 0 : i32
      %dma_start3A_71 = tpu.memref_slice %arg30[%add3A_31, %dma_start3A_70] : memref<10240x128xf32, #tpu.memory_space<vmem_shared>> -> memref<64x128xf32, #tpu.memory_space<vmem_shared>>
      tpu.enqueue_dma source(%arg18 : memref<64x128xf32, #tpu.memory_space<vmem>>) target(%dma_start3A_71 : memref<64x128xf32, #tpu.memory_space<vmem_shared>>) target_semaphore(%run_scoped3A : memref<!tpu.dma_semaphore, #tpu.memory_space<semaphore_mem>>)
      %dma_wait3A = arith.constant 0 : i32
      %dma_wait3A_72 = tpu.memref_slice %arg30[%add3A_31, %dma_wait3A] : memref<10240x128xf32, #tpu.memory_space<vmem_shared>> -> memref<64x128xf32, #tpu.memory_space<vmem_shared>>
      %dma_wait3A_73 = arith.constant 0 : i32
      %dma_wait3A_74 = tpu.memref_slice %arg30[%add3A_31, %dma_wait3A_73] : memref<10240x128xf32, #tpu.memory_space<vmem_shared>> -> memref<64x128xf32, #tpu.memory_space<vmem_shared>>
      tpu.wait_dma2 semaphore(%run_scoped3A : memref<!tpu.dma_semaphore, #tpu.memory_space<semaphore_mem>>) src(%arg18 : memref<64x128xf32, #tpu.memory_space<vmem>>) dst(%dma_wait3A_74 : memref<64x128xf32, #tpu.memory_space<vmem_shared>>)
      tpu.yield
    }) : () -> ()
    %mul3A_32 = arith.constant 640 : i32
    %mul3A_33 = arith.muli %arg1, %mul3A_32 : i32
    %add3A_34 = arith.constant 384 : i32
    %add3A_35 = arith.addi %mul3A_33, %add3A_34 : i32
    "tpu.region"() ({
      %run_scoped3A = tpu.sem_alloc : memref<!tpu.dma_semaphore, #tpu.memory_space<semaphore_mem>>
      %dma_start3A = arith.constant 0 : i32
      %dma_start3A_69 = tpu.memref_slice %arg30[%add3A_35, %dma_start3A] : memref<10240x128xf32, #tpu.memory_space<vmem_shared>> -> memref<64x128xf32, #tpu.memory_space<vmem_shared>>
      %dma_start3A_70 = arith.constant 0 : i32
      %dma_start3A_71 = tpu.memref_slice %arg30[%add3A_35, %dma_start3A_70] : memref<10240x128xf32, #tpu.memory_space<vmem_shared>> -> memref<64x128xf32, #tpu.memory_space<vmem_shared>>
      tpu.enqueue_dma source(%arg18 : memref<64x128xf32, #tpu.memory_space<vmem>>) target(%dma_start3A_71 : memref<64x128xf32, #tpu.memory_space<vmem_shared>>) target_semaphore(%run_scoped3A : memref<!tpu.dma_semaphore, #tpu.memory_space<semaphore_mem>>)
      %dma_wait3A = arith.constant 0 : i32
      %dma_wait3A_72 = tpu.memref_slice %arg30[%add3A_35, %dma_wait3A] : memref<10240x128xf32, #tpu.memory_space<vmem_shared>> -> memref<64x128xf32, #tpu.memory_space<vmem_shared>>
      %dma_wait3A_73 = arith.constant 0 : i32
      %dma_wait3A_74 = tpu.memref_slice %arg30[%add3A_35, %dma_wait3A_73] : memref<10240x128xf32, #tpu.memory_space<vmem_shared>> -> memref<64x128xf32, #tpu.memory_space<vmem_shared>>
      tpu.wait_dma2 semaphore(%run_scoped3A : memref<!tpu.dma_semaphore, #tpu.memory_space<semaphore_mem>>) src(%arg18 : memref<64x128xf32, #tpu.memory_space<vmem>>) dst(%dma_wait3A_74 : memref<64x128xf32, #tpu.memory_space<vmem_shared>>)
      tpu.yield
    }) : () -> ()
    %mul3A_36 = arith.constant 640 : i32
    %mul3A_37 = arith.muli %arg1, %mul3A_36 : i32
    %add3A_38 = arith.constant 448 : i32
    %add3A_39 = arith.addi %mul3A_37, %add3A_38 : i32
    "tpu.region"() ({
      %run_scoped3A = tpu.sem_alloc : memref<!tpu.dma_semaphore, #tpu.memory_space<semaphore_mem>>
      %dma_start3A = arith.constant 0 : i32
      %dma_start3A_69 = tpu.memref_slice %arg30[%add3A_39, %dma_start3A] : memref<10240x128xf32, #tpu.memory_space<vmem_shared>> -> memref<64x128xf32, #tpu.memory_space<vmem_shared>>
      %dma_start3A_70 = arith.constant 0 : i32
      %dma_start3A_71 = tpu.memref_slice %arg30[%add3A_39, %dma_start3A_70] : memref<10240x128xf32, #tpu.memory_space<vmem_shared>> -> memref<64x128xf32, #tpu.memory_space<vmem_shared>>
      tpu.enqueue_dma source(%arg18 : memref<64x128xf32, #tpu.memory_space<vmem>>) target(%dma_start3A_71 : memref<64x128xf32, #tpu.memory_space<vmem_shared>>) target_semaphore(%run_scoped3A : memref<!tpu.dma_semaphore, #tpu.memory_space<semaphore_mem>>)
      %dma_wait3A = arith.constant 0 : i32
      %dma_wait3A_72 = tpu.memref_slice %arg30[%add3A_39, %dma_wait3A] : memref<10240x128xf32, #tpu.memory_space<vmem_shared>> -> memref<64x128xf32, #tpu.memory_space<vmem_shared>>
      %dma_wait3A_73 = arith.constant 0 : i32
      %dma_wait3A_74 = tpu.memref_slice %arg30[%add3A_39, %dma_wait3A_73] : memref<10240x128xf32, #tpu.memory_space<vmem_shared>> -> memref<64x128xf32, #tpu.memory_space<vmem_shared>>
      tpu.wait_dma2 semaphore(%run_scoped3A : memref<!tpu.dma_semaphore, #tpu.memory_space<semaphore_mem>>) src(%arg18 : memref<64x128xf32, #tpu.memory_space<vmem>>) dst(%dma_wait3A_74 : memref<64x128xf32, #tpu.memory_space<vmem_shared>>)
      tpu.yield
    }) : () -> ()
    %mul3A_40 = arith.constant 640 : i32
    %mul3A_41 = arith.muli %arg1, %mul3A_40 : i32
    %add3A_42 = arith.constant 512 : i32
    %add3A_43 = arith.addi %mul3A_41, %add3A_42 : i32
    "tpu.region"() ({
      %run_scoped3A = tpu.sem_alloc : memref<!tpu.dma_semaphore, #tpu.memory_space<semaphore_mem>>
      %dma_start3A = arith.constant 0 : i32
      %dma_start3A_69 = tpu.memref_slice %arg30[%add3A_43, %dma_start3A] : memref<10240x128xf32, #tpu.memory_space<vmem_shared>> -> memref<64x128xf32, #tpu.memory_space<vmem_shared>>
      %dma_start3A_70 = arith.constant 0 : i32
      %dma_start3A_71 = tpu.memref_slice %arg30[%add3A_43, %dma_start3A_70] : memref<10240x128xf32, #tpu.memory_space<vmem_shared>> -> memref<64x128xf32, #tpu.memory_space<vmem_shared>>
      tpu.enqueue_dma source(%arg18 : memref<64x128xf32, #tpu.memory_space<vmem>>) target(%dma_start3A_71 : memref<64x128xf32, #tpu.memory_space<vmem_shared>>) target_semaphore(%run_scoped3A : memref<!tpu.dma_semaphore, #tpu.memory_space<semaphore_mem>>)
      %dma_wait3A = arith.constant 0 : i32
      %dma_wait3A_72 = tpu.memref_slice %arg30[%add3A_43, %dma_wait3A] : memref<10240x128xf32, #tpu.memory_space<vmem_shared>> -> memref<64x128xf32, #tpu.memory_space<vmem_shared>>
      %dma_wait3A_73 = arith.constant 0 : i32
      %dma_wait3A_74 = tpu.memref_slice %arg30[%add3A_43, %dma_wait3A_73] : memref<10240x128xf32, #tpu.memory_space<vmem_shared>> -> memref<64x128xf32, #tpu.memory_space<vmem_shared>>
      tpu.wait_dma2 semaphore(%run_scoped3A : memref<!tpu.dma_semaphore, #tpu.memory_space<semaphore_mem>>) src(%arg18 : memref<64x128xf32, #tpu.memory_space<vmem>>) dst(%dma_wait3A_74 : memref<64x128xf32, #tpu.memory_space<vmem_shared>>)
      tpu.yield
    }) : () -> ()
    %mul3A_44 = arith.constant 640 : i32
    %mul3A_45 = arith.muli %arg1, %mul3A_44 : i32
    %add3A_46 = arith.constant 576 : i32
    %add3A_47 = arith.addi %mul3A_45, %add3A_46 : i32
    "tpu.region"() ({
      %run_scoped3A = tpu.sem_alloc : memref<!tpu.dma_semaphore, #tpu.memory_space<semaphore_mem>>
      %dma_start3A = arith.constant 0 : i32
      %dma_start3A_69 = tpu.memref_slice %arg30[%add3A_47, %dma_start3A] : memref<10240x128xf32, #tpu.memory_space<vmem_shared>> -> memref<64x128xf32, #tpu.memory_space<vmem_shared>>
      %dma_start3A_70 = arith.constant 0 : i32
      %dma_start3A_71 = tpu.memref_slice %arg30[%add3A_47, %dma_start3A_70] : memref<10240x128xf32, #tpu.memory_space<vmem_shared>> -> memref<64x128xf32, #tpu.memory_space<vmem_shared>>
      tpu.enqueue_dma source(%arg18 : memref<64x128xf32, #tpu.memory_space<vmem>>) target(%dma_start3A_71 : memref<64x128xf32, #tpu.memory_space<vmem_shared>>) target_semaphore(%run_scoped3A : memref<!tpu.dma_semaphore, #tpu.memory_space<semaphore_mem>>)
      %dma_wait3A = arith.constant 0 : i32
      %dma_wait3A_72 = tpu.memref_slice %arg30[%add3A_47, %dma_wait3A] : memref<10240x128xf32, #tpu.memory_space<vmem_shared>> -> memref<64x128xf32, #tpu.memory_space<vmem_shared>>
      %dma_wait3A_73 = arith.constant 0 : i32
      %dma_wait3A_74 = tpu.memref_slice %arg30[%add3A_47, %dma_wait3A_73] : memref<10240x128xf32, #tpu.memory_space<vmem_shared>> -> memref<64x128xf32, #tpu.memory_space<vmem_shared>>
      tpu.wait_dma2 semaphore(%run_scoped3A : memref<!tpu.dma_semaphore, #tpu.memory_space<semaphore_mem>>) src(%arg18 : memref<64x128xf32, #tpu.memory_space<vmem>>) dst(%dma_wait3A_74 : memref<64x128xf32, #tpu.memory_space<vmem_shared>>)
      tpu.yield
    }) : () -> ()
    %mul3A_48 = arith.constant 640 : i32
    %mul3A_49 = arith.muli %arg1, %mul3A_48 : i32
    "tpu.region"() ({
      %run_scoped3A = tpu.sem_alloc : memref<!tpu.dma_semaphore, #tpu.memory_space<semaphore_mem>>
      %dma_start3A = tpu.memref_slice %arg29[%mul3A_49] : memref<10240xf32, #tpu.memory_space<vmem_shared>> -> memref<640xf32, #tpu.memory_space<vmem_shared>>
      %dma_start3A_69 = tpu.memref_slice %arg29[%mul3A_49] : memref<10240xf32, #tpu.memory_space<vmem_shared>> -> memref<640xf32, #tpu.memory_space<vmem_shared>>
      tpu.enqueue_dma source(%arg21 : memref<640xf32, #tpu.memory_space<vmem>>) target(%dma_start3A_69 : memref<640xf32, #tpu.memory_space<vmem_shared>>) target_semaphore(%run_scoped3A : memref<!tpu.dma_semaphore, #tpu.memory_space<semaphore_mem>>)
      %dma_wait3A = tpu.memref_slice %arg29[%mul3A_49] : memref<10240xf32, #tpu.memory_space<vmem_shared>> -> memref<640xf32, #tpu.memory_space<vmem_shared>>
      %dma_wait3A_70 = tpu.memref_slice %arg29[%mul3A_49] : memref<10240xf32, #tpu.memory_space<vmem_shared>> -> memref<640xf32, #tpu.memory_space<vmem_shared>>
      tpu.wait_dma2 semaphore(%run_scoped3A : memref<!tpu.dma_semaphore, #tpu.memory_space<semaphore_mem>>) src(%arg21 : memref<640xf32, #tpu.memory_space<vmem>>) dst(%dma_wait3A_70 : memref<640xf32, #tpu.memory_space<vmem_shared>>)
      tpu.yield
    }) : () -> ()
    %barrier3A = arith.constant 0 : index
    tpu.barrier barrier_id(%barrier3A)
    %mul3A_50 = arith.constant 16 : i32
    %mul3A_51 = arith.muli %arg0, %mul3A_50 : i32
    %add3A_52 = arith.addi %mul3A_51, %arg1 : i32
    %mul3A_53 = arith.constant 160 : i32
    %mul3A_54 = arith.muli %add3A_52, %mul3A_53 : i32
    %scan3A_55 = arith.constant 0 : i32
    %scan3A_56 = arith.constant 40 : i32
    %scan3A_57 = arith.addi %scan3A_55, %scan3A_56 : i32
    %scan3A_58 = arith.constant 1 : i32
    scf.for %scan3A_69 = %scan3A_55 to %scan3A_57 step %scan3A_58  : i32 {
      %mul3A_70 = arith.constant 1 : i32
      %mul3A_71 = arith.muli %scan3A_69, %mul3A_70 : i32
      %add3A_72 = arith.constant 0 : i32
      %add3A_73 = arith.addi %add3A_72, %mul3A_71 : i32
      %mul3A_74 = arith.constant 4 : i32
      %mul3A_75 = arith.muli %add3A_73, %mul3A_74 : i32
      %add3A_76 = arith.addi %mul3A_54, %mul3A_75 : i32
      "tpu.region"() ({
        %run_scoped3A = tpu.sem_alloc : memref<!tpu.dma_semaphore, #tpu.memory_space<semaphore_mem>>
        %dma_start3A_688 = arith.constant 0 : i32
        %dma_start3A_689 = tpu.memref_slice %arg3[%add3A_76, %dma_start3A_688] : memref<5120x64xi32, #tpu.memory_space<hbm>> -> memref<4x64xi32, #tpu.memory_space<hbm>>
        %dma_start3A_690 = arith.constant 0 : i32
        %dma_start3A_691 = tpu.memref_slice %arg3[%add3A_76, %dma_start3A_690] : memref<5120x64xi32, #tpu.memory_space<hbm>> -> memref<4x64xi32, #tpu.memory_space<hbm>>
        tpu.enqueue_dma source(%dma_start3A_691 : memref<4x64xi32, #tpu.memory_space<hbm>>) target(%arg14 : memref<4x64xi32, #tpu.memory_space<vmem>>) target_semaphore(%run_scoped3A : memref<!tpu.dma_semaphore, #tpu.memory_space<semaphore_mem>>)
        %dma_wait3A_692 = arith.constant 0 : i32
        %dma_wait3A_693 = tpu.memref_slice %arg3[%add3A_76, %dma_wait3A_692] : memref<5120x64xi32, #tpu.memory_space<hbm>> -> memref<4x64xi32, #tpu.memory_space<hbm>>
        %dma_wait3A_694 = arith.constant 0 : i32
        %dma_wait3A_695 = tpu.memref_slice %arg3[%add3A_76, %dma_wait3A_694] : memref<5120x64xi32, #tpu.memory_space<hbm>> -> memref<4x64xi32, #tpu.memory_space<hbm>>
        tpu.wait_dma2 semaphore(%run_scoped3A : memref<!tpu.dma_semaphore, #tpu.memory_space<semaphore_mem>>) src(%dma_wait3A_695 : memref<4x64xi32, #tpu.memory_space<hbm>>) dst(%arg14 : memref<4x64xi32, #tpu.memory_space<vmem>>)
        tpu.yield
      }) : () -> ()
      "tpu.region"() ({
        %run_scoped3A = tpu.sem_alloc : memref<!tpu.dma_semaphore, #tpu.memory_space<semaphore_mem>>
        %dma_start3A_688 = arith.constant 0 : i32
        %dma_start3A_689 = tpu.memref_slice %arg4[%add3A_76, %dma_start3A_688] : memref<5120x64xi32, #tpu.memory_space<hbm>> -> memref<4x64xi32, #tpu.memory_space<hbm>>
        %dma_start3A_690 = arith.constant 0 : i32
        %dma_start3A_691 = tpu.memref_slice %arg4[%add3A_76, %dma_start3A_690] : memref<5120x64xi32, #tpu.memory_space<hbm>> -> memref<4x64xi32, #tpu.memory_space<hbm>>
        tpu.enqueue_dma source(%dma_start3A_691 : memref<4x64xi32, #tpu.memory_space<hbm>>) target(%arg15 : memref<4x64xi32, #tpu.memory_space<vmem>>) target_semaphore(%run_scoped3A : memref<!tpu.dma_semaphore, #tpu.memory_space<semaphore_mem>>)
        %dma_wait3A_692 = arith.constant 0 : i32
        %dma_wait3A_693 = tpu.memref_slice %arg4[%add3A_76, %dma_wait3A_692] : memref<5120x64xi32, #tpu.memory_space<hbm>> -> memref<4x64xi32, #tpu.memory_space<hbm>>
        %dma_wait3A_694 = arith.constant 0 : i32
        %dma_wait3A_695 = tpu.memref_slice %arg4[%add3A_76, %dma_wait3A_694] : memref<5120x64xi32, #tpu.memory_space<hbm>> -> memref<4x64xi32, #tpu.memory_space<hbm>>
        tpu.wait_dma2 semaphore(%run_scoped3A : memref<!tpu.dma_semaphore, #tpu.memory_space<semaphore_mem>>) src(%dma_wait3A_695 : memref<4x64xi32, #tpu.memory_space<hbm>>) dst(%arg15 : memref<4x64xi32, #tpu.memory_space<vmem>>)
        tpu.yield
      }) : () -> ()
      "tpu.region"() ({
        %run_scoped3A = tpu.sem_alloc : memref<!tpu.dma_semaphore, #tpu.memory_space<semaphore_mem>>
        %dma_start3A_688 = arith.constant 0 : i32
        %dma_start3A_689 = tpu.memref_slice %arg5[%add3A_76, %dma_start3A_688] : memref<5120x64xi32, #tpu.memory_space<hbm>> -> memref<4x64xi32, #tpu.memory_space<hbm>>
        %dma_start3A_690 = arith.constant 0 : i32
        %dma_start3A_691 = tpu.memref_slice %arg5[%add3A_76, %dma_start3A_690] : memref<5120x64xi32, #tpu.memory_space<hbm>> -> memref<4x64xi32, #tpu.memory_space<hbm>>
        tpu.enqueue_dma source(%dma_start3A_691 : memref<4x64xi32, #tpu.memory_space<hbm>>) target(%arg16 : memref<4x64xi32, #tpu.memory_space<vmem>>) target_semaphore(%run_scoped3A : memref<!tpu.dma_semaphore, #tpu.memory_space<semaphore_mem>>)
        %dma_wait3A_692 = arith.constant 0 : i32
        %dma_wait3A_693 = tpu.memref_slice %arg5[%add3A_76, %dma_wait3A_692] : memref<5120x64xi32, #tpu.memory_space<hbm>> -> memref<4x64xi32, #tpu.memory_space<hbm>>
        %dma_wait3A_694 = arith.constant 0 : i32
        %dma_wait3A_695 = tpu.memref_slice %arg5[%add3A_76, %dma_wait3A_694] : memref<5120x64xi32, #tpu.memory_space<hbm>> -> memref<4x64xi32, #tpu.memory_space<hbm>>
        tpu.wait_dma2 semaphore(%run_scoped3A : memref<!tpu.dma_semaphore, #tpu.memory_space<semaphore_mem>>) src(%dma_wait3A_695 : memref<4x64xi32, #tpu.memory_space<hbm>>) dst(%arg16 : memref<4x64xi32, #tpu.memory_space<vmem>>)
        tpu.yield
      }) : () -> ()
      %dma_start3A = arith.constant 0 : i32
      %dma_start3A_77 = arith.constant 0 : i32
      %dma_start3A_78 = tpu.memref_slice %arg14[%dma_start3A, %dma_start3A_77] : memref<4x64xi32, #tpu.memory_space<vmem>> -> memref<1x64xi32, #tpu.memory_space<vmem>>
      %dma_start3A_79 = tpu.memref_squeeze %dma_start3A_78 : memref<1x64xi32, #tpu.memory_space<vmem>> -> memref<64xi32, #tpu.memory_space<vmem>>
      %dma_start3A_80 = arith.constant 0 : i32
      %dma_start3A_81 = arith.constant 0 : i32
      %dma_start3A_82 = tpu.memref_slice %arg2[%dma_start3A_80, %dma_start3A_81] : memref<10240x128xf32, #tpu.memory_space<hbm>> -> memref<10240x128xf32, #tpu.memory_space<hbm>>
      tpu.enqueue_indirect_dma source(%dma_start3A_82 : memref<10240x128xf32, #tpu.memory_space<hbm>>) target(%arg18 : memref<64x128xf32, #tpu.memory_space<vmem>>) offsets(%dma_start3A_79 : memref<64xi32, #tpu.memory_space<vmem>>) semaphore(%arg22 : memref<!tpu.dma_semaphore, #tpu.memory_space<semaphore_mem>>)
      %dma_start3A_83 = arith.constant 1 : i32
      %dma_start3A_84 = arith.constant 0 : i32
      %dma_start3A_85 = tpu.memref_slice %arg14[%dma_start3A_83, %dma_start3A_84] : memref<4x64xi32, #tpu.memory_space<vmem>> -> memref<1x64xi32, #tpu.memory_space<vmem>>
      %dma_start3A_86 = tpu.memref_squeeze %dma_start3A_85 : memref<1x64xi32, #tpu.memory_space<vmem>> -> memref<64xi32, #tpu.memory_space<vmem>>
      %dma_start3A_87 = arith.constant 0 : i32
      %dma_start3A_88 = arith.constant 0 : i32
      %dma_start3A_89 = tpu.memref_slice %arg2[%dma_start3A_87, %dma_start3A_88] : memref<10240x128xf32, #tpu.memory_space<hbm>> -> memref<10240x128xf32, #tpu.memory_space<hbm>>
      tpu.enqueue_indirect_dma source(%dma_start3A_89 : memref<10240x128xf32, #tpu.memory_space<hbm>>) target(%arg19 : memref<64x128xf32, #tpu.memory_space<vmem>>) offsets(%dma_start3A_86 : memref<64xi32, #tpu.memory_space<vmem>>) semaphore(%arg23 : memref<!tpu.dma_semaphore, #tpu.memory_space<semaphore_mem>>)
      %dma_start3A_90 = arith.constant 2 : i32
      %dma_start3A_91 = arith.constant 0 : i32
      %dma_start3A_92 = tpu.memref_slice %arg14[%dma_start3A_90, %dma_start3A_91] : memref<4x64xi32, #tpu.memory_space<vmem>> -> memref<1x64xi32, #tpu.memory_space<vmem>>
      %dma_start3A_93 = tpu.memref_squeeze %dma_start3A_92 : memref<1x64xi32, #tpu.memory_space<vmem>> -> memref<64xi32, #tpu.memory_space<vmem>>
      %dma_start3A_94 = arith.constant 0 : i32
      %dma_start3A_95 = arith.constant 0 : i32
      %dma_start3A_96 = tpu.memref_slice %arg2[%dma_start3A_94, %dma_start3A_95] : memref<10240x128xf32, #tpu.memory_space<hbm>> -> memref<10240x128xf32, #tpu.memory_space<hbm>>
      tpu.enqueue_indirect_dma source(%dma_start3A_96 : memref<10240x128xf32, #tpu.memory_space<hbm>>) target(%arg20 : memref<64x128xf32, #tpu.memory_space<vmem>>) offsets(%dma_start3A_93 : memref<64xi32, #tpu.memory_space<vmem>>) semaphore(%arg24 : memref<!tpu.dma_semaphore, #tpu.memory_space<semaphore_mem>>)
      %get3A = arith.constant 0 : i32
      %get3A_97 = arith.index_cast %get3A : i32 to index
      %get3A_98 = arith.constant 0 : index
      %get3A_99 = tpu.vector_load %arg14[%get3A_97, %get3A_98] {strides = array<i32>} : memref<4x64xi32, #tpu.memory_space<vmem>>, vector<16xi32>,
      %gather3A = tpu.vector_load_idx %arg11[%get3A_99] : memref<10240xf32, #tpu.memory_space<vmem>>[vector<16xi32>], vector<16xf32>,
      %get3A_100 = arith.constant 0 : i32
      %get3A_101 = arith.index_cast %get3A_100 : i32 to index
      %get3A_102 = arith.constant 0 : index
      %get3A_103 = tpu.vector_load %arg15[%get3A_101, %get3A_102] {strides = array<i32>} : memref<4x64xi32, #tpu.memory_space<vmem>>, vector<16xi32>,
      %gather3A_104 = tpu.vector_load_idx %arg12[%get3A_103] : memref<10240xf32, #tpu.memory_space<vmem>>[vector<16xi32>], vector<16xf32>,
      %add3A_105 = arith.addf %gather3A, %gather3A_104 : vector<16xf32>
      %get3A_106 = arith.constant 0 : i32
      %get3A_107 = arith.index_cast %get3A_106 : i32 to index
      %get3A_108 = arith.constant 0 : index
      %get3A_109 = tpu.vector_load %arg16[%get3A_107, %get3A_108] {strides = array<i32>} : memref<4x64xi32, #tpu.memory_space<vmem>>, vector<16xi32>,
      %gather3A_110 = tpu.vector_load_idx %arg13[%get3A_109] : memref<16xf32, #tpu.memory_space<vmem>>[vector<16xi32>], vector<16xf32>,
      %add3A_111 = arith.addf %add3A_105, %gather3A_110 : vector<16xf32>
      %ge3A = arith.constant 0.000000e+00 : f32
      %ge3A_112 = vector.broadcast %ge3A : f32 to vector<16xf32>
      %ge3A_113 = arith.cmpf oge, %add3A_111, %ge3A_112 : vector<16xf32>
      %mul3A_114 = arith.constant 2.000000e-01 : f32
      %mul3A_115 = vector.broadcast %mul3A_114 : f32 to vector<16xf32>
      %mul3A_116 = arith.mulf %mul3A_115, %add3A_111 : vector<16xf32>
      %select_n3A = arith.select %ge3A_113, %add3A_111, %mul3A_116 : vector<16xi1>, vector<16xf32>
      %exp3A = math.exp %select_n3A : vector<16xf32>
      %swap3A = arith.constant 0 : index
      %swap3A_117 = tpu.vector_load %arg17[%swap3A] {strides = array<i32>} : memref<256xf32, #tpu.memory_space<vmem>>, vector<16xf32>,
      tpu.vector_store %arg17[%swap3A], %exp3A {strides = array<i32>} : memref<256xf32, #tpu.memory_space<vmem>>, vector<16xf32>,
      %get3A_118 = arith.constant 0 : i32
      %get3A_119 = arith.index_cast %get3A_118 : i32 to index
      %get3A_120 = arith.constant 16 : index
      %get3A_121 = tpu.vector_load %arg14[%get3A_119, %get3A_120] {strides = array<i32>} : memref<4x64xi32, #tpu.memory_space<vmem>>, vector<16xi32>,
      %gather3A_122 = tpu.vector_load_idx %arg11[%get3A_121] : memref<10240xf32, #tpu.memory_space<vmem>>[vector<16xi32>], vector<16xf32>,
      %get3A_123 = arith.constant 0 : i32
      %get3A_124 = arith.index_cast %get3A_123 : i32 to index
      %get3A_125 = arith.constant 16 : index
      %get3A_126 = tpu.vector_load %arg15[%get3A_124, %get3A_125] {strides = array<i32>} : memref<4x64xi32, #tpu.memory_space<vmem>>, vector<16xi32>,
      %gather3A_127 = tpu.vector_load_idx %arg12[%get3A_126] : memref<10240xf32, #tpu.memory_space<vmem>>[vector<16xi32>], vector<16xf32>,
      %add3A_128 = arith.addf %gather3A_122, %gather3A_127 : vector<16xf32>
      %get3A_129 = arith.constant 0 : i32
      %get3A_130 = arith.index_cast %get3A_129 : i32 to index
      %get3A_131 = arith.constant 16 : index
      %get3A_132 = tpu.vector_load %arg16[%get3A_130, %get3A_131] {strides = array<i32>} : memref<4x64xi32, #tpu.memory_space<vmem>>, vector<16xi32>,
      %gather3A_133 = tpu.vector_load_idx %arg13[%get3A_132] : memref<16xf32, #tpu.memory_space<vmem>>[vector<16xi32>], vector<16xf32>,
      %add3A_134 = arith.addf %add3A_128, %gather3A_133 : vector<16xf32>
      %ge3A_135 = arith.constant 0.000000e+00 : f32
      %ge3A_136 = vector.broadcast %ge3A_135 : f32 to vector<16xf32>
      %ge3A_137 = arith.cmpf oge, %add3A_134, %ge3A_136 : vector<16xf32>
      %mul3A_138 = arith.constant 2.000000e-01 : f32
      %mul3A_139 = vector.broadcast %mul3A_138 : f32 to vector<16xf32>
      %mul3A_140 = arith.mulf %mul3A_139, %add3A_134 : vector<16xf32>
      %select_n3A_141 = arith.select %ge3A_137, %add3A_134, %mul3A_140 : vector<16xi1>, vector<16xf32>
      %exp3A_142 = math.exp %select_n3A_141 : vector<16xf32>
      %swap3A_143 = arith.constant 16 : index
      %swap3A_144 = tpu.vector_load %arg17[%swap3A_143] {strides = array<i32>} : memref<256xf32, #tpu.memory_space<vmem>>, vector<16xf32>,
      tpu.vector_store %arg17[%swap3A_143], %exp3A_142 {strides = array<i32>} : memref<256xf32, #tpu.memory_space<vmem>>, vector<16xf32>,
      %get3A_145 = arith.constant 0 : i32
      %get3A_146 = arith.index_cast %get3A_145 : i32 to index
      %get3A_147 = arith.constant 32 : index
      %get3A_148 = tpu.vector_load %arg14[%get3A_146, %get3A_147] {strides = array<i32>} : memref<4x64xi32, #tpu.memory_space<vmem>>, vector<16xi32>,
      %gather3A_149 = tpu.vector_load_idx %arg11[%get3A_148] : memref<10240xf32, #tpu.memory_space<vmem>>[vector<16xi32>], vector<16xf32>,
      %get3A_150 = arith.constant 0 : i32
      %get3A_151 = arith.index_cast %get3A_150 : i32 to index
      %get3A_152 = arith.constant 32 : index
      %get3A_153 = tpu.vector_load %arg15[%get3A_151, %get3A_152] {strides = array<i32>} : memref<4x64xi32, #tpu.memory_space<vmem>>, vector<16xi32>,
      %gather3A_154 = tpu.vector_load_idx %arg12[%get3A_153] : memref<10240xf32, #tpu.memory_space<vmem>>[vector<16xi32>], vector<16xf32>,
      %add3A_155 = arith.addf %gather3A_149, %gather3A_154 : vector<16xf32>
      %get3A_156 = arith.constant 0 : i32
      %get3A_157 = arith.index_cast %get3A_156 : i32 to index
      %get3A_158 = arith.constant 32 : index
      %get3A_159 = tpu.vector_load %arg16[%get3A_157, %get3A_158] {strides = array<i32>} : memref<4x64xi32, #tpu.memory_space<vmem>>, vector<16xi32>,
      %gather3A_160 = tpu.vector_load_idx %arg13[%get3A_159] : memref<16xf32, #tpu.memory_space<vmem>>[vector<16xi32>], vector<16xf32>,
      %add3A_161 = arith.addf %add3A_155, %gather3A_160 : vector<16xf32>
      %ge3A_162 = arith.constant 0.000000e+00 : f32
      %ge3A_163 = vector.broadcast %ge3A_162 : f32 to vector<16xf32>
      %ge3A_164 = arith.cmpf oge, %add3A_161, %ge3A_163 : vector<16xf32>
      %mul3A_165 = arith.constant 2.000000e-01 : f32
      %mul3A_166 = vector.broadcast %mul3A_165 : f32 to vector<16xf32>
      %mul3A_167 = arith.mulf %mul3A_166, %add3A_161 : vector<16xf32>
      %select_n3A_168 = arith.select %ge3A_164, %add3A_161, %mul3A_167 : vector<16xi1>, vector<16xf32>
      %exp3A_169 = math.exp %select_n3A_168 : vector<16xf32>
      %swap3A_170 = arith.constant 32 : index
      %swap3A_171 = tpu.vector_load %arg17[%swap3A_170] {strides = array<i32>} : memref<256xf32, #tpu.memory_space<vmem>>, vector<16xf32>,
      tpu.vector_store %arg17[%swap3A_170], %exp3A_169 {strides = array<i32>} : memref<256xf32, #tpu.memory_space<vmem>>, vector<16xf32>,
      %get3A_172 = arith.constant 0 : i32
      %get3A_173 = arith.index_cast %get3A_172 : i32 to index
      %get3A_174 = arith.constant 48 : index
      %get3A_175 = tpu.vector_load %arg14[%get3A_173, %get3A_174] {strides = array<i32>} : memref<4x64xi32, #tpu.memory_space<vmem>>, vector<16xi32>,
      %gather3A_176 = tpu.vector_load_idx %arg11[%get3A_175] : memref<10240xf32, #tpu.memory_space<vmem>>[vector<16xi32>], vector<16xf32>,
      %get3A_177 = arith.constant 0 : i32
      %get3A_178 = arith.index_cast %get3A_177 : i32 to index
      %get3A_179 = arith.constant 48 : index
      %get3A_180 = tpu.vector_load %arg15[%get3A_178, %get3A_179] {strides = array<i32>} : memref<4x64xi32, #tpu.memory_space<vmem>>, vector<16xi32>,
      %gather3A_181 = tpu.vector_load_idx %arg12[%get3A_180] : memref<10240xf32, #tpu.memory_space<vmem>>[vector<16xi32>], vector<16xf32>,
      %add3A_182 = arith.addf %gather3A_176, %gather3A_181 : vector<16xf32>
      %get3A_183 = arith.constant 0 : i32
      %get3A_184 = arith.index_cast %get3A_183 : i32 to index
      %get3A_185 = arith.constant 48 : index
      %get3A_186 = tpu.vector_load %arg16[%get3A_184, %get3A_185] {strides = array<i32>} : memref<4x64xi32, #tpu.memory_space<vmem>>, vector<16xi32>,
      %gather3A_187 = tpu.vector_load_idx %arg13[%get3A_186] : memref<16xf32, #tpu.memory_space<vmem>>[vector<16xi32>], vector<16xf32>,
      %add3A_188 = arith.addf %add3A_182, %gather3A_187 : vector<16xf32>
      %ge3A_189 = arith.constant 0.000000e+00 : f32
      %ge3A_190 = vector.broadcast %ge3A_189 : f32 to vector<16xf32>
      %ge3A_191 = arith.cmpf oge, %add3A_188, %ge3A_190 : vector<16xf32>
      %mul3A_192 = arith.constant 2.000000e-01 : f32
      %mul3A_193 = vector.broadcast %mul3A_192 : f32 to vector<16xf32>
      %mul3A_194 = arith.mulf %mul3A_193, %add3A_188 : vector<16xf32>
      %select_n3A_195 = arith.select %ge3A_191, %add3A_188, %mul3A_194 : vector<16xi1>, vector<16xf32>
      %exp3A_196 = math.exp %select_n3A_195 : vector<16xf32>
      %swap3A_197 = arith.constant 48 : index
      %swap3A_198 = tpu.vector_load %arg17[%swap3A_197] {strides = array<i32>} : memref<256xf32, #tpu.memory_space<vmem>>, vector<16xf32>,
      tpu.vector_store %arg17[%swap3A_197], %exp3A_196 {strides = array<i32>} : memref<256xf32, #tpu.memory_space<vmem>>, vector<16xf32>,
      %get3A_199 = arith.constant 1 : i32
      %get3A_200 = arith.index_cast %get3A_199 : i32 to index
      %get3A_201 = arith.constant 0 : index
      %get3A_202 = tpu.vector_load %arg14[%get3A_200, %get3A_201] {strides = array<i32>} : memref<4x64xi32, #tpu.memory_space<vmem>>, vector<16xi32>,
      %gather3A_203 = tpu.vector_load_idx %arg11[%get3A_202] : memref<10240xf32, #tpu.memory_space<vmem>>[vector<16xi32>], vector<16xf32>,
      %get3A_204 = arith.constant 1 : i32
      %get3A_205 = arith.index_cast %get3A_204 : i32 to index
      %get3A_206 = arith.constant 0 : index
      %get3A_207 = tpu.vector_load %arg15[%get3A_205, %get3A_206] {strides = array<i32>} : memref<4x64xi32, #tpu.memory_space<vmem>>, vector<16xi32>,
      %gather3A_208 = tpu.vector_load_idx %arg12[%get3A_207] : memref<10240xf32, #tpu.memory_space<vmem>>[vector<16xi32>], vector<16xf32>,
      %add3A_209 = arith.addf %gather3A_203, %gather3A_208 : vector<16xf32>
      %get3A_210 = arith.constant 1 : i32
      %get3A_211 = arith.index_cast %get3A_210 : i32 to index
      %get3A_212 = arith.constant 0 : index
      %get3A_213 = tpu.vector_load %arg16[%get3A_211, %get3A_212] {strides = array<i32>} : memref<4x64xi32, #tpu.memory_space<vmem>>, vector<16xi32>,
      %gather3A_214 = tpu.vector_load_idx %arg13[%get3A_213] : memref<16xf32, #tpu.memory_space<vmem>>[vector<16xi32>], vector<16xf32>,
      %add3A_215 = arith.addf %add3A_209, %gather3A_214 : vector<16xf32>
      %ge3A_216 = arith.constant 0.000000e+00 : f32
      %ge3A_217 = vector.broadcast %ge3A_216 : f32 to vector<16xf32>
      %ge3A_218 = arith.cmpf oge, %add3A_215, %ge3A_217 : vector<16xf32>
      %mul3A_219 = arith.constant 2.000000e-01 : f32
      %mul3A_220 = vector.broadcast %mul3A_219 : f32 to vector<16xf32>
      %mul3A_221 = arith.mulf %mul3A_220, %add3A_215 : vector<16xf32>
      %select_n3A_222 = arith.select %ge3A_218, %add3A_215, %mul3A_221 : vector<16xi1>, vector<16xf32>
      %exp3A_223 = math.exp %select_n3A_222 : vector<16xf32>
      %swap3A_224 = arith.constant 64 : index
      %swap3A_225 = tpu.vector_load %arg17[%swap3A_224] {strides = array<i32>} : memref<256xf32, #tpu.memory_space<vmem>>, vector<16xf32>,
      tpu.vector_store %arg17[%swap3A_224], %exp3A_223 {strides = array<i32>} : memref<256xf32, #tpu.memory_space<vmem>>, vector<16xf32>,
      %get3A_226 = arith.constant 1 : i32
      %get3A_227 = arith.index_cast %get3A_226 : i32 to index
      %get3A_228 = arith.constant 16 : index
      %get3A_229 = tpu.vector_load %arg14[%get3A_227, %get3A_228] {strides = array<i32>} : memref<4x64xi32, #tpu.memory_space<vmem>>, vector<16xi32>,
      %gather3A_230 = tpu.vector_load_idx %arg11[%get3A_229] : memref<10240xf32, #tpu.memory_space<vmem>>[vector<16xi32>], vector<16xf32>,
      %get3A_231 = arith.constant 1 : i32
      %get3A_232 = arith.index_cast %get3A_231 : i32 to index
      %get3A_233 = arith.constant 16 : index
      %get3A_234 = tpu.vector_load %arg15[%get3A_232, %get3A_233] {strides = array<i32>} : memref<4x64xi32, #tpu.memory_space<vmem>>, vector<16xi32>,
      %gather3A_235 = tpu.vector_load_idx %arg12[%get3A_234] : memref<10240xf32, #tpu.memory_space<vmem>>[vector<16xi32>], vector<16xf32>,
      %add3A_236 = arith.addf %gather3A_230, %gather3A_235 : vector<16xf32>
      %get3A_237 = arith.constant 1 : i32
      %get3A_238 = arith.index_cast %get3A_237 : i32 to index
      %get3A_239 = arith.constant 16 : index
      %get3A_240 = tpu.vector_load %arg16[%get3A_238, %get3A_239] {strides = array<i32>} : memref<4x64xi32, #tpu.memory_space<vmem>>, vector<16xi32>,
      %gather3A_241 = tpu.vector_load_idx %arg13[%get3A_240] : memref<16xf32, #tpu.memory_space<vmem>>[vector<16xi32>], vector<16xf32>,
      %add3A_242 = arith.addf %add3A_236, %gather3A_241 : vector<16xf32>
      %ge3A_243 = arith.constant 0.000000e+00 : f32
      %ge3A_244 = vector.broadcast %ge3A_243 : f32 to vector<16xf32>
      %ge3A_245 = arith.cmpf oge, %add3A_242, %ge3A_244 : vector<16xf32>
      %mul3A_246 = arith.constant 2.000000e-01 : f32
      %mul3A_247 = vector.broadcast %mul3A_246 : f32 to vector<16xf32>
      %mul3A_248 = arith.mulf %mul3A_247, %add3A_242 : vector<16xf32>
      %select_n3A_249 = arith.select %ge3A_245, %add3A_242, %mul3A_248 : vector<16xi1>, vector<16xf32>
      %exp3A_250 = math.exp %select_n3A_249 : vector<16xf32>
      %swap3A_251 = arith.constant 80 : index
      %swap3A_252 = tpu.vector_load %arg17[%swap3A_251] {strides = array<i32>} : memref<256xf32, #tpu.memory_space<vmem>>, vector<16xf32>,
      tpu.vector_store %arg17[%swap3A_251], %exp3A_250 {strides = array<i32>} : memref<256xf32, #tpu.memory_space<vmem>>, vector<16xf32>,
      %get3A_253 = arith.constant 1 : i32
      %get3A_254 = arith.index_cast %get3A_253 : i32 to index
      %get3A_255 = arith.constant 32 : index
      %get3A_256 = tpu.vector_load %arg14[%get3A_254, %get3A_255] {strides = array<i32>} : memref<4x64xi32, #tpu.memory_space<vmem>>, vector<16xi32>,
      %gather3A_257 = tpu.vector_load_idx %arg11[%get3A_256] : memref<10240xf32, #tpu.memory_space<vmem>>[vector<16xi32>], vector<16xf32>,
      %get3A_258 = arith.constant 1 : i32
      %get3A_259 = arith.index_cast %get3A_258 : i32 to index
      %get3A_260 = arith.constant 32 : index
      %get3A_261 = tpu.vector_load %arg15[%get3A_259, %get3A_260] {strides = array<i32>} : memref<4x64xi32, #tpu.memory_space<vmem>>, vector<16xi32>,
      %gather3A_262 = tpu.vector_load_idx %arg12[%get3A_261] : memref<10240xf32, #tpu.memory_space<vmem>>[vector<16xi32>], vector<16xf32>,
      %add3A_263 = arith.addf %gather3A_257, %gather3A_262 : vector<16xf32>
      %get3A_264 = arith.constant 1 : i32
      %get3A_265 = arith.index_cast %get3A_264 : i32 to index
      %get3A_266 = arith.constant 32 : index
      %get3A_267 = tpu.vector_load %arg16[%get3A_265, %get3A_266] {strides = array<i32>} : memref<4x64xi32, #tpu.memory_space<vmem>>, vector<16xi32>,
      %gather3A_268 = tpu.vector_load_idx %arg13[%get3A_267] : memref<16xf32, #tpu.memory_space<vmem>>[vector<16xi32>], vector<16xf32>,
      %add3A_269 = arith.addf %add3A_263, %gather3A_268 : vector<16xf32>
      %ge3A_270 = arith.constant 0.000000e+00 : f32
      %ge3A_271 = vector.broadcast %ge3A_270 : f32 to vector<16xf32>
      %ge3A_272 = arith.cmpf oge, %add3A_269, %ge3A_271 : vector<16xf32>
      %mul3A_273 = arith.constant 2.000000e-01 : f32
      %mul3A_274 = vector.broadcast %mul3A_273 : f32 to vector<16xf32>
      %mul3A_275 = arith.mulf %mul3A_274, %add3A_269 : vector<16xf32>
      %select_n3A_276 = arith.select %ge3A_272, %add3A_269, %mul3A_275 : vector<16xi1>, vector<16xf32>
      %exp3A_277 = math.exp %select_n3A_276 : vector<16xf32>
      %swap3A_278 = arith.constant 96 : index
      %swap3A_279 = tpu.vector_load %arg17[%swap3A_278] {strides = array<i32>} : memref<256xf32, #tpu.memory_space<vmem>>, vector<16xf32>,
      tpu.vector_store %arg17[%swap3A_278], %exp3A_277 {strides = array<i32>} : memref<256xf32, #tpu.memory_space<vmem>>, vector<16xf32>,
      %get3A_280 = arith.constant 1 : i32
      %get3A_281 = arith.index_cast %get3A_280 : i32 to index
      %get3A_282 = arith.constant 48 : index
      %get3A_283 = tpu.vector_load %arg14[%get3A_281, %get3A_282] {strides = array<i32>} : memref<4x64xi32, #tpu.memory_space<vmem>>, vector<16xi32>,
      %gather3A_284 = tpu.vector_load_idx %arg11[%get3A_283] : memref<10240xf32, #tpu.memory_space<vmem>>[vector<16xi32>], vector<16xf32>,
      %get3A_285 = arith.constant 1 : i32
      %get3A_286 = arith.index_cast %get3A_285 : i32 to index
      %get3A_287 = arith.constant 48 : index
      %get3A_288 = tpu.vector_load %arg15[%get3A_286, %get3A_287] {strides = array<i32>} : memref<4x64xi32, #tpu.memory_space<vmem>>, vector<16xi32>,
      %gather3A_289 = tpu.vector_load_idx %arg12[%get3A_288] : memref<10240xf32, #tpu.memory_space<vmem>>[vector<16xi32>], vector<16xf32>,
      %add3A_290 = arith.addf %gather3A_284, %gather3A_289 : vector<16xf32>
      %get3A_291 = arith.constant 1 : i32
      %get3A_292 = arith.index_cast %get3A_291 : i32 to index
      %get3A_293 = arith.constant 48 : index
      %get3A_294 = tpu.vector_load %arg16[%get3A_292, %get3A_293] {strides = array<i32>} : memref<4x64xi32, #tpu.memory_space<vmem>>, vector<16xi32>,
      %gather3A_295 = tpu.vector_load_idx %arg13[%get3A_294] : memref<16xf32, #tpu.memory_space<vmem>>[vector<16xi32>], vector<16xf32>,
      %add3A_296 = arith.addf %add3A_290, %gather3A_295 : vector<16xf32>
      %ge3A_297 = arith.constant 0.000000e+00 : f32
      %ge3A_298 = vector.broadcast %ge3A_297 : f32 to vector<16xf32>
      %ge3A_299 = arith.cmpf oge, %add3A_296, %ge3A_298 : vector<16xf32>
      %mul3A_300 = arith.constant 2.000000e-01 : f32
      %mul3A_301 = vector.broadcast %mul3A_300 : f32 to vector<16xf32>
      %mul3A_302 = arith.mulf %mul3A_301, %add3A_296 : vector<16xf32>
      %select_n3A_303 = arith.select %ge3A_299, %add3A_296, %mul3A_302 : vector<16xi1>, vector<16xf32>
      %exp3A_304 = math.exp %select_n3A_303 : vector<16xf32>
      %swap3A_305 = arith.constant 112 : index
      %swap3A_306 = tpu.vector_load %arg17[%swap3A_305] {strides = array<i32>} : memref<256xf32, #tpu.memory_space<vmem>>, vector<16xf32>,
      tpu.vector_store %arg17[%swap3A_305], %exp3A_304 {strides = array<i32>} : memref<256xf32, #tpu.memory_space<vmem>>, vector<16xf32>,
      %get3A_307 = arith.constant 2 : i32
      %get3A_308 = arith.index_cast %get3A_307 : i32 to index
      %get3A_309 = arith.constant 0 : index
      %get3A_310 = tpu.vector_load %arg14[%get3A_308, %get3A_309] {strides = array<i32>} : memref<4x64xi32, #tpu.memory_space<vmem>>, vector<16xi32>,
      %gather3A_311 = tpu.vector_load_idx %arg11[%get3A_310] : memref<10240xf32, #tpu.memory_space<vmem>>[vector<16xi32>], vector<16xf32>,
      %get3A_312 = arith.constant 2 : i32
      %get3A_313 = arith.index_cast %get3A_312 : i32 to index
      %get3A_314 = arith.constant 0 : index
      %get3A_315 = tpu.vector_load %arg15[%get3A_313, %get3A_314] {strides = array<i32>} : memref<4x64xi32, #tpu.memory_space<vmem>>, vector<16xi32>,
      %gather3A_316 = tpu.vector_load_idx %arg12[%get3A_315] : memref<10240xf32, #tpu.memory_space<vmem>>[vector<16xi32>], vector<16xf32>,
      %add3A_317 = arith.addf %gather3A_311, %gather3A_316 : vector<16xf32>
      %get3A_318 = arith.constant 2 : i32
      %get3A_319 = arith.index_cast %get3A_318 : i32 to index
      %get3A_320 = arith.constant 0 : index
      %get3A_321 = tpu.vector_load %arg16[%get3A_319, %get3A_320] {strides = array<i32>} : memref<4x64xi32, #tpu.memory_space<vmem>>, vector<16xi32>,
      %gather3A_322 = tpu.vector_load_idx %arg13[%get3A_321] : memref<16xf32, #tpu.memory_space<vmem>>[vector<16xi32>], vector<16xf32>,
      %add3A_323 = arith.addf %add3A_317, %gather3A_322 : vector<16xf32>
      %ge3A_324 = arith.constant 0.000000e+00 : f32
      %ge3A_325 = vector.broadcast %ge3A_324 : f32 to vector<16xf32>
      %ge3A_326 = arith.cmpf oge, %add3A_323, %ge3A_325 : vector<16xf32>
      %mul3A_327 = arith.constant 2.000000e-01 : f32
      %mul3A_328 = vector.broadcast %mul3A_327 : f32 to vector<16xf32>
      %mul3A_329 = arith.mulf %mul3A_328, %add3A_323 : vector<16xf32>
      %select_n3A_330 = arith.select %ge3A_326, %add3A_323, %mul3A_329 : vector<16xi1>, vector<16xf32>
      %exp3A_331 = math.exp %select_n3A_330 : vector<16xf32>
      %swap3A_332 = arith.constant 128 : index
      %swap3A_333 = tpu.vector_load %arg17[%swap3A_332] {strides = array<i32>} : memref<256xf32, #tpu.memory_space<vmem>>, vector<16xf32>,
      tpu.vector_store %arg17[%swap3A_332], %exp3A_331 {strides = array<i32>} : memref<256xf32, #tpu.memory_space<vmem>>, vector<16xf32>,
      %get3A_334 = arith.constant 2 : i32
      %get3A_335 = arith.index_cast %get3A_334 : i32 to index
      %get3A_336 = arith.constant 16 : index
      %get3A_337 = tpu.vector_load %arg14[%get3A_335, %get3A_336] {strides = array<i32>} : memref<4x64xi32, #tpu.memory_space<vmem>>, vector<16xi32>,
      %gather3A_338 = tpu.vector_load_idx %arg11[%get3A_337] : memref<10240xf32, #tpu.memory_space<vmem>>[vector<16xi32>], vector<16xf32>,
      %get3A_339 = arith.constant 2 : i32
      %get3A_340 = arith.index_cast %get3A_339 : i32 to index
      %get3A_341 = arith.constant 16 : index
      %get3A_342 = tpu.vector_load %arg15[%get3A_340, %get3A_341] {strides = array<i32>} : memref<4x64xi32, #tpu.memory_space<vmem>>, vector<16xi32>,
      %gather3A_343 = tpu.vector_load_idx %arg12[%get3A_342] : memref<10240xf32, #tpu.memory_space<vmem>>[vector<16xi32>], vector<16xf32>,
      %add3A_344 = arith.addf %gather3A_338, %gather3A_343 : vector<16xf32>
      %get3A_345 = arith.constant 2 : i32
      %get3A_346 = arith.index_cast %get3A_345 : i32 to index
      %get3A_347 = arith.constant 16 : index
      %get3A_348 = tpu.vector_load %arg16[%get3A_346, %get3A_347] {strides = array<i32>} : memref<4x64xi32, #tpu.memory_space<vmem>>, vector<16xi32>,
      %gather3A_349 = tpu.vector_load_idx %arg13[%get3A_348] : memref<16xf32, #tpu.memory_space<vmem>>[vector<16xi32>], vector<16xf32>,
      %add3A_350 = arith.addf %add3A_344, %gather3A_349 : vector<16xf32>
      %ge3A_351 = arith.constant 0.000000e+00 : f32
      %ge3A_352 = vector.broadcast %ge3A_351 : f32 to vector<16xf32>
      %ge3A_353 = arith.cmpf oge, %add3A_350, %ge3A_352 : vector<16xf32>
      %mul3A_354 = arith.constant 2.000000e-01 : f32
      %mul3A_355 = vector.broadcast %mul3A_354 : f32 to vector<16xf32>
      %mul3A_356 = arith.mulf %mul3A_355, %add3A_350 : vector<16xf32>
      %select_n3A_357 = arith.select %ge3A_353, %add3A_350, %mul3A_356 : vector<16xi1>, vector<16xf32>
      %exp3A_358 = math.exp %select_n3A_357 : vector<16xf32>
      %swap3A_359 = arith.constant 144 : index
      %swap3A_360 = tpu.vector_load %arg17[%swap3A_359] {strides = array<i32>} : memref<256xf32, #tpu.memory_space<vmem>>, vector<16xf32>,
      tpu.vector_store %arg17[%swap3A_359], %exp3A_358 {strides = array<i32>} : memref<256xf32, #tpu.memory_space<vmem>>, vector<16xf32>,
      %get3A_361 = arith.constant 2 : i32
      %get3A_362 = arith.index_cast %get3A_361 : i32 to index
      %get3A_363 = arith.constant 32 : index
      %get3A_364 = tpu.vector_load %arg14[%get3A_362, %get3A_363] {strides = array<i32>} : memref<4x64xi32, #tpu.memory_space<vmem>>, vector<16xi32>,
      %gather3A_365 = tpu.vector_load_idx %arg11[%get3A_364] : memref<10240xf32, #tpu.memory_space<vmem>>[vector<16xi32>], vector<16xf32>,
      %get3A_366 = arith.constant 2 : i32
      %get3A_367 = arith.index_cast %get3A_366 : i32 to index
      %get3A_368 = arith.constant 32 : index
      %get3A_369 = tpu.vector_load %arg15[%get3A_367, %get3A_368] {strides = array<i32>} : memref<4x64xi32, #tpu.memory_space<vmem>>, vector<16xi32>,
      %gather3A_370 = tpu.vector_load_idx %arg12[%get3A_369] : memref<10240xf32, #tpu.memory_space<vmem>>[vector<16xi32>], vector<16xf32>,
      %add3A_371 = arith.addf %gather3A_365, %gather3A_370 : vector<16xf32>
      %get3A_372 = arith.constant 2 : i32
      %get3A_373 = arith.index_cast %get3A_372 : i32 to index
      %get3A_374 = arith.constant 32 : index
      %get3A_375 = tpu.vector_load %arg16[%get3A_373, %get3A_374] {strides = array<i32>} : memref<4x64xi32, #tpu.memory_space<vmem>>, vector<16xi32>,
      %gather3A_376 = tpu.vector_load_idx %arg13[%get3A_375] : memref<16xf32, #tpu.memory_space<vmem>>[vector<16xi32>], vector<16xf32>,
      %add3A_377 = arith.addf %add3A_371, %gather3A_376 : vector<16xf32>
      %ge3A_378 = arith.constant 0.000000e+00 : f32
      %ge3A_379 = vector.broadcast %ge3A_378 : f32 to vector<16xf32>
      %ge3A_380 = arith.cmpf oge, %add3A_377, %ge3A_379 : vector<16xf32>
      %mul3A_381 = arith.constant 2.000000e-01 : f32
      %mul3A_382 = vector.broadcast %mul3A_381 : f32 to vector<16xf32>
      %mul3A_383 = arith.mulf %mul3A_382, %add3A_377 : vector<16xf32>
      %select_n3A_384 = arith.select %ge3A_380, %add3A_377, %mul3A_383 : vector<16xi1>, vector<16xf32>
      %exp3A_385 = math.exp %select_n3A_384 : vector<16xf32>
      %swap3A_386 = arith.constant 160 : index
      %swap3A_387 = tpu.vector_load %arg17[%swap3A_386] {strides = array<i32>} : memref<256xf32, #tpu.memory_space<vmem>>, vector<16xf32>,
      tpu.vector_store %arg17[%swap3A_386], %exp3A_385 {strides = array<i32>} : memref<256xf32, #tpu.memory_space<vmem>>, vector<16xf32>,
      %get3A_388 = arith.constant 2 : i32
      %get3A_389 = arith.index_cast %get3A_388 : i32 to index
      %get3A_390 = arith.constant 48 : index
      %get3A_391 = tpu.vector_load %arg14[%get3A_389, %get3A_390] {strides = array<i32>} : memref<4x64xi32, #tpu.memory_space<vmem>>, vector<16xi32>,
      %gather3A_392 = tpu.vector_load_idx %arg11[%get3A_391] : memref<10240xf32, #tpu.memory_space<vmem>>[vector<16xi32>], vector<16xf32>,
      %get3A_393 = arith.constant 2 : i32
      %get3A_394 = arith.index_cast %get3A_393 : i32 to index
      %get3A_395 = arith.constant 48 : index
      %get3A_396 = tpu.vector_load %arg15[%get3A_394, %get3A_395] {strides = array<i32>} : memref<4x64xi32, #tpu.memory_space<vmem>>, vector<16xi32>,
      %gather3A_397 = tpu.vector_load_idx %arg12[%get3A_396] : memref<10240xf32, #tpu.memory_space<vmem>>[vector<16xi32>], vector<16xf32>,
      %add3A_398 = arith.addf %gather3A_392, %gather3A_397 : vector<16xf32>
      %get3A_399 = arith.constant 2 : i32
      %get3A_400 = arith.index_cast %get3A_399 : i32 to index
      %get3A_401 = arith.constant 48 : index
      %get3A_402 = tpu.vector_load %arg16[%get3A_400, %get3A_401] {strides = array<i32>} : memref<4x64xi32, #tpu.memory_space<vmem>>, vector<16xi32>,
      %gather3A_403 = tpu.vector_load_idx %arg13[%get3A_402] : memref<16xf32, #tpu.memory_space<vmem>>[vector<16xi32>], vector<16xf32>,
      %add3A_404 = arith.addf %add3A_398, %gather3A_403 : vector<16xf32>
      %ge3A_405 = arith.constant 0.000000e+00 : f32
      %ge3A_406 = vector.broadcast %ge3A_405 : f32 to vector<16xf32>
      %ge3A_407 = arith.cmpf oge, %add3A_404, %ge3A_406 : vector<16xf32>
      %mul3A_408 = arith.constant 2.000000e-01 : f32
      %mul3A_409 = vector.broadcast %mul3A_408 : f32 to vector<16xf32>
      %mul3A_410 = arith.mulf %mul3A_409, %add3A_404 : vector<16xf32>
      %select_n3A_411 = arith.select %ge3A_407, %add3A_404, %mul3A_410 : vector<16xi1>, vector<16xf32>
      %exp3A_412 = math.exp %select_n3A_411 : vector<16xf32>
      %swap3A_413 = arith.constant 176 : index
      %swap3A_414 = tpu.vector_load %arg17[%swap3A_413] {strides = array<i32>} : memref<256xf32, #tpu.memory_space<vmem>>, vector<16xf32>,
      tpu.vector_store %arg17[%swap3A_413], %exp3A_412 {strides = array<i32>} : memref<256xf32, #tpu.memory_space<vmem>>, vector<16xf32>,
      %get3A_415 = arith.constant 3 : i32
      %get3A_416 = arith.index_cast %get3A_415 : i32 to index
      %get3A_417 = arith.constant 0 : index
      %get3A_418 = tpu.vector_load %arg14[%get3A_416, %get3A_417] {strides = array<i32>} : memref<4x64xi32, #tpu.memory_space<vmem>>, vector<16xi32>,
      %gather3A_419 = tpu.vector_load_idx %arg11[%get3A_418] : memref<10240xf32, #tpu.memory_space<vmem>>[vector<16xi32>], vector<16xf32>,
      %get3A_420 = arith.constant 3 : i32
      %get3A_421 = arith.index_cast %get3A_420 : i32 to index
      %get3A_422 = arith.constant 0 : index
      %get3A_423 = tpu.vector_load %arg15[%get3A_421, %get3A_422] {strides = array<i32>} : memref<4x64xi32, #tpu.memory_space<vmem>>, vector<16xi32>,
      %gather3A_424 = tpu.vector_load_idx %arg12[%get3A_423] : memref<10240xf32, #tpu.memory_space<vmem>>[vector<16xi32>], vector<16xf32>,
      %add3A_425 = arith.addf %gather3A_419, %gather3A_424 : vector<16xf32>
      %get3A_426 = arith.constant 3 : i32
      %get3A_427 = arith.index_cast %get3A_426 : i32 to index
      %get3A_428 = arith.constant 0 : index
      %get3A_429 = tpu.vector_load %arg16[%get3A_427, %get3A_428] {strides = array<i32>} : memref<4x64xi32, #tpu.memory_space<vmem>>, vector<16xi32>,
      %gather3A_430 = tpu.vector_load_idx %arg13[%get3A_429] : memref<16xf32, #tpu.memory_space<vmem>>[vector<16xi32>], vector<16xf32>,
      %add3A_431 = arith.addf %add3A_425, %gather3A_430 : vector<16xf32>
      %ge3A_432 = arith.constant 0.000000e+00 : f32
      %ge3A_433 = vector.broadcast %ge3A_432 : f32 to vector<16xf32>
      %ge3A_434 = arith.cmpf oge, %add3A_431, %ge3A_433 : vector<16xf32>
      %mul3A_435 = arith.constant 2.000000e-01 : f32
      %mul3A_436 = vector.broadcast %mul3A_435 : f32 to vector<16xf32>
      %mul3A_437 = arith.mulf %mul3A_436, %add3A_431 : vector<16xf32>
      %select_n3A_438 = arith.select %ge3A_434, %add3A_431, %mul3A_437 : vector<16xi1>, vector<16xf32>
      %exp3A_439 = math.exp %select_n3A_438 : vector<16xf32>
      %swap3A_440 = arith.constant 192 : index
      %swap3A_441 = tpu.vector_load %arg17[%swap3A_440] {strides = array<i32>} : memref<256xf32, #tpu.memory_space<vmem>>, vector<16xf32>,
      tpu.vector_store %arg17[%swap3A_440], %exp3A_439 {strides = array<i32>} : memref<256xf32, #tpu.memory_space<vmem>>, vector<16xf32>,
      %get3A_442 = arith.constant 3 : i32
      %get3A_443 = arith.index_cast %get3A_442 : i32 to index
      %get3A_444 = arith.constant 16 : index
      %get3A_445 = tpu.vector_load %arg14[%get3A_443, %get3A_444] {strides = array<i32>} : memref<4x64xi32, #tpu.memory_space<vmem>>, vector<16xi32>,
      %gather3A_446 = tpu.vector_load_idx %arg11[%get3A_445] : memref<10240xf32, #tpu.memory_space<vmem>>[vector<16xi32>], vector<16xf32>,
      %get3A_447 = arith.constant 3 : i32
      %get3A_448 = arith.index_cast %get3A_447 : i32 to index
      %get3A_449 = arith.constant 16 : index
      %get3A_450 = tpu.vector_load %arg15[%get3A_448, %get3A_449] {strides = array<i32>} : memref<4x64xi32, #tpu.memory_space<vmem>>, vector<16xi32>,
      %gather3A_451 = tpu.vector_load_idx %arg12[%get3A_450] : memref<10240xf32, #tpu.memory_space<vmem>>[vector<16xi32>], vector<16xf32>,
      %add3A_452 = arith.addf %gather3A_446, %gather3A_451 : vector<16xf32>
      %get3A_453 = arith.constant 3 : i32
      %get3A_454 = arith.index_cast %get3A_453 : i32 to index
      %get3A_455 = arith.constant 16 : index
      %get3A_456 = tpu.vector_load %arg16[%get3A_454, %get3A_455] {strides = array<i32>} : memref<4x64xi32, #tpu.memory_space<vmem>>, vector<16xi32>,
      %gather3A_457 = tpu.vector_load_idx %arg13[%get3A_456] : memref<16xf32, #tpu.memory_space<vmem>>[vector<16xi32>], vector<16xf32>,
      %add3A_458 = arith.addf %add3A_452, %gather3A_457 : vector<16xf32>
      %ge3A_459 = arith.constant 0.000000e+00 : f32
      %ge3A_460 = vector.broadcast %ge3A_459 : f32 to vector<16xf32>
      %ge3A_461 = arith.cmpf oge, %add3A_458, %ge3A_460 : vector<16xf32>
      %mul3A_462 = arith.constant 2.000000e-01 : f32
      %mul3A_463 = vector.broadcast %mul3A_462 : f32 to vector<16xf32>
      %mul3A_464 = arith.mulf %mul3A_463, %add3A_458 : vector<16xf32>
      %select_n3A_465 = arith.select %ge3A_461, %add3A_458, %mul3A_464 : vector<16xi1>, vector<16xf32>
      %exp3A_466 = math.exp %select_n3A_465 : vector<16xf32>
      %swap3A_467 = arith.constant 208 : index
      %swap3A_468 = tpu.vector_load %arg17[%swap3A_467] {strides = array<i32>} : memref<256xf32, #tpu.memory_space<vmem>>, vector<16xf32>,
      tpu.vector_store %arg17[%swap3A_467], %exp3A_466 {strides = array<i32>} : memref<256xf32, #tpu.memory_space<vmem>>, vector<16xf32>,
      %get3A_469 = arith.constant 3 : i32
      %get3A_470 = arith.index_cast %get3A_469 : i32 to index
      %get3A_471 = arith.constant 32 : index
      %get3A_472 = tpu.vector_load %arg14[%get3A_470, %get3A_471] {strides = array<i32>} : memref<4x64xi32, #tpu.memory_space<vmem>>, vector<16xi32>,
      %gather3A_473 = tpu.vector_load_idx %arg11[%get3A_472] : memref<10240xf32, #tpu.memory_space<vmem>>[vector<16xi32>], vector<16xf32>,
      %get3A_474 = arith.constant 3 : i32
      %get3A_475 = arith.index_cast %get3A_474 : i32 to index
      %get3A_476 = arith.constant 32 : index
      %get3A_477 = tpu.vector_load %arg15[%get3A_475, %get3A_476] {strides = array<i32>} : memref<4x64xi32, #tpu.memory_space<vmem>>, vector<16xi32>,
      %gather3A_478 = tpu.vector_load_idx %arg12[%get3A_477] : memref<10240xf32, #tpu.memory_space<vmem>>[vector<16xi32>], vector<16xf32>,
      %add3A_479 = arith.addf %gather3A_473, %gather3A_478 : vector<16xf32>
      %get3A_480 = arith.constant 3 : i32
      %get3A_481 = arith.index_cast %get3A_480 : i32 to index
      %get3A_482 = arith.constant 32 : index
      %get3A_483 = tpu.vector_load %arg16[%get3A_481, %get3A_482] {strides = array<i32>} : memref<4x64xi32, #tpu.memory_space<vmem>>, vector<16xi32>,
      %gather3A_484 = tpu.vector_load_idx %arg13[%get3A_483] : memref<16xf32, #tpu.memory_space<vmem>>[vector<16xi32>], vector<16xf32>,
      %add3A_485 = arith.addf %add3A_479, %gather3A_484 : vector<16xf32>
      %ge3A_486 = arith.constant 0.000000e+00 : f32
      %ge3A_487 = vector.broadcast %ge3A_486 : f32 to vector<16xf32>
      %ge3A_488 = arith.cmpf oge, %add3A_485, %ge3A_487 : vector<16xf32>
      %mul3A_489 = arith.constant 2.000000e-01 : f32
      %mul3A_490 = vector.broadcast %mul3A_489 : f32 to vector<16xf32>
      %mul3A_491 = arith.mulf %mul3A_490, %add3A_485 : vector<16xf32>
      %select_n3A_492 = arith.select %ge3A_488, %add3A_485, %mul3A_491 : vector<16xi1>, vector<16xf32>
      %exp3A_493 = math.exp %select_n3A_492 : vector<16xf32>
      %swap3A_494 = arith.constant 224 : index
      %swap3A_495 = tpu.vector_load %arg17[%swap3A_494] {strides = array<i32>} : memref<256xf32, #tpu.memory_space<vmem>>, vector<16xf32>,
      tpu.vector_store %arg17[%swap3A_494], %exp3A_493 {strides = array<i32>} : memref<256xf32, #tpu.memory_space<vmem>>, vector<16xf32>,
      %get3A_496 = arith.constant 3 : i32
      %get3A_497 = arith.index_cast %get3A_496 : i32 to index
      %get3A_498 = arith.constant 48 : index
      %get3A_499 = tpu.vector_load %arg14[%get3A_497, %get3A_498] {strides = array<i32>} : memref<4x64xi32, #tpu.memory_space<vmem>>, vector<16xi32>,
      %gather3A_500 = tpu.vector_load_idx %arg11[%get3A_499] : memref<10240xf32, #tpu.memory_space<vmem>>[vector<16xi32>], vector<16xf32>,
      %get3A_501 = arith.constant 3 : i32
      %get3A_502 = arith.index_cast %get3A_501 : i32 to index
      %get3A_503 = arith.constant 48 : index
      %get3A_504 = tpu.vector_load %arg15[%get3A_502, %get3A_503] {strides = array<i32>} : memref<4x64xi32, #tpu.memory_space<vmem>>, vector<16xi32>,
      %gather3A_505 = tpu.vector_load_idx %arg12[%get3A_504] : memref<10240xf32, #tpu.memory_space<vmem>>[vector<16xi32>], vector<16xf32>,
      %add3A_506 = arith.addf %gather3A_500, %gather3A_505 : vector<16xf32>
      %get3A_507 = arith.constant 3 : i32
      %get3A_508 = arith.index_cast %get3A_507 : i32 to index
      %get3A_509 = arith.constant 48 : index
      %get3A_510 = tpu.vector_load %arg16[%get3A_508, %get3A_509] {strides = array<i32>} : memref<4x64xi32, #tpu.memory_space<vmem>>, vector<16xi32>,
      %gather3A_511 = tpu.vector_load_idx %arg13[%get3A_510] : memref<16xf32, #tpu.memory_space<vmem>>[vector<16xi32>], vector<16xf32>,
      %add3A_512 = arith.addf %add3A_506, %gather3A_511 : vector<16xf32>
      %ge3A_513 = arith.constant 0.000000e+00 : f32
      %ge3A_514 = vector.broadcast %ge3A_513 : f32 to vector<16xf32>
      %ge3A_515 = arith.cmpf oge, %add3A_512, %ge3A_514 : vector<16xf32>
      %mul3A_516 = arith.constant 2.000000e-01 : f32
      %mul3A_517 = vector.broadcast %mul3A_516 : f32 to vector<16xf32>
      %mul3A_518 = arith.mulf %mul3A_517, %add3A_512 : vector<16xf32>
      %select_n3A_519 = arith.select %ge3A_515, %add3A_512, %mul3A_518 : vector<16xi1>, vector<16xf32>
      %exp3A_520 = math.exp %select_n3A_519 : vector<16xf32>
      %swap3A_521 = arith.constant 240 : index
      %swap3A_522 = tpu.vector_load %arg17[%swap3A_521] {strides = array<i32>} : memref<256xf32, #tpu.memory_space<vmem>>, vector<16xf32>,
      tpu.vector_store %arg17[%swap3A_521], %exp3A_520 {strides = array<i32>} : memref<256xf32, #tpu.memory_space<vmem>>, vector<16xf32>,
      %dma_start3A_523 = arith.constant 0 : i32
      %dma_start3A_524 = arith.constant 0 : i32
      %dma_start3A_525 = tpu.memref_slice %arg17[%dma_start3A_524] : memref<256xf32, #tpu.memory_space<vmem>> -> memref<64xf32, #tpu.memory_space<vmem>>
      %dma_start3A_526 = arith.constant 0 : i32
      %dma_start3A_527 = tpu.memref_slice %arg15[%dma_start3A_523, %dma_start3A_526] : memref<4x64xi32, #tpu.memory_space<vmem>> -> memref<1x64xi32, #tpu.memory_space<vmem>>
      %dma_start3A_528 = tpu.memref_squeeze %dma_start3A_527 : memref<1x64xi32, #tpu.memory_space<vmem>> -> memref<64xi32, #tpu.memory_space<vmem>>
      %dma_start3A_529 = arith.constant 0 : i32
      %dma_start3A_530 = tpu.memref_slice %arg29[%dma_start3A_529] : memref<10240xf32, #tpu.memory_space<vmem_shared>> -> memref<10240xf32, #tpu.memory_space<vmem_shared>>
      tpu.enqueue_indirect_dma source(%dma_start3A_525 : memref<64xf32, #tpu.memory_space<vmem>>) target(%dma_start3A_530 : memref<10240xf32, #tpu.memory_space<vmem_shared>>) offsets(%dma_start3A_528 : memref<64xi32, #tpu.memory_space<vmem>>) semaphore(%arg28 : memref<!tpu.dma_semaphore, #tpu.memory_space<semaphore_mem>>) {add = true}
      %dma_start3A_531 = arith.constant 1 : i32
      %dma_start3A_532 = arith.constant 64 : i32
      %dma_start3A_533 = tpu.memref_slice %arg17[%dma_start3A_532] : memref<256xf32, #tpu.memory_space<vmem>> -> memref<64xf32, #tpu.memory_space<vmem>>
      %dma_start3A_534 = arith.constant 0 : i32
      %dma_start3A_535 = tpu.memref_slice %arg15[%dma_start3A_531, %dma_start3A_534] : memref<4x64xi32, #tpu.memory_space<vmem>> -> memref<1x64xi32, #tpu.memory_space<vmem>>
      %dma_start3A_536 = tpu.memref_squeeze %dma_start3A_535 : memref<1x64xi32, #tpu.memory_space<vmem>> -> memref<64xi32, #tpu.memory_space<vmem>>
      %dma_start3A_537 = arith.constant 0 : i32
      %dma_start3A_538 = tpu.memref_slice %arg29[%dma_start3A_537] : memref<10240xf32, #tpu.memory_space<vmem_shared>> -> memref<10240xf32, #tpu.memory_space<vmem_shared>>
      tpu.enqueue_indirect_dma source(%dma_start3A_533 : memref<64xf32, #tpu.memory_space<vmem>>) target(%dma_start3A_538 : memref<10240xf32, #tpu.memory_space<vmem_shared>>) offsets(%dma_start3A_536 : memref<64xi32, #tpu.memory_space<vmem>>) semaphore(%arg28 : memref<!tpu.dma_semaphore, #tpu.memory_space<semaphore_mem>>) {add = true}
      %dma_start3A_539 = arith.constant 2 : i32
      %dma_start3A_540 = arith.constant 128 : i32
      %dma_start3A_541 = tpu.memref_slice %arg17[%dma_start3A_540] : memref<256xf32, #tpu.memory_space<vmem>> -> memref<64xf32, #tpu.memory_space<vmem>>
      %dma_start3A_542 = arith.constant 0 : i32
      %dma_start3A_543 = tpu.memref_slice %arg15[%dma_start3A_539, %dma_start3A_542] : memref<4x64xi32, #tpu.memory_space<vmem>> -> memref<1x64xi32, #tpu.memory_space<vmem>>
      %dma_start3A_544 = tpu.memref_squeeze %dma_start3A_543 : memref<1x64xi32, #tpu.memory_space<vmem>> -> memref<64xi32, #tpu.memory_space<vmem>>
      %dma_start3A_545 = arith.constant 0 : i32
      %dma_start3A_546 = tpu.memref_slice %arg29[%dma_start3A_545] : memref<10240xf32, #tpu.memory_space<vmem_shared>> -> memref<10240xf32, #tpu.memory_space<vmem_shared>>
      tpu.enqueue_indirect_dma source(%dma_start3A_541 : memref<64xf32, #tpu.memory_space<vmem>>) target(%dma_start3A_546 : memref<10240xf32, #tpu.memory_space<vmem_shared>>) offsets(%dma_start3A_544 : memref<64xi32, #tpu.memory_space<vmem>>) semaphore(%arg28 : memref<!tpu.dma_semaphore, #tpu.memory_space<semaphore_mem>>) {add = true}
      %dma_start3A_547 = arith.constant 3 : i32
      %dma_start3A_548 = arith.constant 192 : i32
      %dma_start3A_549 = tpu.memref_slice %arg17[%dma_start3A_548] : memref<256xf32, #tpu.memory_space<vmem>> -> memref<64xf32, #tpu.memory_space<vmem>>
      %dma_start3A_550 = arith.constant 0 : i32
      %dma_start3A_551 = tpu.memref_slice %arg15[%dma_start3A_547, %dma_start3A_550] : memref<4x64xi32, #tpu.memory_space<vmem>> -> memref<1x64xi32, #tpu.memory_space<vmem>>
      %dma_start3A_552 = tpu.memref_squeeze %dma_start3A_551 : memref<1x64xi32, #tpu.memory_space<vmem>> -> memref<64xi32, #tpu.memory_space<vmem>>
      %dma_start3A_553 = arith.constant 0 : i32
      %dma_start3A_554 = tpu.memref_slice %arg29[%dma_start3A_553] : memref<10240xf32, #tpu.memory_space<vmem_shared>> -> memref<10240xf32, #tpu.memory_space<vmem_shared>>
      tpu.enqueue_indirect_dma source(%dma_start3A_549 : memref<64xf32, #tpu.memory_space<vmem>>) target(%dma_start3A_554 : memref<10240xf32, #tpu.memory_space<vmem_shared>>) offsets(%dma_start3A_552 : memref<64xi32, #tpu.memory_space<vmem>>) semaphore(%arg28 : memref<!tpu.dma_semaphore, #tpu.memory_space<semaphore_mem>>) {add = true}
      %dma_wait3A = arith.constant 0 : i32
      %dma_wait3A_555 = arith.constant 0 : i32
      %dma_wait3A_556 = tpu.memref_slice %arg14[%dma_wait3A, %dma_wait3A_555] : memref<4x64xi32, #tpu.memory_space<vmem>> -> memref<1x64xi32, #tpu.memory_space<vmem>>
      %dma_wait3A_557 = tpu.memref_squeeze %dma_wait3A_556 : memref<1x64xi32, #tpu.memory_space<vmem>> -> memref<64xi32, #tpu.memory_space<vmem>>
      %dma_wait3A_558 = arith.constant 0 : i32
      %dma_wait3A_559 = arith.constant 0 : i32
      %dma_wait3A_560 = tpu.memref_slice %arg2[%dma_wait3A_558, %dma_wait3A_559] : memref<10240x128xf32, #tpu.memory_space<hbm>> -> memref<10240x128xf32, #tpu.memory_space<hbm>>
      tpu.wait_indirect_dma semaphore(%arg22 : memref<!tpu.dma_semaphore, #tpu.memory_space<semaphore_mem>>) src(%dma_wait3A_560 : memref<10240x128xf32, #tpu.memory_space<hbm>>) dst(%arg18 : memref<64x128xf32, #tpu.memory_space<vmem>>)
      %parallel_loop3A = arith.constant 0 : i32
      %parallel_loop3A_561 = arith.constant 64 : i32
      %parallel_loop3A_562 = arith.constant 1 : i32
      scf.for %parallel_loop3A_688 = %parallel_loop3A to %parallel_loop3A_561 step %parallel_loop3A_562  : i32 {
        %parallel_loop3A_689 = arith.constant 0 : i32
        %parallel_loop3A_690 = vector.broadcast %parallel_loop3A_689 : i32 to vector<16xi32>
        %parallel_loop3A_691 = vector.broadcast %parallel_loop3A_688 : i32 to vector<16xi32>
        %parallel_loop3A_692 = arith.addi %parallel_loop3A_690, %parallel_loop3A_691 : vector<16xi32>
        %parallel_loop3A_693 = tpu.vector_load_idx %arg17[%parallel_loop3A_692] : memref<256xf32, #tpu.memory_space<vmem>>[vector<16xi32>], vector<16xf32>,
        %parallel_loop3A_694 = arith.index_cast %parallel_loop3A_688 : i32 to index
        %parallel_loop3A_695 = arith.constant 0 : index
        %parallel_loop3A_696 = tpu.vector_load %arg18[%parallel_loop3A_694, %parallel_loop3A_695] {strides = array<i32>} : memref<64x128xf32, #tpu.memory_space<vmem>>, vector<16xf32>,
        %parallel_loop3A_697 = arith.mulf %parallel_loop3A_696, %parallel_loop3A_693 : vector<16xf32>
        %parallel_loop3A_698 = arith.index_cast %parallel_loop3A_688 : i32 to index
        %parallel_loop3A_699 = arith.constant 0 : index
        %parallel_loop3A_700 = tpu.vector_load %arg18[%parallel_loop3A_698, %parallel_loop3A_699] {strides = array<i32>} : memref<64x128xf32, #tpu.memory_space<vmem>>, vector<16xf32>,
        tpu.vector_store %arg18[%parallel_loop3A_698, %parallel_loop3A_699], %parallel_loop3A_697 {strides = array<i32>} : memref<64x128xf32, #tpu.memory_space<vmem>>, vector<16xf32>,
        %parallel_loop3A_701 = arith.index_cast %parallel_loop3A_688 : i32 to index
        %parallel_loop3A_702 = arith.constant 16 : index
        %parallel_loop3A_703 = tpu.vector_load %arg18[%parallel_loop3A_701, %parallel_loop3A_702] {strides = array<i32>} : memref<64x128xf32, #tpu.memory_space<vmem>>, vector<16xf32>,
        %parallel_loop3A_704 = arith.mulf %parallel_loop3A_703, %parallel_loop3A_693 : vector<16xf32>
        %parallel_loop3A_705 = arith.index_cast %parallel_loop3A_688 : i32 to index
        %parallel_loop3A_706 = arith.constant 16 : index
        %parallel_loop3A_707 = tpu.vector_load %arg18[%parallel_loop3A_705, %parallel_loop3A_706] {strides = array<i32>} : memref<64x128xf32, #tpu.memory_space<vmem>>, vector<16xf32>,
        tpu.vector_store %arg18[%parallel_loop3A_705, %parallel_loop3A_706], %parallel_loop3A_704 {strides = array<i32>} : memref<64x128xf32, #tpu.memory_space<vmem>>, vector<16xf32>,
        %parallel_loop3A_708 = arith.index_cast %parallel_loop3A_688 : i32 to index
        %parallel_loop3A_709 = arith.constant 32 : index
        %parallel_loop3A_710 = tpu.vector_load %arg18[%parallel_loop3A_708, %parallel_loop3A_709] {strides = array<i32>} : memref<64x128xf32, #tpu.memory_space<vmem>>, vector<16xf32>,
        %parallel_loop3A_711 = arith.mulf %parallel_loop3A_710, %parallel_loop3A_693 : vector<16xf32>
        %parallel_loop3A_712 = arith.index_cast %parallel_loop3A_688 : i32 to index
        %parallel_loop3A_713 = arith.constant 32 : index
        %parallel_loop3A_714 = tpu.vector_load %arg18[%parallel_loop3A_712, %parallel_loop3A_713] {strides = array<i32>} : memref<64x128xf32, #tpu.memory_space<vmem>>, vector<16xf32>,
        tpu.vector_store %arg18[%parallel_loop3A_712, %parallel_loop3A_713], %parallel_loop3A_711 {strides = array<i32>} : memref<64x128xf32, #tpu.memory_space<vmem>>, vector<16xf32>,
        %parallel_loop3A_715 = arith.index_cast %parallel_loop3A_688 : i32 to index
        %parallel_loop3A_716 = arith.constant 48 : index
        %parallel_loop3A_717 = tpu.vector_load %arg18[%parallel_loop3A_715, %parallel_loop3A_716] {strides = array<i32>} : memref<64x128xf32, #tpu.memory_space<vmem>>, vector<16xf32>,
        %parallel_loop3A_718 = arith.mulf %parallel_loop3A_717, %parallel_loop3A_693 : vector<16xf32>
        %parallel_loop3A_719 = arith.index_cast %parallel_loop3A_688 : i32 to index
        %parallel_loop3A_720 = arith.constant 48 : index
        %parallel_loop3A_721 = tpu.vector_load %arg18[%parallel_loop3A_719, %parallel_loop3A_720] {strides = array<i32>} : memref<64x128xf32, #tpu.memory_space<vmem>>, vector<16xf32>,
        tpu.vector_store %arg18[%parallel_loop3A_719, %parallel_loop3A_720], %parallel_loop3A_718 {strides = array<i32>} : memref<64x128xf32, #tpu.memory_space<vmem>>, vector<16xf32>,
        %parallel_loop3A_722 = arith.index_cast %parallel_loop3A_688 : i32 to index
        %parallel_loop3A_723 = arith.constant 64 : index
        %parallel_loop3A_724 = tpu.vector_load %arg18[%parallel_loop3A_722, %parallel_loop3A_723] {strides = array<i32>} : memref<64x128xf32, #tpu.memory_space<vmem>>, vector<16xf32>,
        %parallel_loop3A_725 = arith.mulf %parallel_loop3A_724, %parallel_loop3A_693 : vector<16xf32>
        %parallel_loop3A_726 = arith.index_cast %parallel_loop3A_688 : i32 to index
        %parallel_loop3A_727 = arith.constant 64 : index
        %parallel_loop3A_728 = tpu.vector_load %arg18[%parallel_loop3A_726, %parallel_loop3A_727] {strides = array<i32>} : memref<64x128xf32, #tpu.memory_space<vmem>>, vector<16xf32>,
        tpu.vector_store %arg18[%parallel_loop3A_726, %parallel_loop3A_727], %parallel_loop3A_725 {strides = array<i32>} : memref<64x128xf32, #tpu.memory_space<vmem>>, vector<16xf32>,
        %parallel_loop3A_729 = arith.index_cast %parallel_loop3A_688 : i32 to index
        %parallel_loop3A_730 = arith.constant 80 : index
        %parallel_loop3A_731 = tpu.vector_load %arg18[%parallel_loop3A_729, %parallel_loop3A_730] {strides = array<i32>} : memref<64x128xf32, #tpu.memory_space<vmem>>, vector<16xf32>,
        %parallel_loop3A_732 = arith.mulf %parallel_loop3A_731, %parallel_loop3A_693 : vector<16xf32>
        %parallel_loop3A_733 = arith.index_cast %parallel_loop3A_688 : i32 to index
        %parallel_loop3A_734 = arith.constant 80 : index
        %parallel_loop3A_735 = tpu.vector_load %arg18[%parallel_loop3A_733, %parallel_loop3A_734] {strides = array<i32>} : memref<64x128xf32, #tpu.memory_space<vmem>>, vector<16xf32>,
        tpu.vector_store %arg18[%parallel_loop3A_733, %parallel_loop3A_734], %parallel_loop3A_732 {strides = array<i32>} : memref<64x128xf32, #tpu.memory_space<vmem>>, vector<16xf32>,
        %parallel_loop3A_736 = arith.index_cast %parallel_loop3A_688 : i32 to index
        %parallel_loop3A_737 = arith.constant 96 : index
        %parallel_loop3A_738 = tpu.vector_load %arg18[%parallel_loop3A_736, %parallel_loop3A_737] {strides = array<i32>} : memref<64x128xf32, #tpu.memory_space<vmem>>, vector<16xf32>,
        %parallel_loop3A_739 = arith.mulf %parallel_loop3A_738, %parallel_loop3A_693 : vector<16xf32>
        %parallel_loop3A_740 = arith.index_cast %parallel_loop3A_688 : i32 to index
        %parallel_loop3A_741 = arith.constant 96 : index
        %parallel_loop3A_742 = tpu.vector_load %arg18[%parallel_loop3A_740, %parallel_loop3A_741] {strides = array<i32>} : memref<64x128xf32, #tpu.memory_space<vmem>>, vector<16xf32>,
        tpu.vector_store %arg18[%parallel_loop3A_740, %parallel_loop3A_741], %parallel_loop3A_739 {strides = array<i32>} : memref<64x128xf32, #tpu.memory_space<vmem>>, vector<16xf32>,
        %parallel_loop3A_743 = arith.index_cast %parallel_loop3A_688 : i32 to index
        %parallel_loop3A_744 = arith.constant 112 : index
        %parallel_loop3A_745 = tpu.vector_load %arg18[%parallel_loop3A_743, %parallel_loop3A_744] {strides = array<i32>} : memref<64x128xf32, #tpu.memory_space<vmem>>, vector<16xf32>,
        %parallel_loop3A_746 = arith.mulf %parallel_loop3A_745, %parallel_loop3A_693 : vector<16xf32>
        %parallel_loop3A_747 = arith.index_cast %parallel_loop3A_688 : i32 to index
        %parallel_loop3A_748 = arith.constant 112 : index
        %parallel_loop3A_749 = tpu.vector_load %arg18[%parallel_loop3A_747, %parallel_loop3A_748] {strides = array<i32>} : memref<64x128xf32, #tpu.memory_space<vmem>>, vector<16xf32>,
        tpu.vector_store %arg18[%parallel_loop3A_747, %parallel_loop3A_748], %parallel_loop3A_746 {strides = array<i32>} : memref<64x128xf32, #tpu.memory_space<vmem>>, vector<16xf32>,
      } {sc.loop_unroll_factor = 8 : i64, sc.parallel_access}
      %dma_start3A_563 = arith.constant 0 : i32
      %dma_start3A_564 = arith.constant 0 : i32
      %dma_start3A_565 = tpu.memref_slice %arg15[%dma_start3A_563, %dma_start3A_564] : memref<4x64xi32, #tpu.memory_space<vmem>> -> memref<1x64xi32, #tpu.memory_space<vmem>>
      %dma_start3A_566 = tpu.memref_squeeze %dma_start3A_565 : memref<1x64xi32, #tpu.memory_space<vmem>> -> memref<64xi32, #tpu.memory_space<vmem>>
      %dma_start3A_567 = arith.constant 0 : i32
      %dma_start3A_568 = arith.constant 0 : i32
      %dma_start3A_569 = tpu.memref_slice %arg30[%dma_start3A_567, %dma_start3A_568] : memref<10240x128xf32, #tpu.memory_space<vmem_shared>> -> memref<10240x128xf32, #tpu.memory_space<vmem_shared>>
      tpu.enqueue_indirect_dma source(%arg18 : memref<64x128xf32, #tpu.memory_space<vmem>>) target(%dma_start3A_569 : memref<10240x128xf32, #tpu.memory_space<vmem_shared>>) offsets(%dma_start3A_566 : memref<64xi32, #tpu.memory_space<vmem>>) semaphore(%arg25 : memref<!tpu.dma_semaphore, #tpu.memory_space<semaphore_mem>>) {add = true}
      %dma_wait3A_570 = arith.constant 1 : i32
      %dma_wait3A_571 = arith.constant 0 : i32
      %dma_wait3A_572 = tpu.memref_slice %arg14[%dma_wait3A_570, %dma_wait3A_571] : memref<4x64xi32, #tpu.memory_space<vmem>> -> memref<1x64xi32, #tpu.memory_space<vmem>>
      %dma_wait3A_573 = tpu.memref_squeeze %dma_wait3A_572 : memref<1x64xi32, #tpu.memory_space<vmem>> -> memref<64xi32, #tpu.memory_space<vmem>>
      %dma_wait3A_574 = arith.constant 0 : i32
      %dma_wait3A_575 = arith.constant 0 : i32
      %dma_wait3A_576 = tpu.memref_slice %arg2[%dma_wait3A_574, %dma_wait3A_575] : memref<10240x128xf32, #tpu.memory_space<hbm>> -> memref<10240x128xf32, #tpu.memory_space<hbm>>
      tpu.wait_indirect_dma semaphore(%arg23 : memref<!tpu.dma_semaphore, #tpu.memory_space<semaphore_mem>>) src(%dma_wait3A_576 : memref<10240x128xf32, #tpu.memory_space<hbm>>) dst(%arg19 : memref<64x128xf32, #tpu.memory_space<vmem>>)
      %parallel_loop3A_577 = arith.constant 0 : i32
      %parallel_loop3A_578 = arith.constant 64 : i32
      %parallel_loop3A_579 = arith.constant 1 : i32
      scf.for %parallel_loop3A_688 = %parallel_loop3A_577 to %parallel_loop3A_578 step %parallel_loop3A_579  : i32 {
        %parallel_loop3A_689 = arith.constant 64 : i32
        %parallel_loop3A_690 = vector.broadcast %parallel_loop3A_689 : i32 to vector<16xi32>
        %parallel_loop3A_691 = vector.broadcast %parallel_loop3A_688 : i32 to vector<16xi32>
        %parallel_loop3A_692 = arith.addi %parallel_loop3A_690, %parallel_loop3A_691 : vector<16xi32>
        %parallel_loop3A_693 = tpu.vector_load_idx %arg17[%parallel_loop3A_692] : memref<256xf32, #tpu.memory_space<vmem>>[vector<16xi32>], vector<16xf32>,
        %parallel_loop3A_694 = arith.index_cast %parallel_loop3A_688 : i32 to index
        %parallel_loop3A_695 = arith.constant 0 : index
        %parallel_loop3A_696 = tpu.vector_load %arg19[%parallel_loop3A_694, %parallel_loop3A_695] {strides = array<i32>} : memref<64x128xf32, #tpu.memory_space<vmem>>, vector<16xf32>,
        %parallel_loop3A_697 = arith.mulf %parallel_loop3A_696, %parallel_loop3A_693 : vector<16xf32>
        %parallel_loop3A_698 = arith.index_cast %parallel_loop3A_688 : i32 to index
        %parallel_loop3A_699 = arith.constant 0 : index
        %parallel_loop3A_700 = tpu.vector_load %arg19[%parallel_loop3A_698, %parallel_loop3A_699] {strides = array<i32>} : memref<64x128xf32, #tpu.memory_space<vmem>>, vector<16xf32>,
        tpu.vector_store %arg19[%parallel_loop3A_698, %parallel_loop3A_699], %parallel_loop3A_697 {strides = array<i32>} : memref<64x128xf32, #tpu.memory_space<vmem>>, vector<16xf32>,
        %parallel_loop3A_701 = arith.index_cast %parallel_loop3A_688 : i32 to index
        %parallel_loop3A_702 = arith.constant 16 : index
        %parallel_loop3A_703 = tpu.vector_load %arg19[%parallel_loop3A_701, %parallel_loop3A_702] {strides = array<i32>} : memref<64x128xf32, #tpu.memory_space<vmem>>, vector<16xf32>,
        %parallel_loop3A_704 = arith.mulf %parallel_loop3A_703, %parallel_loop3A_693 : vector<16xf32>
        %parallel_loop3A_705 = arith.index_cast %parallel_loop3A_688 : i32 to index
        %parallel_loop3A_706 = arith.constant 16 : index
        %parallel_loop3A_707 = tpu.vector_load %arg19[%parallel_loop3A_705, %parallel_loop3A_706] {strides = array<i32>} : memref<64x128xf32, #tpu.memory_space<vmem>>, vector<16xf32>,
        tpu.vector_store %arg19[%parallel_loop3A_705, %parallel_loop3A_706], %parallel_loop3A_704 {strides = array<i32>} : memref<64x128xf32, #tpu.memory_space<vmem>>, vector<16xf32>,
        %parallel_loop3A_708 = arith.index_cast %parallel_loop3A_688 : i32 to index
        %parallel_loop3A_709 = arith.constant 32 : index
        %parallel_loop3A_710 = tpu.vector_load %arg19[%parallel_loop3A_708, %parallel_loop3A_709] {strides = array<i32>} : memref<64x128xf32, #tpu.memory_space<vmem>>, vector<16xf32>,
        %parallel_loop3A_711 = arith.mulf %parallel_loop3A_710, %parallel_loop3A_693 : vector<16xf32>
        %parallel_loop3A_712 = arith.index_cast %parallel_loop3A_688 : i32 to index
        %parallel_loop3A_713 = arith.constant 32 : index
        %parallel_loop3A_714 = tpu.vector_load %arg19[%parallel_loop3A_712, %parallel_loop3A_713] {strides = array<i32>} : memref<64x128xf32, #tpu.memory_space<vmem>>, vector<16xf32>,
        tpu.vector_store %arg19[%parallel_loop3A_712, %parallel_loop3A_713], %parallel_loop3A_711 {strides = array<i32>} : memref<64x128xf32, #tpu.memory_space<vmem>>, vector<16xf32>,
        %parallel_loop3A_715 = arith.index_cast %parallel_loop3A_688 : i32 to index
        %parallel_loop3A_716 = arith.constant 48 : index
        %parallel_loop3A_717 = tpu.vector_load %arg19[%parallel_loop3A_715, %parallel_loop3A_716] {strides = array<i32>} : memref<64x128xf32, #tpu.memory_space<vmem>>, vector<16xf32>,
        %parallel_loop3A_718 = arith.mulf %parallel_loop3A_717, %parallel_loop3A_693 : vector<16xf32>
        %parallel_loop3A_719 = arith.index_cast %parallel_loop3A_688 : i32 to index
        %parallel_loop3A_720 = arith.constant 48 : index
        %parallel_loop3A_721 = tpu.vector_load %arg19[%parallel_loop3A_719, %parallel_loop3A_720] {strides = array<i32>} : memref<64x128xf32, #tpu.memory_space<vmem>>, vector<16xf32>,
        tpu.vector_store %arg19[%parallel_loop3A_719, %parallel_loop3A_720], %parallel_loop3A_718 {strides = array<i32>} : memref<64x128xf32, #tpu.memory_space<vmem>>, vector<16xf32>,
        %parallel_loop3A_722 = arith.index_cast %parallel_loop3A_688 : i32 to index
        %parallel_loop3A_723 = arith.constant 64 : index
        %parallel_loop3A_724 = tpu.vector_load %arg19[%parallel_loop3A_722, %parallel_loop3A_723] {strides = array<i32>} : memref<64x128xf32, #tpu.memory_space<vmem>>, vector<16xf32>,
        %parallel_loop3A_725 = arith.mulf %parallel_loop3A_724, %parallel_loop3A_693 : vector<16xf32>
        %parallel_loop3A_726 = arith.index_cast %parallel_loop3A_688 : i32 to index
        %parallel_loop3A_727 = arith.constant 64 : index
        %parallel_loop3A_728 = tpu.vector_load %arg19[%parallel_loop3A_726, %parallel_loop3A_727] {strides = array<i32>} : memref<64x128xf32, #tpu.memory_space<vmem>>, vector<16xf32>,
        tpu.vector_store %arg19[%parallel_loop3A_726, %parallel_loop3A_727], %parallel_loop3A_725 {strides = array<i32>} : memref<64x128xf32, #tpu.memory_space<vmem>>, vector<16xf32>,
        %parallel_loop3A_729 = arith.index_cast %parallel_loop3A_688 : i32 to index
        %parallel_loop3A_730 = arith.constant 80 : index
        %parallel_loop3A_731 = tpu.vector_load %arg19[%parallel_loop3A_729, %parallel_loop3A_730] {strides = array<i32>} : memref<64x128xf32, #tpu.memory_space<vmem>>, vector<16xf32>,
        %parallel_loop3A_732 = arith.mulf %parallel_loop3A_731, %parallel_loop3A_693 : vector<16xf32>
        %parallel_loop3A_733 = arith.index_cast %parallel_loop3A_688 : i32 to index
        %parallel_loop3A_734 = arith.constant 80 : index
        %parallel_loop3A_735 = tpu.vector_load %arg19[%parallel_loop3A_733, %parallel_loop3A_734] {strides = array<i32>} : memref<64x128xf32, #tpu.memory_space<vmem>>, vector<16xf32>,
        tpu.vector_store %arg19[%parallel_loop3A_733, %parallel_loop3A_734], %parallel_loop3A_732 {strides = array<i32>} : memref<64x128xf32, #tpu.memory_space<vmem>>, vector<16xf32>,
        %parallel_loop3A_736 = arith.index_cast %parallel_loop3A_688 : i32 to index
        %parallel_loop3A_737 = arith.constant 96 : index
        %parallel_loop3A_738 = tpu.vector_load %arg19[%parallel_loop3A_736, %parallel_loop3A_737] {strides = array<i32>} : memref<64x128xf32, #tpu.memory_space<vmem>>, vector<16xf32>,
        %parallel_loop3A_739 = arith.mulf %parallel_loop3A_738, %parallel_loop3A_693 : vector<16xf32>
        %parallel_loop3A_740 = arith.index_cast %parallel_loop3A_688 : i32 to index
        %parallel_loop3A_741 = arith.constant 96 : index
        %parallel_loop3A_742 = tpu.vector_load %arg19[%parallel_loop3A_740, %parallel_loop3A_741] {strides = array<i32>} : memref<64x128xf32, #tpu.memory_space<vmem>>, vector<16xf32>,
        tpu.vector_store %arg19[%parallel_loop3A_740, %parallel_loop3A_741], %parallel_loop3A_739 {strides = array<i32>} : memref<64x128xf32, #tpu.memory_space<vmem>>, vector<16xf32>,
        %parallel_loop3A_743 = arith.index_cast %parallel_loop3A_688 : i32 to index
        %parallel_loop3A_744 = arith.constant 112 : index
        %parallel_loop3A_745 = tpu.vector_load %arg19[%parallel_loop3A_743, %parallel_loop3A_744] {strides = array<i32>} : memref<64x128xf32, #tpu.memory_space<vmem>>, vector<16xf32>,
        %parallel_loop3A_746 = arith.mulf %parallel_loop3A_745, %parallel_loop3A_693 : vector<16xf32>
        %parallel_loop3A_747 = arith.index_cast %parallel_loop3A_688 : i32 to index
        %parallel_loop3A_748 = arith.constant 112 : index
        %parallel_loop3A_749 = tpu.vector_load %arg19[%parallel_loop3A_747, %parallel_loop3A_748] {strides = array<i32>} : memref<64x128xf32, #tpu.memory_space<vmem>>, vector<16xf32>,
        tpu.vector_store %arg19[%parallel_loop3A_747, %parallel_loop3A_748], %parallel_loop3A_746 {strides = array<i32>} : memref<64x128xf32, #tpu.memory_space<vmem>>, vector<16xf32>,
      } {sc.loop_unroll_factor = 8 : i64, sc.parallel_access}
      %dma_start3A_580 = arith.constant 1 : i32
      %dma_start3A_581 = arith.constant 0 : i32
      %dma_start3A_582 = tpu.memref_slice %arg15[%dma_start3A_580, %dma_start3A_581] : memref<4x64xi32, #tpu.memory_space<vmem>> -> memref<1x64xi32, #tpu.memory_space<vmem>>
      %dma_start3A_583 = tpu.memref_squeeze %dma_start3A_582 : memref<1x64xi32, #tpu.memory_space<vmem>> -> memref<64xi32, #tpu.memory_space<vmem>>
      %dma_start3A_584 = arith.constant 0 : i32
      %dma_start3A_585 = arith.constant 0 : i32
      %dma_start3A_586 = tpu.memref_slice %arg30[%dma_start3A_584, %dma_start3A_585] : memref<10240x128xf32, #tpu.memory_space<vmem_shared>> -> memref<10240x128xf32, #tpu.memory_space<vmem_shared>>
      tpu.enqueue_indirect_dma source(%arg19 : memref<64x128xf32, #tpu.memory_space<vmem>>) target(%dma_start3A_586 : memref<10240x128xf32, #tpu.memory_space<vmem_shared>>) offsets(%dma_start3A_583 : memref<64xi32, #tpu.memory_space<vmem>>) semaphore(%arg26 : memref<!tpu.dma_semaphore, #tpu.memory_space<semaphore_mem>>) {add = true}
      %dma_wait3A_587 = arith.constant 2 : i32
      %dma_wait3A_588 = arith.constant 0 : i32
      %dma_wait3A_589 = tpu.memref_slice %arg14[%dma_wait3A_587, %dma_wait3A_588] : memref<4x64xi32, #tpu.memory_space<vmem>> -> memref<1x64xi32, #tpu.memory_space<vmem>>
      %dma_wait3A_590 = tpu.memref_squeeze %dma_wait3A_589 : memref<1x64xi32, #tpu.memory_space<vmem>> -> memref<64xi32, #tpu.memory_space<vmem>>
      %dma_wait3A_591 = arith.constant 0 : i32
      %dma_wait3A_592 = arith.constant 0 : i32
      %dma_wait3A_593 = tpu.memref_slice %arg2[%dma_wait3A_591, %dma_wait3A_592] : memref<10240x128xf32, #tpu.memory_space<hbm>> -> memref<10240x128xf32, #tpu.memory_space<hbm>>
      tpu.wait_indirect_dma semaphore(%arg24 : memref<!tpu.dma_semaphore, #tpu.memory_space<semaphore_mem>>) src(%dma_wait3A_593 : memref<10240x128xf32, #tpu.memory_space<hbm>>) dst(%arg20 : memref<64x128xf32, #tpu.memory_space<vmem>>)
      %parallel_loop3A_594 = arith.constant 0 : i32
      %parallel_loop3A_595 = arith.constant 64 : i32
      %parallel_loop3A_596 = arith.constant 1 : i32
      scf.for %parallel_loop3A_688 = %parallel_loop3A_594 to %parallel_loop3A_595 step %parallel_loop3A_596  : i32 {
        %parallel_loop3A_689 = arith.constant 128 : i32
        %parallel_loop3A_690 = vector.broadcast %parallel_loop3A_689 : i32 to vector<16xi32>
        %parallel_loop3A_691 = vector.broadcast %parallel_loop3A_688 : i32 to vector<16xi32>
        %parallel_loop3A_692 = arith.addi %parallel_loop3A_690, %parallel_loop3A_691 : vector<16xi32>
        %parallel_loop3A_693 = tpu.vector_load_idx %arg17[%parallel_loop3A_692] : memref<256xf32, #tpu.memory_space<vmem>>[vector<16xi32>], vector<16xf32>,
        %parallel_loop3A_694 = arith.index_cast %parallel_loop3A_688 : i32 to index
        %parallel_loop3A_695 = arith.constant 0 : index
        %parallel_loop3A_696 = tpu.vector_load %arg20[%parallel_loop3A_694, %parallel_loop3A_695] {strides = array<i32>} : memref<64x128xf32, #tpu.memory_space<vmem>>, vector<16xf32>,
        %parallel_loop3A_697 = arith.mulf %parallel_loop3A_696, %parallel_loop3A_693 : vector<16xf32>
        %parallel_loop3A_698 = arith.index_cast %parallel_loop3A_688 : i32 to index
        %parallel_loop3A_699 = arith.constant 0 : index
        %parallel_loop3A_700 = tpu.vector_load %arg20[%parallel_loop3A_698, %parallel_loop3A_699] {strides = array<i32>} : memref<64x128xf32, #tpu.memory_space<vmem>>, vector<16xf32>,
        tpu.vector_store %arg20[%parallel_loop3A_698, %parallel_loop3A_699], %parallel_loop3A_697 {strides = array<i32>} : memref<64x128xf32, #tpu.memory_space<vmem>>, vector<16xf32>,
        %parallel_loop3A_701 = arith.index_cast %parallel_loop3A_688 : i32 to index
        %parallel_loop3A_702 = arith.constant 16 : index
        %parallel_loop3A_703 = tpu.vector_load %arg20[%parallel_loop3A_701, %parallel_loop3A_702] {strides = array<i32>} : memref<64x128xf32, #tpu.memory_space<vmem>>, vector<16xf32>,
        %parallel_loop3A_704 = arith.mulf %parallel_loop3A_703, %parallel_loop3A_693 : vector<16xf32>
        %parallel_loop3A_705 = arith.index_cast %parallel_loop3A_688 : i32 to index
        %parallel_loop3A_706 = arith.constant 16 : index
        %parallel_loop3A_707 = tpu.vector_load %arg20[%parallel_loop3A_705, %parallel_loop3A_706] {strides = array<i32>} : memref<64x128xf32, #tpu.memory_space<vmem>>, vector<16xf32>,
        tpu.vector_store %arg20[%parallel_loop3A_705, %parallel_loop3A_706], %parallel_loop3A_704 {strides = array<i32>} : memref<64x128xf32, #tpu.memory_space<vmem>>, vector<16xf32>,
        %parallel_loop3A_708 = arith.index_cast %parallel_loop3A_688 : i32 to index
        %parallel_loop3A_709 = arith.constant 32 : index
        %parallel_loop3A_710 = tpu.vector_load %arg20[%parallel_loop3A_708, %parallel_loop3A_709] {strides = array<i32>} : memref<64x128xf32, #tpu.memory_space<vmem>>, vector<16xf32>,
        %parallel_loop3A_711 = arith.mulf %parallel_loop3A_710, %parallel_loop3A_693 : vector<16xf32>
        %parallel_loop3A_712 = arith.index_cast %parallel_loop3A_688 : i32 to index
        %parallel_loop3A_713 = arith.constant 32 : index
        %parallel_loop3A_714 = tpu.vector_load %arg20[%parallel_loop3A_712, %parallel_loop3A_713] {strides = array<i32>} : memref<64x128xf32, #tpu.memory_space<vmem>>, vector<16xf32>,
        tpu.vector_store %arg20[%parallel_loop3A_712, %parallel_loop3A_713], %parallel_loop3A_711 {strides = array<i32>} : memref<64x128xf32, #tpu.memory_space<vmem>>, vector<16xf32>,
        %parallel_loop3A_715 = arith.index_cast %parallel_loop3A_688 : i32 to index
        %parallel_loop3A_716 = arith.constant 48 : index
        %parallel_loop3A_717 = tpu.vector_load %arg20[%parallel_loop3A_715, %parallel_loop3A_716] {strides = array<i32>} : memref<64x128xf32, #tpu.memory_space<vmem>>, vector<16xf32>,
        %parallel_loop3A_718 = arith.mulf %parallel_loop3A_717, %parallel_loop3A_693 : vector<16xf32>
        %parallel_loop3A_719 = arith.index_cast %parallel_loop3A_688 : i32 to index
        %parallel_loop3A_720 = arith.constant 48 : index
        %parallel_loop3A_721 = tpu.vector_load %arg20[%parallel_loop3A_719, %parallel_loop3A_720] {strides = array<i32>} : memref<64x128xf32, #tpu.memory_space<vmem>>, vector<16xf32>,
        tpu.vector_store %arg20[%parallel_loop3A_719, %parallel_loop3A_720], %parallel_loop3A_718 {strides = array<i32>} : memref<64x128xf32, #tpu.memory_space<vmem>>, vector<16xf32>,
        %parallel_loop3A_722 = arith.index_cast %parallel_loop3A_688 : i32 to index
        %parallel_loop3A_723 = arith.constant 64 : index
        %parallel_loop3A_724 = tpu.vector_load %arg20[%parallel_loop3A_722, %parallel_loop3A_723] {strides = array<i32>} : memref<64x128xf32, #tpu.memory_space<vmem>>, vector<16xf32>,
        %parallel_loop3A_725 = arith.mulf %parallel_loop3A_724, %parallel_loop3A_693 : vector<16xf32>
        %parallel_loop3A_726 = arith.index_cast %parallel_loop3A_688 : i32 to index
        %parallel_loop3A_727 = arith.constant 64 : index
        %parallel_loop3A_728 = tpu.vector_load %arg20[%parallel_loop3A_726, %parallel_loop3A_727] {strides = array<i32>} : memref<64x128xf32, #tpu.memory_space<vmem>>, vector<16xf32>,
        tpu.vector_store %arg20[%parallel_loop3A_726, %parallel_loop3A_727], %parallel_loop3A_725 {strides = array<i32>} : memref<64x128xf32, #tpu.memory_space<vmem>>, vector<16xf32>,
        %parallel_loop3A_729 = arith.index_cast %parallel_loop3A_688 : i32 to index
        %parallel_loop3A_730 = arith.constant 80 : index
        %parallel_loop3A_731 = tpu.vector_load %arg20[%parallel_loop3A_729, %parallel_loop3A_730] {strides = array<i32>} : memref<64x128xf32, #tpu.memory_space<vmem>>, vector<16xf32>,
        %parallel_loop3A_732 = arith.mulf %parallel_loop3A_731, %parallel_loop3A_693 : vector<16xf32>
        %parallel_loop3A_733 = arith.index_cast %parallel_loop3A_688 : i32 to index
        %parallel_loop3A_734 = arith.constant 80 : index
        %parallel_loop3A_735 = tpu.vector_load %arg20[%parallel_loop3A_733, %parallel_loop3A_734] {strides = array<i32>} : memref<64x128xf32, #tpu.memory_space<vmem>>, vector<16xf32>,
        tpu.vector_store %arg20[%parallel_loop3A_733, %parallel_loop3A_734], %parallel_loop3A_732 {strides = array<i32>} : memref<64x128xf32, #tpu.memory_space<vmem>>, vector<16xf32>,
        %parallel_loop3A_736 = arith.index_cast %parallel_loop3A_688 : i32 to index
        %parallel_loop3A_737 = arith.constant 96 : index
        %parallel_loop3A_738 = tpu.vector_load %arg20[%parallel_loop3A_736, %parallel_loop3A_737] {strides = array<i32>} : memref<64x128xf32, #tpu.memory_space<vmem>>, vector<16xf32>,
        %parallel_loop3A_739 = arith.mulf %parallel_loop3A_738, %parallel_loop3A_693 : vector<16xf32>
        %parallel_loop3A_740 = arith.index_cast %parallel_loop3A_688 : i32 to index
        %parallel_loop3A_741 = arith.constant 96 : index
        %parallel_loop3A_742 = tpu.vector_load %arg20[%parallel_loop3A_740, %parallel_loop3A_741] {strides = array<i32>} : memref<64x128xf32, #tpu.memory_space<vmem>>, vector<16xf32>,
        tpu.vector_store %arg20[%parallel_loop3A_740, %parallel_loop3A_741], %parallel_loop3A_739 {strides = array<i32>} : memref<64x128xf32, #tpu.memory_space<vmem>>, vector<16xf32>,
        %parallel_loop3A_743 = arith.index_cast %parallel_loop3A_688 : i32 to index
        %parallel_loop3A_744 = arith.constant 112 : index
        %parallel_loop3A_745 = tpu.vector_load %arg20[%parallel_loop3A_743, %parallel_loop3A_744] {strides = array<i32>} : memref<64x128xf32, #tpu.memory_space<vmem>>, vector<16xf32>,
        %parallel_loop3A_746 = arith.mulf %parallel_loop3A_745, %parallel_loop3A_693 : vector<16xf32>
        %parallel_loop3A_747 = arith.index_cast %parallel_loop3A_688 : i32 to index
        %parallel_loop3A_748 = arith.constant 112 : index
        %parallel_loop3A_749 = tpu.vector_load %arg20[%parallel_loop3A_747, %parallel_loop3A_748] {strides = array<i32>} : memref<64x128xf32, #tpu.memory_space<vmem>>, vector<16xf32>,
        tpu.vector_store %arg20[%parallel_loop3A_747, %parallel_loop3A_748], %parallel_loop3A_746 {strides = array<i32>} : memref<64x128xf32, #tpu.memory_space<vmem>>, vector<16xf32>,
      } {sc.loop_unroll_factor = 8 : i64, sc.parallel_access}
      %dma_start3A_597 = arith.constant 2 : i32
      %dma_start3A_598 = arith.constant 0 : i32
      %dma_start3A_599 = tpu.memref_slice %arg15[%dma_start3A_597, %dma_start3A_598] : memref<4x64xi32, #tpu.memory_space<vmem>> -> memref<1x64xi32, #tpu.memory_space<vmem>>
      %dma_start3A_600 = tpu.memref_squeeze %dma_start3A_599 : memref<1x64xi32, #tpu.memory_space<vmem>> -> memref<64xi32, #tpu.memory_space<vmem>>
      %dma_start3A_601 = arith.constant 0 : i32
      %dma_start3A_602 = arith.constant 0 : i32
      %dma_start3A_603 = tpu.memref_slice %arg30[%dma_start3A_601, %dma_start3A_602] : memref<10240x128xf32, #tpu.memory_space<vmem_shared>> -> memref<10240x128xf32, #tpu.memory_space<vmem_shared>>
      tpu.enqueue_indirect_dma source(%arg20 : memref<64x128xf32, #tpu.memory_space<vmem>>) target(%dma_start3A_603 : memref<10240x128xf32, #tpu.memory_space<vmem_shared>>) offsets(%dma_start3A_600 : memref<64xi32, #tpu.memory_space<vmem>>) semaphore(%arg27 : memref<!tpu.dma_semaphore, #tpu.memory_space<semaphore_mem>>) {add = true}
      %dma_wait3A_604 = arith.constant 0 : i32
      %dma_wait3A_605 = arith.constant 0 : i32
      %dma_wait3A_606 = tpu.memref_slice %arg15[%dma_wait3A_604, %dma_wait3A_605] : memref<4x64xi32, #tpu.memory_space<vmem>> -> memref<1x64xi32, #tpu.memory_space<vmem>>
      %dma_wait3A_607 = tpu.memref_squeeze %dma_wait3A_606 : memref<1x64xi32, #tpu.memory_space<vmem>> -> memref<64xi32, #tpu.memory_space<vmem>>
      %dma_wait3A_608 = arith.constant 0 : i32
      %dma_wait3A_609 = arith.constant 0 : i32
      %dma_wait3A_610 = tpu.memref_slice %arg30[%dma_wait3A_608, %dma_wait3A_609] : memref<10240x128xf32, #tpu.memory_space<vmem_shared>> -> memref<10240x128xf32, #tpu.memory_space<vmem_shared>>
      tpu.wait_indirect_dma semaphore(%arg25 : memref<!tpu.dma_semaphore, #tpu.memory_space<semaphore_mem>>) src(%arg18 : memref<64x128xf32, #tpu.memory_space<vmem>>) dst(%dma_wait3A_610 : memref<10240x128xf32, #tpu.memory_space<vmem_shared>>)
      %dma_start3A_611 = arith.constant 3 : i32
      %dma_start3A_612 = arith.constant 0 : i32
      %dma_start3A_613 = tpu.memref_slice %arg14[%dma_start3A_611, %dma_start3A_612] : memref<4x64xi32, #tpu.memory_space<vmem>> -> memref<1x64xi32, #tpu.memory_space<vmem>>
      %dma_start3A_614 = tpu.memref_squeeze %dma_start3A_613 : memref<1x64xi32, #tpu.memory_space<vmem>> -> memref<64xi32, #tpu.memory_space<vmem>>
      %dma_start3A_615 = arith.constant 0 : i32
      %dma_start3A_616 = arith.constant 0 : i32
      %dma_start3A_617 = tpu.memref_slice %arg2[%dma_start3A_615, %dma_start3A_616] : memref<10240x128xf32, #tpu.memory_space<hbm>> -> memref<10240x128xf32, #tpu.memory_space<hbm>>
      tpu.enqueue_indirect_dma source(%dma_start3A_617 : memref<10240x128xf32, #tpu.memory_space<hbm>>) target(%arg18 : memref<64x128xf32, #tpu.memory_space<vmem>>) offsets(%dma_start3A_614 : memref<64xi32, #tpu.memory_space<vmem>>) semaphore(%arg22 : memref<!tpu.dma_semaphore, #tpu.memory_space<semaphore_mem>>)
      %dma_wait3A_618 = arith.constant 3 : i32
      %dma_wait3A_619 = arith.constant 0 : i32
      %dma_wait3A_620 = tpu.memref_slice %arg14[%dma_wait3A_618, %dma_wait3A_619] : memref<4x64xi32, #tpu.memory_space<vmem>> -> memref<1x64xi32, #tpu.memory_space<vmem>>
      %dma_wait3A_621 = tpu.memref_squeeze %dma_wait3A_620 : memref<1x64xi32, #tpu.memory_space<vmem>> -> memref<64xi32, #tpu.memory_space<vmem>>
      %dma_wait3A_622 = arith.constant 0 : i32
      %dma_wait3A_623 = arith.constant 0 : i32
      %dma_wait3A_624 = tpu.memref_slice %arg2[%dma_wait3A_622, %dma_wait3A_623] : memref<10240x128xf32, #tpu.memory_space<hbm>> -> memref<10240x128xf32, #tpu.memory_space<hbm>>
      tpu.wait_indirect_dma semaphore(%arg22 : memref<!tpu.dma_semaphore, #tpu.memory_space<semaphore_mem>>) src(%dma_wait3A_624 : memref<10240x128xf32, #tpu.memory_space<hbm>>) dst(%arg18 : memref<64x128xf32, #tpu.memory_space<vmem>>)
      %parallel_loop3A_625 = arith.constant 0 : i32
      %parallel_loop3A_626 = arith.constant 64 : i32
      %parallel_loop3A_627 = arith.constant 1 : i32
      scf.for %parallel_loop3A_688 = %parallel_loop3A_625 to %parallel_loop3A_626 step %parallel_loop3A_627  : i32 {
        %parallel_loop3A_689 = arith.constant 192 : i32
        %parallel_loop3A_690 = vector.broadcast %parallel_loop3A_689 : i32 to vector<16xi32>
        %parallel_loop3A_691 = vector.broadcast %parallel_loop3A_688 : i32 to vector<16xi32>
        %parallel_loop3A_692 = arith.addi %parallel_loop3A_690, %parallel_loop3A_691 : vector<16xi32>
        %parallel_loop3A_693 = tpu.vector_load_idx %arg17[%parallel_loop3A_692] : memref<256xf32, #tpu.memory_space<vmem>>[vector<16xi32>], vector<16xf32>,
        %parallel_loop3A_694 = arith.index_cast %parallel_loop3A_688 : i32 to index
        %parallel_loop3A_695 = arith.constant 0 : index
        %parallel_loop3A_696 = tpu.vector_load %arg18[%parallel_loop3A_694, %parallel_loop3A_695] {strides = array<i32>} : memref<64x128xf32, #tpu.memory_space<vmem>>, vector<16xf32>,
        %parallel_loop3A_697 = arith.mulf %parallel_loop3A_696, %parallel_loop3A_693 : vector<16xf32>
        %parallel_loop3A_698 = arith.index_cast %parallel_loop3A_688 : i32 to index
        %parallel_loop3A_699 = arith.constant 0 : index
        %parallel_loop3A_700 = tpu.vector_load %arg18[%parallel_loop3A_698, %parallel_loop3A_699] {strides = array<i32>} : memref<64x128xf32, #tpu.memory_space<vmem>>, vector<16xf32>,
        tpu.vector_store %arg18[%parallel_loop3A_698, %parallel_loop3A_699], %parallel_loop3A_697 {strides = array<i32>} : memref<64x128xf32, #tpu.memory_space<vmem>>, vector<16xf32>,
        %parallel_loop3A_701 = arith.index_cast %parallel_loop3A_688 : i32 to index
        %parallel_loop3A_702 = arith.constant 16 : index
        %parallel_loop3A_703 = tpu.vector_load %arg18[%parallel_loop3A_701, %parallel_loop3A_702] {strides = array<i32>} : memref<64x128xf32, #tpu.memory_space<vmem>>, vector<16xf32>,
        %parallel_loop3A_704 = arith.mulf %parallel_loop3A_703, %parallel_loop3A_693 : vector<16xf32>
        %parallel_loop3A_705 = arith.index_cast %parallel_loop3A_688 : i32 to index
        %parallel_loop3A_706 = arith.constant 16 : index
        %parallel_loop3A_707 = tpu.vector_load %arg18[%parallel_loop3A_705, %parallel_loop3A_706] {strides = array<i32>} : memref<64x128xf32, #tpu.memory_space<vmem>>, vector<16xf32>,
        tpu.vector_store %arg18[%parallel_loop3A_705, %parallel_loop3A_706], %parallel_loop3A_704 {strides = array<i32>} : memref<64x128xf32, #tpu.memory_space<vmem>>, vector<16xf32>,
        %parallel_loop3A_708 = arith.index_cast %parallel_loop3A_688 : i32 to index
        %parallel_loop3A_709 = arith.constant 32 : index
        %parallel_loop3A_710 = tpu.vector_load %arg18[%parallel_loop3A_708, %parallel_loop3A_709] {strides = array<i32>} : memref<64x128xf32, #tpu.memory_space<vmem>>, vector<16xf32>,
        %parallel_loop3A_711 = arith.mulf %parallel_loop3A_710, %parallel_loop3A_693 : vector<16xf32>
        %parallel_loop3A_712 = arith.index_cast %parallel_loop3A_688 : i32 to index
        %parallel_loop3A_713 = arith.constant 32 : index
        %parallel_loop3A_714 = tpu.vector_load %arg18[%parallel_loop3A_712, %parallel_loop3A_713] {strides = array<i32>} : memref<64x128xf32, #tpu.memory_space<vmem>>, vector<16xf32>,
        tpu.vector_store %arg18[%parallel_loop3A_712, %parallel_loop3A_713], %parallel_loop3A_711 {strides = array<i32>} : memref<64x128xf32, #tpu.memory_space<vmem>>, vector<16xf32>,
        %parallel_loop3A_715 = arith.index_cast %parallel_loop3A_688 : i32 to index
        %parallel_loop3A_716 = arith.constant 48 : index
        %parallel_loop3A_717 = tpu.vector_load %arg18[%parallel_loop3A_715, %parallel_loop3A_716] {strides = array<i32>} : memref<64x128xf32, #tpu.memory_space<vmem>>, vector<16xf32>,
        %parallel_loop3A_718 = arith.mulf %parallel_loop3A_717, %parallel_loop3A_693 : vector<16xf32>
        %parallel_loop3A_719 = arith.index_cast %parallel_loop3A_688 : i32 to index
        %parallel_loop3A_720 = arith.constant 48 : index
        %parallel_loop3A_721 = tpu.vector_load %arg18[%parallel_loop3A_719, %parallel_loop3A_720] {strides = array<i32>} : memref<64x128xf32, #tpu.memory_space<vmem>>, vector<16xf32>,
        tpu.vector_store %arg18[%parallel_loop3A_719, %parallel_loop3A_720], %parallel_loop3A_718 {strides = array<i32>} : memref<64x128xf32, #tpu.memory_space<vmem>>, vector<16xf32>,
        %parallel_loop3A_722 = arith.index_cast %parallel_loop3A_688 : i32 to index
        %parallel_loop3A_723 = arith.constant 64 : index
        %parallel_loop3A_724 = tpu.vector_load %arg18[%parallel_loop3A_722, %parallel_loop3A_723] {strides = array<i32>} : memref<64x128xf32, #tpu.memory_space<vmem>>, vector<16xf32>,
        %parallel_loop3A_725 = arith.mulf %parallel_loop3A_724, %parallel_loop3A_693 : vector<16xf32>
        %parallel_loop3A_726 = arith.index_cast %parallel_loop3A_688 : i32 to index
        %parallel_loop3A_727 = arith.constant 64 : index
        %parallel_loop3A_728 = tpu.vector_load %arg18[%parallel_loop3A_726, %parallel_loop3A_727] {strides = array<i32>} : memref<64x128xf32, #tpu.memory_space<vmem>>, vector<16xf32>,
        tpu.vector_store %arg18[%parallel_loop3A_726, %parallel_loop3A_727], %parallel_loop3A_725 {strides = array<i32>} : memref<64x128xf32, #tpu.memory_space<vmem>>, vector<16xf32>,
        %parallel_loop3A_729 = arith.index_cast %parallel_loop3A_688 : i32 to index
        %parallel_loop3A_730 = arith.constant 80 : index
        %parallel_loop3A_731 = tpu.vector_load %arg18[%parallel_loop3A_729, %parallel_loop3A_730] {strides = array<i32>} : memref<64x128xf32, #tpu.memory_space<vmem>>, vector<16xf32>,
        %parallel_loop3A_732 = arith.mulf %parallel_loop3A_731, %parallel_loop3A_693 : vector<16xf32>
        %parallel_loop3A_733 = arith.index_cast %parallel_loop3A_688 : i32 to index
        %parallel_loop3A_734 = arith.constant 80 : index
        %parallel_loop3A_735 = tpu.vector_load %arg18[%parallel_loop3A_733, %parallel_loop3A_734] {strides = array<i32>} : memref<64x128xf32, #tpu.memory_space<vmem>>, vector<16xf32>,
        tpu.vector_store %arg18[%parallel_loop3A_733, %parallel_loop3A_734], %parallel_loop3A_732 {strides = array<i32>} : memref<64x128xf32, #tpu.memory_space<vmem>>, vector<16xf32>,
        %parallel_loop3A_736 = arith.index_cast %parallel_loop3A_688 : i32 to index
        %parallel_loop3A_737 = arith.constant 96 : index
        %parallel_loop3A_738 = tpu.vector_load %arg18[%parallel_loop3A_736, %parallel_loop3A_737] {strides = array<i32>} : memref<64x128xf32, #tpu.memory_space<vmem>>, vector<16xf32>,
        %parallel_loop3A_739 = arith.mulf %parallel_loop3A_738, %parallel_loop3A_693 : vector<16xf32>
        %parallel_loop3A_740 = arith.index_cast %parallel_loop3A_688 : i32 to index
        %parallel_loop3A_741 = arith.constant 96 : index
        %parallel_loop3A_742 = tpu.vector_load %arg18[%parallel_loop3A_740, %parallel_loop3A_741] {strides = array<i32>} : memref<64x128xf32, #tpu.memory_space<vmem>>, vector<16xf32>,
        tpu.vector_store %arg18[%parallel_loop3A_740, %parallel_loop3A_741], %parallel_loop3A_739 {strides = array<i32>} : memref<64x128xf32, #tpu.memory_space<vmem>>, vector<16xf32>,
        %parallel_loop3A_743 = arith.index_cast %parallel_loop3A_688 : i32 to index
        %parallel_loop3A_744 = arith.constant 112 : index
        %parallel_loop3A_745 = tpu.vector_load %arg18[%parallel_loop3A_743, %parallel_loop3A_744] {strides = array<i32>} : memref<64x128xf32, #tpu.memory_space<vmem>>, vector<16xf32>,
        %parallel_loop3A_746 = arith.mulf %parallel_loop3A_745, %parallel_loop3A_693 : vector<16xf32>
        %parallel_loop3A_747 = arith.index_cast %parallel_loop3A_688 : i32 to index
        %parallel_loop3A_748 = arith.constant 112 : index
        %parallel_loop3A_749 = tpu.vector_load %arg18[%parallel_loop3A_747, %parallel_loop3A_748] {strides = array<i32>} : memref<64x128xf32, #tpu.memory_space<vmem>>, vector<16xf32>,
        tpu.vector_store %arg18[%parallel_loop3A_747, %parallel_loop3A_748], %parallel_loop3A_746 {strides = array<i32>} : memref<64x128xf32, #tpu.memory_space<vmem>>, vector<16xf32>,
      } {sc.loop_unroll_factor = 8 : i64, sc.parallel_access}
      %dma_start3A_628 = arith.constant 3 : i32
      %dma_start3A_629 = arith.constant 0 : i32
      %dma_start3A_630 = tpu.memref_slice %arg15[%dma_start3A_628, %dma_start3A_629] : memref<4x64xi32, #tpu.memory_space<vmem>> -> memref<1x64xi32, #tpu.memory_space<vmem>>
      %dma_start3A_631 = tpu.memref_squeeze %dma_start3A_630 : memref<1x64xi32, #tpu.memory_space<vmem>> -> memref<64xi32, #tpu.memory_space<vmem>>
      %dma_start3A_632 = arith.constant 0 : i32
      %dma_start3A_633 = arith.constant 0 : i32
      %dma_start3A_634 = tpu.memref_slice %arg30[%dma_start3A_632, %dma_start3A_633] : memref<10240x128xf32, #tpu.memory_space<vmem_shared>> -> memref<10240x128xf32, #tpu.memory_space<vmem_shared>>
      tpu.enqueue_indirect_dma source(%arg18 : memref<64x128xf32, #tpu.memory_space<vmem>>) target(%dma_start3A_634 : memref<10240x128xf32, #tpu.memory_space<vmem_shared>>) offsets(%dma_start3A_631 : memref<64xi32, #tpu.memory_space<vmem>>) semaphore(%arg25 : memref<!tpu.dma_semaphore, #tpu.memory_space<semaphore_mem>>) {add = true}
      %dma_wait3A_635 = arith.constant 1 : i32
      %dma_wait3A_636 = arith.constant 0 : i32
      %dma_wait3A_637 = tpu.memref_slice %arg15[%dma_wait3A_635, %dma_wait3A_636] : memref<4x64xi32, #tpu.memory_space<vmem>> -> memref<1x64xi32, #tpu.memory_space<vmem>>
      %dma_wait3A_638 = tpu.memref_squeeze %dma_wait3A_637 : memref<1x64xi32, #tpu.memory_space<vmem>> -> memref<64xi32, #tpu.memory_space<vmem>>
      %dma_wait3A_639 = arith.constant 0 : i32
      %dma_wait3A_640 = arith.constant 0 : i32
      %dma_wait3A_641 = tpu.memref_slice %arg30[%dma_wait3A_639, %dma_wait3A_640] : memref<10240x128xf32, #tpu.memory_space<vmem_shared>> -> memref<10240x128xf32, #tpu.memory_space<vmem_shared>>
      tpu.wait_indirect_dma semaphore(%arg26 : memref<!tpu.dma_semaphore, #tpu.memory_space<semaphore_mem>>) src(%arg19 : memref<64x128xf32, #tpu.memory_space<vmem>>) dst(%dma_wait3A_641 : memref<10240x128xf32, #tpu.memory_space<vmem_shared>>)
      %dma_wait3A_642 = arith.constant 2 : i32
      %dma_wait3A_643 = arith.constant 0 : i32
      %dma_wait3A_644 = tpu.memref_slice %arg15[%dma_wait3A_642, %dma_wait3A_643] : memref<4x64xi32, #tpu.memory_space<vmem>> -> memref<1x64xi32, #tpu.memory_space<vmem>>
      %dma_wait3A_645 = tpu.memref_squeeze %dma_wait3A_644 : memref<1x64xi32, #tpu.memory_space<vmem>> -> memref<64xi32, #tpu.memory_space<vmem>>
      %dma_wait3A_646 = arith.constant 0 : i32
      %dma_wait3A_647 = arith.constant 0 : i32
      %dma_wait3A_648 = tpu.memref_slice %arg30[%dma_wait3A_646, %dma_wait3A_647] : memref<10240x128xf32, #tpu.memory_space<vmem_shared>> -> memref<10240x128xf32, #tpu.memory_space<vmem_shared>>
      tpu.wait_indirect_dma semaphore(%arg27 : memref<!tpu.dma_semaphore, #tpu.memory_space<semaphore_mem>>) src(%arg20 : memref<64x128xf32, #tpu.memory_space<vmem>>) dst(%dma_wait3A_648 : memref<10240x128xf32, #tpu.memory_space<vmem_shared>>)
      %dma_wait3A_649 = arith.constant 3 : i32
      %dma_wait3A_650 = arith.constant 0 : i32
      %dma_wait3A_651 = tpu.memref_slice %arg15[%dma_wait3A_649, %dma_wait3A_650] : memref<4x64xi32, #tpu.memory_space<vmem>> -> memref<1x64xi32, #tpu.memory_space<vmem>>
      %dma_wait3A_652 = tpu.memref_squeeze %dma_wait3A_651 : memref<1x64xi32, #tpu.memory_space<vmem>> -> memref<64xi32, #tpu.memory_space<vmem>>
      %dma_wait3A_653 = arith.constant 0 : i32
      %dma_wait3A_654 = arith.constant 0 : i32
      %dma_wait3A_655 = tpu.memref_slice %arg30[%dma_wait3A_653, %dma_wait3A_654] : memref<10240x128xf32, #tpu.memory_space<vmem_shared>> -> memref<10240x128xf32, #tpu.memory_space<vmem_shared>>
      tpu.wait_indirect_dma semaphore(%arg25 : memref<!tpu.dma_semaphore, #tpu.memory_space<semaphore_mem>>) src(%arg18 : memref<64x128xf32, #tpu.memory_space<vmem>>) dst(%dma_wait3A_655 : memref<10240x128xf32, #tpu.memory_space<vmem_shared>>)
      %dma_wait3A_656 = arith.constant 0 : i32
      %dma_wait3A_657 = arith.constant 0 : i32
      %dma_wait3A_658 = tpu.memref_slice %arg17[%dma_wait3A_657] : memref<256xf32, #tpu.memory_space<vmem>> -> memref<64xf32, #tpu.memory_space<vmem>>
      %dma_wait3A_659 = arith.constant 0 : i32
      %dma_wait3A_660 = tpu.memref_slice %arg15[%dma_wait3A_656, %dma_wait3A_659] : memref<4x64xi32, #tpu.memory_space<vmem>> -> memref<1x64xi32, #tpu.memory_space<vmem>>
      %dma_wait3A_661 = tpu.memref_squeeze %dma_wait3A_660 : memref<1x64xi32, #tpu.memory_space<vmem>> -> memref<64xi32, #tpu.memory_space<vmem>>
      %dma_wait3A_662 = arith.constant 0 : i32
      %dma_wait3A_663 = tpu.memref_slice %arg29[%dma_wait3A_662] : memref<10240xf32, #tpu.memory_space<vmem_shared>> -> memref<10240xf32, #tpu.memory_space<vmem_shared>>
      tpu.wait_indirect_dma semaphore(%arg28 : memref<!tpu.dma_semaphore, #tpu.memory_space<semaphore_mem>>) src(%dma_wait3A_658 : memref<64xf32, #tpu.memory_space<vmem>>) dst(%dma_wait3A_663 : memref<10240xf32, #tpu.memory_space<vmem_shared>>)
      %dma_wait3A_664 = arith.constant 1 : i32
      %dma_wait3A_665 = arith.constant 64 : i32
      %dma_wait3A_666 = tpu.memref_slice %arg17[%dma_wait3A_665] : memref<256xf32, #tpu.memory_space<vmem>> -> memref<64xf32, #tpu.memory_space<vmem>>
      %dma_wait3A_667 = arith.constant 0 : i32
      %dma_wait3A_668 = tpu.memref_slice %arg15[%dma_wait3A_664, %dma_wait3A_667] : memref<4x64xi32, #tpu.memory_space<vmem>> -> memref<1x64xi32, #tpu.memory_space<vmem>>
      %dma_wait3A_669 = tpu.memref_squeeze %dma_wait3A_668 : memref<1x64xi32, #tpu.memory_space<vmem>> -> memref<64xi32, #tpu.memory_space<vmem>>
      %dma_wait3A_670 = arith.constant 0 : i32
      %dma_wait3A_671 = tpu.memref_slice %arg29[%dma_wait3A_670] : memref<10240xf32, #tpu.memory_space<vmem_shared>> -> memref<10240xf32, #tpu.memory_space<vmem_shared>>
      tpu.wait_indirect_dma semaphore(%arg28 : memref<!tpu.dma_semaphore, #tpu.memory_space<semaphore_mem>>) src(%dma_wait3A_666 : memref<64xf32, #tpu.memory_space<vmem>>) dst(%dma_wait3A_671 : memref<10240xf32, #tpu.memory_space<vmem_shared>>)
      %dma_wait3A_672 = arith.constant 2 : i32
      %dma_wait3A_673 = arith.constant 128 : i32
      %dma_wait3A_674 = tpu.memref_slice %arg17[%dma_wait3A_673] : memref<256xf32, #tpu.memory_space<vmem>> -> memref<64xf32, #tpu.memory_space<vmem>>
      %dma_wait3A_675 = arith.constant 0 : i32
      %dma_wait3A_676 = tpu.memref_slice %arg15[%dma_wait3A_672, %dma_wait3A_675] : memref<4x64xi32, #tpu.memory_space<vmem>> -> memref<1x64xi32, #tpu.memory_space<vmem>>
      %dma_wait3A_677 = tpu.memref_squeeze %dma_wait3A_676 : memref<1x64xi32, #tpu.memory_space<vmem>> -> memref<64xi32, #tpu.memory_space<vmem>>
      %dma_wait3A_678 = arith.constant 0 : i32
      %dma_wait3A_679 = tpu.memref_slice %arg29[%dma_wait3A_678] : memref<10240xf32, #tpu.memory_space<vmem_shared>> -> memref<10240xf32, #tpu.memory_space<vmem_shared>>
      tpu.wait_indirect_dma semaphore(%arg28 : memref<!tpu.dma_semaphore, #tpu.memory_space<semaphore_mem>>) src(%dma_wait3A_674 : memref<64xf32, #tpu.memory_space<vmem>>) dst(%dma_wait3A_679 : memref<10240xf32, #tpu.memory_space<vmem_shared>>)
      %dma_wait3A_680 = arith.constant 3 : i32
      %dma_wait3A_681 = arith.constant 192 : i32
      %dma_wait3A_682 = tpu.memref_slice %arg17[%dma_wait3A_681] : memref<256xf32, #tpu.memory_space<vmem>> -> memref<64xf32, #tpu.memory_space<vmem>>
      %dma_wait3A_683 = arith.constant 0 : i32
      %dma_wait3A_684 = tpu.memref_slice %arg15[%dma_wait3A_680, %dma_wait3A_683] : memref<4x64xi32, #tpu.memory_space<vmem>> -> memref<1x64xi32, #tpu.memory_space<vmem>>
      %dma_wait3A_685 = tpu.memref_squeeze %dma_wait3A_684 : memref<1x64xi32, #tpu.memory_space<vmem>> -> memref<64xi32, #tpu.memory_space<vmem>>
      %dma_wait3A_686 = arith.constant 0 : i32
      %dma_wait3A_687 = tpu.memref_slice %arg29[%dma_wait3A_686] : memref<10240xf32, #tpu.memory_space<vmem_shared>> -> memref<10240xf32, #tpu.memory_space<vmem_shared>>
      tpu.wait_indirect_dma semaphore(%arg28 : memref<!tpu.dma_semaphore, #tpu.memory_space<semaphore_mem>>) src(%dma_wait3A_682 : memref<64xf32, #tpu.memory_space<vmem>>) dst(%dma_wait3A_687 : memref<10240xf32, #tpu.memory_space<vmem_shared>>)
    }
    %scan3A_59 = arith.constant 40 : i32
    %barrier3A_60 = arith.constant 0 : index
    tpu.barrier barrier_id(%barrier3A_60)
    %mul3A_61 = arith.constant 640 : i32
    %mul3A_62 = arith.muli %arg1, %mul3A_61 : i32
    %mul3A_63 = arith.constant 640 : i32
    %mul3A_64 = arith.muli %arg1, %mul3A_63 : i32
    "tpu.region"() ({
      %run_scoped3A = tpu.sem_alloc : memref<!tpu.dma_semaphore, #tpu.memory_space<semaphore_mem>>
      %dma_start3A = arith.constant 0 : i32
      %dma_start3A_69 = tpu.memref_slice %arg9[%arg0, %mul3A_64, %dma_start3A] : memref<2x10240x128xf32, #tpu.memory_space<hbm>> -> memref<1x640x128xf32, #tpu.memory_space<hbm>>
      %dma_start3A_70 = tpu.memref_squeeze %dma_start3A_69 : memref<1x640x128xf32, #tpu.memory_space<hbm>> -> memref<640x128xf32, #tpu.memory_space<hbm>>
      %dma_start3A_71 = arith.constant 0 : i32
      %dma_start3A_72 = tpu.memref_slice %arg30[%mul3A_62, %dma_start3A_71] : memref<10240x128xf32, #tpu.memory_space<vmem_shared>> -> memref<640x128xf32, #tpu.memory_space<vmem_shared>>
      tpu.enqueue_dma source(%dma_start3A_72 : memref<640x128xf32, #tpu.memory_space<vmem_shared>>) target(%dma_start3A_70 : memref<640x128xf32, #tpu.memory_space<hbm>>) target_semaphore(%run_scoped3A : memref<!tpu.dma_semaphore, #tpu.memory_space<semaphore_mem>>)
      %dma_wait3A = arith.constant 0 : i32
      %dma_wait3A_73 = tpu.memref_slice %arg9[%arg0, %mul3A_64, %dma_wait3A] : memref<2x10240x128xf32, #tpu.memory_space<hbm>> -> memref<1x640x128xf32, #tpu.memory_space<hbm>>
      %dma_wait3A_74 = tpu.memref_squeeze %dma_wait3A_73 : memref<1x640x128xf32, #tpu.memory_space<hbm>> -> memref<640x128xf32, #tpu.memory_space<hbm>>
      %dma_wait3A_75 = arith.constant 0 : i32
      %dma_wait3A_76 = tpu.memref_slice %arg30[%mul3A_62, %dma_wait3A_75] : memref<10240x128xf32, #tpu.memory_space<vmem_shared>> -> memref<640x128xf32, #tpu.memory_space<vmem_shared>>
      tpu.wait_dma2 semaphore(%run_scoped3A : memref<!tpu.dma_semaphore, #tpu.memory_space<semaphore_mem>>) src(%dma_wait3A_76 : memref<640x128xf32, #tpu.memory_space<vmem_shared>>) dst(%dma_wait3A_74 : memref<640x128xf32, #tpu.memory_space<hbm>>)
      tpu.yield
    }) : () -> ()
    %mul3A_65 = arith.constant 640 : i32
    %mul3A_66 = arith.muli %arg1, %mul3A_65 : i32
    %mul3A_67 = arith.constant 640 : i32
    %mul3A_68 = arith.muli %arg1, %mul3A_67 : i32
    "tpu.region"() ({
      %run_scoped3A = tpu.sem_alloc : memref<!tpu.dma_semaphore, #tpu.memory_space<semaphore_mem>>
      %dma_start3A = tpu.memref_slice %arg10[%arg0, %mul3A_68] : memref<2x10240xf32, #tpu.memory_space<hbm>> -> memref<1x640xf32, #tpu.memory_space<hbm>>
      %dma_start3A_69 = tpu.memref_squeeze %dma_start3A : memref<1x640xf32, #tpu.memory_space<hbm>> -> memref<640xf32, #tpu.memory_space<hbm>>
      %dma_start3A_70 = tpu.memref_slice %arg29[%mul3A_66] : memref<10240xf32, #tpu.memory_space<vmem_shared>> -> memref<640xf32, #tpu.memory_space<vmem_shared>>
      tpu.enqueue_dma source(%dma_start3A_70 : memref<640xf32, #tpu.memory_space<vmem_shared>>) target(%dma_start3A_69 : memref<640xf32, #tpu.memory_space<hbm>>) target_semaphore(%run_scoped3A : memref<!tpu.dma_semaphore, #tpu.memory_space<semaphore_mem>>)
      %dma_wait3A = tpu.memref_slice %arg10[%arg0, %mul3A_68] : memref<2x10240xf32, #tpu.memory_space<hbm>> -> memref<1x640xf32, #tpu.memory_space<hbm>>
      %dma_wait3A_71 = tpu.memref_squeeze %dma_wait3A : memref<1x640xf32, #tpu.memory_space<hbm>> -> memref<640xf32, #tpu.memory_space<hbm>>
      %dma_wait3A_72 = tpu.memref_slice %arg29[%mul3A_66] : memref<10240xf32, #tpu.memory_space<vmem_shared>> -> memref<640xf32, #tpu.memory_space<vmem_shared>>
      tpu.wait_dma2 semaphore(%run_scoped3A : memref<!tpu.dma_semaphore, #tpu.memory_space<semaphore_mem>>) src(%dma_wait3A_72 : memref<640xf32, #tpu.memory_space<vmem_shared>>) dst(%dma_wait3A_71 : memref<640xf32, #tpu.memory_space<hbm>>)
      tpu.yield
    }) : () -> ()
    return
  }
}

module attributes {stable_mosaic.version = 14 : i64} {
  func.func @_mm_body(%arg0: i32, %arg1: memref<128x128xf32, #tpu.memory_space<vmem>>, %arg2: memref<128x128xf32, #tpu.memory_space<vmem>>, %arg3: memref<8x128xf32, #tpu.memory_space<vmem>>, %arg4: memref<128x128xf32, #tpu.memory_space<vmem>>, %arg5: memref<8x128xf32, #tpu.memory_space<vmem>>) attributes {dimension_semantics = [#tpu.dimension_semantics<arbitrary>], iteration_bounds = array<i64: 80>, scalar_prefetch = 0 : i64, scratch_operands = 0 : i64, tpu.core_type = #tpu.core_type<tc>, window_params = [{transform_indices = @transform_0, window_bounds = array<i64: 128, 128>}, {pipeline_mode = #tpu.pipeline_mode<synchronous>, transform_indices = @transform_1, window_bounds = array<i64: 128, 128>}, {pipeline_mode = #tpu.pipeline_mode<synchronous>, transform_indices = @transform_2, window_bounds = array<i64: 8, 128>}, {transform_indices = @transform_3, window_bounds = array<i64: 128, 128>}, {transform_indices = @transform_4, window_bounds = array<i64: 8, 128>}]} {
    %get3A = arith.constant 0 : index
    %get3A_0 = arith.constant 0 : index
    %get3A_1 = vector.load %arg1[%get3A, %get3A_0] : memref<128x128xf32, #tpu.memory_space<vmem>>, vector<128x128xf32>
    %get3A_2 = arith.constant 0 : index
    %get3A_3 = arith.constant 0 : index
    %get3A_4 = vector.load %arg2[%get3A_2, %get3A_3] : memref<128x128xf32, #tpu.memory_space<vmem>>, vector<128x128xf32>
    %dot_general3A = arith.constant dense<0.000000e+00> : vector<128x128xf32>
    %dot_general3A_5 = tpu.matmul %get3A_1, %get3A_4, %dot_general3A {dimension_numbers = #tpu.dot_dimension_numbers<[1], [0], [0], [1], [0, 0, 1, 1], [], []>, transpose_lhs_hint = false} : vector<128x128xf32>, vector<128x128xf32>, vector<128x128xf32> -> vector<128x128xf32>
    %swap3A = arith.constant 0 : index
    %swap3A_6 = arith.constant 0 : index
    %swap3A_7 = vector.load %arg4[%swap3A, %swap3A_6] : memref<128x128xf32, #tpu.memory_space<vmem>>, vector<128x128xf32>
    tpu.vector_store %arg4[%swap3A, %swap3A_6], %dot_general3A_5 {strides = array<i32>} : memref<128x128xf32, #tpu.memory_space<vmem>>, vector<128x128xf32>,
    %get3A_8 = arith.constant 0 : index
    %get3A_9 = arith.constant 0 : index
    %get3A_10 = vector.load %arg3[%get3A_8, %get3A_9] : memref<8x128xf32, #tpu.memory_space<vmem>>, vector<8x128xf32>
    %dot_general3A_11 = arith.constant dense<0.000000e+00> : vector<8x128xf32>
    %dot_general3A_12 = tpu.matmul %get3A_10, %dot_general3A_5, %dot_general3A_11 {dimension_numbers = #tpu.dot_dimension_numbers<[1], [1], [0], [0], [0, 0, 1, 0], [], []>, transpose_lhs_hint = false} : vector<8x128xf32>, vector<128x128xf32>, vector<8x128xf32> -> vector<8x128xf32>
    %swap3A_13 = arith.constant 0 : index
    %swap3A_14 = arith.constant 0 : index
    %swap3A_15 = vector.load %arg5[%swap3A_13, %swap3A_14] : memref<8x128xf32, #tpu.memory_space<vmem>>, vector<8x128xf32>
    tpu.vector_store %arg5[%swap3A_13, %swap3A_14], %dot_general3A_12 {strides = array<i32>} : memref<8x128xf32, #tpu.memory_space<vmem>>, vector<8x128xf32>,
    return
  }
  func.func @transform_0(%arg0: i32) -> (i32, i32) {
    %c0_i32 = arith.constant 0 : i32
    %c0_i32_0 = arith.constant 0 : i32
    return %arg0, %c0_i32 : i32, i32
  }
  func.func @transform_1(%arg0: i32) -> (i32, i32) {
    %c0_i32 = arith.constant 0 : i32
    %c0_i32_0 = arith.constant 0 : i32
    %c0_i32_1 = arith.constant 0 : i32
    return %c0_i32, %c0_i32_0 : i32, i32
  }
  func.func @transform_2(%arg0: i32) -> (i32, i32) {
    %c0_i32 = arith.constant 0 : i32
    %c0_i32_0 = arith.constant 0 : i32
    %c0_i32_1 = arith.constant 0 : i32
    return %c0_i32, %c0_i32_0 : i32, i32
  }
  func.func @transform_3(%arg0: i32) -> (i32, i32) {
    %c0_i32 = arith.constant 0 : i32
    %c0_i32_0 = arith.constant 0 : i32
    return %arg0, %c0_i32 : i32, i32
  }
  func.func @transform_4(%arg0: i32) -> (i32, i32) {
    %c0_i32 = arith.constant 0 : i32
    %c0_i32_0 = arith.constant 0 : i32
    return %c0_i32, %arg0 : i32, i32
  }
}

module attributes {stable_mosaic.version = 14 : i64} {
  func.func @_elu_body(%arg0: i32, %arg1: memref<2x128x128xf32, #tpu.memory_space<vmem>>, %arg2: memref<2x128x1xf32, #tpu.memory_space<vmem>>, %arg3: memref<128x128xf32, #tpu.memory_space<vmem>>, %arg4: memref<128x128xf32, #tpu.memory_space<vmem>>) attributes {dimension_semantics = [#tpu.dimension_semantics<arbitrary>], iteration_bounds = array<i64: 80>, scalar_prefetch = 0 : i64, scratch_operands = 0 : i64, tpu.core_type = #tpu.core_type<tc>, window_params = [{transform_indices = @transform_0, window_bounds = array<i64: 2, 128, 128>}, {transform_indices = @transform_1, window_bounds = array<i64: 2, 128, 1>}, {transform_indices = @transform_2, window_bounds = array<i64: 128, 128>}, {transform_indices = @transform_3, window_bounds = array<i64: 128, 128>}]} {
    %get3A = arith.constant 0 : index
    %get3A_0 = arith.constant 0 : index
    %get3A_1 = arith.constant 0 : index
    %get3A_2 = vector.load %arg1[%get3A, %get3A_0, %get3A_1] : memref<2x128x128xf32, #tpu.memory_space<vmem>>, vector<1x128x128xf32>
    %get3A_3 = vector.shape_cast %get3A_2 : vector<1x128x128xf32> to vector<128x128xf32>
    %get3A_4 = arith.constant 1 : index
    %get3A_5 = arith.constant 0 : index
    %get3A_6 = arith.constant 0 : index
    %get3A_7 = vector.load %arg1[%get3A_4, %get3A_5, %get3A_6] : memref<2x128x128xf32, #tpu.memory_space<vmem>>, vector<1x128x128xf32>
    %get3A_8 = vector.shape_cast %get3A_7 : vector<1x128x128xf32> to vector<128x128xf32>
    %add3A = arith.addf %get3A_3, %get3A_8 : vector<128x128xf32>
    %get3A_9 = arith.constant 0 : index
    %get3A_10 = arith.constant 0 : index
    %get3A_11 = arith.constant 0 : index
    %get3A_12 = vector.load %arg2[%get3A_9, %get3A_10, %get3A_11] : memref<2x128x1xf32, #tpu.memory_space<vmem>>, vector<1x128x1xf32>
    %get3A_13 = vector.shape_cast %get3A_12 : vector<1x128x1xf32> to vector<128x1xf32>
    %get3A_14 = arith.constant 1 : index
    %get3A_15 = arith.constant 0 : index
    %get3A_16 = arith.constant 0 : index
    %get3A_17 = vector.load %arg2[%get3A_14, %get3A_15, %get3A_16] : memref<2x128x1xf32, #tpu.memory_space<vmem>>, vector<1x128x1xf32>
    %get3A_18 = vector.shape_cast %get3A_17 : vector<1x128x1xf32> to vector<128x1xf32>
    %add3A_19 = arith.addf %get3A_13, %get3A_18 : vector<128x1xf32>
    %add3A_20 = arith.constant 1.000000e-16 : f32
    %add3A_21 = vector.broadcast %add3A_20 : f32 to vector<128x1xf32>
    %add3A_22 = arith.addf %add3A_19, %add3A_21 : vector<128x1xf32>
    %div3A = arith.constant 1.000000e+00 : f32
    %div3A_23 = vector.broadcast %div3A : f32 to vector<128x1xf32>
    %div3A_24 = arith.divf %div3A_23, %add3A_22 : vector<128x1xf32>
    %mul3A = vector.broadcast %div3A_24 : vector<128x1xf32> to vector<128x128xf32>
    %mul3A_25 = arith.mulf %add3A, %mul3A : vector<128x128xf32>
    %get3A_26 = arith.constant 0 : index
    %get3A_27 = arith.constant 0 : index
    %get3A_28 = vector.load %arg3[%get3A_26, %get3A_27] : memref<128x128xf32, #tpu.memory_space<vmem>>, vector<128x128xf32>
    %add3A_29 = arith.addf %mul3A_25, %get3A_28 : vector<128x128xf32>
    %gt3A = arith.constant 0.000000e+00 : f32
    %gt3A_30 = vector.broadcast %gt3A : f32 to vector<128x128xf32>
    %gt3A_31 = arith.cmpf ogt, %add3A_29, %gt3A_30 : vector<128x128xf32>
    %exp3A = math.exp %add3A_29 : vector<128x128xf32>
    %sub3A = arith.constant 1.000000e+00 : f32
    %sub3A_32 = vector.broadcast %sub3A : f32 to vector<128x128xf32>
    %sub3A_33 = arith.subf %exp3A, %sub3A_32 : vector<128x128xf32>
    %select_n3A = arith.select %gt3A_31, %add3A_29, %sub3A_33 : vector<128x128xi1>, vector<128x128xf32>
    %swap3A = arith.constant 0 : index
    %swap3A_34 = arith.constant 0 : index
    %swap3A_35 = vector.load %arg4[%swap3A, %swap3A_34] : memref<128x128xf32, #tpu.memory_space<vmem>>, vector<128x128xf32>
    tpu.vector_store %arg4[%swap3A, %swap3A_34], %select_n3A {strides = array<i32>} : memref<128x128xf32, #tpu.memory_space<vmem>>, vector<128x128xf32>,
    return
  }
  func.func @transform_0(%arg0: i32) -> (i32, i32, i32) {
    %c0_i32 = arith.constant 0 : i32
    %c0_i32_0 = arith.constant 0 : i32
    %c0_i32_1 = arith.constant 0 : i32
    return %c0_i32, %arg0, %c0_i32_0 : i32, i32, i32
  }
  func.func @transform_1(%arg0: i32) -> (i32, i32, i32) {
    %c0_i32 = arith.constant 0 : i32
    %c0_i32_0 = arith.constant 0 : i32
    %c0_i32_1 = arith.constant 0 : i32
    return %c0_i32, %arg0, %c0_i32_0 : i32, i32, i32
  }
  func.func @transform_2(%arg0: i32) -> (i32, i32) {
    %c0_i32 = arith.constant 0 : i32
    %c0_i32_0 = arith.constant 0 : i32
    return %arg0, %c0_i32 : i32, i32
  }
  func.func @transform_3(%arg0: i32) -> (i32, i32) {
    %c0_i32 = arith.constant 0 : i32
    %c0_i32_0 = arith.constant 0 : i32
    return %arg0, %c0_i32 : i32, i32
  }
}

</mosaic_0001>

<sc_bundles>
// kernel: kernel.5.cloned.1.call-start
scs
__scs_entry_jumppad:
0x0: {  	(pc) =	sbr.rel $0x88, $3  }
0x1: {  	(tag) =	ssettag $0x0;
	lr =	simm.s32 $0x1  }
0x2: {  	[smem:$0x3F9A] =	sst lr;
	_ =	strace $0xD0000000  }
0x3: {  	_ = 	snop  }
0x4: {  	_ = 	snop  }
0x5: {  	_ = 	snop  }
0x6: {  	_ = 	snop  }
0x7: {  	_ = 	snop  }
__scs_overlays_trampoline_lowered:
0x8: {  	[smem:$0x3FA9] =	sst s0  }
0x9: {  	[smem:$0x3FAA] =	sst s1  }
0xa: {  	[smem:$0x3FAB] =	sst s2  }
0xb: {  	[smem:$0x3FAC] =	sst s3  }
0xc: {  	[smem:$0x3FAD] =	sst s4  }
0xd: {  	[smem:$0x3FAE] =	sst s5  }
0xe: {  	[smem:$0x3FAF] =	sst s6  }
0xf: {  	[smem:$0x3FB0] =	sst s7  }
0x10: {  	[smem:$0x3FB1] =	sst s8  }
0x11: {  	[smem:$0x3FB2] =	sst s9;
	s0 =	simm.s32 @!p0 $0x0  }
0x12: {  	s1 =	sld [smem:$0x3F98];
	s0 =	simm.s32 @p0 $0x1  }
0x13: {  	[smem:$0x3FB3] =	sst s0;
	s0 =	simm.s32 @!p1 $0x0  }
0x14: {  	s2 =	sld [smem:$0x3F97];
	s0 =	simm.s32 @p1 $0x1  }
0x15: {  	[smem:$0x3FB4] =	sst s0;
	s0 =	simm.s32 @!p2 $0x0  }
0x16: {  	s3 =	sld [smem:$0x3FDB];
	s0 =	simm.s32 @p2 $0x1  }
0x17: {  	s4 =	simm.s32 $0x1BF5;
	[smem:$0x3FB6] =	sst s0  }
0x18: {  	s0 =	sld [smem:$0x3F99];
	_ =	swait.ge [sflag:s4], $0x0  }
0x19: {  	s7 =	sld [smem:$0x3F9A]  }
0x1a: {  	s8 =	sadd.s32 $0xFFFFE003, lr  }
0x1b: {  	s9 =	sadd.s32 $0xFFFFFEF7, lr;
	s5 =	simm.s32 $0xFFFFFFFF;
	p2 =	slt.u32 s8, $0xFFFFF086  }
0x1c: {  	p1 =	slt.u32 s9, $0xF7A;
	s5 =	simm.s32 @!p2 $0x0  }
0x1d: {  	s5 =	simm.s32 @p1 $0x1;
	p0 =	seq.s32 s7, s2  }
0x1e: {  	s7 =	smul.u32 @!p0 $0xF7A, s2;
	p2 =	seq.s32 @!p0 s5, $0x0  }
0x1f: {  	s9 =	smul.u32 $0xF7A, s1;
	s8 =	simm.s32 @!p0 $0x1BF5;
	p2 =	por !p2, p0  }
0x20: {  	[sflag:s8] =	ssyncset.s32 @!p0 $0xFFFFF086;
	s6 =	sadd.s32 @!p0 s3, s7;
	s7 =	simm.s32 @!p0 $0x108  }
0x21: {  	s3 =	sadd.s32 s3, s9;
	s6 =	sadd.s32 @!p0 $0x88, s6;
	s7 =	simm.s32 @p2 $0x1082  }
0x22: {  	[simem:s7], [sflag:s8] =	dma.local @!p0 [hbm:s6], $0xF7A  }
0x23: {  	s9 =	sor.u32 $0xD0000000, s2;
	s6 =	simm.s32 $0x108;
	_ =	swait.ge @!p0 [sflag:s8], $0x0  }
0x24: {  	s3 =	sadd.s32 $0x88, s3;
	s6 =	simm.s32 @!p1 $0x1082;
	[sflag:s4] =	ssyncset.s32 $0xFFFFF086  }
0x25: {  	[simem:s6], [sflag:s4] =	dma.local [hbm:s3], $0xF7A  }
0x26: {  	[smem:$0x3F9A] =	sst s1;
	(tag) =	ssettag s2;
	_ =	strace s9  }
0x27: {  	s1 =	sld [smem:$0x3FAA]  }
0x28: {  	s2 =	sld [smem:$0x3FAB]  }
0x29: {  	s4 =	sld [smem:$0x3FAD]  }
0x2a: {  	p0 =	seq.s32 s5, $0x0;
	s5 =	sld [smem:$0x3FAE]  }
0x2b: {  	s6 =	sld [smem:$0x3FAF]  }
0x2c: {  	s7 =	sld [smem:$0x3FB0]  }
0x2d: {  	s3 =	simm.s32 $0x108;
	s8 =	sld [smem:$0x3FB1]  }
0x2e: {  	s3 =	simm.s32 @!p0 $0x1082;
	s9 =	sld [smem:$0x3FB2]  }
0x2f: {  	lr =	sadd.s32 s0, s3;
	s0 =	sld [smem:$0x3FA9]  }
0x30: {  	s3 =	sld [smem:$0x3FAC]  }
0x31: {  	[smem:$0x3FB5] =	sst s10  }
0x32: {  	s10 =	sld [smem:$0x3FB3];
	_ =	sdelay $0x3  }
0x33: {  	p0 =	seq.s32 s10, $0x1;
	s10 =	sld [smem:$0x3FB5];
	_ =	sdelay $0x3  }
0x34: {  	[smem:$0x3FB5] =	sst s10  }
0x35: {  	s10 =	sld [smem:$0x3FB4];
	_ =	sdelay $0x3  }
0x36: {  	p1 =	seq.s32 s10, $0x1;
	s10 =	sld [smem:$0x3FB5];
	_ =	sdelay $0x3  }
0x37: {  	[smem:$0x3FB5] =	sst s10  }
0x38: {  	s10 =	sld [smem:$0x3FB6]  }
0x39: {  	_ = 	snop;
	(pc) =	sbr.ind lr, $3  }
0x3a: {  	_ = 	snop  }
0x3b: {  	_ = 	snop  }
0x3c: {  	p2 =	seq.s32 s10, $0x1;
	s10 =	sld [smem:$0x3FB5]  }
0x3d: {  	_ =	shalt  }
0x3e: {  	_ =	shalt  }
0x3f: {  	_ =	shalt  }
0x40: {  	_ =	shalt  }
0x41: {  	_ =	shalt  }
0x42: {  	_ =	shalt  }
0x43: {  	_ =	shalt  }
0x44: {  	_ =	shalt  }
0x45: {  	_ =	shalt  }
0x46: {  	_ =	shalt  }
0x47: {  	_ =	shalt  }
0x48: {  	_ =	shalt  }
0x49: {  	_ =	shalt  }
0x4a: {  	_ =	shalt  }
0x4b: {  	_ =	shalt  }
0x4c: {  	_ =	shalt  }
0x4d: {  	_ =	shalt  }
0x4e: {  	_ =	shalt  }
0x4f: {  	_ =	shalt  }
0x50: {  	_ =	shalt  }
0x51: {  	_ =	shalt  }
0x52: {  	_ =	shalt  }
0x53: {  	_ =	shalt  }
0x54: {  	_ =	shalt  }
0x55: {  	_ =	shalt  }
0x56: {  	_ =	shalt  }
0x57: {  	_ =	shalt  }
0x58: {  	_ =	shalt  }
0x59: {  	_ =	shalt  }
0x5a: {  	_ =	shalt  }
0x5b: {  	_ =	shalt  }
0x5c: {  	_ =	shalt  }
0x5d: {  	_ =	shalt  }
0x5e: {  	_ =	shalt  }
0x5f: {  	_ =	shalt  }
0x60: {  	_ =	shalt  }
0x61: {  	_ =	shalt  }
0x62: {  	_ =	shalt  }
0x63: {  	_ =	shalt  }
0x64: {  	_ =	shalt  }
0x65: {  	_ =	shalt  }
0x66: {  	_ =	shalt  }
0x67: {  	_ =	shalt  }
0x68: {  	_ =	shalt  }
0x69: {  	_ =	shalt  }
0x6a: {  	_ =	shalt  }
0x6b: {  	_ =	shalt  }
0x6c: {  	_ =	shalt  }
0x6d: {  	_ =	shalt  }
0x6e: {  	_ =	shalt  }
0x6f: {  	_ =	shalt  }
0x70: {  	_ =	shalt  }
0x71: {  	_ =	shalt  }
0x72: {  	_ =	shalt  }
0x73: {  	_ =	shalt  }
0x74: {  	_ =	shalt  }
0x75: {  	_ =	shalt  }
0x76: {  	_ =	shalt  }
0x77: {  	_ =	shalt  }
0x78: {  	_ =	shalt  }
0x79: {  	_ =	shalt  }
0x7a: {  	_ =	shalt  }
0x7b: {  	_ =	shalt  }
0x7c: {  	_ =	shalt  }
0x7d: {  	_ =	shalt  }
0x7e: {  	_ =	shalt  }
0x7f: {  	_ =	shalt  }
0x80: {  	_ =	shalt  }
0x81: {  	_ =	shalt  }
0x82: {  	_ =	shalt  }
0x83: {  	_ =	shalt  }
0x84: {  	_ =	shalt  }
0x85: {  	_ =	shalt  }
0x86: {  	_ =	shalt  }
0x87: {  	_ =	shalt  }
.Lfunc_end0:
.L_simem_size_0:
called_computation_lowered:
.L_overlay_start_0:
0x88: {  	s2 =	sld [smem:$0x3FD9]  }
0x89: {  	s3 =	sld [smem:$0x3FFE];
	_ =	sdelay $0x1  }
0x8a: {  	s1 =	srdreg.scid  }
0x8b: {  	s0 =	sand.u32 $0x1, s1  }
0x8c: {  	s17 =	sshll.u32 s0, $0xA;
	s2 =	sadd.s32 s3, s2  }
0x8d: {  	s2 =	sadd.s32 s2, s17  }
0x8e: {  	[smem:$0x3FC1] =	sst s2  }
0x8f: {  	_ = 	snop  }
0x90: {  	s2 =	sld [smem:$0x3FD0];
	(tm) =	ssettm $0x1  }
0x91: {  	s18 =	sld [smem:$0x3FFB];
	_ =	sdelay $0x3  }
0x92: {  	_ =	strace s18  }
0x93: {  	s3 =	sld [smem:$0x3FFC];
	_ =	sdelay $0x3  }
0x94: {  	_ =	strace s3  }
0x95: {  	s3 =	sld [smem:$0x3FFD];
	_ =	sdelay $0x3  }
0x96: {  	_ =	strace s3  }
0x97: {  	_ =	strace $0x8FFFFFFF  }
0x98: {  	s19 =	sld [smem:$0x3FDB];
	_ =	sdelay $0x1  }
0x99: {  	s4 =	simm.s32 $_scs_section_size  }
0x9a: {  	s5 =	simm.s32 $_size__tile_overlayer_lowered;
	s6 =	simm.s32 $_tile_overlayer_lowered  }
0x9b: {  	s22 =	simm.s32 $0x1BFF;
	s21 =	sshll.u32 s6, $0x1;
	s3 =	sadd.s32 s4, s19  }
0x9c: {  	s7 =	simm.s32 $0x0;
	s20 =	sshll.u32 s5, $0x1;
	s5 =	sadd.s32 s21, s3  }
0x9d: {  	[timem:s7], [sflag:s22] =	dma.local [hbm:s5], s20  }
0x9e: {  	_ =	swait.ge [sflag:s22], s20  }
0x9f: {  	s4 =	ssub.s32 $0x0, s20;
	[sflag:s22] =	ssyncset.done $0x0  }
0xa0: {  	[sflag:s22] =	ssyncadd.s32 s4;
	_ =	sdelay $0x1  }
0xa1: {  	s23 =	simm.s32 $0x1B8B  }
0xa2: {  	_ =	swait.ge [sflag:s23], $0x1  }
0xa3: {  	[sflag:s23] =	ssyncset.done $0x0  }
0xa4: {  	s25 =	simm.s32 $0x1B8E;
	s24 =	sld [smem:$0x3FFE];
	[sflag:s23] =	ssyncadd.s32 $0xFFFFFFFF  }
0xa5: {  	s26 =	simm.s32 $execute0_lowered;
	[smem:$0x3FD2] =	sst s25  }
0xa6: {  	s5 =	sshll.u32 s26, $0x1;
	_ =	strace $0x80000046;
	[dreg:$0x1] =	wrdreg $0xFFFFFFFF  }
0xa7: {  	s28 =	simm.s32 $_size_execute0_lowered;
	s3 =	sadd.s32 s3, s5;
	[dreg:$0x0] =	wrdreg $0x0  }
0xa8: {  	s5 =	sshll.u32 s28, $0x1;
	[dreg:$0x2] =	wrdreg s3  }
0xa9: {  	[dreg:$0x3] =	wrdreg s5  }
0xaa: {  	[dreg:$0x4] =	wrdreg $0xC0  }
0xab: {  	_ =	task [dreg:s7], $0x5FFFF  }
0xac: {  	[dreg:$0x1] =	wrdreg $0xFFFFFFFF  }
0xad: {  	[dreg:$0x0] =	wrdreg $0x60  }
0xae: {  	[dreg:$0x2] =	wrdreg s24  }
0xaf: {  	[dreg:$0x3] =	wrdreg s2  }
0xb0: {  	[dreg:$0x4] =	wrdreg $0xBC800  }
0xb1: {  	[dreg:$0x5] =	wrdreg $0xBA000  }
0xb2: {  	[dreg:$0x6] =	wrdreg $0x9  }
0xb3: {  	_ =	task.clear_ibuf [dreg:s7], $0x7FFFF;
	_ =	strace $0x90000046  }
0xb4: {  	s29 =	simm.s32 $0x9;
	_ =	strace $0x80000048  }
0xb5: {  	_ =	swait.ge [sflag:s29], $0x1  }
0xb6: {  	[sflag:s29] =	ssyncadd.s32 $0xFFFFFFFF  }
0xb7: {  	_ =	strace $0x90000048  }
0xb8: {  	_ =	sfence  }
0xb9: {  	s30 =	sld [smem:$0x0];
	_ =	sdelay $0x2  }
0xba: {  	s31 =	sshll.u32 s1, $0xD;
	s1 =	sshrl.u32 s1, $0x2  }
0xbb: {  	s3 =	sand.u32 $0x4000, s31;
	s1 =	sadd.s32 s1, s30  }
0xbc: {  	s0 =	sor.u32 s3, s0;
	s1 =	sshll.u32 s1, $0x11  }
0xbd: {  	s0 =	sor.u32 s1, s0  }
0xbe: {  	s0 =	sadd.s32 $0x8F2B, s0  }
0xbf: {  	[sflag:s0] =	ssyncadd.remote.s32 $0x1  }
0xc0: {  	_ =	sfence.sel $0xFFFF  }
0xc1: {  	[dreg:$0x0] =	wrdreg $0xFFFFFFFF;
	(pc) =	sbr.abs _section_cstart, $3  }
0xc2: {  	[dreg:$0x1] =	wrdreg $0xFFFFFFFF  }
0xc3: {  	_ =	task.clear_ibuf [dreg:s7], $0x2FFFF;
	_ =	strace $0x9FFFFFFF  }
0xc4: {  	(tm) =	ssettm $0x7FFFFFFF  }
0xc5: {  	_ =	shalt  }
tec
execute0_lowered:
.L_overlay_start_1:
0x0: {  	(tag) =	ssettag $0x1  }
0x1: {  	s0 =	rddreg [dreg:$0x0]  }
0x2: {  	s2 =	rddreg [dreg:$0x2]  }
0x3: {  	s3 =	rddreg [dreg:$0x3];
	s4 =	simm.s32 $0x0;
	s1 =	srdreg.scid  }
0x4: {  	s7 =	stileid.u32;
	s28 =	simm.s32 $0x8;
	s29 =	simm.s32 $0x2800  }
0x5: {  	s30 =	simm.s32 $0x5000;
	s31 =	simm.s32 $0x5780;
	[smem:$0x7FF] =	sst s4  }
0x6: {  	s1 =	sand.u32 $0x1, s1;
	s5 =	smul.u32 $0x14000, s7;
	s8 =	sadd.s32 $0x15A00, s0  }
0x7: {  	s24 =	sadd.s32 $0x1A00, s0;
	_ =	strace $0x80000047;
	[dreg:$0x5] =	wrdreg s8  }
0x8: {  	s25 =	sadd.s32 $0x52000, s0;
	s26 =	smul.u32 $0x500, s7;
	[dreg:$0x6] =	wrdreg s24  }
0x9: {  	s11 =	sadd.s32 $0x51A00, s0;
	s9 =	smul.u32 $0x50000, s7;
	[dreg:$0x7] =	wrdreg s25  }
0xa: {  	s12 =	sadd.s32 $0x1800, s0;
	s18 =	smul.u32 $0xA00, s7;
	[dreg:$0x8] =	wrdreg s11  }
0xb: {  	s6 =	sadd.s32 $0x29A00, s0;
	s23 =	smul.u32 $0x140000, s1;
	[dreg:$0x9] =	wrdreg s12  }
0xc: {  	s10 =	sshll.u32 s1, $0x7;
	s13 =	ssub.s32 $0x2, s1;
	s1 =	sshll.u32 s1, $0x4  }
0xd: {  	s8 =	simm.s32 $0x0;
	s9 =	sshrl.u32 s9, $0x2;
	s11 =	sshrl.u32 s13, $0x1  }
0xe: {  	s1 =	sor.u32 s7, s1;
	s4 =	sadd.s32 s5, s23;
	s12 =	sadd.s32 s9, s2  }
0xf: {  	s5 =	sor.u32 s10, s26;
	s15 =	sadd.s32 $0x2000, s12;
	[dreg:$0xa] =	wrdreg s12  }
0x10: {  	s14 =	ssub.s32 s13, s11;
	s16 =	sadd.s32 $0x4000, s12;
	[dreg:$0xb] =	wrdreg s15  }
0x11: {  	s9 =	sshrl.u32 s18, $0x2;
	s17 =	sadd.s32 $0x6000, s12;
	[dreg:$0xc] =	wrdreg s16  }
0x12: {  	s10 =	simm.s32 $0x40;
	s19 =	sadd.s32 $0x8000, s12;
	[dreg:$0xd] =	wrdreg s17  }
0x13: {  	s13 =	simm.s32 $0x7780;
	s20 =	sadd.s32 $0xA000, s12;
	[dreg:$0xe] =	wrdreg s19  }
0x14: {  	s11 =	simm.s32 $0x7;
	s21 =	sadd.s32 $0xC000, s12;
	[dreg:$0xf] =	wrdreg s20  }
0x15: {  	s4 =	sshrl.u32 s4, $0x3;
	s22 =	sadd.s32 $0xE000, s12;
	[dreg:$0x10] =	wrdreg s21  }
0x16: {  	s5 =	sshrl.u32 s5, $0x3;
	s23 =	sadd.s32 $0x10000, s12;
	[dreg:$0x11] =	wrdreg s22  }
0x17: {  	s25 =	smax.u32 s14, $0x1;
	s26 =	sadd.s32 $0x12000, s12;
	[dreg:$0x12] =	wrdreg s23  }
0x18: {  	s4 =	sadd.s32 s4, s0;
	s0 =	sadd.s32 s5, s0;
	[dreg:$0x16] =	wrdreg s25  }
0x19: {  	s20 =	sadd.s32 s9, s3;
	s22 =	smul.u32 $0x5000, s1;
	[dreg:$0x17] =	wrdreg s26  }
0x1a: {  	s15 =	simm.s32 $0x9780;
	s16 =	simm.s32 $0x5680;
	s17 =	simm.s32 $0x5300  }
0x1b: {  	s19 =	simm.s32 $0x5380;
	s23 =	simm.s32 $0x5400;
	s25 =	simm.s32 $0x1  }
0x1c: {  	s26 =	simm.s32 $0x2;
	s5 =	simm.s32 $0x3;
	s21 =	simm.s32 $0x4  }
0x1d: {  	s1 =	simm.s32 $0x5;
	s24 =	sadd.s32 $0x53000, s4;
	[dreg:$0x13] =	wrdreg s20  }
0x1e: {  	s9 =	simm.s32 $0x6;
	s0 =	sadd.s32 $0x52600, s0;
	[dreg:$0x14] =	wrdreg s24  }
0x1f: {  	v0 =	vimm.f32 $0.0e+00;
	s4 =	simm.s32 $0x5280;
	[dreg:$0x15] =	wrdreg s0;
	s0 =	simm.s32 $0x5080  }
.LBB2_1:
0x20: {  	[dreg:$0x18] =	wrdreg s8  }
0x21: {  	s7 =	simm.s32 $0x0;
	s14 =	rddreg [dreg:$0x7]  }
0x22: {  	[tilespmem:s7], [sflag:$0x8] =	stream.linear.gather [hbm4b:s14+s7], $0x2800, $0x38;
	[tilespmem:$0x1FC80] =	vst v63  }
0x23: {  	_ =	swait.ge [sflag:s28], $0x2800  }
0x24: {  	[sflag:s28] =	ssyncset.done $0x0  }
0x25: {  	s18 =	rddreg [dreg:$0x8];
	[sflag:s28] =	ssyncadd.s32 $0xFFFFD800  }
0x26: {  	[tilespmem:s29], [sflag:$0x8] =	stream.linear.gather [hbm4b:s18+s7], $0x2800, $0x38;
	[tilespmem:$0x1FC80] =	vst v63  }
0x27: {  	_ =	swait.ge [sflag:s28], $0x2800  }
0x28: {  	[sflag:s28] =	ssyncset.done $0x0  }
0x29: {  	s24 =	rddreg [dreg:$0x9];
	[sflag:s28] =	ssyncadd.s32 $0xFFFFD800  }
0x2a: {  	[tilespmem:s30], [sflag:$0x8] =	stream.linear.gather [hbm4b:s24+s7], $0x80, $0x38;
	[tilespmem:$0x1FC80] =	vst v63  }
0x2b: {  	_ =	swait.ge [sflag:s28], $0x80  }
0x2c: {  	[sflag:s28] =	ssyncset.done $0x0  }
0x2d: {  	s14 =	simm.s32 $0x0;
	s18 =	simm.s32 $0x200;
	[sflag:s28] =	ssyncadd.s32 $0xFFFFFF80  }
.LBB2_2:
0x2e: {  	p0 =	sne.s32 s18, $0x7E00;
	[tilespmem:s14+$0x57F0] =	vst v0  }
0x2f: {  	[tilespmem:s14+$0x5780] =	vst v0  }
0x30: {  	[tilespmem:s14+$0x5790] =	vst v0  }
.Ltmp0:
0x31: {  	[tilespmem:s14+$0x57A0] =	vst v0;
	(pc) =	sbr.rel @p0 .LBB2_2-.Ltmp0, $4  }
0x32: {  	[tilespmem:s14+$0x57B0] =	vst v0  }
0x33: {  	[tilespmem:s14+$0x57C0] =	vst v0  }
0x34: {  	[tilespmem:s14+$0x57D0] =	vst v0  }
0x35: {  	[tilespmem:s14+$0x57E0] =	vst v0;
	s14 =	sshra.s32 s18, $0x2;
	s18 =	sadd.s32 $0x200, s18  }
0x36: {  	[tilespmem:s14+$0x57F0] =	vst v0  }
0x37: {  	[tilespmem:s14+$0x5780] =	vst v0  }
0x38: {  	[tilespmem:s14+$0x5790] =	vst v0  }
0x39: {  	[tilespmem:s14+$0x57A0] =	vst v0  }
0x3a: {  	[tilespmem:s14+$0x57B0] =	vst v0  }
0x3b: {  	[tilespmem:s14+$0x57C0] =	vst v0  }
0x3c: {  	[tilespmem:s14+$0x57D0] =	vst v0  }
0x3d: {  	[tilespmem:s14+$0x57E0] =	vst v0  }
0x3e: {  	[tilespmem:$0xB780] =	vst v0  }
0x3f: {  	[tilespmem:$0xB790] =	vst v0  }
0x40: {  	[tilespmem:$0xB7A0] =	vst v0  }
0x41: {  	[tilespmem:$0xB7B0] =	vst v0  }
0x42: {  	[tilespmem:$0xB7C0] =	vst v0  }
0x43: {  	[tilespmem:$0xB7D0] =	vst v0  }
0x44: {  	[tilespmem:$0xB7E0] =	vst v0  }
0x45: {  	[tilespmem:$0xB7F0] =	vst v0  }
0x46: {  	[tilespmem:$0xB800] =	vst v0  }
0x47: {  	[tilespmem:$0xB810] =	vst v0  }
0x48: {  	[tilespmem:$0xB820] =	vst v0  }
0x49: {  	[tilespmem:$0xB830] =	vst v0  }
0x4a: {  	[tilespmem:$0xB840] =	vst v0  }
0x4b: {  	[tilespmem:$0xB850] =	vst v0  }
0x4c: {  	[tilespmem:$0xB860] =	vst v0  }
0x4d: {  	[tilespmem:$0xB870] =	vst v0  }
0x4e: {  	[tilespmem:$0xB880] =	vst v0  }
0x4f: {  	[tilespmem:$0xB890] =	vst v0  }
0x50: {  	[tilespmem:$0xB8A0] =	vst v0  }
0x51: {  	[tilespmem:$0xB8B0] =	vst v0  }
0x52: {  	[tilespmem:$0xB8C0] =	vst v0  }
0x53: {  	[tilespmem:$0xB8D0] =	vst v0  }
0x54: {  	[tilespmem:$0xB8E0] =	vst v0  }
0x55: {  	[tilespmem:$0xB8F0] =	vst v0  }
0x56: {  	[tilespmem:$0xB900] =	vst v0  }
0x57: {  	[tilespmem:$0xB910] =	vst v0  }
0x58: {  	[tilespmem:$0xB920] =	vst v0  }
0x59: {  	[tilespmem:$0xB930] =	vst v0  }
0x5a: {  	[tilespmem:$0xB940] =	vst v0  }
0x5b: {  	[tilespmem:$0xB950] =	vst v0  }
0x5c: {  	[tilespmem:$0xB960] =	vst v0  }
0x5d: {  	[tilespmem:$0xB970] =	vst v0  }
0x5e: {  	[tilespmem:$0xB980] =	vst v0  }
0x5f: {  	[tilespmem:$0xB990] =	vst v0  }
0x60: {  	[tilespmem:$0xB9A0] =	vst v0  }
0x61: {  	[tilespmem:$0xB9B0] =	vst v0  }
0x62: {  	[tilespmem:$0xB9C0] =	vst v0  }
0x63: {  	[tilespmem:$0xB9D0] =	vst v0  }
0x64: {  	[tilespmem:$0xB9E0] =	vst v0  }
0x65: {  	[tilespmem:$0xB9F0] =	vst v0  }
0x66: {  	[spmem:s12] =	stream.linear.scatter [tilespmem:s31], [sflag:$0x8], $0x2000, $0x38;
	[tilespmem:$0x1FC80] =	vst v63  }
0x67: {  	_ =	swait.ge [sflag:s28], $0x2000  }
0x68: {  	[sflag:s28] =	ssyncset.done $0x0  }
0x69: {  	s7 =	rddreg [dreg:$0xb];
	[sflag:s28] =	ssyncadd.s32 $0xFFFFE000  }
0x6a: {  	[spmem:s7] =	stream.linear.scatter [tilespmem:s31], [sflag:$0x8], $0x2000, $0x38;
	[tilespmem:$0x1FC80] =	vst v63  }
0x6b: {  	_ =	swait.ge [sflag:s28], $0x2000  }
0x6c: {  	[sflag:s28] =	ssyncset.done $0x0  }
0x6d: {  	s12 =	rddreg [dreg:$0xc];
	[sflag:s28] =	ssyncadd.s32 $0xFFFFE000  }
0x6e: {  	[spmem:s12] =	stream.linear.scatter [tilespmem:s31], [sflag:$0x8], $0x2000, $0x38;
	[tilespmem:$0x1FC80] =	vst v63  }
0x6f: {  	_ =	swait.ge [sflag:s28], $0x2000  }
0x70: {  	[sflag:s28] =	ssyncset.done $0x0  }
0x71: {  	s14 =	rddreg [dreg:$0xd];
	[sflag:s28] =	ssyncadd.s32 $0xFFFFE000  }
0x72: {  	[spmem:s14] =	stream.linear.scatter [tilespmem:s31], [sflag:$0x8], $0x2000, $0x38;
	[tilespmem:$0x1FC80] =	vst v63  }
0x73: {  	_ =	swait.ge [sflag:s28], $0x2000  }
0x74: {  	[sflag:s28] =	ssyncset.done $0x0  }
0x75: {  	s18 =	rddreg [dreg:$0xe];
	[sflag:s28] =	ssyncadd.s32 $0xFFFFE000  }
0x76: {  	[spmem:s18] =	stream.linear.scatter [tilespmem:s31], [sflag:$0x8], $0x2000, $0x38;
	[tilespmem:$0x1FC80] =	vst v63  }
0x77: {  	_ =	swait.ge [sflag:s28], $0x2000  }
0x78: {  	[sflag:s28] =	ssyncset.done $0x0  }
0x79: {  	s24 =	rddreg [dreg:$0xf];
	[sflag:s28] =	ssyncadd.s32 $0xFFFFE000  }
0x7a: {  	[spmem:s24] =	stream.linear.scatter [tilespmem:s31], [sflag:$0x8], $0x2000, $0x38;
	[tilespmem:$0x1FC80] =	vst v63  }
0x7b: {  	_ =	swait.ge [sflag:s28], $0x2000  }
0x7c: {  	[sflag:s28] =	ssyncset.done $0x0  }
0x7d: {  	s8 =	rddreg [dreg:$0x10];
	[sflag:s28] =	ssyncadd.s32 $0xFFFFE000  }
0x7e: {  	[spmem:s8] =	stream.linear.scatter [tilespmem:s31], [sflag:$0x8], $0x2000, $0x38;
	[tilespmem:$0x1FC80] =	vst v63  }
0x7f: {  	_ =	swait.ge [sflag:s28], $0x2000  }
0x80: {  	[sflag:s28] =	ssyncset.done $0x0  }
0x81: {  	s12 =	rddreg [dreg:$0x11];
	[sflag:s28] =	ssyncadd.s32 $0xFFFFE000  }
0x82: {  	[spmem:s12] =	stream.linear.scatter [tilespmem:s31], [sflag:$0x8], $0x2000, $0x38;
	[tilespmem:$0x1FC80] =	vst v63  }
0x83: {  	_ =	swait.ge [sflag:s28], $0x2000  }
0x84: {  	[sflag:s28] =	ssyncset.done $0x0  }
0x85: {  	s14 =	rddreg [dreg:$0x12];
	[sflag:s28] =	ssyncadd.s32 $0xFFFFE000  }
0x86: {  	[spmem:s14] =	stream.linear.scatter [tilespmem:s31], [sflag:$0x8], $0x2000, $0x38;
	[tilespmem:$0x1FC80] =	vst v63  }
0x87: {  	_ =	swait.ge [sflag:s28], $0x2000  }
0x88: {  	[sflag:s28] =	ssyncset.done $0x0  }
0x89: {  	s18 =	rddreg [dreg:$0x17];
	[sflag:s28] =	ssyncadd.s32 $0xFFFFE000  }
0x8a: {  	[spmem:s18] =	stream.linear.scatter [tilespmem:s31], [sflag:$0x8], $0x2000, $0x38;
	[tilespmem:$0x1FC80] =	vst v63  }
0x8b: {  	_ =	swait.ge [sflag:s28], $0x2000  }
0x8c: {  	[sflag:s28] =	ssyncset.done $0x0  }
0x8d: {  	s24 =	simm.s32 $0xB780;
	[sflag:s28] =	ssyncadd.s32 $0xFFFFE000  }
0x8e: {  	[spmem:s20] =	stream.linear.scatter [tilespmem:s24], [sflag:$0x8], $0x280, $0x38;
	[tilespmem:$0x1FC80] =	vst v63  }
0x8f: {  	_ =	swait.ge [sflag:s28], $0x280  }
0x90: {  	[sflag:s28] =	ssyncset.done $0x0  }
0x91: {  	[sflag:s28] =	ssyncadd.s32 $0xFFFFFD80  }
0x92: {  	s14 =	simm.s32 $0x0;
	s18 =	simm.s32 $0x0;
	[bflag:$0x0] =	sbarrier.arrive $0xFFFF  }
.LBB2_4:
0x93: {  	s12 =	sshll.u32 s18, $0x9  }
0x94: {  	s20 =	sadd.s32 s22, s12  }
0x95: {  	s12 =	sand.u32 $0x200, s12;
	s20 =	sand.u32 $0x1FFC00, s20  }
0x96: {  	s12 =	sor.u32 s12, s20  }
0x97: {  	s7 =	rddreg [dreg:$0x1];
	s12 =	sshrl.u32 s12, $0x3  }
0x98: {  	s8 =	sadd.s32 s7, s12  }
0x99: {  	[tilespmem:s0], [sflag:$0x8] =	stream.linear.gather [hbm4b:s8+s14], $0x200, $0x38;
	[tilespmem:$0x1FC80] =	vst v63  }
0x9a: {  	_ =	swait.ge [sflag:s28], $0x200  }
0x9b: {  	[sflag:s28] =	ssyncset.done $0x0;
	s24 =	rddreg [dreg:$0x5]  }
0x9c: {  	[sflag:s28] =	ssyncadd.s32 $0xFFFFFE00;
	s8 =	sadd.s32 s24, s12  }
0x9d: {  	[tilespmem:s4], [sflag:$0x8] =	stream.linear.gather [hbm4b:s8+s14], $0x200, $0x38;
	[tilespmem:$0x1FC80] =	vst v63  }
0x9e: {  	_ =	swait.ge [sflag:s28], $0x200  }
0x9f: {  	[sflag:s28] =	ssyncset.done $0x0;
	s24 =	rddreg [dreg:$0x6]  }
0xa0: {  	s8 =	simm.s32 $0x5480;
	[sflag:s28] =	ssyncadd.s32 $0xFFFFFE00;
	s12 =	sadd.s32 s24, s12  }
0xa1: {  	[tilespmem:s8], [sflag:$0x8] =	stream.linear.gather [hbm4b:s12+s14], $0x200, $0x38;
	[tilespmem:$0x1FC80] =	vst v63  }
0xa2: {  	_ =	swait.ge [sflag:s28], $0x200  }
0xa3: {  	[sflag:s28] =	ssyncset.done $0x0  }
0xa4: {  	[sflag:s28] =	ssyncadd.s32 $0xFFFFFE00  }
0xa5: {  	[tilespmem:s31], [sflag:$0x1] =	stream.indirect.gather [hbm4b:s6+s10], $0x80, s0, s10, $0xb8;
	[tilespmem:$0x1FC80] =	vst v63  }
0xa6: {  	s12 =	simm.s32 $0x5100  }
0xa7: {  	[tilespmem:s13], [sflag:$0x2] =	stream.indirect.gather [hbm4b:s6+s10], $0x80, s12, s10, $0xb8;
	[tilespmem:$0x1FC80] =	vst v63  }
0xa8: {  	s20 =	simm.s32 $0x5180  }
0xa9: {  	[tilespmem:s15], [sflag:$0x3] =	stream.indirect.gather [hbm4b:s6+s10], $0x80, s20, s10, $0xb8;
	[tilespmem:$0x1FC80] =	vst v63  }
0xaa: {  	v1 =	vld [tilespmem:$0x5080]  }
0xab: {  	v2 =	vld [tilespmem:$0x5280];
	_ =	sdelay $0x1  }
0xac: {  	v3 =	vld [tilespmem:$0x5480];
	_ =	sdelay $0x4  }
0xad: {  	v1 =	vld.idx.msk [tilespmem:v1+s14+$0x0], $0xffff  }
0xae: {  	v2 =	vld.idx.msk [tilespmem:v2+s29+$0x0], $0xffff;
	_ =	sdelay $0x1  }
0xaf: {  	v3 =	vld.idx.msk [tilespmem:v3+s30+$0x0], $0xffff;
	_ =	sdelay $0x2  }
0xb0: {  	v1 =	vadd.f32 v2, v1;
	_ =	sdelay $0x1  }
0xb1: {  	v1 =	vadd.f32 v3, v1;
	_ =	sdelay $0x1  }
0xb2: {  	v2 =	vmul.f32 $2.000000030e-01, v1  }
0xb3: {  	vm0 =	vge.f32 v1, $0.0e+00  }
0xb4: {  	v1 =	vsel vm0, v1, v2  }
0xb5: {  	v1 =	vmul.f32 $1.442695020e+00, v1;
	_ =	sdelay $0x1  }
0xb6: {  	(erf) = vpow2.f32 v1;
	_ =	sdelay $0x2  }
0xb7: {  	v1 =	vld [tilespmem:$0x5090]  }
0xb8: {  	v2 =	vld [tilespmem:$0x5290];
	_ =	sdelay $0x1  }
0xb9: {  	v3 =	vld [tilespmem:$0x5490];
	_ =	sdelay $0x2  }
0xba: {  	v4 =	vpop (erf)  }
0xbb: {  	[tilespmem:$0x5680] =	vst v4  }
0xbc: {  	v1 =	vld.idx.msk [tilespmem:v1+s14+$0x0], $0xffff  }
0xbd: {  	v2 =	vld.idx.msk [tilespmem:v2+s29+$0x0], $0xffff;
	_ =	sdelay $0x1  }
0xbe: {  	v3 =	vld.idx.msk [tilespmem:v3+s30+$0x0], $0xffff;
	_ =	sdelay $0x2  }
0xbf: {  	v1 =	vadd.f32 v2, v1;
	_ =	sdelay $0x1  }
0xc0: {  	v1 =	vadd.f32 v3, v1;
	_ =	sdelay $0x1  }
0xc1: {  	v2 =	vmul.f32 $2.000000030e-01, v1  }
0xc2: {  	vm13 =	vge.f32 v1, $0.0e+00  }
0xc3: {  	v1 =	vsel vm13, v1, v2  }
0xc4: {  	v1 =	vmul.f32 $1.442695020e+00, v1;
	_ =	sdelay $0x1  }
0xc5: {  	(erf) = vpow2.f32 v1;
	_ =	sdelay $0x2  }
0xc6: {  	v1 =	vld [tilespmem:$0x50A0]  }
0xc7: {  	v2 =	vld [tilespmem:$0x52A0];
	_ =	sdelay $0x1  }
0xc8: {  	v3 =	vld [tilespmem:$0x54A0];
	_ =	sdelay $0x2  }
0xc9: {  	v4 =	vpop (erf)  }
0xca: {  	[tilespmem:$0x5690] =	vst v4  }
0xcb: {  	v1 =	vld.idx.msk [tilespmem:v1+s14+$0x0], $0xffff  }
0xcc: {  	v2 =	vld.idx.msk [tilespmem:v2+s29+$0x0], $0xffff;
	_ =	sdelay $0x1  }
0xcd: {  	v3 =	vld.idx.msk [tilespmem:v3+s30+$0x0], $0xffff;
	_ =	sdelay $0x2  }
0xce: {  	v1 =	vadd.f32 v2, v1;
	_ =	sdelay $0x1  }
0xcf: {  	v1 =	vadd.f32 v3, v1;
	_ =	sdelay $0x1  }
0xd0: {  	v2 =	vmul.f32 $2.000000030e-01, v1  }
0xd1: {  	vm14 =	vge.f32 v1, $0.0e+00  }
0xd2: {  	v1 =	vsel vm14, v1, v2  }
0xd3: {  	v1 =	vmul.f32 $1.442695020e+00, v1;
	_ =	sdelay $0x1  }
0xd4: {  	(erf) = vpow2.f32 v1;
	_ =	sdelay $0x2  }
0xd5: {  	v1 =	vld [tilespmem:$0x50B0]  }
0xd6: {  	v2 =	vld [tilespmem:$0x52B0];
	_ =	sdelay $0x1  }
0xd7: {  	v3 =	vld [tilespmem:$0x54B0];
	_ =	sdelay $0x2  }
0xd8: {  	v4 =	vpop (erf)  }
0xd9: {  	[tilespmem:$0x56A0] =	vst v4  }
0xda: {  	v1 =	vld.idx.msk [tilespmem:v1+s14+$0x0], $0xffff  }
0xdb: {  	v2 =	vld.idx.msk [tilespmem:v2+s29+$0x0], $0xffff;
	_ =	sdelay $0x1  }
0xdc: {  	v3 =	vld.idx.msk [tilespmem:v3+s30+$0x0], $0xffff;
	_ =	sdelay $0x2  }
0xdd: {  	v1 =	vadd.f32 v2, v1;
	_ =	sdelay $0x1  }
0xde: {  	v1 =	vadd.f32 v3, v1;
	_ =	sdelay $0x1  }
0xdf: {  	v2 =	vmul.f32 $2.000000030e-01, v1  }
0xe0: {  	vm15 =	vge.f32 v1, $0.0e+00  }
0xe1: {  	v1 =	vsel vm15, v1, v2  }
0xe2: {  	v1 =	vmul.f32 $1.442695020e+00, v1;
	_ =	sdelay $0x1  }
0xe3: {  	(erf) = vpow2.f32 v1;
	_ =	sdelay $0x2  }
0xe4: {  	v1 =	vld [tilespmem:$0x5100]  }
0xe5: {  	v2 =	vld [tilespmem:$0x5300];
	_ =	sdelay $0x1  }
0xe6: {  	v3 =	vld [tilespmem:$0x5500];
	_ =	sdelay $0x2  }
0xe7: {  	v4 =	vpop (erf)  }
0xe8: {  	[tilespmem:$0x56B0] =	vst v4  }
0xe9: {  	v1 =	vld.idx.msk [tilespmem:v1+s14+$0x0], $0xffff  }
0xea: {  	v2 =	vld.idx.msk [tilespmem:v2+s29+$0x0], $0xffff;
	_ =	sdelay $0x1  }
0xeb: {  	v3 =	vld.idx.msk [tilespmem:v3+s30+$0x0], $0xffff;
	_ =	sdelay $0x2  }
0xec: {  	v1 =	vadd.f32 v2, v1;
	_ =	sdelay $0x1  }
0xed: {  	v1 =	vadd.f32 v3, v1;
	_ =	sdelay $0x1  }
0xee: {  	v2 =	vmul.f32 $2.000000030e-01, v1  }
0xef: {  	vm4 =	vge.f32 v1, $0.0e+00  }
0xf0: {  	v1 =	vsel vm4, v1, v2  }
0xf1: {  	v1 =	vmul.f32 $1.442695020e+00, v1;
	_ =	sdelay $0x1  }
0xf2: {  	(erf) = vpow2.f32 v1;
	_ =	sdelay $0x2  }
0xf3: {  	v1 =	vld [tilespmem:$0x5110]  }
0xf4: {  	v2 =	vld [tilespmem:$0x5310];
	_ =	sdelay $0x1  }
0xf5: {  	v3 =	vld [tilespmem:$0x5510];
	_ =	sdelay $0x2  }
0xf6: {  	v4 =	vpop (erf)  }
0xf7: {  	[tilespmem:$0x56C0] =	vst v4  }
0xf8: {  	v1 =	vld.idx.msk [tilespmem:v1+s14+$0x0], $0xffff  }
0xf9: {  	v2 =	vld.idx.msk [tilespmem:v2+s29+$0x0], $0xffff;
	_ =	sdelay $0x1  }
0xfa: {  	v3 =	vld.idx.msk [tilespmem:v3+s30+$0x0], $0xffff;
	_ =	sdelay $0x2  }
0xfb: {  	v1 =	vadd.f32 v2, v1;
	_ =	sdelay $0x1  }
0xfc: {  	v1 =	vadd.f32 v3, v1;
	_ =	sdelay $0x1  }
0xfd: {  	v2 =	vmul.f32 $2.000000030e-01, v1  }
0xfe: {  	vm5 =	vge.f32 v1, $0.0e+00  }
0xff: {  	v1 =	vsel vm5, v1, v2  }
0x100: {  	v1 =	vmul.f32 $1.442695020e+00, v1;
	_ =	sdelay $0x1  }
0x101: {  	(erf) = vpow2.f32 v1;
	_ =	sdelay $0x2  }
0x102: {  	v1 =	vld [tilespmem:$0x5120]  }
0x103: {  	v2 =	vld [tilespmem:$0x5320];
	_ =	sdelay $0x1  }
0x104: {  	v3 =	vld [tilespmem:$0x5520];
	_ =	sdelay $0x2  }
0x105: {  	v4 =	vpop (erf)  }
0x106: {  	[tilespmem:$0x56D0] =	vst v4  }
0x107: {  	v1 =	vld.idx.msk [tilespmem:v1+s14+$0x0], $0xffff  }
0x108: {  	v2 =	vld.idx.msk [tilespmem:v2+s29+$0x0], $0xffff;
	_ =	sdelay $0x1  }
0x109: {  	v3 =	vld.idx.msk [tilespmem:v3+s30+$0x0], $0xffff;
	_ =	sdelay $0x2  }
0x10a: {  	v1 =	vadd.f32 v2, v1;
	_ =	sdelay $0x1  }
0x10b: {  	v1 =	vadd.f32 v3, v1;
	_ =	sdelay $0x1  }
0x10c: {  	v2 =	vmul.f32 $2.000000030e-01, v1  }
0x10d: {  	vm6 =	vge.f32 v1, $0.0e+00  }
0x10e: {  	v1 =	vsel vm6, v1, v2  }
0x10f: {  	v1 =	vmul.f32 $1.442695020e+00, v1;
	_ =	sdelay $0x1  }
0x110: {  	(erf) = vpow2.f32 v1;
	_ =	sdelay $0x2  }
0x111: {  	v1 =	vld [tilespmem:$0x5130]  }
0x112: {  	v2 =	vld [tilespmem:$0x5330];
	_ =	sdelay $0x1  }
0x113: {  	v3 =	vld [tilespmem:$0x5530];
	_ =	sdelay $0x2  }
0x114: {  	v4 =	vpop (erf)  }
0x115: {  	[tilespmem:$0x56E0] =	vst v4  }
0x116: {  	v1 =	vld.idx.msk [tilespmem:v1+s14+$0x0], $0xffff  }
0x117: {  	v2 =	vld.idx.msk [tilespmem:v2+s29+$0x0], $0xffff;
	_ =	sdelay $0x1  }
0x118: {  	v3 =	vld.idx.msk [tilespmem:v3+s30+$0x0], $0xffff;
	_ =	sdelay $0x2  }
0x119: {  	v1 =	vadd.f32 v2, v1;
	_ =	sdelay $0x1  }
0x11a: {  	v1 =	vadd.f32 v3, v1;
	_ =	sdelay $0x1  }
0x11b: {  	v2 =	vmul.f32 $2.000000030e-01, v1  }
0x11c: {  	vm7 =	vge.f32 v1, $0.0e+00  }
0x11d: {  	v1 =	vsel vm7, v1, v2  }
0x11e: {  	v1 =	vmul.f32 $1.442695020e+00, v1;
	_ =	sdelay $0x1  }
0x11f: {  	(erf) = vpow2.f32 v1;
	_ =	sdelay $0x2  }
0x120: {  	v1 =	vld [tilespmem:$0x5180]  }
0x121: {  	v2 =	vld [tilespmem:$0x5380];
	_ =	sdelay $0x1  }
0x122: {  	v3 =	vld [tilespmem:$0x5580];
	_ =	sdelay $0x2  }
0x123: {  	v4 =	vpop (erf)  }
0x124: {  	[tilespmem:$0x56F0] =	vst v4  }
0x125: {  	v1 =	vld.idx.msk [tilespmem:v1+s14+$0x0], $0xffff  }
0x126: {  	v2 =	vld.idx.msk [tilespmem:v2+s29+$0x0], $0xffff;
	_ =	sdelay $0x1  }
0x127: {  	v3 =	vld.idx.msk [tilespmem:v3+s30+$0x0], $0xffff;
	_ =	sdelay $0x2  }
0x128: {  	v1 =	vadd.f32 v2, v1;
	_ =	sdelay $0x1  }
0x129: {  	v1 =	vadd.f32 v3, v1;
	_ =	sdelay $0x1  }
0x12a: {  	v2 =	vmul.f32 $2.000000030e-01, v1  }
0x12b: {  	vm8 =	vge.f32 v1, $0.0e+00  }
0x12c: {  	v1 =	vsel vm8, v1, v2  }
0x12d: {  	v1 =	vmul.f32 $1.442695020e+00, v1;
	_ =	sdelay $0x1  }
0x12e: {  	(erf) = vpow2.f32 v1;
	_ =	sdelay $0x2  }
0x12f: {  	v1 =	vld [tilespmem:$0x5190]  }
0x130: {  	v2 =	vld [tilespmem:$0x5390];
	_ =	sdelay $0x1  }
0x131: {  	v3 =	vld [tilespmem:$0x5590];
	_ =	sdelay $0x2  }
0x132: {  	v4 =	vpop (erf)  }
0x133: {  	[tilespmem:$0x5700] =	vst v4  }
0x134: {  	v1 =	vld.idx.msk [tilespmem:v1+s14+$0x0], $0xffff  }
0x135: {  	v2 =	vld.idx.msk [tilespmem:v2+s29+$0x0], $0xffff;
	_ =	sdelay $0x1  }
0x136: {  	v3 =	vld.idx.msk [tilespmem:v3+s30+$0x0], $0xffff;
	_ =	sdelay $0x2  }
0x137: {  	v1 =	vadd.f32 v2, v1;
	_ =	sdelay $0x1  }
0x138: {  	v1 =	vadd.f32 v3, v1;
	_ =	sdelay $0x1  }
0x139: {  	v2 =	vmul.f32 $2.000000030e-01, v1  }
0x13a: {  	vm9 =	vge.f32 v1, $0.0e+00  }
0x13b: {  	v1 =	vsel vm9, v1, v2  }
0x13c: {  	v1 =	vmul.f32 $1.442695020e+00, v1;
	_ =	sdelay $0x1  }
0x13d: {  	(erf) = vpow2.f32 v1;
	_ =	sdelay $0x2  }
0x13e: {  	v1 =	vld [tilespmem:$0x51A0]  }
0x13f: {  	v2 =	vld [tilespmem:$0x53A0];
	_ =	sdelay $0x1  }
0x140: {  	v3 =	vld [tilespmem:$0x55A0];
	_ =	sdelay $0x2  }
0x141: {  	v4 =	vpop (erf)  }
0x142: {  	[tilespmem:$0x5710] =	vst v4  }
0x143: {  	v1 =	vld.idx.msk [tilespmem:v1+s14+$0x0], $0xffff  }
0x144: {  	v2 =	vld.idx.msk [tilespmem:v2+s29+$0x0], $0xffff;
	_ =	sdelay $0x1  }
0x145: {  	v3 =	vld.idx.msk [tilespmem:v3+s30+$0x0], $0xffff;
	_ =	sdelay $0x2  }
0x146: {  	v1 =	vadd.f32 v2, v1;
	_ =	sdelay $0x1  }
0x147: {  	v1 =	vadd.f32 v3, v1;
	_ =	sdelay $0x1  }
0x148: {  	v2 =	vmul.f32 $2.000000030e-01, v1  }
0x149: {  	vm10 =	vge.f32 v1, $0.0e+00  }
0x14a: {  	v1 =	vsel vm10, v1, v2  }
0x14b: {  	v1 =	vmul.f32 $1.442695020e+00, v1;
	_ =	sdelay $0x1  }
0x14c: {  	(erf) = vpow2.f32 v1;
	_ =	sdelay $0x2  }
0x14d: {  	v1 =	vld [tilespmem:$0x51B0]  }
0x14e: {  	v2 =	vld [tilespmem:$0x53B0];
	_ =	sdelay $0x1  }
0x14f: {  	v3 =	vld [tilespmem:$0x55B0];
	_ =	sdelay $0x2  }
0x150: {  	v4 =	vpop (erf)  }
0x151: {  	[tilespmem:$0x5720] =	vst v4  }
0x152: {  	v1 =	vld.idx.msk [tilespmem:v1+s14+$0x0], $0xffff  }
0x153: {  	v2 =	vld.idx.msk [tilespmem:v2+s29+$0x0], $0xffff;
	_ =	sdelay $0x1  }
0x154: {  	v3 =	vld.idx.msk [tilespmem:v3+s30+$0x0], $0xffff;
	_ =	sdelay $0x2  }
0x155: {  	v1 =	vadd.f32 v2, v1;
	_ =	sdelay $0x1  }
0x156: {  	v1 =	vadd.f32 v3, v1;
	_ =	sdelay $0x1  }
0x157: {  	v2 =	vmul.f32 $2.000000030e-01, v1  }
0x158: {  	vm11 =	vge.f32 v1, $0.0e+00  }
0x159: {  	v1 =	vsel vm11, v1, v2  }
0x15a: {  	v1 =	vmul.f32 $1.442695020e+00, v1;
	_ =	sdelay $0x1  }
0x15b: {  	(erf) = vpow2.f32 v1;
	_ =	sdelay $0x2  }
0x15c: {  	v1 =	vld [tilespmem:$0x5200]  }
0x15d: {  	v2 =	vld [tilespmem:$0x5400];
	_ =	sdelay $0x1  }
0x15e: {  	v3 =	vld [tilespmem:$0x5600];
	_ =	sdelay $0x2  }
0x15f: {  	v4 =	vpop (erf)  }
0x160: {  	[tilespmem:$0x5730] =	vst v4  }
0x161: {  	v1 =	vld.idx.msk [tilespmem:v1+s14+$0x0], $0xffff  }
0x162: {  	v2 =	vld.idx.msk [tilespmem:v2+s29+$0x0], $0xffff;
	_ =	sdelay $0x1  }
0x163: {  	v3 =	vld.idx.msk [tilespmem:v3+s30+$0x0], $0xffff;
	_ =	sdelay $0x2  }
0x164: {  	v1 =	vadd.f32 v2, v1;
	_ =	sdelay $0x1  }
0x165: {  	v1 =	vadd.f32 v3, v1;
	_ =	sdelay $0x1  }
0x166: {  	v2 =	vmul.f32 $2.000000030e-01, v1  }
0x167: {  	vm12 =	vge.f32 v1, $0.0e+00  }
0x168: {  	v1 =	vsel vm12, v1, v2  }
0x169: {  	v1 =	vmul.f32 $1.442695020e+00, v1;
	_ =	sdelay $0x1  }
0x16a: {  	(erf) = vpow2.f32 v1;
	_ =	sdelay $0x2  }
0x16b: {  	v1 =	vld [tilespmem:$0x5210]  }
0x16c: {  	v2 =	vld [tilespmem:$0x5410];
	_ =	sdelay $0x1  }
0x16d: {  	v3 =	vld [tilespmem:$0x5610];
	_ =	sdelay $0x2  }
0x16e: {  	v4 =	vpop (erf)  }
0x16f: {  	[tilespmem:$0x5740] =	vst v4  }
0x170: {  	v1 =	vld.idx.msk [tilespmem:v1+s14+$0x0], $0xffff  }
0x171: {  	v2 =	vld.idx.msk [tilespmem:v2+s29+$0x0], $0xffff;
	_ =	sdelay $0x1  }
0x172: {  	v3 =	vld.idx.msk [tilespmem:v3+s30+$0x0], $0xffff;
	_ =	sdelay $0x2  }
0x173: {  	v1 =	vadd.f32 v2, v1;
	_ =	sdelay $0x1  }
0x174: {  	v1 =	vadd.f32 v3, v1;
	_ =	sdelay $0x1  }
0x175: {  	v2 =	vmul.f32 $2.000000030e-01, v1  }
0x176: {  	vm13 =	vge.f32 v1, $0.0e+00  }
0x177: {  	v1 =	vsel vm13, v1, v2  }
0x178: {  	v1 =	vmul.f32 $1.442695020e+00, v1;
	_ =	sdelay $0x1  }
0x179: {  	(erf) = vpow2.f32 v1;
	_ =	sdelay $0x2  }
0x17a: {  	v1 =	vld [tilespmem:$0x5220]  }
0x17b: {  	v2 =	vld [tilespmem:$0x5420];
	_ =	sdelay $0x1  }
0x17c: {  	v3 =	vld [tilespmem:$0x5620];
	_ =	sdelay $0x2  }
0x17d: {  	v4 =	vpop (erf)  }
0x17e: {  	[tilespmem:$0x5750] =	vst v4  }
0x17f: {  	v1 =	vld.idx.msk [tilespmem:v1+s14+$0x0], $0xffff  }
0x180: {  	v2 =	vld.idx.msk [tilespmem:v2+s29+$0x0], $0xffff;
	_ =	sdelay $0x1  }
0x181: {  	v3 =	vld.idx.msk [tilespmem:v3+s30+$0x0], $0xffff;
	_ =	sdelay $0x2  }
0x182: {  	v1 =	vadd.f32 v2, v1;
	_ =	sdelay $0x1  }
0x183: {  	v1 =	vadd.f32 v3, v1;
	_ =	sdelay $0x1  }
0x184: {  	v2 =	vmul.f32 $2.000000030e-01, v1  }
0x185: {  	vm14 =	vge.f32 v1, $0.0e+00  }
0x186: {  	v1 =	vsel vm14, v1, v2  }
0x187: {  	v1 =	vmul.f32 $1.442695020e+00, v1;
	_ =	sdelay $0x1  }
0x188: {  	(erf) = vpow2.f32 v1;
	_ =	sdelay $0x2  }
0x189: {  	v1 =	vld [tilespmem:$0x5230]  }
0x18a: {  	v2 =	vld [tilespmem:$0x5430];
	_ =	sdelay $0x1  }
0x18b: {  	v3 =	vld [tilespmem:$0x5630];
	_ =	sdelay $0x2  }
0x18c: {  	v4 =	vpop (erf)  }
0x18d: {  	[tilespmem:$0x5760] =	vst v4  }
0x18e: {  	v1 =	vld.idx.msk [tilespmem:v1+s14+$0x0], $0xffff  }
0x18f: {  	v2 =	vld.idx.msk [tilespmem:v2+s29+$0x0], $0xffff;
	_ =	sdelay $0x1  }
0x190: {  	v3 =	vld.idx.msk [tilespmem:v3+s30+$0x0], $0xffff;
	_ =	sdelay $0x2  }
0x191: {  	v1 =	vadd.f32 v2, v1;
	_ =	sdelay $0x1  }
0x192: {  	v1 =	vadd.f32 v3, v1;
	_ =	sdelay $0x1  }
0x193: {  	v2 =	vmul.f32 $2.000000030e-01, v1  }
0x194: {  	vm15 =	vge.f32 v1, $0.0e+00  }
0x195: {  	v1 =	vsel vm15, v1, v2  }
0x196: {  	v1 =	vmul.f32 $1.442695020e+00, v1;
	_ =	sdelay $0x1  }
0x197: {  	(erf) = vpow2.f32 v1;
	_ =	sdelay $0x8  }
0x198: {  	v1 =	vpop (erf)  }
0x199: {  	[tilespmem:$0x5770] =	vst v1  }
0x19a: {  	[spmem:s3] =	stream.indirect.scatter.add.f32 [tilespmem:s16], [sflag:$0x7], $0x1, s4, s10, $0xb8;
	[tilespmem:$0x1FC80] =	vst v63  }
0x19b: {  	s24 =	simm.s32 $0x56C0;
	s8 =	simm.s32 $0x6  }
0x19c: {  	v1 =	vmov s14;
	[spmem:s3] =	stream.indirect.scatter.add.f32 [tilespmem:s24], [sflag:$0x7], $0x1, s17, s10, $0xb8;
	[tilespmem:$0x1FC80] =	vst v63  }
0x19d: {  	s12 =	simm.s32 $0x5700;
	v2 =	vmov s8;
	v1 =	vand.u32 $0xFFFFFFF8, v1  }
0x19e: {  	v2 =	vand.u32 $0xFFFFFFFE, v2;
	v1 =	vbroadcast v1, $0x0;
	[spmem:s3] =	stream.indirect.scatter.add.f32 [tilespmem:s12], [sflag:$0x7], $0x1, s19, s10, $0xb8;
	[tilespmem:$0x1FC80] =	vst v63  }
0x19f: {  	s20 =	simm.s32 $0x5740;
	v2 =	vbroadcast v2, $0x0  }
0x1a0: {  	[spmem:s3] =	stream.indirect.scatter.add.f32 [tilespmem:s20], [sflag:$0x7], $0x1, s23, s10, $0xb8;
	[tilespmem:$0x1FC80] =	vst v63  }
0x1a1: {  	_ =	swait.ge [sflag:s25], $0x2000  }
0x1a2: {  	[sflag:s25] =	ssyncset.done $0x0  }
0x1a3: {  	[sflag:s25] =	ssyncadd.s32 $0xFFFFE000  }
0x1a4: {  	v1 =	vld.idx.msk [tilespmem:v1+s16+$0x0], $0xffff  }
0x1a5: {  	s20 =	simm.s32 $0x5980;
	v2 =	vld.idx.msk [tilespmem:v2+s16+$0x0], $0xffff  }
0x1a6: {  	v4 =	vld [tilespmem:s20+$0x170]  }
0x1a7: {  	s24 =	simm.s32 $0x1;
	v5 =	vld [tilespmem:s20+$0xFFFFFE00]  }
0x1a8: {  	v3 =	vmov s24;
	v6 =	vld [tilespmem:s20+$0xFFFFFE10]  }
0x1a9: {  	v3 =	vand.u32 $0xFFFFFFF9, v3;
	v7 =	vld [tilespmem:s20+$0xFFFFFE20]  }
0x1aa: {  	v3 =	vbroadcast v3, $0x0;
	v8 =	vld [tilespmem:s20+$0xFFFFFE30]  }
0x1ab: {  	v9 =	vld [tilespmem:s20+$0xFFFFFE40]  }
0x1ac: {  	v10 =	vld [tilespmem:s20+$0xFFFFFE50]  }
0x1ad: {  	v11 =	vld [tilespmem:s20+$0xFFFFFE60]  }
0x1ae: {  	v12 =	vld [tilespmem:s20+$0xFFFFFE70]  }
0x1af: {  	v13 =	vld [tilespmem:s20+$0xFFFFFE80]  }
0x1b0: {  	v3 =	vld.idx.msk [tilespmem:v3+s16+$0x0], $0xffff;
	v5 =	vmul.f32 v5, v1  }
0x1b1: {  	v14 =	vld [tilespmem:s20+$0xFFFFFE90];
	v4 =	vmul.f32 v4, v2  }
0x1b2: {  	v15 =	vld [tilespmem:s20+$0xFFFFFEA0];
	v6 =	vmul.f32 v6, v1;
	[tilespmem:s20+$0xFFFFFE00] =	vst v5  }
0x1b3: {  	s7 =	simm.s32 $0x2;
	v16 =	vld [tilespmem:s20+$0xFFFFFEB0];
	v8 =	vmul.f32 v8, v1;
	[tilespmem:s20+$0x170] =	vst v4  }
0x1b4: {  	v9 =	vmul.f32 v9, v1;
	v5 =	vmov s7;
	v4 =	vmul.f32 v7, v1;
	v7 =	vld [tilespmem:s20+$0xFFFFFEC0];
	[tilespmem:s20+$0xFFFFFE10] =	vst v6  }
0x1b5: {  	v6 =	vmul.f32 v13, v3;
	v13 =	vld [tilespmem:s20+$0xFFFFFED0];
	[tilespmem:s20+$0xFFFFFE30] =	vst v8;
	v5 =	vand.u32 $0xFFFFFFFA, v5  }
0x1b6: {  	v8 =	vmul.f32 v10, v1;
	v10 =	vld [tilespmem:s20+$0xFFFFFEF0];
	[tilespmem:s20+$0xFFFFFE40] =	vst v9;
	v5 =	vbroadcast v5, $0x0  }
0x1b7: {  	v9 =	vmul.f32 v11, v1;
	v11 =	vld [tilespmem:s20+$0xFFFFFF00];
	[tilespmem:s20+$0xFFFFFE20] =	vst v4  }
0x1b8: {  	v1 =	vmul.f32 v12, v1;
	v12 =	vld [tilespmem:s20+$0xFFFFFF20];
	[tilespmem:s20+$0xFFFFFE80] =	vst v6  }
0x1b9: {  	s8 =	simm.s32 $0x3;
	v4 =	vld [tilespmem:s20+$0xFFFFFEE0];
	[tilespmem:s20+$0xFFFFFE50] =	vst v8  }
0x1ba: {  	v6 =	vmov s8;
	v8 =	vld [tilespmem:s20+$0xFFFFFF10];
	[tilespmem:s20+$0xFFFFFE60] =	vst v9;
	v9 =	vmul.f32 v14, v3  }
0x1bb: {  	[tilespmem:s20+$0xFFFFFE70] =	vst v1;
	v1 =	vmul.f32 v15, v3;
	v14 =	vld [tilespmem:s20+$0xFFFFFF30];
	v6 =	vand.u32 $0xFFFFFFFB, v6  }
0x1bc: {  	v6 =	vbroadcast v6, $0x0;
	[tilespmem:s20+$0xFFFFFE90] =	vst v9;
	v9 =	vmul.f32 v16, v3;
	v5 =	vld.idx.msk [tilespmem:v5+s16+$0x0], $0xffff  }
0x1bd: {  	v15 =	vld [tilespmem:s20+$0xFFFFFF40];
	[tilespmem:s20+$0xFFFFFEA0] =	vst v1;
	v7 =	vmul.f32 v7, v3  }
0x1be: {  	v13 =	vmul.f32 v13, v3;
	[tilespmem:s20+$0xFFFFFEB0] =	vst v9;
	v9 =	vld [tilespmem:s20+$0xFFFFFF60]  }
0x1bf: {  	[tilespmem:s20+$0xFFFFFEC0] =	vst v7;
	v4 =	vmul.f32 v4, v3;
	v7 =	vld [tilespmem:s20+$0xFFFFFF70]  }
0x1c0: {  	[tilespmem:s20+$0xFFFFFED0] =	vst v13;
	v3 =	vmul.f32 v10, v3;
	v10 =	vld [tilespmem:s20+$0xFFFFFF80]  }
0x1c1: {  	v13 =	vld [tilespmem:s20+$0xFFFFFFB0];
	[tilespmem:s20+$0xFFFFFEE0] =	vst v4;
	v1 =	vmul.f32 v11, v5  }
0x1c2: {  	[tilespmem:s20+$0xFFFFFEF0] =	vst v3;
	v6 =	vld.idx.msk [tilespmem:v6+s16+$0x0], $0xffff;
	v4 =	vmul.f32 v8, v5  }
0x1c3: {  	s24 =	simm.s32 $0x4;
	v11 =	vld [tilespmem:s20+$0xFFFFFF50];
	v3 =	vmul.f32 v12, v5;
	[tilespmem:s20+$0xFFFFFF00] =	vst v1  }
0x1c4: {  	v8 =	vld [tilespmem:s20+$0xFFFFFF90];
	v9 =	vmul.f32 v9, v5;
	v1 =	vmov s24;
	[tilespmem:s20+$0xFFFFFF10] =	vst v4  }
0x1c5: {  	v12 =	vld [tilespmem:s20+$0xFFFFFFA0];
	v4 =	vmul.f32 v14, v5;
	[tilespmem:s20+$0xFFFFFF20] =	vst v3;
	v1 =	vand.u32 $0xFFFFFFFC, v1  }
0x1c6: {  	v3 =	vmul.f32 v15, v5;
	v14 =	vld [tilespmem:s20+$0xFFFFFFC0];
	[tilespmem:s20+$0xFFFFFF60] =	vst v9;
	v1 =	vbroadcast v1, $0x0  }
0x1c7: {  	v9 =	vld [tilespmem:s20+$0x0];
	[tilespmem:s20+$0xFFFFFF30] =	vst v4;
	v4 =	vmul.f32 v10, v6  }
0x1c8: {  	s7 =	simm.s32 $0x5;
	v10 =	vld [tilespmem:s20+$0xFFFFFFD0];
	[tilespmem:s20+$0xFFFFFF40] =	vst v3;
	v11 =	vmul.f32 v11, v5  }
0x1c9: {  	v3 =	vld [tilespmem:s20+$0xFFFFFFE0];
	v5 =	vmul.f32 v7, v5;
	[tilespmem:s20+$0xFFFFFF80] =	vst v4;
	v4 =	vmov s7  }
0x1ca: {  	v7 =	vld [tilespmem:s20+$0xFFFFFFF0];
	v8 =	vmul.f32 v8, v6;
	[tilespmem:s20+$0xFFFFFF50] =	vst v11;
	v4 =	vand.u32 $0xFFFFFFFD, v4  }
0x1cb: {  	[tilespmem:s20+$0xFFFFFF70] =	vst v5;
	v5 =	vmul.f32 v12, v6;
	v11 =	vld [tilespmem:s20+$0x10];
	v4 =	vbroadcast v4, $0x0  }
0x1cc: {  	[tilespmem:s20+$0xFFFFFF90] =	vst v8;
	v8 =	vmul.f32 v13, v6;
	v1 =	vld.idx.msk [tilespmem:v1+s16+$0x0], $0xffff  }
0x1cd: {  	v12 =	vld [tilespmem:s20+$0x20];
	[tilespmem:s20+$0xFFFFFFA0] =	vst v5;
	v5 =	vmul.f32 v14, v6  }
0x1ce: {  	v13 =	vld [tilespmem:s20+$0x30];
	[tilespmem:s20+$0xFFFFFFB0] =	vst v8;
	v8 =	vmul.f32 v10, v6  }
0x1cf: {  	v10 =	vld [tilespmem:s20+$0x40];
	v3 =	vmul.f32 v3, v6;
	[tilespmem:s20+$0xFFFFFFC0] =	vst v5  }
0x1d0: {  	v6 =	vmul.f32 v7, v6;
	[tilespmem:s20+$0xFFFFFFD0] =	vst v8;
	v8 =	vld [tilespmem:s20+$0x60]  }
0x1d1: {  	[tilespmem:s20+$0xFFFFFFE0] =	vst v3;
	v4 =	vld.idx.msk [tilespmem:v4+s16+$0x0], $0xffff;
	v5 =	vmul.f32 v9, v1  }
0x1d2: {  	[tilespmem:s20+$0xFFFFFFF0] =	vst v6;
	v9 =	vld [tilespmem:s20+$0x50];
	v6 =	vmul.f32 v12, v1  }
0x1d3: {  	v3 =	vmul.f32 v11, v1;
	v11 =	vld [tilespmem:s20+$0x90];
	[tilespmem:s20+$0x0] =	vst v5  }
0x1d4: {  	v7 =	vld [tilespmem:s20+$0x80];
	[tilespmem:s20+$0x20] =	vst v6;
	v6 =	vmul.f32 v10, v1  }
0x1d5: {  	v5 =	vld [tilespmem:s20+$0x70];
	[tilespmem:s20+$0x10] =	vst v3;
	v3 =	vmul.f32 v13, v1  }
0x1d6: {  	v10 =	vld [tilespmem:s20+$0xA0];
	[tilespmem:s20+$0x40] =	vst v6;
	v6 =	vmul.f32 v8, v1  }
0x1d7: {  	[tilespmem:s20+$0x30] =	vst v3;
	v8 =	vld [tilespmem:s20+$0xC0];
	v3 =	vmul.f32 v9, v1  }
0x1d8: {  	v9 =	vld [tilespmem:s20+$0xB0];
	v11 =	vmul.f32 v11, v4;
	[tilespmem:s20+$0x60] =	vst v6  }
0x1d9: {  	v6 =	vld [tilespmem:s20+$0xE0];
	[tilespmem:s20+$0x50] =	vst v3;
	v3 =	vmul.f32 v7, v4  }
0x1da: {  	v7 =	vld [tilespmem:s20+$0xD0];
	v5 =	vmul.f32 v5, v1;
	[tilespmem:s20+$0x90] =	vst v11  }
0x1db: {  	v11 =	vld [tilespmem:s20+$0x150];
	[tilespmem:s20+$0x80] =	vst v3  }
0x1dc: {  	[tilespmem:s20+$0x70] =	vst v5;
	v3 =	vmul.f32 v10, v4;
	v5 =	vld [tilespmem:s20+$0xF0]  }
0x1dd: {  	v10 =	vld [tilespmem:s20+$0x100];
	v9 =	vmul.f32 v9, v4  }
0x1de: {  	s8 =	simm.s32 $0x7;
	[tilespmem:s20+$0xA0] =	vst v3;
	v3 =	vmul.f32 v8, v4;
	v8 =	vld [tilespmem:s20+$0x110]  }
0x1df: {  	v14 =	vld [tilespmem:s20+$0x180];
	v12 =	vmov s8;
	[tilespmem:s20+$0xB0] =	vst v9;
	v7 =	vmul.f32 v7, v4  }
0x1e0: {  	v9 =	vld [tilespmem:s20+$0x120];
	v11 =	vmul.f32 v11, v2;
	[tilespmem:s20+$0xC0] =	vst v3  }
0x1e1: {  	s8 =	simm.s32 $0xA;
	v3 =	vmul.f32 v6, v4;
	v6 =	vld [tilespmem:s20+$0x130];
	[tilespmem:s20+$0xD0] =	vst v7;
	v4 =	vmul.f32 v5, v4  }
0x1e2: {  	s24 =	simm.s32 $0x8;
	v13 =	vmov s8;
	v5 =	vld [tilespmem:s20+$0x140];
	[tilespmem:s20+$0x150] =	vst v11  }
0x1e3: {  	s7 =	simm.s32 $0xF;
	s8 =	simm.s32 $0xC;
	v7 =	vmov s24;
	v10 =	vmul.f32 v10, v2;
	[tilespmem:s20+$0xF0] =	vst v4;
	v4 =	vmul.f32 v8, v2;
	v8 =	vld [tilespmem:s20+$0x160]  }
0x1e4: {  	v15 =	vmov s8;
	v1 =	vld.idx.msk [tilespmem:v12+s16+$0x0], $0xffff;
	s24 =	simm.s32 $0x9;
	[tilespmem:s20+$0xE0] =	vst v3;
	v7 =	vand.u32 $0xFFFFFFF8, v7;
	v3 =	vmov s7;
	s7 =	simm.s32 $0xB  }
0x1e5: {  	v17 =	vld [tilespmem:s20+$0x190];
	v12 =	vmov s24;
	s24 =	simm.s32 $0xD;
	[tilespmem:s20+$0x100] =	vst v10;
	v10 =	vmov s7;
	v9 =	vmul.f32 v9, v2  }
0x1e6: {  	v18 =	vmov s24;
	[tilespmem:s20+$0x110] =	vst v4;
	v16 =	vmul.f32 v6, v2;
	v4 =	vbroadcast v7, $0x0;
	v6 =	vld [tilespmem:s20+$0x1A0]  }
0x1e7: {  	v7 =	vld [tilespmem:s20+$0x1B0];
	[tilespmem:s20+$0x120] =	vst v9;
	v9 =	vmul.f32 v5, v2;
	v5 =	vand.u32 $0xFFFFFFF9, v12;
	v12 =	vand.u32 $0xFFFFFFFA, v13  }
0x1e8: {  	v13 =	vand.u32 $0xFFFFFFFB, v10;
	[tilespmem:s20+$0x130] =	vst v16;
	v5 =	vbroadcast v5, $0x0;
	v16 =	vmul.f32 v8, v2;
	v8 =	vld [tilespmem:s20+$0x1C0]  }
0x1e9: {  	v10 =	vbroadcast v12, $0x0;
	[tilespmem:s20+$0x140] =	vst v9;
	v2 =	vand.u32 $0xFFFFFFFC, v15;
	v15 =	vmul.f32 v14, v1;
	v9 =	vld [tilespmem:s20+$0x1D0]  }
0x1ea: {  	s12 =	simm.s32 $0xE;
	v11 =	vld [tilespmem:s20+$0x1E0];
	s24 =	simm.s32 $0x10;
	v12 =	vbroadcast v13, $0x0;
	v13 =	vmul.f32 v17, v1;
	v14 =	vand.u32 $0xFFFFFFFD, v18;
	[tilespmem:s20+$0x160] =	vst v16  }
.LBB2_5:
0x1eb: {  	p0 =	slt.u32 s24, $0x38;
	v2 =	vbroadcast v2, $0x0;
	v16 =	vmov s12;
	[tilespmem:s20+$0x180] =	vst v15;
	v6 =	vmul.f32 v6, v1;
	v15 =	vld [tilespmem:s20+$0x1F0]  }
0x1ec: {  	v14 =	vbroadcast v14, $0x0;
	v16 =	vand.u32 $0xFFFFFFFE, v16;
	v17 =	vld.idx.msk [tilespmem:v3+s16+$0x0], $0xffff;
	[tilespmem:s20+$0x190] =	vst v13;
	v3 =	vmul.f32 v7, v1  }
0x1ed: {  	v7 =	vld.idx.msk [tilespmem:v4+s16+$0x0], $0xffff;
	v13 =	vbroadcast v16, $0x0;
	[tilespmem:s20+$0x1A0] =	vst v6;
	v4 =	vmul.f32 v8, v1  }
0x1ee: {  	v6 =	vld.idx.msk [tilespmem:v5+s16+$0x0], $0xffff;
	[tilespmem:s20+$0x1B0] =	vst v3;
	v3 =	vmul.f32 v9, v1  }
0x1ef: {  	v8 =	vld.idx.msk [tilespmem:v10+s16+$0x0], $0xffff;
	[tilespmem:s20+$0x1C0] =	vst v4;
	v9 =	vmul.f32 v11, v1  }
0x1f0: {  	v5 =	vld.idx.msk [tilespmem:v12+s16+$0x0], $0xffff;
	[tilespmem:s20+$0x1D0] =	vst v3;
	v10 =	vmul.f32 v15, v1  }
0x1f1: {  	v4 =	vld.idx.msk [tilespmem:v2+s16+$0x0], $0xffff;
	[tilespmem:s20+$0x1E0] =	vst v9  }
0x1f2: {  	v1 =	vmov v17;
	v3 =	vld.idx.msk [tilespmem:v14+s16+$0x0], $0xffff;
	[tilespmem:s20+$0x1F0] =	vst v10  }
0x1f3: {  	s20 =	sadd.s32 $0x400, s20;
	v2 =	vld.idx.msk [tilespmem:v13+s16+$0x0], $0xffff  }
0x1f4: {  	v9 =	vld [tilespmem:s20+$0x170]  }
0x1f5: {  	v10 =	vld [tilespmem:s20+$0xFFFFFE00]  }
0x1f6: {  	v11 =	vld [tilespmem:s20+$0xFFFFFE10]  }
0x1f7: {  	v12 =	vld [tilespmem:s20+$0xFFFFFE20]  }
0x1f8: {  	v13 =	vld [tilespmem:s20+$0xFFFFFE30]  }
0x1f9: {  	v14 =	vld [tilespmem:s20+$0xFFFFFE40];
	v9 =	vmul.f32 v9, v2  }
0x1fa: {  	v10 =	vmul.f32 v10, v7;
	v15 =	vld [tilespmem:s20+$0xFFFFFE50]  }
0x1fb: {  	v11 =	vmul.f32 v11, v7;
	v16 =	vld [tilespmem:s20+$0xFFFFFE60];
	[tilespmem:s20+$0x170] =	vst v9  }
0x1fc: {  	[tilespmem:s20+$0xFFFFFE00] =	vst v10;
	v9 =	vmul.f32 v12, v7;
	v10 =	vld [tilespmem:s20+$0xFFFFFE70]  }
0x1fd: {  	[tilespmem:s20+$0xFFFFFE10] =	vst v11;
	v11 =	vmul.f32 v13, v7;
	v12 =	vld [tilespmem:s20+$0xFFFFFE80]  }
0x1fe: {  	[tilespmem:s20+$0xFFFFFE20] =	vst v9;
	v9 =	vmul.f32 v14, v7;
	v13 =	vld [tilespmem:s20+$0xFFFFFE90]  }
0x1ff: {  	[tilespmem:s20+$0xFFFFFE30] =	vst v11;
	v11 =	vmul.f32 v15, v7;
	v14 =	vld [tilespmem:s20+$0xFFFFFEA0]  }
0x200: {  	[tilespmem:s20+$0xFFFFFE40] =	vst v9;
	v9 =	vmul.f32 v16, v7;
	v15 =	vld [tilespmem:s20+$0xFFFFFEB0]  }
0x201: {  	[tilespmem:s20+$0xFFFFFE50] =	vst v11;
	v7 =	vmul.f32 v10, v7;
	v10 =	vld [tilespmem:s20+$0xFFFFFEC0]  }
0x202: {  	[tilespmem:s20+$0xFFFFFE60] =	vst v9;
	v9 =	vmul.f32 v12, v6;
	v11 =	vld [tilespmem:s20+$0xFFFFFED0]  }
0x203: {  	[tilespmem:s20+$0xFFFFFE70] =	vst v7;
	v7 =	vmul.f32 v13, v6;
	v12 =	vld [tilespmem:s20+$0xFFFFFEE0]  }
0x204: {  	[tilespmem:s20+$0xFFFFFE80] =	vst v9;
	v9 =	vmul.f32 v14, v6;
	v13 =	vld [tilespmem:s20+$0xFFFFFEF0]  }
0x205: {  	[tilespmem:s20+$0xFFFFFE90] =	vst v7;
	v7 =	vmul.f32 v15, v6;
	v14 =	vld [tilespmem:s20+$0xFFFFFF00]  }
0x206: {  	[tilespmem:s20+$0xFFFFFEA0] =	vst v9;
	v9 =	vmul.f32 v10, v6;
	v10 =	vld [tilespmem:s20+$0xFFFFFF10]  }
0x207: {  	[tilespmem:s20+$0xFFFFFEB0] =	vst v7;
	v7 =	vmul.f32 v11, v6;
	v11 =	vld [tilespmem:s20+$0xFFFFFF20]  }
0x208: {  	[tilespmem:s20+$0xFFFFFEC0] =	vst v9;
	v9 =	vmul.f32 v12, v6;
	v12 =	vld [tilespmem:s20+$0xFFFFFF30]  }
0x209: {  	[tilespmem:s20+$0xFFFFFED0] =	vst v7;
	v6 =	vmul.f32 v13, v6;
	v7 =	vld [tilespmem:s20+$0xFFFFFF40]  }
0x20a: {  	[tilespmem:s20+$0xFFFFFEE0] =	vst v9;
	v9 =	vmul.f32 v14, v8;
	v13 =	vld [tilespmem:s20+$0xFFFFFF50]  }
0x20b: {  	[tilespmem:s20+$0xFFFFFEF0] =	vst v6;
	v6 =	vmul.f32 v10, v8;
	v10 =	vld [tilespmem:s20+$0xFFFFFF60]  }
0x20c: {  	[tilespmem:s20+$0xFFFFFF00] =	vst v9;
	v9 =	vmul.f32 v11, v8;
	v11 =	vld [tilespmem:s20+$0xFFFFFF70]  }
0x20d: {  	[tilespmem:s20+$0xFFFFFF10] =	vst v6;
	v6 =	vmul.f32 v12, v8;
	v12 =	vld [tilespmem:s20+$0xFFFFFF80]  }
0x20e: {  	[tilespmem:s20+$0xFFFFFF20] =	vst v9;
	v7 =	vmul.f32 v7, v8;
	v9 =	vld [tilespmem:s20+$0xFFFFFF90]  }
0x20f: {  	[tilespmem:s20+$0xFFFFFF30] =	vst v6;
	v6 =	vmul.f32 v13, v8;
	v13 =	vld [tilespmem:s20+$0xFFFFFFA0]  }
0x210: {  	[tilespmem:s20+$0xFFFFFF40] =	vst v7;
	v7 =	vmul.f32 v10, v8;
	v10 =	vld [tilespmem:s20+$0xFFFFFFB0]  }
0x211: {  	[tilespmem:s20+$0xFFFFFF50] =	vst v6;
	v6 =	vmul.f32 v11, v8;
	v8 =	vld [tilespmem:s20+$0xFFFFFFC0]  }
0x212: {  	[tilespmem:s20+$0xFFFFFF60] =	vst v7;
	v7 =	vmul.f32 v12, v5;
	v11 =	vld [tilespmem:s20+$0xFFFFFFD0]  }
0x213: {  	[tilespmem:s20+$0xFFFFFF70] =	vst v6;
	v6 =	vmul.f32 v9, v5;
	v9 =	vld [tilespmem:s20+$0xFFFFFFE0]  }
0x214: {  	[tilespmem:s20+$0xFFFFFF80] =	vst v7;
	v7 =	vmul.f32 v13, v5;
	v12 =	vld [tilespmem:s20+$0xFFFFFFF0]  }
0x215: {  	[tilespmem:s20+$0xFFFFFF90] =	vst v6;
	v6 =	vmul.f32 v10, v5;
	v10 =	vld [tilespmem:s20+$0x0]  }
0x216: {  	[tilespmem:s20+$0xFFFFFFA0] =	vst v7;
	v7 =	vmul.f32 v8, v5;
	v8 =	vld [tilespmem:s20+$0x10]  }
0x217: {  	[tilespmem:s20+$0xFFFFFFB0] =	vst v6;
	v6 =	vmul.f32 v11, v5;
	v11 =	vld [tilespmem:s20+$0x20]  }
0x218: {  	[tilespmem:s20+$0xFFFFFFC0] =	vst v7;
	v7 =	vmul.f32 v9, v5;
	v9 =	vld [tilespmem:s20+$0x30]  }
0x219: {  	[tilespmem:s20+$0xFFFFFFD0] =	vst v6;
	v5 =	vmul.f32 v12, v5;
	v6 =	vld [tilespmem:s20+$0x40]  }
0x21a: {  	[tilespmem:s20+$0xFFFFFFE0] =	vst v7;
	v7 =	vmul.f32 v10, v4;
	v10 =	vld [tilespmem:s20+$0x50]  }
0x21b: {  	[tilespmem:s20+$0xFFFFFFF0] =	vst v5;
	v5 =	vmul.f32 v8, v4;
	v8 =	vld [tilespmem:s20+$0x60]  }
0x21c: {  	[tilespmem:s20+$0x0] =	vst v7;
	v7 =	vmul.f32 v11, v4;
	v11 =	vld [tilespmem:s20+$0x70]  }
0x21d: {  	[tilespmem:s20+$0x10] =	vst v5;
	v5 =	vmul.f32 v9, v4;
	v9 =	vld [tilespmem:s20+$0x80]  }
0x21e: {  	[tilespmem:s20+$0x20] =	vst v7;
	v6 =	vmul.f32 v6, v4;
	v7 =	vld [tilespmem:s20+$0x90]  }
0x21f: {  	[tilespmem:s20+$0x30] =	vst v5;
	v5 =	vmul.f32 v10, v4;
	v10 =	vld [tilespmem:s20+$0xA0]  }
0x220: {  	[tilespmem:s20+$0x40] =	vst v6;
	v6 =	vmul.f32 v8, v4;
	v8 =	vld [tilespmem:s20+$0xB0]  }
0x221: {  	[tilespmem:s20+$0x50] =	vst v5;
	v4 =	vmul.f32 v11, v4;
	v5 =	vld [tilespmem:s20+$0xC0]  }
0x222: {  	[tilespmem:s20+$0x60] =	vst v6;
	v6 =	vmul.f32 v9, v3;
	v9 =	vld [tilespmem:s20+$0xD0]  }
0x223: {  	[tilespmem:s20+$0x70] =	vst v4;
	v4 =	vmul.f32 v7, v3;
	v7 =	vld [tilespmem:s20+$0xE0]  }
0x224: {  	[tilespmem:s20+$0x80] =	vst v6;
	v6 =	vmul.f32 v10, v3;
	v10 =	vld [tilespmem:s20+$0xF0]  }
0x225: {  	[tilespmem:s20+$0x90] =	vst v4;
	v4 =	vmul.f32 v8, v3;
	v8 =	vld [tilespmem:s20+$0x100]  }
0x226: {  	[tilespmem:s20+$0xA0] =	vst v6;
	v5 =	vmul.f32 v5, v3;
	v6 =	vld [tilespmem:s20+$0x110]  }
0x227: {  	[tilespmem:s20+$0xB0] =	vst v4;
	v4 =	vmul.f32 v9, v3;
	v9 =	vld [tilespmem:s20+$0x120]  }
0x228: {  	[tilespmem:s20+$0xC0] =	vst v5;
	v5 =	vmul.f32 v7, v3;
	v7 =	vld [tilespmem:s20+$0x130]  }
0x229: {  	[tilespmem:s20+$0xD0] =	vst v4;
	v4 =	vmul.f32 v10, v3;
	v10 =	vld [tilespmem:s20+$0x140]  }
0x22a: {  	s12 =	sadd.s32 $0x7, s24;
	v3 =	vmov s24;
	[tilespmem:s20+$0xE0] =	vst v5;
	v5 =	vmul.f32 v8, v2;
	v8 =	vld [tilespmem:s20+$0x150]  }
0x22b: {  	s7 =	sadd.s32 $0x1, s24;
	s8 =	sadd.s32 $0x2, s24;
	v11 =	vand.u32 $0xFFFFFFF8, v3;
	v3 =	vmov s12;
	[tilespmem:s20+$0xF0] =	vst v4;
	v4 =	vmul.f32 v6, v2;
	v12 =	vld [tilespmem:s20+$0x160]  }
0x22c: {  	v14 =	vmov s8;
	s8 =	sadd.s32 $0x4, s24;
	v13 =	vmov s7;
	s7 =	sadd.s32 $0x3, s24;
	[tilespmem:s20+$0x100] =	vst v5;
	v5 =	vmul.f32 v9, v2;
	v9 =	vld [tilespmem:s20+$0x180]  }
0x22d: {  	v16 =	vmov s8;
	v15 =	vmov s7;
	s7 =	sadd.s32 $0x5, s24;
	[tilespmem:s20+$0x110] =	vst v4;
	v7 =	vmul.f32 v7, v2;
	v17 =	vld [tilespmem:s20+$0x190]  }
.Ltmp1:
0x22e: {  	v4 =	vbroadcast v11, $0x0;
	v11 =	vmov s7;
	[tilespmem:s20+$0x120] =	vst v5;
	v10 =	vmul.f32 v10, v2;
	v6 =	vld [tilespmem:s20+$0x1A0];
	(pc) =	sbr.rel @p0 .LBB2_5-.Ltmp1, $4  }
0x22f: {  	v5 =	vand.u32 $0xFFFFFFF9, v13;
	v13 =	vand.u32 $0xFFFFFFFA, v14;
	[tilespmem:s20+$0x130] =	vst v7;
	v14 =	vmul.f32 v8, v2;
	v7 =	vld [tilespmem:s20+$0x1B0]  }
0x230: {  	v18 =	vand.u32 $0xFFFFFFFB, v15;
	v5 =	vbroadcast v5, $0x0;
	[tilespmem:s20+$0x140] =	vst v10;
	v19 =	vmul.f32 v12, v2;
	v8 =	vld [tilespmem:s20+$0x1C0]  }
0x231: {  	v10 =	vbroadcast v13, $0x0;
	v2 =	vand.u32 $0xFFFFFFFC, v16;
	[tilespmem:s20+$0x150] =	vst v14;
	v15 =	vmul.f32 v9, v1;
	v9 =	vld [tilespmem:s20+$0x1D0]  }
0x232: {  	s12 =	sadd.s32 $0x6, s24;
	s24 =	sadd.s32 $0x8, s24;
	v12 =	vbroadcast v18, $0x0;
	v14 =	vand.u32 $0xFFFFFFFD, v11;
	[tilespmem:s20+$0x160] =	vst v19;
	v13 =	vmul.f32 v17, v1;
	v11 =	vld [tilespmem:s20+$0x1E0]  }
0x233: {  	_ =	sdelay $0x2  }
0x234: {  	v16 =	vld [tilespmem:s20+$0x1F0]  }
0x235: {  	v18 =	vld.idx.msk [tilespmem:v4+s16+$0x0], $0xffff  }
0x236: {  	[tilespmem:s20+$0x180] =	vst v15;
	v15 =	vbroadcast v2, $0x0;
	v2 =	vmov s12;
	v10 =	vld.idx.msk [tilespmem:v10+s16+$0x0], $0xffff  }
0x237: {  	v17 =	vand.u32 $0xFFFFFFFE, v2;
	v2 =	vld.idx.msk [tilespmem:v3+s16+$0x0], $0xffff  }
0x238: {  	s24 =	sadd.s32 $0x400, s20;
	v12 =	vld.idx.msk [tilespmem:v12+s16+$0x0], $0xffff  }
0x239: {  	v14 =	vbroadcast v14, $0x0;
	v6 =	vmul.f32 v6, v1;
	[tilespmem:s20+$0x190] =	vst v13;
	v13 =	vld [tilespmem:s24+$0x170]  }
0x23a: {  	v7 =	vmul.f32 v7, v1;
	v3 =	vbroadcast v17, $0x0;
	v17 =	vld.idx.msk [tilespmem:v5+s16+$0x0], $0xffff  }
0x23b: {  	[tilespmem:s20+$0x1A0] =	vst v6;
	v6 =	vmul.f32 v8, v1;
	v8 =	vld [tilespmem:s24+$0xFFFFFE00]  }
0x23c: {  	[tilespmem:s20+$0x1B0] =	vst v7;
	v7 =	vmul.f32 v9, v1;
	v9 =	vld [tilespmem:s24+$0xFFFFFE10]  }
0x23d: {  	[tilespmem:s20+$0x1C0] =	vst v6;
	v6 =	vmul.f32 v11, v1;
	v11 =	vld [tilespmem:s24+$0xFFFFFE20]  }
0x23e: {  	[tilespmem:s20+$0x1D0] =	vst v7;
	v7 =	vld [tilespmem:s24+$0xFFFFFE30]  }
0x23f: {  	v5 =	vld.idx.msk [tilespmem:v15+s16+$0x0], $0xffff  }
0x240: {  	v1 =	vmul.f32 v16, v1;
	v4 =	vld.idx.msk [tilespmem:v14+s16+$0x0], $0xffff  }
0x241: {  	[tilespmem:s20+$0x1E0] =	vst v6;
	v6 =	vld [tilespmem:s24+$0xFFFFFE40]  }
0x242: {  	[tilespmem:s20+$0x1F0] =	vst v1;
	v1 =	vmul.f32 v8, v18;
	v3 =	vld.idx.msk [tilespmem:v3+s16+$0x0], $0xffff  }
0x243: {  	v8 =	vld [tilespmem:s24+$0xFFFFFE50];
	v9 =	vmul.f32 v9, v18  }
0x244: {  	v14 =	vld [tilespmem:s24+$0xFFFFFE60];
	[tilespmem:s24+$0xFFFFFE00] =	vst v1;
	v1 =	vmul.f32 v11, v18  }
0x245: {  	v11 =	vld [tilespmem:s24+$0xFFFFFE70];
	[tilespmem:s24+$0xFFFFFE10] =	vst v9;
	v7 =	vmul.f32 v7, v18  }
0x246: {  	v9 =	vld [tilespmem:s24+$0xFFFFFE80];
	[tilespmem:s24+$0xFFFFFE20] =	vst v1;
	v1 =	vmul.f32 v6, v18  }
0x247: {  	v6 =	vld [tilespmem:s24+$0xFFFFFE90];
	[tilespmem:s24+$0xFFFFFE30] =	vst v7;
	v13 =	vmul.f32 v13, v3  }
0x248: {  	v7 =	vmul.f32 v8, v18;
	v8 =	vld [tilespmem:s24+$0xFFFFFEA0];
	[tilespmem:s24+$0xFFFFFE40] =	vst v1  }
0x249: {  	v1 =	vmul.f32 v14, v18;
	[tilespmem:s24+$0x170] =	vst v13;
	v13 =	vld [tilespmem:s24+$0xFFFFFEB0]  }
0x24a: {  	[tilespmem:s24+$0xFFFFFE50] =	vst v7;
	v7 =	vmul.f32 v11, v18;
	v11 =	vld [tilespmem:s24+$0xFFFFFEC0]  }
0x24b: {  	[tilespmem:s24+$0xFFFFFE60] =	vst v1;
	v1 =	vmul.f32 v9, v17;
	v9 =	vld [tilespmem:s24+$0xFFFFFED0]  }
0x24c: {  	[tilespmem:s24+$0xFFFFFE70] =	vst v7;
	v6 =	vmul.f32 v6, v17;
	v7 =	vld [tilespmem:s24+$0xFFFFFEE0]  }
0x24d: {  	[tilespmem:s24+$0xFFFFFE80] =	vst v1;
	v1 =	vmul.f32 v8, v17;
	v8 =	vld [tilespmem:s24+$0xFFFFFEF0]  }
0x24e: {  	[tilespmem:s24+$0xFFFFFE90] =	vst v6;
	v6 =	vmul.f32 v13, v17;
	v13 =	vld [tilespmem:s24+$0xFFFFFF00]  }
0x24f: {  	[tilespmem:s24+$0xFFFFFEA0] =	vst v1;
	v1 =	vmul.f32 v11, v17;
	v11 =	vld [tilespmem:s24+$0xFFFFFF10]  }
0x250: {  	[tilespmem:s24+$0xFFFFFEB0] =	vst v6;
	v6 =	vmul.f32 v9, v17;
	v9 =	vld [tilespmem:s24+$0xFFFFFF20]  }
0x251: {  	[tilespmem:s24+$0xFFFFFEC0] =	vst v1;
	v1 =	vmul.f32 v7, v17;
	v7 =	vld [tilespmem:s24+$0xFFFFFF30]  }
0x252: {  	[tilespmem:s24+$0xFFFFFED0] =	vst v6;
	v6 =	vmul.f32 v8, v17;
	v8 =	vld [tilespmem:s24+$0xFFFFFF40]  }
0x253: {  	[tilespmem:s24+$0xFFFFFEE0] =	vst v1;
	v1 =	vmul.f32 v13, v10;
	v13 =	vld [tilespmem:s24+$0xFFFFFF50]  }
0x254: {  	[tilespmem:s24+$0xFFFFFEF0] =	vst v6;
	v6 =	vmul.f32 v11, v10;
	v11 =	vld [tilespmem:s24+$0xFFFFFF60]  }
0x255: {  	[tilespmem:s24+$0xFFFFFF00] =	vst v1;
	v1 =	vmul.f32 v9, v10;
	v9 =	vld [tilespmem:s24+$0xFFFFFF70]  }
0x256: {  	[tilespmem:s24+$0xFFFFFF10] =	vst v6;
	v6 =	vmul.f32 v7, v10;
	v7 =	vld [tilespmem:s24+$0xFFFFFF80]  }
0x257: {  	[tilespmem:s24+$0xFFFFFF20] =	vst v1;
	v1 =	vmul.f32 v8, v10;
	v8 =	vld [tilespmem:s24+$0xFFFFFF90]  }
0x258: {  	[tilespmem:s24+$0xFFFFFF30] =	vst v6;
	v6 =	vmul.f32 v13, v10;
	v13 =	vld [tilespmem:s24+$0xFFFFFFA0]  }
0x259: {  	[tilespmem:s24+$0xFFFFFF40] =	vst v1;
	v1 =	vmul.f32 v11, v10;
	v11 =	vld [tilespmem:s24+$0xFFFFFFB0]  }
0x25a: {  	[tilespmem:s24+$0xFFFFFF50] =	vst v6;
	v6 =	vmul.f32 v9, v10;
	v9 =	vld [tilespmem:s24+$0xFFFFFFC0]  }
0x25b: {  	[tilespmem:s24+$0xFFFFFF60] =	vst v1;
	v1 =	vmul.f32 v7, v12;
	v7 =	vld [tilespmem:s24+$0xFFFFFFD0]  }
0x25c: {  	[tilespmem:s24+$0xFFFFFF70] =	vst v6;
	v6 =	vmul.f32 v8, v12;
	v8 =	vld [tilespmem:s24+$0xFFFFFFE0]  }
0x25d: {  	v10 =	vld [tilespmem:s24+$0xFFFFFFF0];
	[tilespmem:s24+$0xFFFFFF80] =	vst v1;
	v1 =	vmul.f32 v13, v12  }
0x25e: {  	[tilespmem:s24+$0xFFFFFF90] =	vst v6;
	v6 =	vmul.f32 v11, v12;
	v11 =	vld [tilespmem:s24+$0x0]  }
0x25f: {  	[tilespmem:s24+$0xFFFFFFA0] =	vst v1;
	v1 =	vmul.f32 v9, v12;
	v9 =	vld [tilespmem:s24+$0x10]  }
0x260: {  	[tilespmem:s24+$0xFFFFFFB0] =	vst v6;
	v6 =	vmul.f32 v7, v12;
	v7 =	vld [tilespmem:s24+$0x20]  }
0x261: {  	[tilespmem:s24+$0xFFFFFFC0] =	vst v1;
	v1 =	vmul.f32 v8, v12;
	v8 =	vld [tilespmem:s24+$0x30]  }
0x262: {  	[tilespmem:s24+$0xFFFFFFD0] =	vst v6;
	v6 =	vmul.f32 v10, v12;
	v10 =	vld [tilespmem:s24+$0x40]  }
0x263: {  	[tilespmem:s24+$0xFFFFFFE0] =	vst v1;
	v1 =	vmul.f32 v11, v5;
	v11 =	vld [tilespmem:s24+$0x50]  }
0x264: {  	[tilespmem:s24+$0xFFFFFFF0] =	vst v6;
	v6 =	vmul.f32 v9, v5;
	v9 =	vld [tilespmem:s24+$0x60]  }
0x265: {  	[tilespmem:s24+$0x0] =	vst v1;
	v1 =	vmul.f32 v7, v5;
	v7 =	vld [tilespmem:s24+$0x70]  }
0x266: {  	[tilespmem:s24+$0x10] =	vst v6;
	v6 =	vmul.f32 v8, v5;
	v8 =	vld [tilespmem:s24+$0x80]  }
0x267: {  	[tilespmem:s24+$0x20] =	vst v1;
	v1 =	vmul.f32 v10, v5;
	v10 =	vld [tilespmem:s24+$0x90]  }
0x268: {  	[tilespmem:s24+$0x30] =	vst v6;
	v6 =	vmul.f32 v11, v5;
	v11 =	vld [tilespmem:s24+$0xA0]  }
0x269: {  	[tilespmem:s24+$0x40] =	vst v1;
	v1 =	vmul.f32 v9, v5;
	v9 =	vld [tilespmem:s24+$0xB0]  }
0x26a: {  	[tilespmem:s24+$0x50] =	vst v6;
	v5 =	vmul.f32 v7, v5;
	v6 =	vld [tilespmem:s24+$0xC0]  }
0x26b: {  	v7 =	vld [tilespmem:s24+$0xD0];
	[tilespmem:s24+$0x60] =	vst v1;
	v1 =	vmul.f32 v8, v4  }
0x26c: {  	v8 =	vld [tilespmem:s24+$0xE0];
	[tilespmem:s24+$0x70] =	vst v5;
	v5 =	vmul.f32 v10, v4  }
0x26d: {  	v10 =	vld [tilespmem:s24+$0xF0];
	[tilespmem:s24+$0x80] =	vst v1;
	v1 =	vmul.f32 v11, v4  }
0x26e: {  	[tilespmem:s24+$0x90] =	vst v5;
	v5 =	vmul.f32 v9, v4;
	v9 =	vld [tilespmem:s24+$0x100]  }
0x26f: {  	[tilespmem:s24+$0xA0] =	vst v1;
	v1 =	vmul.f32 v6, v4;
	v6 =	vld [tilespmem:s24+$0x110]  }
0x270: {  	[tilespmem:s24+$0xB0] =	vst v5;
	v5 =	vmul.f32 v7, v4;
	v7 =	vld [tilespmem:s24+$0x120]  }
0x271: {  	[tilespmem:s24+$0xC0] =	vst v1;
	v1 =	vmul.f32 v8, v4;
	v8 =	vld [tilespmem:s24+$0x130]  }
0x272: {  	v4 =	vmul.f32 v10, v4;
	[tilespmem:s24+$0xD0] =	vst v5;
	v5 =	vld [tilespmem:s24+$0x140]  }
0x273: {  	[tilespmem:s24+$0xE0] =	vst v1;
	v1 =	vmul.f32 v9, v3;
	v9 =	vld [tilespmem:s24+$0x150]  }
0x274: {  	[tilespmem:s24+$0xF0] =	vst v4;
	v4 =	vmul.f32 v6, v3;
	v6 =	vld [tilespmem:s24+$0x160]  }
0x275: {  	[tilespmem:s24+$0x100] =	vst v1;
	v1 =	vmul.f32 v7, v3;
	v7 =	vld [tilespmem:s24+$0x180]  }
0x276: {  	[tilespmem:s24+$0x110] =	vst v4;
	v4 =	vmul.f32 v8, v3;
	v8 =	vld [tilespmem:s24+$0x190]  }
0x277: {  	[tilespmem:s24+$0x120] =	vst v1;
	v1 =	vmul.f32 v5, v3;
	v5 =	vld [tilespmem:s24+$0x1A0]  }
0x278: {  	[tilespmem:s24+$0x130] =	vst v4;
	v4 =	vmul.f32 v9, v3;
	v9 =	vld [tilespmem:s24+$0x1B0]  }
0x279: {  	[tilespmem:s24+$0x140] =	vst v1;
	v1 =	vmul.f32 v6, v3;
	v3 =	vld [tilespmem:s24+$0x1C0]  }
0x27a: {  	v6 =	vld [tilespmem:s24+$0x1D0];
	[tilespmem:s24+$0x150] =	vst v4;
	v4 =	vmul.f32 v7, v2  }
0x27b: {  	v7 =	vld [tilespmem:s24+$0x1E0];
	[tilespmem:s24+$0x160] =	vst v1;
	v1 =	vmul.f32 v8, v2  }
0x27c: {  	[tilespmem:s24+$0x180] =	vst v4;
	v4 =	vmul.f32 v5, v2;
	v5 =	vld [tilespmem:s24+$0x1F0]  }
0x27d: {  	[tilespmem:s24+$0x190] =	vst v1;
	v1 =	vmul.f32 v9, v2  }
0x27e: {  	s7 =	simm.s32 $0x0;
	[tilespmem:s24+$0x1A0] =	vst v4;
	v3 =	vmul.f32 v3, v2  }
0x27f: {  	v4 =	vmov s7;
	[tilespmem:s24+$0x1B0] =	vst v1;
	v1 =	vmul.f32 v6, v2  }
0x280: {  	v4 =	vadd.s32 $0x40, v4;
	[tilespmem:s24+$0x1C0] =	vst v3;
	v3 =	vmul.f32 v7, v2  }
0x281: {  	[tilespmem:s24+$0x1D0] =	vst v1;
	v1 =	vmul.f32 v5, v2;
	v2 =	vand.u32 $0xFFFFFFF8, v4  }
0x282: {  	[tilespmem:s24+$0x1E0] =	vst v3;
	v2 =	vbroadcast v2, $0x0  }
0x283: {  	s8 =	simm.s32 $0x6;
	[tilespmem:s24+$0x1F0] =	vst v1  }
0x284: {  	[spmem:s2] =	stream.indirect.scatter.add.f32 [tilespmem:s31], [sflag:$0x4], $0x80, s4, s10, $0xb8;
	[tilespmem:$0x1FC80] =	vst v63  }
0x285: {  	v6 =	vmov s8;
	_ =	swait.ge [sflag:s26], $0x2000  }
0x286: {  	v4 =	vadd.s32 $0x40, v6;
	[sflag:s26] =	ssyncset.done $0x0  }
0x287: {  	v3 =	vand.u32 $0xFFFFFFFE, v4;
	[sflag:s26] =	ssyncadd.s32 $0xFFFFE000  }
0x288: {  	s20 =	simm.s32 $0x7980;
	v1 =	vbroadcast v3, $0x0;
	v3 =	vld.idx.msk [tilespmem:v2+s16+$0x0], $0xffff  }
0x289: {  	v5 =	vld [tilespmem:s20+$0xFFFFFE00]  }
0x28a: {  	v6 =	vld [tilespmem:s20+$0xFFFFFE10]  }
0x28b: {  	v7 =	vld [tilespmem:s20+$0xFFFFFE20]  }
0x28c: {  	v8 =	vld [tilespmem:s20+$0xFFFFFE30]  }
0x28d: {  	v9 =	vld [tilespmem:s20+$0xFFFFFE40]  }
0x28e: {  	v10 =	vld [tilespmem:s20+$0xFFFFFE50]  }
0x28f: {  	s12 =	simm.s32 $0x1;
	v11 =	vld [tilespmem:s20+$0xFFFFFE60]  }
0x290: {  	v4 =	vmov s12;
	v13 =	vld [tilespmem:s20+$0xFFFFFE80]  }
0x291: {  	v2 =	vld.idx.msk [tilespmem:v1+s16+$0x0], $0xffff;
	v1 =	vadd.s32 $0x40, v4  }
0x292: {  	v14 =	vld [tilespmem:s20+$0xFFFFFE90];
	v1 =	vand.u32 $0xFFFFFFF9, v1  }
0x293: {  	v4 =	vld [tilespmem:s20+$0x170];
	v1 =	vbroadcast v1, $0x0  }
0x294: {  	s24 =	simm.s32 $0x2;
	v15 =	vld [tilespmem:s20+$0xFFFFFEA0];
	v5 =	vmul.f32 v5, v3  }
0x295: {  	v12 =	vmov s24;
	v16 =	vld [tilespmem:s20+$0xFFFFFEB0];
	v8 =	vmul.f32 v8, v3  }
0x296: {  	v9 =	vmul.f32 v9, v3;
	[tilespmem:s20+$0xFFFFFE00] =	vst v5;
	v5 =	vadd.s32 $0x40, v12;
	v12 =	vld [tilespmem:s20+$0xFFFFFE70]  }
0x297: {  	[tilespmem:s20+$0xFFFFFE30] =	vst v8;
	v8 =	vmul.f32 v10, v3;
	v10 =	vld [tilespmem:s20+$0xFFFFFEF0]  }
0x298: {  	v4 =	vmul.f32 v4, v2;
	[tilespmem:s20+$0xFFFFFE40] =	vst v9;
	v9 =	vmul.f32 v11, v3;
	v11 =	vld [tilespmem:s20+$0xFFFFFF00]  }
0x299: {  	v5 =	vand.u32 $0xFFFFFFFA, v5;
	v1 =	vld.idx.msk [tilespmem:v1+s16+$0x0], $0xffff  }
0x29a: {  	[tilespmem:s20+$0x170] =	vst v4;
	v4 =	vmul.f32 v7, v3;
	v7 =	vld [tilespmem:s20+$0xFFFFFEC0];
	v5 =	vbroadcast v5, $0x0  }
0x29b: {  	v6 =	vmul.f32 v6, v3;
	[tilespmem:s20+$0xFFFFFE50] =	vst v8;
	v8 =	vld [tilespmem:s20+$0xFFFFFF10]  }
0x29c: {  	[tilespmem:s20+$0xFFFFFE20] =	vst v4;
	v4 =	vld [tilespmem:s20+$0xFFFFFEE0]  }
0x29d: {  	[tilespmem:s20+$0xFFFFFE10] =	vst v6;
	v3 =	vmul.f32 v12, v3;
	v12 =	vld [tilespmem:s20+$0xFFFFFF20]  }
0x29e: {  	[tilespmem:s20+$0xFFFFFE60] =	vst v9;
	v6 =	vmul.f32 v13, v1;
	v13 =	vld [tilespmem:s20+$0xFFFFFED0]  }
0x29f: {  	s8 =	simm.s32 $0x3;
	v9 =	vmul.f32 v14, v1;
	[tilespmem:s20+$0xFFFFFE70] =	vst v3;
	v14 =	vld [tilespmem:s20+$0xFFFFFF30]  }
0x2a0: {  	v17 =	vmov s8;
	v7 =	vmul.f32 v7, v1;
	v5 =	vld.idx.msk [tilespmem:v5+s16+$0x0], $0xffff;
	[tilespmem:s20+$0xFFFFFE80] =	vst v6  }
0x2a1: {  	v3 =	vmul.f32 v15, v1;
	v15 =	vld [tilespmem:s20+$0xFFFFFF40];
	v6 =	vadd.s32 $0x40, v17;
	[tilespmem:s20+$0xFFFFFE90] =	vst v9;
	v9 =	vmul.f32 v16, v1  }
0x2a2: {  	[tilespmem:s20+$0xFFFFFEC0] =	vst v7;
	v7 =	vld [tilespmem:s20+$0xFFFFFF70];
	v6 =	vand.u32 $0xFFFFFFFB, v6  }
0x2a3: {  	v4 =	vmul.f32 v4, v1;
	v6 =	vbroadcast v6, $0x0;
	[tilespmem:s20+$0xFFFFFEB0] =	vst v9;
	v9 =	vld [tilespmem:s20+$0xFFFFFF60]  }
0x2a4: {  	[tilespmem:s20+$0xFFFFFEA0] =	vst v3;
	v13 =	vmul.f32 v13, v1;
	v1 =	vmul.f32 v10, v1;
	v10 =	vld [tilespmem:s20+$0xFFFFFF80]  }
0x2a5: {  	[tilespmem:s20+$0xFFFFFEE0] =	vst v4;
	v3 =	vmul.f32 v11, v5;
	v11 =	vld [tilespmem:s20+$0xFFFFFF50]  }
0x2a6: {  	s12 =	simm.s32 $0x4;
	v4 =	vmul.f32 v8, v5;
	v8 =	vld [tilespmem:s20+$0xFFFFFF90];
	[tilespmem:s20+$0xFFFFFED0] =	vst v13  }
0x2a7: {  	v16 =	vmov s12;
	[tilespmem:s20+$0xFFFFFEF0] =	vst v1;
	v1 =	vmul.f32 v12, v5;
	v12 =	vld [tilespmem:s20+$0xFFFFFFA0]  }
0x2a8: {  	v13 =	vld [tilespmem:s20+$0xFFFFFFB0];
	[tilespmem:s20+$0xFFFFFF00] =	vst v3;
	v3 =	vadd.s32 $0x40, v16  }
0x2a9: {  	v3 =	vand.u32 $0xFFFFFFFC, v3;
	[tilespmem:s20+$0xFFFFFF20] =	vst v1;
	v1 =	vmul.f32 v15, v5;
	v6 =	vld.idx.msk [tilespmem:v6+s16+$0x0], $0xffff  }
0x2aa: {  	[tilespmem:s20+$0xFFFFFF10] =	vst v4;
	v4 =	vmul.f32 v14, v5;
	v14 =	vld [tilespmem:s20+$0xFFFFFFC0];
	v3 =	vbroadcast v3, $0x0  }
0x2ab: {  	v9 =	vmul.f32 v9, v5;
	[tilespmem:s20+$0xFFFFFF40] =	vst v1;
	v1 =	vld [tilespmem:s20+$0xFFFFFFE0]  }
0x2ac: {  	[tilespmem:s20+$0xFFFFFF30] =	vst v4;
	v11 =	vmul.f32 v11, v5;
	v5 =	vmul.f32 v7, v5;
	v7 =	vld [tilespmem:s20+$0xFFFFFFF0]  }
0x2ad: {  	[tilespmem:s20+$0xFFFFFF60] =	vst v9;
	v9 =	vld [tilespmem:s20+$0x0]  }
0x2ae: {  	[tilespmem:s20+$0xFFFFFF50] =	vst v11;
	v4 =	vmul.f32 v10, v6;
	v10 =	vld [tilespmem:s20+$0xFFFFFFD0]  }
0x2af: {  	s24 =	simm.s32 $0x5;
	[tilespmem:s20+$0xFFFFFF70] =	vst v5;
	v11 =	vld [tilespmem:s20+$0x10];
	v8 =	vmul.f32 v8, v6  }
0x2b0: {  	v15 =	vmov s24;
	v5 =	vmul.f32 v12, v6;
	v3 =	vld.idx.msk [tilespmem:v3+s16+$0x0], $0xffff;
	[tilespmem:s20+$0xFFFFFF80] =	vst v4  }
0x2b1: {  	v12 =	vld [tilespmem:s20+$0x20];
	v4 =	vadd.s32 $0x40, v15;
	[tilespmem:s20+$0xFFFFFF90] =	vst v8;
	v8 =	vmul.f32 v13, v6  }
0x2b2: {  	v1 =	vmul.f32 v1, v6;
	[tilespmem:s20+$0xFFFFFFA0] =	vst v5;
	v5 =	vmul.f32 v14, v6;
	v13 =	vld [tilespmem:s20+$0x30];
	v4 =	vand.u32 $0xFFFFFFFD, v4  }
0x2b3: {  	v4 =	vbroadcast v4, $0x0;
	[tilespmem:s20+$0xFFFFFFB0] =	vst v8;
	v8 =	vmul.f32 v10, v6;
	v10 =	vld [tilespmem:s20+$0x40]  }
0x2b4: {  	[tilespmem:s20+$0xFFFFFFE0] =	vst v1;
	v6 =	vmul.f32 v7, v6;
	v7 =	vld [tilespmem:s20+$0x70]  }
0x2b5: {  	[tilespmem:s20+$0xFFFFFFC0] =	vst v5;
	v5 =	vmul.f32 v9, v3;
	v9 =	vld [tilespmem:s20+$0x50]  }
0x2b6: {  	v1 =	vmul.f32 v11, v3;
	v11 =	vld [tilespmem:s20+$0x80];
	[tilespmem:s20+$0xFFFFFFD0] =	vst v8  }
0x2b7: {  	s8 =	simm.s32 $0x7;
	v8 =	vld [tilespmem:s20+$0x60];
	[tilespmem:s20+$0xFFFFFFF0] =	vst v6  }
0x2b8: {  	v6 =	vmul.f32 v12, v3;
	v12 =	vld [tilespmem:s20+$0x90];
	[tilespmem:s20+$0x0] =	vst v5;
	v5 =	vmov s8  }
0x2b9: {  	[tilespmem:s20+$0x10] =	vst v1;
	v1 =	vmul.f32 v13, v3;
	v5 =	vadd.s32 $0x40, v5;
	v4 =	vld.idx.msk [tilespmem:v4+s16+$0x0], $0xffff  }
0x2ba: {  	[tilespmem:s20+$0x20] =	vst v6;
	v5 =	vbroadcast v5, $0x0;
	v6 =	vmul.f32 v10, v3;
	v10 =	vld [tilespmem:s20+$0xA0]  }
0x2bb: {  	v13 =	vld [tilespmem:s20+$0xD0];
	[tilespmem:s20+$0x30] =	vst v1;
	v1 =	vmul.f32 v9, v3  }
0x2bc: {  	[tilespmem:s20+$0x40] =	vst v6;
	v6 =	vmul.f32 v8, v3;
	v8 =	vld [tilespmem:s20+$0xC0]  }
0x2bd: {  	v9 =	vld [tilespmem:s20+$0xB0];
	v3 =	vmul.f32 v7, v3;
	[tilespmem:s20+$0x50] =	vst v1  }
0x2be: {  	[tilespmem:s20+$0x60] =	vst v6;
	v6 =	vld [tilespmem:s20+$0xE0];
	v11 =	vmul.f32 v11, v4  }
0x2bf: {  	v7 =	vld [tilespmem:s20+$0xF0];
	[tilespmem:s20+$0x70] =	vst v3;
	v3 =	vmul.f32 v10, v4  }
0x2c0: {  	v1 =	vld.idx.msk [tilespmem:v5+s16+$0x0], $0xffff;
	v5 =	vmul.f32 v12, v4;
	[tilespmem:s20+$0x80] =	vst v11  }
0x2c1: {  	[tilespmem:s20+$0xA0] =	vst v3;
	v3 =	vmul.f32 v8, v4;
	v8 =	vld [tilespmem:s20+$0x110]  }
0x2c2: {  	s12 =	simm.s32 $0x8;
	[tilespmem:s20+$0x90] =	vst v5;
	v5 =	vmul.f32 v9, v4;
	v9 =	vld [tilespmem:s20+$0x100]  }
0x2c3: {  	s24 =	simm.s32 $0x9;
	v10 =	vmov s12;
	[tilespmem:s20+$0xC0] =	vst v3;
	v3 =	vmul.f32 v6, v4  }
0x2c4: {  	s12 =	simm.s32 $0xA;
	v10 =	vadd.s32 $0x40, v10;
	v11 =	vmov s24;
	s24 =	simm.s32 $0xB;
	v6 =	vld [tilespmem:s20+$0x130];
	[tilespmem:s20+$0xB0] =	vst v5;
	v5 =	vmul.f32 v13, v4  }
0x2c5: {  	s8 =	simm.s32 $0xF;
	v14 =	vmov s12;
	s12 =	simm.s32 $0xC;
	v15 =	vmov s24;
	s24 =	simm.s32 $0xD;
	v13 =	vld [tilespmem:s20+$0x120];
	v4 =	vmul.f32 v7, v4;
	[tilespmem:s20+$0xE0] =	vst v3  }
0x2c6: {  	v12 =	vmov s8;
	v16 =	vmov s12;
	v17 =	vmov s24;
	[tilespmem:s20+$0xD0] =	vst v5;
	v5 =	vld [tilespmem:s20+$0x140]  }
0x2c7: {  	v7 =	vand.u32 $0xFFFFFFF8, v10;
	[tilespmem:s20+$0xF0] =	vst v4;
	v4 =	vmul.f32 v8, v2;
	v3 =	vmul.f32 v9, v2;
	v9 =	vld [tilespmem:s20+$0x150]  }
0x2c8: {  	v63 =	vld [tilespmem:s20+$0x160];
	v10 =	vadd.s32 $0x40, v12;
	v12 =	vadd.s32 $0x40, v14;
	v14 =	vadd.s32 $0x40, v16  }
0x2c9: {  	v16 =	vadd.s32 $0x40, v17;
	v8 =	vadd.s32 $0x40, v15;
	v15 =	vld [tilespmem:s20+$0x180];
	[tilespmem:s20+$0x110] =	vst v4;
	v17 =	vmul.f32 v6, v2  }
0x2ca: {  	v11 =	vadd.s32 $0x40, v11;
	v6 =	vld [tilespmem:s20+$0x190];
	v4 =	vbroadcast v10, $0x0;
	[tilespmem:s20+$0x100] =	vst v3;
	v13 =	vmul.f32 v13, v2  }
0x2cb: {  	v11 =	vand.u32 $0xFFFFFFF9, v11;
	v3 =	vbroadcast v7, $0x0;
	v7 =	vld [tilespmem:s20+$0x1A0];
	[tilespmem:s20+$0x130] =	vst v17;
	v10 =	vmul.f32 v5, v2  }
0x2cc: {  	v19 =	vand.u32 $0xFFFFFFFA, v12;
	[tilespmem:s20+$0x120] =	vst v13;
	v13 =	vand.u32 $0xFFFFFFFB, v8;
	v8 =	vld [tilespmem:s20+$0x1B0];
	v17 =	vmul.f32 v9, v2  }
0x2cd: {  	v14 =	vand.u32 $0xFFFFFFFC, v14;
	v12 =	vmul.f32 v63, v2;
	v5 =	vbroadcast v11, $0x0;
	v9 =	vld [tilespmem:s20+$0x1C0];
	[tilespmem:s20+$0x140] =	vst v10  }
0x2ce: {  	s12 =	simm.s32 $0xE;
	s24 =	simm.s32 $0x10;
	v11 =	vbroadcast v19, $0x0;
	v15 =	vmul.f32 v15, v1;
	v2 =	vand.u32 $0xFFFFFFFD, v16;
	v10 =	vld [tilespmem:s20+$0x1D0];
	[tilespmem:s20+$0x150] =	vst v17  }
.LBB2_7:
0x2cf: {  	p0 =	slt.u32 s24, $0x38;
	v13 =	vbroadcast v13, $0x0;
	v16 =	vmov s12;
	[tilespmem:s20+$0x160] =	vst v12;
	v6 =	vmul.f32 v6, v1;
	v12 =	vld [tilespmem:s20+$0x1E0]  }
0x2d0: {  	v14 =	vbroadcast v14, $0x0;
	v16 =	vadd.s32 $0x40, v16;
	[tilespmem:s20+$0x180] =	vst v15;
	v7 =	vmul.f32 v7, v1;
	v15 =	vld [tilespmem:s20+$0x1F0]  }
0x2d1: {  	v2 =	vbroadcast v2, $0x0;
	v17 =	vld.idx.msk [tilespmem:v3+s16+$0x0], $0xffff;
	v3 =	vand.u32 $0xFFFFFFFE, v16;
	[tilespmem:s20+$0x190] =	vst v6;
	v6 =	vmul.f32 v8, v1  }
0x2d2: {  	v8 =	vbroadcast v3, $0x0;
	v16 =	vld.idx.msk [tilespmem:v4+s16+$0x0], $0xffff;
	[tilespmem:s20+$0x1A0] =	vst v7;
	v3 =	vmul.f32 v9, v1  }
0x2d3: {  	v7 =	vld.idx.msk [tilespmem:v5+s16+$0x0], $0xffff;
	[tilespmem:s20+$0x1B0] =	vst v6;
	v4 =	vmul.f32 v10, v1  }
0x2d4: {  	v6 =	vld.idx.msk [tilespmem:v11+s16+$0x0], $0xffff;
	[tilespmem:s20+$0x1C0] =	vst v3;
	v3 =	vmul.f32 v12, v1  }
0x2d5: {  	v5 =	vld.idx.msk [tilespmem:v13+s16+$0x0], $0xffff;
	[tilespmem:s20+$0x1D0] =	vst v4;
	v9 =	vmul.f32 v15, v1  }
0x2d6: {  	v4 =	vld.idx.msk [tilespmem:v14+s16+$0x0], $0xffff;
	[tilespmem:s20+$0x1E0] =	vst v3  }
0x2d7: {  	v3 =	vld.idx.msk [tilespmem:v2+s16+$0x0], $0xffff;
	[tilespmem:s20+$0x1F0] =	vst v9  }
0x2d8: {  	s20 =	sadd.s32 $0x400, s20;
	v1 =	vmov v16;
	v2 =	vld.idx.msk [tilespmem:v8+s16+$0x0], $0xffff  }
0x2d9: {  	v8 =	vld [tilespmem:s20+$0x170]  }
0x2da: {  	v9 =	vld [tilespmem:s20+$0xFFFFFE00]  }
0x2db: {  	v10 =	vld [tilespmem:s20+$0xFFFFFE10]  }
0x2dc: {  	v11 =	vld [tilespmem:s20+$0xFFFFFE20]  }
0x2dd: {  	v12 =	vld [tilespmem:s20+$0xFFFFFE30]  }
0x2de: {  	v13 =	vld [tilespmem:s20+$0xFFFFFE40];
	v8 =	vmul.f32 v8, v2  }
0x2df: {  	v9 =	vmul.f32 v9, v17;
	v14 =	vld [tilespmem:s20+$0xFFFFFE50]  }
0x2e0: {  	v10 =	vmul.f32 v10, v17;
	v15 =	vld [tilespmem:s20+$0xFFFFFE60];
	[tilespmem:s20+$0x170] =	vst v8  }
0x2e1: {  	[tilespmem:s20+$0xFFFFFE00] =	vst v9;
	v8 =	vmul.f32 v11, v17;
	v9 =	vld [tilespmem:s20+$0xFFFFFE70]  }
0x2e2: {  	[tilespmem:s20+$0xFFFFFE10] =	vst v10;
	v10 =	vmul.f32 v12, v17;
	v11 =	vld [tilespmem:s20+$0xFFFFFE80]  }
0x2e3: {  	[tilespmem:s20+$0xFFFFFE20] =	vst v8;
	v8 =	vmul.f32 v13, v17;
	v12 =	vld [tilespmem:s20+$0xFFFFFE90]  }
0x2e4: {  	[tilespmem:s20+$0xFFFFFE30] =	vst v10;
	v10 =	vmul.f32 v14, v17;
	v13 =	vld [tilespmem:s20+$0xFFFFFEA0]  }
0x2e5: {  	[tilespmem:s20+$0xFFFFFE40] =	vst v8;
	v8 =	vmul.f32 v15, v17;
	v14 =	vld [tilespmem:s20+$0xFFFFFEB0]  }
0x2e6: {  	[tilespmem:s20+$0xFFFFFE50] =	vst v10;
	v9 =	vmul.f32 v9, v17;
	v10 =	vld [tilespmem:s20+$0xFFFFFEC0]  }
0x2e7: {  	[tilespmem:s20+$0xFFFFFE60] =	vst v8;
	v8 =	vmul.f32 v11, v7;
	v11 =	vld [tilespmem:s20+$0xFFFFFED0]  }
0x2e8: {  	[tilespmem:s20+$0xFFFFFE70] =	vst v9;
	v9 =	vmul.f32 v12, v7;
	v12 =	vld [tilespmem:s20+$0xFFFFFEE0]  }
0x2e9: {  	[tilespmem:s20+$0xFFFFFE80] =	vst v8;
	v8 =	vmul.f32 v13, v7;
	v13 =	vld [tilespmem:s20+$0xFFFFFEF0]  }
0x2ea: {  	[tilespmem:s20+$0xFFFFFE90] =	vst v9;
	v9 =	vmul.f32 v14, v7;
	v14 =	vld [tilespmem:s20+$0xFFFFFF00]  }
0x2eb: {  	[tilespmem:s20+$0xFFFFFEA0] =	vst v8;
	v8 =	vmul.f32 v10, v7;
	v10 =	vld [tilespmem:s20+$0xFFFFFF10]  }
0x2ec: {  	[tilespmem:s20+$0xFFFFFEB0] =	vst v9;
	v9 =	vmul.f32 v11, v7;
	v11 =	vld [tilespmem:s20+$0xFFFFFF20]  }
0x2ed: {  	[tilespmem:s20+$0xFFFFFEC0] =	vst v8;
	v8 =	vmul.f32 v12, v7;
	v12 =	vld [tilespmem:s20+$0xFFFFFF30]  }
0x2ee: {  	[tilespmem:s20+$0xFFFFFED0] =	vst v9;
	v7 =	vmul.f32 v13, v7;
	v9 =	vld [tilespmem:s20+$0xFFFFFF40]  }
0x2ef: {  	[tilespmem:s20+$0xFFFFFEE0] =	vst v8;
	v8 =	vmul.f32 v14, v6;
	v13 =	vld [tilespmem:s20+$0xFFFFFF50]  }
0x2f0: {  	[tilespmem:s20+$0xFFFFFEF0] =	vst v7;
	v7 =	vmul.f32 v10, v6;
	v10 =	vld [tilespmem:s20+$0xFFFFFF60]  }
0x2f1: {  	[tilespmem:s20+$0xFFFFFF00] =	vst v8;
	v8 =	vmul.f32 v11, v6;
	v11 =	vld [tilespmem:s20+$0xFFFFFF70]  }
0x2f2: {  	[tilespmem:s20+$0xFFFFFF10] =	vst v7;
	v7 =	vmul.f32 v12, v6;
	v12 =	vld [tilespmem:s20+$0xFFFFFF80]  }
0x2f3: {  	[tilespmem:s20+$0xFFFFFF20] =	vst v8;
	v8 =	vmul.f32 v9, v6;
	v9 =	vld [tilespmem:s20+$0xFFFFFF90]  }
0x2f4: {  	[tilespmem:s20+$0xFFFFFF30] =	vst v7;
	v7 =	vmul.f32 v13, v6;
	v13 =	vld [tilespmem:s20+$0xFFFFFFA0]  }
0x2f5: {  	[tilespmem:s20+$0xFFFFFF40] =	vst v8;
	v8 =	vmul.f32 v10, v6;
	v10 =	vld [tilespmem:s20+$0xFFFFFFB0]  }
0x2f6: {  	[tilespmem:s20+$0xFFFFFF50] =	vst v7;
	v6 =	vmul.f32 v11, v6;
	v7 =	vld [tilespmem:s20+$0xFFFFFFC0]  }
0x2f7: {  	[tilespmem:s20+$0xFFFFFF60] =	vst v8;
	v8 =	vmul.f32 v12, v5;
	v11 =	vld [tilespmem:s20+$0xFFFFFFD0]  }
0x2f8: {  	[tilespmem:s20+$0xFFFFFF70] =	vst v6;
	v6 =	vmul.f32 v9, v5;
	v9 =	vld [tilespmem:s20+$0xFFFFFFE0]  }
0x2f9: {  	[tilespmem:s20+$0xFFFFFF80] =	vst v8;
	v8 =	vmul.f32 v13, v5;
	v12 =	vld [tilespmem:s20+$0xFFFFFFF0]  }
0x2fa: {  	[tilespmem:s20+$0xFFFFFF90] =	vst v6;
	v6 =	vmul.f32 v10, v5;
	v10 =	vld [tilespmem:s20+$0x0]  }
0x2fb: {  	[tilespmem:s20+$0xFFFFFFA0] =	vst v8;
	v7 =	vmul.f32 v7, v5;
	v8 =	vld [tilespmem:s20+$0x10]  }
0x2fc: {  	[tilespmem:s20+$0xFFFFFFB0] =	vst v6;
	v6 =	vmul.f32 v11, v5;
	v11 =	vld [tilespmem:s20+$0x20]  }
0x2fd: {  	[tilespmem:s20+$0xFFFFFFC0] =	vst v7;
	v7 =	vmul.f32 v9, v5;
	v9 =	vld [tilespmem:s20+$0x30]  }
0x2fe: {  	[tilespmem:s20+$0xFFFFFFD0] =	vst v6;
	v5 =	vmul.f32 v12, v5;
	v6 =	vld [tilespmem:s20+$0x40]  }
0x2ff: {  	[tilespmem:s20+$0xFFFFFFE0] =	vst v7;
	v7 =	vmul.f32 v10, v4;
	v10 =	vld [tilespmem:s20+$0x50]  }
0x300: {  	[tilespmem:s20+$0xFFFFFFF0] =	vst v5;
	v5 =	vmul.f32 v8, v4;
	v8 =	vld [tilespmem:s20+$0x60]  }
0x301: {  	[tilespmem:s20+$0x0] =	vst v7;
	v7 =	vmul.f32 v11, v4;
	v11 =	vld [tilespmem:s20+$0x70]  }
0x302: {  	[tilespmem:s20+$0x10] =	vst v5;
	v5 =	vmul.f32 v9, v4;
	v9 =	vld [tilespmem:s20+$0x80]  }
0x303: {  	[tilespmem:s20+$0x20] =	vst v7;
	v6 =	vmul.f32 v6, v4;
	v7 =	vld [tilespmem:s20+$0x90]  }
0x304: {  	[tilespmem:s20+$0x30] =	vst v5;
	v5 =	vmul.f32 v10, v4;
	v10 =	vld [tilespmem:s20+$0xA0]  }
0x305: {  	[tilespmem:s20+$0x40] =	vst v6;
	v6 =	vmul.f32 v8, v4;
	v8 =	vld [tilespmem:s20+$0xB0]  }
0x306: {  	[tilespmem:s20+$0x50] =	vst v5;
	v4 =	vmul.f32 v11, v4;
	v5 =	vld [tilespmem:s20+$0xC0]  }
0x307: {  	[tilespmem:s20+$0x60] =	vst v6;
	v6 =	vmul.f32 v9, v3;
	v9 =	vld [tilespmem:s20+$0xD0]  }
0x308: {  	[tilespmem:s20+$0x70] =	vst v4;
	v4 =	vmul.f32 v7, v3;
	v7 =	vld [tilespmem:s20+$0xE0]  }
0x309: {  	[tilespmem:s20+$0x80] =	vst v6;
	v6 =	vmul.f32 v10, v3;
	v10 =	vld [tilespmem:s20+$0xF0]  }
0x30a: {  	v11 =	vmov s24;
	[tilespmem:s20+$0x90] =	vst v4;
	v4 =	vmul.f32 v8, v3;
	v8 =	vld [tilespmem:s20+$0x100]  }
0x30b: {  	s7 =	sadd.s32 $0x1, s24;
	s8 =	sadd.s32 $0x7, s24;
	v11 =	vadd.s32 $0x40, v11;
	[tilespmem:s20+$0xA0] =	vst v6;
	v5 =	vmul.f32 v5, v3;
	v6 =	vld [tilespmem:s20+$0x110]  }
0x30c: {  	s12 =	sadd.s32 $0x3, s24;
	v13 =	vmov s8;
	v12 =	vmov s7;
	s7 =	sadd.s32 $0x2, s24;
	[tilespmem:s20+$0xB0] =	vst v4;
	v4 =	vmul.f32 v9, v3;
	v9 =	vld [tilespmem:s20+$0x120]  }
0x30d: {  	v15 =	vmov s12;
	s8 =	sadd.s32 $0x5, s24;
	v14 =	vmov s7;
	s7 =	sadd.s32 $0x4, s24;
	[tilespmem:s20+$0xC0] =	vst v5;
	v5 =	vmul.f32 v7, v3;
	v7 =	vld [tilespmem:s20+$0x130]  }
0x30e: {  	v17 =	vmov s8;
	v16 =	vmov s7;
	[tilespmem:s20+$0xD0] =	vst v4;
	v3 =	vmul.f32 v10, v3;
	v10 =	vld [tilespmem:s20+$0x140]  }
0x30f: {  	v4 =	vand.u32 $0xFFFFFFF8, v11;
	v11 =	vadd.s32 $0x40, v13;
	[tilespmem:s20+$0xE0] =	vst v5;
	v5 =	vmul.f32 v8, v2;
	v8 =	vld [tilespmem:s20+$0x150]  }
0x310: {  	v12 =	vadd.s32 $0x40, v12;
	v13 =	vadd.s32 $0x40, v14;
	[tilespmem:s20+$0xF0] =	vst v3;
	v6 =	vmul.f32 v6, v2;
	v18 =	vld [tilespmem:s20+$0x160]  }
0x311: {  	v14 =	vadd.s32 $0x40, v15;
	v15 =	vadd.s32 $0x40, v16;
	[tilespmem:s20+$0x100] =	vst v5;
	v5 =	vmul.f32 v9, v2;
	v16 =	vld [tilespmem:s20+$0x180]  }
.Ltmp2:
0x312: {  	v17 =	vadd.s32 $0x40, v17;
	v3 =	vbroadcast v4, $0x0;
	[tilespmem:s20+$0x110] =	vst v6;
	v9 =	vmul.f32 v7, v2;
	v6 =	vld [tilespmem:s20+$0x190];
	(pc) =	sbr.rel @p0 .LBB2_7-.Ltmp2, $4  }
0x313: {  	v12 =	vand.u32 $0xFFFFFFF9, v12;
	v4 =	vbroadcast v11, $0x0;
	[tilespmem:s20+$0x120] =	vst v5;
	v10 =	vmul.f32 v10, v2;
	v7 =	vld [tilespmem:s20+$0x1A0]  }
0x314: {  	v11 =	vand.u32 $0xFFFFFFFA, v13;
	v13 =	vand.u32 $0xFFFFFFFB, v14;
	[tilespmem:s20+$0x130] =	vst v9;
	v19 =	vmul.f32 v8, v2;
	v8 =	vld [tilespmem:s20+$0x1B0]  }
0x315: {  	v14 =	vand.u32 $0xFFFFFFFC, v15;
	v5 =	vbroadcast v12, $0x0;
	[tilespmem:s20+$0x140] =	vst v10;
	v12 =	vmul.f32 v18, v2;
	v9 =	vld [tilespmem:s20+$0x1C0]  }
0x316: {  	s12 =	sadd.s32 $0x6, s24;
	s24 =	sadd.s32 $0x8, s24;
	v11 =	vbroadcast v11, $0x0;
	v2 =	vand.u32 $0xFFFFFFFD, v17;
	[tilespmem:s20+$0x150] =	vst v19;
	v15 =	vmul.f32 v16, v1;
	v10 =	vld [tilespmem:s20+$0x1D0]  }
0x317: {  	_ =	sdelay $0x2  }
0x318: {  	v16 =	vld [tilespmem:s20+$0x1E0]  }
0x319: {  	v18 =	vld.idx.msk [tilespmem:v3+s16+$0x0], $0xffff  }
0x31a: {  	v17 =	vmov s12;
	v19 =	vld.idx.msk [tilespmem:v5+s16+$0x0], $0xffff  }
0x31b: {  	[tilespmem:s20+$0x180] =	vst v15;
	v15 =	vadd.s32 $0x40, v17;
	v17 =	vld [tilespmem:s20+$0x1F0]  }
0x31c: {  	v3 =	vbroadcast v2, $0x0;
	v6 =	vmul.f32 v6, v1;
	s24 =	sadd.s32 $0x400, s20;
	v11 =	vld.idx.msk [tilespmem:v11+s16+$0x0], $0xffff;
	v2 =	vand.u32 $0xFFFFFFFE, v15  }
0x31d: {  	v13 =	vbroadcast v13, $0x0;
	[tilespmem:s20+$0x160] =	vst v12;
	v12 =	vld [tilespmem:s24+$0xFFFFFE20];
	v15 =	vbroadcast v2, $0x0  }
0x31e: {  	v7 =	vmul.f32 v7, v1;
	[tilespmem:s20+$0x190] =	vst v6;
	v6 =	vmul.f32 v8, v1;
	v8 =	vld [tilespmem:s24+$0x170]  }
0x31f: {  	v14 =	vbroadcast v14, $0x0;
	v2 =	vld.idx.msk [tilespmem:v4+s16+$0x0], $0xffff  }
0x320: {  	[tilespmem:s20+$0x1A0] =	vst v7;
	v7 =	vmul.f32 v9, v1;
	v9 =	vld [tilespmem:s24+$0xFFFFFE00]  }
0x321: {  	[tilespmem:s20+$0x1B0] =	vst v6;
	v6 =	vmul.f32 v10, v1;
	v10 =	vld [tilespmem:s24+$0xFFFFFE10]  }
0x322: {  	v4 =	vld.idx.msk [tilespmem:v3+s16+$0x0], $0xffff  }
0x323: {  	v3 =	vld.idx.msk [tilespmem:v15+s16+$0x0], $0xffff  }
0x324: {  	[tilespmem:s20+$0x1C0] =	vst v7;
	v7 =	vmul.f32 v16, v1;
	v13 =	vld.idx.msk [tilespmem:v13+s16+$0x0], $0xffff  }
0x325: {  	v5 =	vld.idx.msk [tilespmem:v14+s16+$0x0], $0xffff;
	[tilespmem:s20+$0x1D0] =	vst v6;
	v1 =	vmul.f32 v17, v1  }
0x326: {  	v6 =	vld [tilespmem:s24+$0xFFFFFE30];
	[tilespmem:s20+$0x1E0] =	vst v7  }
0x327: {  	v7 =	vld [tilespmem:s24+$0xFFFFFE40];
	[tilespmem:s20+$0x1F0] =	vst v1;
	v1 =	vmul.f32 v9, v18  }
0x328: {  	v9 =	vld [tilespmem:s24+$0xFFFFFE50];
	v8 =	vmul.f32 v8, v3  }
0x329: {  	v14 =	vld [tilespmem:s24+$0xFFFFFE60];
	v10 =	vmul.f32 v10, v18;
	[tilespmem:s24+$0xFFFFFE00] =	vst v1  }
0x32a: {  	v1 =	vmul.f32 v12, v18;
	[tilespmem:s24+$0x170] =	vst v8;
	v8 =	vld [tilespmem:s24+$0xFFFFFE70]  }
0x32b: {  	[tilespmem:s24+$0xFFFFFE10] =	vst v10;
	v6 =	vmul.f32 v6, v18;
	v10 =	vld [tilespmem:s24+$0xFFFFFE80]  }
0x32c: {  	[tilespmem:s24+$0xFFFFFE20] =	vst v1;
	v1 =	vmul.f32 v7, v18;
	v7 =	vld [tilespmem:s24+$0xFFFFFE90]  }
0x32d: {  	[tilespmem:s24+$0xFFFFFE30] =	vst v6;
	v6 =	vmul.f32 v9, v18;
	v9 =	vld [tilespmem:s24+$0xFFFFFEA0]  }
0x32e: {  	v12 =	vld [tilespmem:s24+$0xFFFFFEB0];
	[tilespmem:s24+$0xFFFFFE40] =	vst v1;
	v1 =	vmul.f32 v14, v18  }
0x32f: {  	[tilespmem:s24+$0xFFFFFE50] =	vst v6;
	v6 =	vmul.f32 v8, v18;
	v8 =	vld [tilespmem:s24+$0xFFFFFEC0]  }
0x330: {  	[tilespmem:s24+$0xFFFFFE60] =	vst v1;
	v1 =	vmul.f32 v10, v19;
	v10 =	vld [tilespmem:s24+$0xFFFFFED0]  }
0x331: {  	[tilespmem:s24+$0xFFFFFE70] =	vst v6;
	v6 =	vmul.f32 v7, v19;
	v7 =	vld [tilespmem:s24+$0xFFFFFEE0]  }
0x332: {  	[tilespmem:s24+$0xFFFFFE80] =	vst v1;
	v1 =	vmul.f32 v9, v19;
	v9 =	vld [tilespmem:s24+$0xFFFFFEF0]  }
0x333: {  	[tilespmem:s24+$0xFFFFFE90] =	vst v6;
	v6 =	vmul.f32 v12, v19;
	v12 =	vld [tilespmem:s24+$0xFFFFFF00]  }
0x334: {  	[tilespmem:s24+$0xFFFFFEA0] =	vst v1;
	v1 =	vmul.f32 v8, v19;
	v8 =	vld [tilespmem:s24+$0xFFFFFF10]  }
0x335: {  	[tilespmem:s24+$0xFFFFFEB0] =	vst v6;
	v6 =	vmul.f32 v10, v19;
	v10 =	vld [tilespmem:s24+$0xFFFFFF20]  }
0x336: {  	[tilespmem:s24+$0xFFFFFEC0] =	vst v1;
	v1 =	vmul.f32 v7, v19;
	v7 =	vld [tilespmem:s24+$0xFFFFFF30]  }
0x337: {  	[tilespmem:s24+$0xFFFFFED0] =	vst v6;
	v6 =	vmul.f32 v9, v19;
	v9 =	vld [tilespmem:s24+$0xFFFFFF40]  }
0x338: {  	[tilespmem:s24+$0xFFFFFEE0] =	vst v1;
	v1 =	vmul.f32 v12, v11;
	v12 =	vld [tilespmem:s24+$0xFFFFFF50]  }
0x339: {  	[tilespmem:s24+$0xFFFFFEF0] =	vst v6;
	v6 =	vmul.f32 v8, v11;
	v8 =	vld [tilespmem:s24+$0xFFFFFF60]  }
0x33a: {  	[tilespmem:s24+$0xFFFFFF00] =	vst v1;
	v1 =	vmul.f32 v10, v11;
	v10 =	vld [tilespmem:s24+$0xFFFFFF70]  }
0x33b: {  	[tilespmem:s24+$0xFFFFFF10] =	vst v6;
	v6 =	vmul.f32 v7, v11;
	v7 =	vld [tilespmem:s24+$0xFFFFFF80]  }
0x33c: {  	[tilespmem:s24+$0xFFFFFF20] =	vst v1;
	v1 =	vmul.f32 v9, v11;
	v9 =	vld [tilespmem:s24+$0xFFFFFF90]  }
0x33d: {  	[tilespmem:s24+$0xFFFFFF30] =	vst v6;
	v6 =	vmul.f32 v12, v11;
	v12 =	vld [tilespmem:s24+$0xFFFFFFA0]  }
0x33e: {  	[tilespmem:s24+$0xFFFFFF40] =	vst v1;
	v1 =	vmul.f32 v8, v11;
	v8 =	vld [tilespmem:s24+$0xFFFFFFB0]  }
0x33f: {  	[tilespmem:s24+$0xFFFFFF50] =	vst v6;
	v6 =	vmul.f32 v10, v11;
	v10 =	vld [tilespmem:s24+$0xFFFFFFC0]  }
0x340: {  	[tilespmem:s24+$0xFFFFFF60] =	vst v1;
	v1 =	vmul.f32 v7, v13;
	v7 =	vld [tilespmem:s24+$0xFFFFFFD0]  }
0x341: {  	[tilespmem:s24+$0xFFFFFF70] =	vst v6;
	v6 =	vmul.f32 v9, v13;
	v9 =	vld [tilespmem:s24+$0xFFFFFFE0]  }
0x342: {  	v11 =	vld [tilespmem:s24+$0xFFFFFFF0];
	[tilespmem:s24+$0xFFFFFF80] =	vst v1;
	v1 =	vmul.f32 v12, v13  }
0x343: {  	[tilespmem:s24+$0xFFFFFF90] =	vst v6;
	v6 =	vmul.f32 v8, v13;
	v8 =	vld [tilespmem:s24+$0x0]  }
0x344: {  	[tilespmem:s24+$0xFFFFFFA0] =	vst v1;
	v1 =	vmul.f32 v10, v13;
	v10 =	vld [tilespmem:s24+$0x10]  }
0x345: {  	[tilespmem:s24+$0xFFFFFFB0] =	vst v6;
	v6 =	vmul.f32 v7, v13;
	v7 =	vld [tilespmem:s24+$0x20]  }
0x346: {  	[tilespmem:s24+$0xFFFFFFC0] =	vst v1;
	v1 =	vmul.f32 v9, v13;
	v9 =	vld [tilespmem:s24+$0x30]  }
0x347: {  	[tilespmem:s24+$0xFFFFFFD0] =	vst v6;
	v6 =	vmul.f32 v11, v13;
	v11 =	vld [tilespmem:s24+$0x40]  }
0x348: {  	[tilespmem:s24+$0xFFFFFFE0] =	vst v1;
	v1 =	vmul.f32 v8, v5;
	v8 =	vld [tilespmem:s24+$0x50]  }
0x349: {  	[tilespmem:s24+$0xFFFFFFF0] =	vst v6;
	v6 =	vmul.f32 v10, v5;
	v10 =	vld [tilespmem:s24+$0x60]  }
0x34a: {  	[tilespmem:s24+$0x0] =	vst v1;
	v1 =	vmul.f32 v7, v5;
	v7 =	vld [tilespmem:s24+$0x70]  }
0x34b: {  	[tilespmem:s24+$0x10] =	vst v6;
	v6 =	vmul.f32 v9, v5;
	v9 =	vld [tilespmem:s24+$0x80]  }
0x34c: {  	[tilespmem:s24+$0x20] =	vst v1;
	v1 =	vmul.f32 v11, v5;
	v11 =	vld [tilespmem:s24+$0x90]  }
0x34d: {  	[tilespmem:s24+$0x30] =	vst v6;
	v6 =	vmul.f32 v8, v5;
	v8 =	vld [tilespmem:s24+$0xA0]  }
0x34e: {  	[tilespmem:s24+$0x40] =	vst v1;
	v1 =	vmul.f32 v10, v5;
	v10 =	vld [tilespmem:s24+$0xB0]  }
0x34f: {  	[tilespmem:s24+$0x50] =	vst v6;
	v5 =	vmul.f32 v7, v5;
	v6 =	vld [tilespmem:s24+$0xC0]  }
0x350: {  	v7 =	vld [tilespmem:s24+$0xD0];
	[tilespmem:s24+$0x60] =	vst v1;
	v1 =	vmul.f32 v9, v4  }
0x351: {  	v9 =	vld [tilespmem:s24+$0xE0];
	[tilespmem:s24+$0x70] =	vst v5;
	v5 =	vmul.f32 v11, v4  }
0x352: {  	[tilespmem:s24+$0x80] =	vst v1;
	v1 =	vmul.f32 v8, v4;
	v8 =	vld [tilespmem:s24+$0xF0]  }
0x353: {  	[tilespmem:s24+$0x90] =	vst v5;
	v5 =	vmul.f32 v10, v4;
	v10 =	vld [tilespmem:s24+$0x100]  }
0x354: {  	[tilespmem:s24+$0xA0] =	vst v1;
	v1 =	vmul.f32 v6, v4;
	v6 =	vld [tilespmem:s24+$0x110]  }
0x355: {  	[tilespmem:s24+$0xB0] =	vst v5;
	v5 =	vmul.f32 v7, v4;
	v7 =	vld [tilespmem:s24+$0x120]  }
0x356: {  	[tilespmem:s24+$0xC0] =	vst v1;
	v1 =	vmul.f32 v9, v4;
	v9 =	vld [tilespmem:s24+$0x130]  }
0x357: {  	[tilespmem:s24+$0xD0] =	vst v5;
	v4 =	vmul.f32 v8, v4;
	v5 =	vld [tilespmem:s24+$0x140]  }
0x358: {  	v8 =	vld [tilespmem:s24+$0x150];
	[tilespmem:s24+$0xE0] =	vst v1;
	v1 =	vmul.f32 v10, v3  }
0x359: {  	[tilespmem:s24+$0xF0] =	vst v4;
	v4 =	vmul.f32 v6, v3;
	v6 =	vld [tilespmem:s24+$0x160]  }
0x35a: {  	[tilespmem:s24+$0x100] =	vst v1;
	v1 =	vmul.f32 v7, v3;
	v7 =	vld [tilespmem:s24+$0x180]  }
0x35b: {  	[tilespmem:s24+$0x110] =	vst v4;
	v4 =	vmul.f32 v9, v3;
	v9 =	vld [tilespmem:s24+$0x190]  }
0x35c: {  	[tilespmem:s24+$0x120] =	vst v1;
	v1 =	vmul.f32 v5, v3;
	v5 =	vld [tilespmem:s24+$0x1A0]  }
0x35d: {  	[tilespmem:s24+$0x130] =	vst v4;
	v4 =	vmul.f32 v8, v3;
	v8 =	vld [tilespmem:s24+$0x1B0]  }
0x35e: {  	[tilespmem:s24+$0x140] =	vst v1;
	v1 =	vmul.f32 v6, v3;
	v3 =	vld [tilespmem:s24+$0x1C0]  }
0x35f: {  	v6 =	vld [tilespmem:s24+$0x1D0];
	[tilespmem:s24+$0x150] =	vst v4;
	v4 =	vmul.f32 v7, v2  }
0x360: {  	v7 =	vld [tilespmem:s24+$0x1E0];
	[tilespmem:s24+$0x160] =	vst v1;
	v1 =	vmul.f32 v9, v2  }
0x361: {  	[tilespmem:s24+$0x180] =	vst v4;
	v4 =	vmul.f32 v5, v2;
	v5 =	vld [tilespmem:s24+$0x1F0]  }
0x362: {  	[tilespmem:s24+$0x190] =	vst v1;
	v1 =	vmul.f32 v8, v2  }
0x363: {  	s7 =	simm.s32 $0x0;
	[tilespmem:s24+$0x1A0] =	vst v4;
	v3 =	vmul.f32 v3, v2  }
0x364: {  	v4 =	vmov s7;
	[tilespmem:s24+$0x1B0] =	vst v1;
	v1 =	vmul.f32 v6, v2  }
0x365: {  	v4 =	vadd.s32 $0x80, v4;
	[tilespmem:s24+$0x1C0] =	vst v3;
	v3 =	vmul.f32 v7, v2  }
0x366: {  	[tilespmem:s24+$0x1D0] =	vst v1;
	v1 =	vmul.f32 v5, v2;
	v2 =	vand.u32 $0xFFFFFFF8, v4  }
0x367: {  	[tilespmem:s24+$0x1E0] =	vst v3;
	v2 =	vbroadcast v2, $0x0  }
0x368: {  	s8 =	simm.s32 $0x6;
	[tilespmem:s24+$0x1F0] =	vst v1  }
0x369: {  	[spmem:s2] =	stream.indirect.scatter.add.f32 [tilespmem:s13], [sflag:$0x5], $0x80, s17, s10, $0xb8;
	[tilespmem:$0x1FC80] =	vst v63  }
0x36a: {  	v6 =	vmov s8;
	_ =	swait.ge [sflag:s5], $0x2000  }
0x36b: {  	v4 =	vadd.s32 $0x80, v6;
	[sflag:s5] =	ssyncset.done $0x0  }
0x36c: {  	v3 =	vand.u32 $0xFFFFFFFE, v4;
	[sflag:s5] =	ssyncadd.s32 $0xFFFFE000  }
0x36d: {  	s20 =	simm.s32 $0x9980;
	v1 =	vbroadcast v3, $0x0;
	v3 =	vld.idx.msk [tilespmem:v2+s16+$0x0], $0xffff  }
0x36e: {  	v5 =	vld [tilespmem:s20+$0xFFFFFE00]  }
0x36f: {  	v6 =	vld [tilespmem:s20+$0xFFFFFE10]  }
0x370: {  	v7 =	vld [tilespmem:s20+$0xFFFFFE20]  }
0x371: {  	v8 =	vld [tilespmem:s20+$0xFFFFFE30]  }
0x372: {  	v9 =	vld [tilespmem:s20+$0xFFFFFE40]  }
0x373: {  	v10 =	vld [tilespmem:s20+$0xFFFFFE50]  }
0x374: {  	s12 =	simm.s32 $0x1;
	v11 =	vld [tilespmem:s20+$0xFFFFFE60]  }
0x375: {  	v4 =	vmov s12;
	v13 =	vld [tilespmem:s20+$0xFFFFFE80]  }
0x376: {  	v2 =	vld.idx.msk [tilespmem:v1+s16+$0x0], $0xffff;
	v1 =	vadd.s32 $0x80, v4  }
0x377: {  	v14 =	vld [tilespmem:s20+$0xFFFFFE90];
	v1 =	vand.u32 $0xFFFFFFF9, v1  }
0x378: {  	v4 =	vld [tilespmem:s20+$0x170];
	v1 =	vbroadcast v1, $0x0  }
0x379: {  	s24 =	simm.s32 $0x2;
	v15 =	vld [tilespmem:s20+$0xFFFFFEA0];
	v5 =	vmul.f32 v5, v3  }
0x37a: {  	v12 =	vmov s24;
	v16 =	vld [tilespmem:s20+$0xFFFFFEB0];
	v8 =	vmul.f32 v8, v3  }
0x37b: {  	v9 =	vmul.f32 v9, v3;
	[tilespmem:s20+$0xFFFFFE00] =	vst v5;
	v5 =	vadd.s32 $0x80, v12;
	v12 =	vld [tilespmem:s20+$0xFFFFFE70]  }
0x37c: {  	[tilespmem:s20+$0xFFFFFE30] =	vst v8;
	v8 =	vmul.f32 v10, v3;
	v10 =	vld [tilespmem:s20+$0xFFFFFEF0]  }
0x37d: {  	v4 =	vmul.f32 v4, v2;
	[tilespmem:s20+$0xFFFFFE40] =	vst v9;
	v9 =	vmul.f32 v11, v3;
	v11 =	vld [tilespmem:s20+$0xFFFFFF00]  }
0x37e: {  	v5 =	vand.u32 $0xFFFFFFFA, v5;
	v1 =	vld.idx.msk [tilespmem:v1+s16+$0x0], $0xffff  }
0x37f: {  	[tilespmem:s20+$0x170] =	vst v4;
	v4 =	vmul.f32 v7, v3;
	v7 =	vld [tilespmem:s20+$0xFFFFFEC0];
	v5 =	vbroadcast v5, $0x0  }
0x380: {  	v6 =	vmul.f32 v6, v3;
	[tilespmem:s20+$0xFFFFFE50] =	vst v8;
	v8 =	vld [tilespmem:s20+$0xFFFFFF10]  }
0x381: {  	[tilespmem:s20+$0xFFFFFE20] =	vst v4;
	v4 =	vld [tilespmem:s20+$0xFFFFFEE0]  }
0x382: {  	[tilespmem:s20+$0xFFFFFE10] =	vst v6;
	v3 =	vmul.f32 v12, v3;
	v12 =	vld [tilespmem:s20+$0xFFFFFF20]  }
0x383: {  	[tilespmem:s20+$0xFFFFFE60] =	vst v9;
	v6 =	vmul.f32 v13, v1;
	v13 =	vld [tilespmem:s20+$0xFFFFFED0]  }
0x384: {  	s8 =	simm.s32 $0x3;
	v9 =	vmul.f32 v14, v1;
	[tilespmem:s20+$0xFFFFFE70] =	vst v3;
	v14 =	vld [tilespmem:s20+$0xFFFFFF30]  }
0x385: {  	v17 =	vmov s8;
	v7 =	vmul.f32 v7, v1;
	v5 =	vld.idx.msk [tilespmem:v5+s16+$0x0], $0xffff;
	[tilespmem:s20+$0xFFFFFE80] =	vst v6  }
0x386: {  	v3 =	vmul.f32 v15, v1;
	v15 =	vld [tilespmem:s20+$0xFFFFFF40];
	v6 =	vadd.s32 $0x80, v17;
	[tilespmem:s20+$0xFFFFFE90] =	vst v9;
	v9 =	vmul.f32 v16, v1  }
0x387: {  	[tilespmem:s20+$0xFFFFFEC0] =	vst v7;
	v7 =	vld [tilespmem:s20+$0xFFFFFF70];
	v6 =	vand.u32 $0xFFFFFFFB, v6  }
0x388: {  	v4 =	vmul.f32 v4, v1;
	v6 =	vbroadcast v6, $0x0;
	[tilespmem:s20+$0xFFFFFEB0] =	vst v9;
	v9 =	vld [tilespmem:s20+$0xFFFFFF60]  }
0x389: {  	[tilespmem:s20+$0xFFFFFEA0] =	vst v3;
	v13 =	vmul.f32 v13, v1;
	v1 =	vmul.f32 v10, v1;
	v10 =	vld [tilespmem:s20+$0xFFFFFF80]  }
0x38a: {  	[tilespmem:s20+$0xFFFFFEE0] =	vst v4;
	v3 =	vmul.f32 v11, v5;
	v11 =	vld [tilespmem:s20+$0xFFFFFF50]  }
0x38b: {  	s12 =	simm.s32 $0x4;
	v4 =	vmul.f32 v8, v5;
	v8 =	vld [tilespmem:s20+$0xFFFFFF90];
	[tilespmem:s20+$0xFFFFFED0] =	vst v13  }
0x38c: {  	v16 =	vmov s12;
	[tilespmem:s20+$0xFFFFFEF0] =	vst v1;
	v1 =	vmul.f32 v12, v5;
	v12 =	vld [tilespmem:s20+$0xFFFFFFA0]  }
0x38d: {  	v13 =	vld [tilespmem:s20+$0xFFFFFFB0];
	[tilespmem:s20+$0xFFFFFF00] =	vst v3;
	v3 =	vadd.s32 $0x80, v16  }
0x38e: {  	v3 =	vand.u32 $0xFFFFFFFC, v3;
	[tilespmem:s20+$0xFFFFFF20] =	vst v1;
	v1 =	vmul.f32 v15, v5;
	v6 =	vld.idx.msk [tilespmem:v6+s16+$0x0], $0xffff  }
0x38f: {  	[tilespmem:s20+$0xFFFFFF10] =	vst v4;
	v4 =	vmul.f32 v14, v5;
	v14 =	vld [tilespmem:s20+$0xFFFFFFC0];
	v3 =	vbroadcast v3, $0x0  }
0x390: {  	v9 =	vmul.f32 v9, v5;
	[tilespmem:s20+$0xFFFFFF40] =	vst v1;
	v1 =	vld [tilespmem:s20+$0xFFFFFFE0]  }
0x391: {  	[tilespmem:s20+$0xFFFFFF30] =	vst v4;
	v11 =	vmul.f32 v11, v5;
	v5 =	vmul.f32 v7, v5;
	v7 =	vld [tilespmem:s20+$0xFFFFFFF0]  }
0x392: {  	[tilespmem:s20+$0xFFFFFF60] =	vst v9;
	v9 =	vld [tilespmem:s20+$0x0]  }
0x393: {  	[tilespmem:s20+$0xFFFFFF50] =	vst v11;
	v4 =	vmul.f32 v10, v6;
	v10 =	vld [tilespmem:s20+$0xFFFFFFD0]  }
0x394: {  	s24 =	simm.s32 $0x5;
	[tilespmem:s20+$0xFFFFFF70] =	vst v5;
	v11 =	vld [tilespmem:s20+$0x10];
	v8 =	vmul.f32 v8, v6  }
0x395: {  	v15 =	vmov s24;
	v5 =	vmul.f32 v12, v6;
	v3 =	vld.idx.msk [tilespmem:v3+s16+$0x0], $0xffff;
	[tilespmem:s20+$0xFFFFFF80] =	vst v4  }
0x396: {  	v12 =	vld [tilespmem:s20+$0x20];
	v4 =	vadd.s32 $0x80, v15;
	[tilespmem:s20+$0xFFFFFF90] =	vst v8;
	v8 =	vmul.f32 v13, v6  }
0x397: {  	v1 =	vmul.f32 v1, v6;
	[tilespmem:s20+$0xFFFFFFA0] =	vst v5;
	v5 =	vmul.f32 v14, v6;
	v13 =	vld [tilespmem:s20+$0x30];
	v4 =	vand.u32 $0xFFFFFFFD, v4  }
0x398: {  	v4 =	vbroadcast v4, $0x0;
	[tilespmem:s20+$0xFFFFFFB0] =	vst v8;
	v8 =	vmul.f32 v10, v6;
	v10 =	vld [tilespmem:s20+$0x40]  }
0x399: {  	[tilespmem:s20+$0xFFFFFFE0] =	vst v1;
	v6 =	vmul.f32 v7, v6;
	v7 =	vld [tilespmem:s20+$0x70]  }
0x39a: {  	[tilespmem:s20+$0xFFFFFFC0] =	vst v5;
	v5 =	vmul.f32 v9, v3;
	v9 =	vld [tilespmem:s20+$0x50]  }
0x39b: {  	v1 =	vmul.f32 v11, v3;
	v11 =	vld [tilespmem:s20+$0x80];
	[tilespmem:s20+$0xFFFFFFD0] =	vst v8  }
0x39c: {  	s8 =	simm.s32 $0x7;
	v8 =	vld [tilespmem:s20+$0x60];
	[tilespmem:s20+$0xFFFFFFF0] =	vst v6  }
0x39d: {  	v6 =	vmul.f32 v12, v3;
	v12 =	vld [tilespmem:s20+$0x90];
	[tilespmem:s20+$0x0] =	vst v5;
	v5 =	vmov s8  }
0x39e: {  	[tilespmem:s20+$0x10] =	vst v1;
	v1 =	vmul.f32 v13, v3;
	v5 =	vadd.s32 $0x80, v5;
	v4 =	vld.idx.msk [tilespmem:v4+s16+$0x0], $0xffff  }
0x39f: {  	[tilespmem:s20+$0x20] =	vst v6;
	v5 =	vbroadcast v5, $0x0;
	v6 =	vmul.f32 v10, v3;
	v10 =	vld [tilespmem:s20+$0xA0]  }
0x3a0: {  	v13 =	vld [tilespmem:s20+$0xD0];
	[tilespmem:s20+$0x30] =	vst v1;
	v1 =	vmul.f32 v9, v3  }
0x3a1: {  	[tilespmem:s20+$0x40] =	vst v6;
	v6 =	vmul.f32 v8, v3;
	v8 =	vld [tilespmem:s20+$0xC0]  }
0x3a2: {  	v9 =	vld [tilespmem:s20+$0xB0];
	v3 =	vmul.f32 v7, v3;
	[tilespmem:s20+$0x50] =	vst v1  }
0x3a3: {  	[tilespmem:s20+$0x60] =	vst v6;
	v6 =	vld [tilespmem:s20+$0xE0];
	v11 =	vmul.f32 v11, v4  }
0x3a4: {  	v7 =	vld [tilespmem:s20+$0xF0];
	[tilespmem:s20+$0x70] =	vst v3;
	v3 =	vmul.f32 v10, v4  }
0x3a5: {  	v1 =	vld.idx.msk [tilespmem:v5+s16+$0x0], $0xffff;
	v5 =	vmul.f32 v12, v4;
	[tilespmem:s20+$0x80] =	vst v11  }
0x3a6: {  	[tilespmem:s20+$0xA0] =	vst v3;
	v3 =	vmul.f32 v8, v4;
	v8 =	vld [tilespmem:s20+$0x110]  }
0x3a7: {  	s12 =	simm.s32 $0x8;
	[tilespmem:s20+$0x90] =	vst v5;
	v5 =	vmul.f32 v9, v4;
	v9 =	vld [tilespmem:s20+$0x100]  }
0x3a8: {  	s24 =	simm.s32 $0x9;
	v10 =	vmov s12;
	[tilespmem:s20+$0xC0] =	vst v3;
	v3 =	vmul.f32 v6, v4  }
0x3a9: {  	s12 =	simm.s32 $0xA;
	v10 =	vadd.s32 $0x80, v10;
	v11 =	vmov s24;
	s24 =	simm.s32 $0xB;
	v6 =	vld [tilespmem:s20+$0x130];
	[tilespmem:s20+$0xB0] =	vst v5;
	v5 =	vmul.f32 v13, v4  }
0x3aa: {  	s8 =	simm.s32 $0xF;
	v14 =	vmov s12;
	s12 =	simm.s32 $0xC;
	v15 =	vmov s24;
	s24 =	simm.s32 $0xD;
	v13 =	vld [tilespmem:s20+$0x120];
	v4 =	vmul.f32 v7, v4;
	[tilespmem:s20+$0xE0] =	vst v3  }
0x3ab: {  	v12 =	vmov s8;
	v16 =	vmov s12;
	v17 =	vmov s24;
	[tilespmem:s20+$0xD0] =	vst v5;
	v5 =	vld [tilespmem:s20+$0x140]  }
0x3ac: {  	v7 =	vand.u32 $0xFFFFFFF8, v10;
	[tilespmem:s20+$0xF0] =	vst v4;
	v4 =	vmul.f32 v8, v2;
	v3 =	vmul.f32 v9, v2;
	v9 =	vld [tilespmem:s20+$0x150]  }
0x3ad: {  	v62 =	vld [tilespmem:s20+$0x160];
	v10 =	vadd.s32 $0x80, v12;
	v12 =	vadd.s32 $0x80, v14;
	v14 =	vadd.s32 $0x80, v16  }
0x3ae: {  	v16 =	vadd.s32 $0x80, v17;
	v8 =	vadd.s32 $0x80, v15;
	v15 =	vld [tilespmem:s20+$0x180];
	[tilespmem:s20+$0x110] =	vst v4;
	v17 =	vmul.f32 v6, v2  }
0x3af: {  	v11 =	vadd.s32 $0x80, v11;
	v6 =	vld [tilespmem:s20+$0x190];
	v4 =	vbroadcast v10, $0x0;
	[tilespmem:s20+$0x100] =	vst v3;
	v13 =	vmul.f32 v13, v2  }
0x3b0: {  	v11 =	vand.u32 $0xFFFFFFF9, v11;
	v3 =	vbroadcast v7, $0x0;
	v7 =	vld [tilespmem:s20+$0x1A0];
	[tilespmem:s20+$0x130] =	vst v17;
	v10 =	vmul.f32 v5, v2  }
0x3b1: {  	v63 =	vand.u32 $0xFFFFFFFA, v12;
	[tilespmem:s20+$0x120] =	vst v13;
	v13 =	vand.u32 $0xFFFFFFFB, v8;
	v8 =	vld [tilespmem:s20+$0x1B0];
	v17 =	vmul.f32 v9, v2  }
0x3b2: {  	v14 =	vand.u32 $0xFFFFFFFC, v14;
	v12 =	vmul.f32 v62, v2;
	v5 =	vbroadcast v11, $0x0;
	v9 =	vld [tilespmem:s20+$0x1C0];
	[tilespmem:s20+$0x140] =	vst v10  }
0x3b3: {  	s12 =	simm.s32 $0xE;
	s24 =	simm.s32 $0x10;
	v11 =	vbroadcast v63, $0x0;
	v15 =	vmul.f32 v15, v1;
	v2 =	vand.u32 $0xFFFFFFFD, v16;
	v10 =	vld [tilespmem:s20+$0x1D0];
	[tilespmem:s20+$0x150] =	vst v17  }
.LBB2_9:
0x3b4: {  	p0 =	slt.u32 s24, $0x38;
	v13 =	vbroadcast v13, $0x0;
	v16 =	vmov s12;
	[tilespmem:s20+$0x160] =	vst v12;
	v6 =	vmul.f32 v6, v1;
	v12 =	vld [tilespmem:s20+$0x1E0]  }
0x3b5: {  	v14 =	vbroadcast v14, $0x0;
	v16 =	vadd.s32 $0x80, v16;
	[tilespmem:s20+$0x180] =	vst v15;
	v7 =	vmul.f32 v7, v1;
	v15 =	vld [tilespmem:s20+$0x1F0]  }
0x3b6: {  	v2 =	vbroadcast v2, $0x0;
	v17 =	vld.idx.msk [tilespmem:v3+s16+$0x0], $0xffff;
	v3 =	vand.u32 $0xFFFFFFFE, v16;
	[tilespmem:s20+$0x190] =	vst v6;
	v6 =	vmul.f32 v8, v1  }
0x3b7: {  	v8 =	vbroadcast v3, $0x0;
	v16 =	vld.idx.msk [tilespmem:v4+s16+$0x0], $0xffff;
	[tilespmem:s20+$0x1A0] =	vst v7;
	v3 =	vmul.f32 v9, v1  }
0x3b8: {  	v7 =	vld.idx.msk [tilespmem:v5+s16+$0x0], $0xffff;
	[tilespmem:s20+$0x1B0] =	vst v6;
	v4 =	vmul.f32 v10, v1  }
0x3b9: {  	v6 =	vld.idx.msk [tilespmem:v11+s16+$0x0], $0xffff;
	[tilespmem:s20+$0x1C0] =	vst v3;
	v3 =	vmul.f32 v12, v1  }
0x3ba: {  	v5 =	vld.idx.msk [tilespmem:v13+s16+$0x0], $0xffff;
	[tilespmem:s20+$0x1D0] =	vst v4;
	v9 =	vmul.f32 v15, v1  }
0x3bb: {  	v4 =	vld.idx.msk [tilespmem:v14+s16+$0x0], $0xffff;
	[tilespmem:s20+$0x1E0] =	vst v3  }
0x3bc: {  	v3 =	vld.idx.msk [tilespmem:v2+s16+$0x0], $0xffff;
	[tilespmem:s20+$0x1F0] =	vst v9  }
0x3bd: {  	s20 =	sadd.s32 $0x400, s20;
	v1 =	vmov v16;
	v2 =	vld.idx.msk [tilespmem:v8+s16+$0x0], $0xffff  }
0x3be: {  	v8 =	vld [tilespmem:s20+$0x170]  }
0x3bf: {  	v9 =	vld [tilespmem:s20+$0xFFFFFE00]  }
0x3c0: {  	v10 =	vld [tilespmem:s20+$0xFFFFFE10]  }
0x3c1: {  	v11 =	vld [tilespmem:s20+$0xFFFFFE20]  }
0x3c2: {  	v12 =	vld [tilespmem:s20+$0xFFFFFE30]  }
0x3c3: {  	v13 =	vld [tilespmem:s20+$0xFFFFFE40];
	v8 =	vmul.f32 v8, v2  }
0x3c4: {  	v9 =	vmul.f32 v9, v17;
	v14 =	vld [tilespmem:s20+$0xFFFFFE50]  }
0x3c5: {  	v10 =	vmul.f32 v10, v17;
	v15 =	vld [tilespmem:s20+$0xFFFFFE60];
	[tilespmem:s20+$0x170] =	vst v8  }
0x3c6: {  	[tilespmem:s20+$0xFFFFFE00] =	vst v9;
	v8 =	vmul.f32 v11, v17;
	v9 =	vld [tilespmem:s20+$0xFFFFFE70]  }
0x3c7: {  	[tilespmem:s20+$0xFFFFFE10] =	vst v10;
	v10 =	vmul.f32 v12, v17;
	v11 =	vld [tilespmem:s20+$0xFFFFFE80]  }
0x3c8: {  	[tilespmem:s20+$0xFFFFFE20] =	vst v8;
	v8 =	vmul.f32 v13, v17;
	v12 =	vld [tilespmem:s20+$0xFFFFFE90]  }
0x3c9: {  	[tilespmem:s20+$0xFFFFFE30] =	vst v10;
	v10 =	vmul.f32 v14, v17;
	v13 =	vld [tilespmem:s20+$0xFFFFFEA0]  }
0x3ca: {  	[tilespmem:s20+$0xFFFFFE40] =	vst v8;
	v8 =	vmul.f32 v15, v17;
	v14 =	vld [tilespmem:s20+$0xFFFFFEB0]  }
0x3cb: {  	[tilespmem:s20+$0xFFFFFE50] =	vst v10;
	v9 =	vmul.f32 v9, v17;
	v10 =	vld [tilespmem:s20+$0xFFFFFEC0]  }
0x3cc: {  	[tilespmem:s20+$0xFFFFFE60] =	vst v8;
	v8 =	vmul.f32 v11, v7;
	v11 =	vld [tilespmem:s20+$0xFFFFFED0]  }
0x3cd: {  	[tilespmem:s20+$0xFFFFFE70] =	vst v9;
	v9 =	vmul.f32 v12, v7;
	v12 =	vld [tilespmem:s20+$0xFFFFFEE0]  }
0x3ce: {  	[tilespmem:s20+$0xFFFFFE80] =	vst v8;
	v8 =	vmul.f32 v13, v7;
	v13 =	vld [tilespmem:s20+$0xFFFFFEF0]  }
0x3cf: {  	[tilespmem:s20+$0xFFFFFE90] =	vst v9;
	v9 =	vmul.f32 v14, v7;
	v14 =	vld [tilespmem:s20+$0xFFFFFF00]  }
0x3d0: {  	[tilespmem:s20+$0xFFFFFEA0] =	vst v8;
	v8 =	vmul.f32 v10, v7;
	v10 =	vld [tilespmem:s20+$0xFFFFFF10]  }
0x3d1: {  	[tilespmem:s20+$0xFFFFFEB0] =	vst v9;
	v9 =	vmul.f32 v11, v7;
	v11 =	vld [tilespmem:s20+$0xFFFFFF20]  }
0x3d2: {  	[tilespmem:s20+$0xFFFFFEC0] =	vst v8;
	v8 =	vmul.f32 v12, v7;
	v12 =	vld [tilespmem:s20+$0xFFFFFF30]  }
0x3d3: {  	[tilespmem:s20+$0xFFFFFED0] =	vst v9;
	v7 =	vmul.f32 v13, v7;
	v9 =	vld [tilespmem:s20+$0xFFFFFF40]  }
0x3d4: {  	[tilespmem:s20+$0xFFFFFEE0] =	vst v8;
	v8 =	vmul.f32 v14, v6;
	v13 =	vld [tilespmem:s20+$0xFFFFFF50]  }
0x3d5: {  	[tilespmem:s20+$0xFFFFFEF0] =	vst v7;
	v7 =	vmul.f32 v10, v6;
	v10 =	vld [tilespmem:s20+$0xFFFFFF60]  }
0x3d6: {  	[tilespmem:s20+$0xFFFFFF00] =	vst v8;
	v8 =	vmul.f32 v11, v6;
	v11 =	vld [tilespmem:s20+$0xFFFFFF70]  }
0x3d7: {  	[tilespmem:s20+$0xFFFFFF10] =	vst v7;
	v7 =	vmul.f32 v12, v6;
	v12 =	vld [tilespmem:s20+$0xFFFFFF80]  }
0x3d8: {  	[tilespmem:s20+$0xFFFFFF20] =	vst v8;
	v8 =	vmul.f32 v9, v6;
	v9 =	vld [tilespmem:s20+$0xFFFFFF90]  }
0x3d9: {  	[tilespmem:s20+$0xFFFFFF30] =	vst v7;
	v7 =	vmul.f32 v13, v6;
	v13 =	vld [tilespmem:s20+$0xFFFFFFA0]  }
0x3da: {  	[tilespmem:s20+$0xFFFFFF40] =	vst v8;
	v8 =	vmul.f32 v10, v6;
	v10 =	vld [tilespmem:s20+$0xFFFFFFB0]  }
0x3db: {  	[tilespmem:s20+$0xFFFFFF50] =	vst v7;
	v6 =	vmul.f32 v11, v6;
	v7 =	vld [tilespmem:s20+$0xFFFFFFC0]  }
0x3dc: {  	[tilespmem:s20+$0xFFFFFF60] =	vst v8;
	v8 =	vmul.f32 v12, v5;
	v11 =	vld [tilespmem:s20+$0xFFFFFFD0]  }
0x3dd: {  	[tilespmem:s20+$0xFFFFFF70] =	vst v6;
	v6 =	vmul.f32 v9, v5;
	v9 =	vld [tilespmem:s20+$0xFFFFFFE0]  }
0x3de: {  	[tilespmem:s20+$0xFFFFFF80] =	vst v8;
	v8 =	vmul.f32 v13, v5;
	v12 =	vld [tilespmem:s20+$0xFFFFFFF0]  }
0x3df: {  	[tilespmem:s20+$0xFFFFFF90] =	vst v6;
	v6 =	vmul.f32 v10, v5;
	v10 =	vld [tilespmem:s20+$0x0]  }
0x3e0: {  	[tilespmem:s20+$0xFFFFFFA0] =	vst v8;
	v7 =	vmul.f32 v7, v5;
	v8 =	vld [tilespmem:s20+$0x10]  }
0x3e1: {  	[tilespmem:s20+$0xFFFFFFB0] =	vst v6;
	v6 =	vmul.f32 v11, v5;
	v11 =	vld [tilespmem:s20+$0x20]  }
0x3e2: {  	[tilespmem:s20+$0xFFFFFFC0] =	vst v7;
	v7 =	vmul.f32 v9, v5;
	v9 =	vld [tilespmem:s20+$0x30]  }
0x3e3: {  	[tilespmem:s20+$0xFFFFFFD0] =	vst v6;
	v5 =	vmul.f32 v12, v5;
	v6 =	vld [tilespmem:s20+$0x40]  }
0x3e4: {  	[tilespmem:s20+$0xFFFFFFE0] =	vst v7;
	v7 =	vmul.f32 v10, v4;
	v10 =	vld [tilespmem:s20+$0x50]  }
0x3e5: {  	[tilespmem:s20+$0xFFFFFFF0] =	vst v5;
	v5 =	vmul.f32 v8, v4;
	v8 =	vld [tilespmem:s20+$0x60]  }
0x3e6: {  	[tilespmem:s20+$0x0] =	vst v7;
	v7 =	vmul.f32 v11, v4;
	v11 =	vld [tilespmem:s20+$0x70]  }
0x3e7: {  	[tilespmem:s20+$0x10] =	vst v5;
	v5 =	vmul.f32 v9, v4;
	v9 =	vld [tilespmem:s20+$0x80]  }
0x3e8: {  	[tilespmem:s20+$0x20] =	vst v7;
	v6 =	vmul.f32 v6, v4;
	v7 =	vld [tilespmem:s20+$0x90]  }
0x3e9: {  	[tilespmem:s20+$0x30] =	vst v5;
	v5 =	vmul.f32 v10, v4;
	v10 =	vld [tilespmem:s20+$0xA0]  }
0x3ea: {  	[tilespmem:s20+$0x40] =	vst v6;
	v6 =	vmul.f32 v8, v4;
	v8 =	vld [tilespmem:s20+$0xB0]  }
0x3eb: {  	[tilespmem:s20+$0x50] =	vst v5;
	v4 =	vmul.f32 v11, v4;
	v5 =	vld [tilespmem:s20+$0xC0]  }
0x3ec: {  	[tilespmem:s20+$0x60] =	vst v6;
	v6 =	vmul.f32 v9, v3;
	v9 =	vld [tilespmem:s20+$0xD0]  }
0x3ed: {  	[tilespmem:s20+$0x70] =	vst v4;
	v4 =	vmul.f32 v7, v3;
	v7 =	vld [tilespmem:s20+$0xE0]  }
0x3ee: {  	[tilespmem:s20+$0x80] =	vst v6;
	v6 =	vmul.f32 v10, v3;
	v10 =	vld [tilespmem:s20+$0xF0]  }
0x3ef: {  	v11 =	vmov s24;
	[tilespmem:s20+$0x90] =	vst v4;
	v4 =	vmul.f32 v8, v3;
	v8 =	vld [tilespmem:s20+$0x100]  }
0x3f0: {  	s7 =	sadd.s32 $0x1, s24;
	s8 =	sadd.s32 $0x7, s24;
	v11 =	vadd.s32 $0x80, v11;
	[tilespmem:s20+$0xA0] =	vst v6;
	v5 =	vmul.f32 v5, v3;
	v6 =	vld [tilespmem:s20+$0x110]  }
0x3f1: {  	s12 =	sadd.s32 $0x3, s24;
	v13 =	vmov s8;
	v12 =	vmov s7;
	s7 =	sadd.s32 $0x2, s24;
	[tilespmem:s20+$0xB0] =	vst v4;
	v4 =	vmul.f32 v9, v3;
	v9 =	vld [tilespmem:s20+$0x120]  }
0x3f2: {  	v15 =	vmov s12;
	s8 =	sadd.s32 $0x5, s24;
	v14 =	vmov s7;
	s7 =	sadd.s32 $0x4, s24;
	[tilespmem:s20+$0xC0] =	vst v5;
	v5 =	vmul.f32 v7, v3;
	v7 =	vld [tilespmem:s20+$0x130]  }
0x3f3: {  	v17 =	vmov s8;
	v16 =	vmov s7;
	[tilespmem:s20+$0xD0] =	vst v4;
	v3 =	vmul.f32 v10, v3;
	v10 =	vld [tilespmem:s20+$0x140]  }
0x3f4: {  	v4 =	vand.u32 $0xFFFFFFF8, v11;
	v11 =	vadd.s32 $0x80, v13;
	[tilespmem:s20+$0xE0] =	vst v5;
	v5 =	vmul.f32 v8, v2;
	v8 =	vld [tilespmem:s20+$0x150]  }
0x3f5: {  	v12 =	vadd.s32 $0x80, v12;
	v13 =	vadd.s32 $0x80, v14;
	[tilespmem:s20+$0xF0] =	vst v3;
	v6 =	vmul.f32 v6, v2;
	v18 =	vld [tilespmem:s20+$0x160]  }
0x3f6: {  	v14 =	vadd.s32 $0x80, v15;
	v15 =	vadd.s32 $0x80, v16;
	[tilespmem:s20+$0x100] =	vst v5;
	v5 =	vmul.f32 v9, v2;
	v16 =	vld [tilespmem:s20+$0x180]  }
.Ltmp3:
0x3f7: {  	v17 =	vadd.s32 $0x80, v17;
	v3 =	vbroadcast v4, $0x0;
	[tilespmem:s20+$0x110] =	vst v6;
	v9 =	vmul.f32 v7, v2;
	v6 =	vld [tilespmem:s20+$0x190];
	(pc) =	sbr.rel @p0 .LBB2_9-.Ltmp3, $4  }
0x3f8: {  	v12 =	vand.u32 $0xFFFFFFF9, v12;
	v4 =	vbroadcast v11, $0x0;
	[tilespmem:s20+$0x120] =	vst v5;
	v10 =	vmul.f32 v10, v2;
	v7 =	vld [tilespmem:s20+$0x1A0]  }
0x3f9: {  	v11 =	vand.u32 $0xFFFFFFFA, v13;
	v13 =	vand.u32 $0xFFFFFFFB, v14;
	[tilespmem:s20+$0x130] =	vst v9;
	v19 =	vmul.f32 v8, v2;
	v8 =	vld [tilespmem:s20+$0x1B0]  }
0x3fa: {  	v14 =	vand.u32 $0xFFFFFFFC, v15;
	v5 =	vbroadcast v12, $0x0;
	[tilespmem:s20+$0x140] =	vst v10;
	v12 =	vmul.f32 v18, v2;
	v9 =	vld [tilespmem:s20+$0x1C0]  }
0x3fb: {  	s12 =	sadd.s32 $0x6, s24;
	s24 =	sadd.s32 $0x8, s24;
	v11 =	vbroadcast v11, $0x0;
	v2 =	vand.u32 $0xFFFFFFFD, v17;
	[tilespmem:s20+$0x150] =	vst v19;
	v15 =	vmul.f32 v16, v1;
	v10 =	vld [tilespmem:s20+$0x1D0]  }
0x3fc: {  	_ =	sdelay $0x2  }
0x3fd: {  	v16 =	vld [tilespmem:s20+$0x1E0]  }
0x3fe: {  	v18 =	vld.idx.msk [tilespmem:v3+s16+$0x0], $0xffff  }
0x3ff: {  	v17 =	vmov s12;
	v19 =	vld.idx.msk [tilespmem:v5+s16+$0x0], $0xffff  }
0x400: {  	[tilespmem:s20+$0x180] =	vst v15;
	v15 =	vadd.s32 $0x80, v17;
	v17 =	vld [tilespmem:s20+$0x1F0]  }
0x401: {  	v3 =	vbroadcast v2, $0x0;
	v6 =	vmul.f32 v6, v1;
	s24 =	sadd.s32 $0x400, s20;
	v11 =	vld.idx.msk [tilespmem:v11+s16+$0x0], $0xffff;
	v2 =	vand.u32 $0xFFFFFFFE, v15  }
0x402: {  	v13 =	vbroadcast v13, $0x0;
	[tilespmem:s20+$0x160] =	vst v12;
	v12 =	vld [tilespmem:s24+$0xFFFFFE20];
	v15 =	vbroadcast v2, $0x0  }
0x403: {  	v7 =	vmul.f32 v7, v1;
	[tilespmem:s20+$0x190] =	vst v6;
	v6 =	vmul.f32 v8, v1;
	v8 =	vld [tilespmem:s24+$0x170]  }
0x404: {  	v14 =	vbroadcast v14, $0x0;
	v2 =	vld.idx.msk [tilespmem:v4+s16+$0x0], $0xffff  }
0x405: {  	[tilespmem:s20+$0x1A0] =	vst v7;
	v7 =	vmul.f32 v9, v1;
	v9 =	vld [tilespmem:s24+$0xFFFFFE00]  }
0x406: {  	[tilespmem:s20+$0x1B0] =	vst v6;
	v6 =	vmul.f32 v10, v1;
	v10 =	vld [tilespmem:s24+$0xFFFFFE10]  }
0x407: {  	v4 =	vld.idx.msk [tilespmem:v3+s16+$0x0], $0xffff  }
0x408: {  	v3 =	vld.idx.msk [tilespmem:v15+s16+$0x0], $0xffff  }
0x409: {  	[tilespmem:s20+$0x1C0] =	vst v7;
	v7 =	vmul.f32 v16, v1;
	v13 =	vld.idx.msk [tilespmem:v13+s16+$0x0], $0xffff  }
0x40a: {  	v5 =	vld.idx.msk [tilespmem:v14+s16+$0x0], $0xffff;
	[tilespmem:s20+$0x1D0] =	vst v6;
	v1 =	vmul.f32 v17, v1  }
0x40b: {  	v6 =	vld [tilespmem:s24+$0xFFFFFE30];
	[tilespmem:s20+$0x1E0] =	vst v7  }
0x40c: {  	v7 =	vld [tilespmem:s24+$0xFFFFFE40];
	[tilespmem:s20+$0x1F0] =	vst v1;
	v1 =	vmul.f32 v9, v18  }
0x40d: {  	v9 =	vld [tilespmem:s24+$0xFFFFFE50];
	v8 =	vmul.f32 v8, v3  }
0x40e: {  	v14 =	vld [tilespmem:s24+$0xFFFFFE60];
	v10 =	vmul.f32 v10, v18;
	[tilespmem:s24+$0xFFFFFE00] =	vst v1  }
0x40f: {  	v1 =	vmul.f32 v12, v18;
	[tilespmem:s24+$0x170] =	vst v8;
	v8 =	vld [tilespmem:s24+$0xFFFFFE70]  }
0x410: {  	[tilespmem:s24+$0xFFFFFE10] =	vst v10;
	v6 =	vmul.f32 v6, v18;
	v10 =	vld [tilespmem:s24+$0xFFFFFE80]  }
0x411: {  	[tilespmem:s24+$0xFFFFFE20] =	vst v1;
	v1 =	vmul.f32 v7, v18;
	v7 =	vld [tilespmem:s24+$0xFFFFFE90]  }
0x412: {  	[tilespmem:s24+$0xFFFFFE30] =	vst v6;
	v6 =	vmul.f32 v9, v18;
	v9 =	vld [tilespmem:s24+$0xFFFFFEA0]  }
0x413: {  	v12 =	vld [tilespmem:s24+$0xFFFFFEB0];
	[tilespmem:s24+$0xFFFFFE40] =	vst v1;
	v1 =	vmul.f32 v14, v18  }
0x414: {  	[tilespmem:s24+$0xFFFFFE50] =	vst v6;
	v6 =	vmul.f32 v8, v18;
	v8 =	vld [tilespmem:s24+$0xFFFFFEC0]  }
0x415: {  	[tilespmem:s24+$0xFFFFFE60] =	vst v1;
	v1 =	vmul.f32 v10, v19;
	v10 =	vld [tilespmem:s24+$0xFFFFFED0]  }
0x416: {  	[tilespmem:s24+$0xFFFFFE70] =	vst v6;
	v6 =	vmul.f32 v7, v19;
	v7 =	vld [tilespmem:s24+$0xFFFFFEE0]  }
0x417: {  	[tilespmem:s24+$0xFFFFFE80] =	vst v1;
	v1 =	vmul.f32 v9, v19;
	v9 =	vld [tilespmem:s24+$0xFFFFFEF0]  }
0x418: {  	[tilespmem:s24+$0xFFFFFE90] =	vst v6;
	v6 =	vmul.f32 v12, v19;
	v12 =	vld [tilespmem:s24+$0xFFFFFF00]  }
0x419: {  	[tilespmem:s24+$0xFFFFFEA0] =	vst v1;
	v1 =	vmul.f32 v8, v19;
	v8 =	vld [tilespmem:s24+$0xFFFFFF10]  }
0x41a: {  	[tilespmem:s24+$0xFFFFFEB0] =	vst v6;
	v6 =	vmul.f32 v10, v19;
	v10 =	vld [tilespmem:s24+$0xFFFFFF20]  }
0x41b: {  	[tilespmem:s24+$0xFFFFFEC0] =	vst v1;
	v1 =	vmul.f32 v7, v19;
	v7 =	vld [tilespmem:s24+$0xFFFFFF30]  }
0x41c: {  	[tilespmem:s24+$0xFFFFFED0] =	vst v6;
	v6 =	vmul.f32 v9, v19;
	v9 =	vld [tilespmem:s24+$0xFFFFFF40]  }
0x41d: {  	[tilespmem:s24+$0xFFFFFEE0] =	vst v1;
	v1 =	vmul.f32 v12, v11;
	v12 =	vld [tilespmem:s24+$0xFFFFFF50]  }
0x41e: {  	[tilespmem:s24+$0xFFFFFEF0] =	vst v6;
	v6 =	vmul.f32 v8, v11;
	v8 =	vld [tilespmem:s24+$0xFFFFFF60]  }
0x41f: {  	[tilespmem:s24+$0xFFFFFF00] =	vst v1;
	v1 =	vmul.f32 v10, v11;
	v10 =	vld [tilespmem:s24+$0xFFFFFF70]  }
0x420: {  	[tilespmem:s24+$0xFFFFFF10] =	vst v6;
	v6 =	vmul.f32 v7, v11;
	v7 =	vld [tilespmem:s24+$0xFFFFFF80]  }
0x421: {  	[tilespmem:s24+$0xFFFFFF20] =	vst v1;
	v1 =	vmul.f32 v9, v11;
	v9 =	vld [tilespmem:s24+$0xFFFFFF90]  }
0x422: {  	[tilespmem:s24+$0xFFFFFF30] =	vst v6;
	v6 =	vmul.f32 v12, v11;
	v12 =	vld [tilespmem:s24+$0xFFFFFFA0]  }
0x423: {  	[tilespmem:s24+$0xFFFFFF40] =	vst v1;
	v1 =	vmul.f32 v8, v11;
	v8 =	vld [tilespmem:s24+$0xFFFFFFB0]  }
0x424: {  	[tilespmem:s24+$0xFFFFFF50] =	vst v6;
	v6 =	vmul.f32 v10, v11;
	v10 =	vld [tilespmem:s24+$0xFFFFFFC0]  }
0x425: {  	[tilespmem:s24+$0xFFFFFF60] =	vst v1;
	v1 =	vmul.f32 v7, v13;
	v7 =	vld [tilespmem:s24+$0xFFFFFFD0]  }
0x426: {  	[tilespmem:s24+$0xFFFFFF70] =	vst v6;
	v6 =	vmul.f32 v9, v13;
	v9 =	vld [tilespmem:s24+$0xFFFFFFE0]  }
0x427: {  	v11 =	vld [tilespmem:s24+$0xFFFFFFF0];
	[tilespmem:s24+$0xFFFFFF80] =	vst v1;
	v1 =	vmul.f32 v12, v13  }
0x428: {  	[tilespmem:s24+$0xFFFFFF90] =	vst v6;
	v6 =	vmul.f32 v8, v13;
	v8 =	vld [tilespmem:s24+$0x0]  }
0x429: {  	[tilespmem:s24+$0xFFFFFFA0] =	vst v1;
	v1 =	vmul.f32 v10, v13;
	v10 =	vld [tilespmem:s24+$0x10]  }
0x42a: {  	[tilespmem:s24+$0xFFFFFFB0] =	vst v6;
	v6 =	vmul.f32 v7, v13;
	v7 =	vld [tilespmem:s24+$0x20]  }
0x42b: {  	[tilespmem:s24+$0xFFFFFFC0] =	vst v1;
	v1 =	vmul.f32 v9, v13;
	v9 =	vld [tilespmem:s24+$0x30]  }
0x42c: {  	[tilespmem:s24+$0xFFFFFFD0] =	vst v6;
	v6 =	vmul.f32 v11, v13;
	v11 =	vld [tilespmem:s24+$0x40]  }
0x42d: {  	[tilespmem:s24+$0xFFFFFFE0] =	vst v1;
	v1 =	vmul.f32 v8, v5;
	v8 =	vld [tilespmem:s24+$0x50]  }
0x42e: {  	[tilespmem:s24+$0xFFFFFFF0] =	vst v6;
	v6 =	vmul.f32 v10, v5;
	v10 =	vld [tilespmem:s24+$0x60]  }
0x42f: {  	[tilespmem:s24+$0x0] =	vst v1;
	v1 =	vmul.f32 v7, v5;
	v7 =	vld [tilespmem:s24+$0x70]  }
0x430: {  	[tilespmem:s24+$0x10] =	vst v6;
	v6 =	vmul.f32 v9, v5;
	v9 =	vld [tilespmem:s24+$0x80]  }
0x431: {  	[tilespmem:s24+$0x20] =	vst v1;
	v1 =	vmul.f32 v11, v5;
	v11 =	vld [tilespmem:s24+$0x90]  }
0x432: {  	[tilespmem:s24+$0x30] =	vst v6;
	v6 =	vmul.f32 v8, v5;
	v8 =	vld [tilespmem:s24+$0xA0]  }
0x433: {  	[tilespmem:s24+$0x40] =	vst v1;
	v1 =	vmul.f32 v10, v5;
	v10 =	vld [tilespmem:s24+$0xB0]  }
0x434: {  	[tilespmem:s24+$0x50] =	vst v6;
	v5 =	vmul.f32 v7, v5;
	v6 =	vld [tilespmem:s24+$0xC0]  }
0x435: {  	v7 =	vld [tilespmem:s24+$0xD0];
	[tilespmem:s24+$0x60] =	vst v1;
	v1 =	vmul.f32 v9, v4  }
0x436: {  	v9 =	vld [tilespmem:s24+$0xE0];
	[tilespmem:s24+$0x70] =	vst v5;
	v5 =	vmul.f32 v11, v4  }
0x437: {  	[tilespmem:s24+$0x80] =	vst v1;
	v1 =	vmul.f32 v8, v4;
	v8 =	vld [tilespmem:s24+$0xF0]  }
0x438: {  	[tilespmem:s24+$0x90] =	vst v5;
	v5 =	vmul.f32 v10, v4;
	v10 =	vld [tilespmem:s24+$0x100]  }
0x439: {  	[tilespmem:s24+$0xA0] =	vst v1;
	v1 =	vmul.f32 v6, v4;
	v6 =	vld [tilespmem:s24+$0x110]  }
0x43a: {  	[tilespmem:s24+$0xB0] =	vst v5;
	v5 =	vmul.f32 v7, v4;
	v7 =	vld [tilespmem:s24+$0x120]  }
0x43b: {  	[tilespmem:s24+$0xC0] =	vst v1;
	v1 =	vmul.f32 v9, v4;
	v9 =	vld [tilespmem:s24+$0x130]  }
0x43c: {  	[tilespmem:s24+$0xD0] =	vst v5;
	v4 =	vmul.f32 v8, v4;
	v5 =	vld [tilespmem:s24+$0x140]  }
0x43d: {  	v8 =	vld [tilespmem:s24+$0x150];
	[tilespmem:s24+$0xE0] =	vst v1;
	v1 =	vmul.f32 v10, v3  }
0x43e: {  	[tilespmem:s24+$0xF0] =	vst v4;
	v4 =	vmul.f32 v6, v3;
	v6 =	vld [tilespmem:s24+$0x160]  }
0x43f: {  	[tilespmem:s24+$0x100] =	vst v1;
	v1 =	vmul.f32 v7, v3;
	v7 =	vld [tilespmem:s24+$0x180]  }
0x440: {  	[tilespmem:s24+$0x110] =	vst v4;
	v4 =	vmul.f32 v9, v3;
	v9 =	vld [tilespmem:s24+$0x190]  }
0x441: {  	[tilespmem:s24+$0x120] =	vst v1;
	v1 =	vmul.f32 v5, v3;
	v5 =	vld [tilespmem:s24+$0x1A0]  }
0x442: {  	[tilespmem:s24+$0x130] =	vst v4;
	v4 =	vmul.f32 v8, v3;
	v8 =	vld [tilespmem:s24+$0x1B0]  }
0x443: {  	[tilespmem:s24+$0x140] =	vst v1;
	v1 =	vmul.f32 v6, v3;
	v3 =	vld [tilespmem:s24+$0x1C0]  }
0x444: {  	v6 =	vld [tilespmem:s24+$0x1D0];
	[tilespmem:s24+$0x150] =	vst v4;
	v4 =	vmul.f32 v7, v2  }
0x445: {  	v7 =	vld [tilespmem:s24+$0x1E0];
	[tilespmem:s24+$0x160] =	vst v1;
	v1 =	vmul.f32 v9, v2  }
0x446: {  	[tilespmem:s24+$0x180] =	vst v4;
	v4 =	vmul.f32 v5, v2;
	v5 =	vld [tilespmem:s24+$0x1F0]  }
0x447: {  	[tilespmem:s24+$0x190] =	vst v1;
	v1 =	vmul.f32 v8, v2  }
0x448: {  	[tilespmem:s24+$0x1A0] =	vst v4;
	v3 =	vmul.f32 v3, v2  }
0x449: {  	[tilespmem:s24+$0x1B0] =	vst v1;
	v1 =	vmul.f32 v6, v2  }
0x44a: {  	[tilespmem:s24+$0x1C0] =	vst v3;
	v3 =	vmul.f32 v7, v2  }
0x44b: {  	[tilespmem:s24+$0x1D0] =	vst v1;
	v1 =	vmul.f32 v5, v2  }
0x44c: {  	s7 =	simm.s32 $0x0;
	[tilespmem:s24+$0x1E0] =	vst v3  }
0x44d: {  	[tilespmem:s24+$0x1F0] =	vst v1;
	v1 =	vmov s7  }
0x44e: {  	[spmem:s2] =	stream.indirect.scatter.add.f32 [tilespmem:s15], [sflag:$0x6], $0x80, s19, s10, $0xb8;
	v1 =	vadd.s32 $0xC0, v1;
	[tilespmem:$0x1FC80] =	vst v63  }
0x44f: {  	_ =	swait.ge [sflag:s21], $0x2000;
	v1 =	vand.u32 $0xFFFFFFF8, v1  }
0x450: {  	[sflag:s21] =	ssyncset.done $0x0;
	v1 =	vbroadcast v1, $0x0  }
0x451: {  	s8 =	simm.s32 $0x5200;
	[sflag:s21] =	ssyncadd.s32 $0xFFFFE000  }
0x452: {  	[tilespmem:s31], [sflag:$0x1] =	stream.indirect.gather [hbm4b:s6+s10], $0x80, s8, s10, $0xb8;
	[tilespmem:$0x1FC80] =	vst v63  }
0x453: {  	_ =	swait.ge [sflag:s25], $0x2000  }
0x454: {  	[sflag:s25] =	ssyncset.done $0x0  }
0x455: {  	s12 =	simm.s32 $0x1;
	[sflag:s25] =	ssyncadd.s32 $0xFFFFE000  }
0x456: {  	s20 =	simm.s32 $0x5980;
	v3 =	vmov s12;
	s24 =	simm.s32 $0x6;
	v1 =	vld.idx.msk [tilespmem:v1+s16+$0x0], $0xffff  }
0x457: {  	v3 =	vadd.s32 $0xC0, v3;
	v2 =	vmov s24;
	v4 =	vld [tilespmem:s20+$0x170]  }
0x458: {  	v3 =	vand.u32 $0xFFFFFFF9, v3;
	v2 =	vadd.s32 $0xC0, v2;
	v5 =	vld [tilespmem:s20+$0xFFFFFE00]  }
0x459: {  	v3 =	vbroadcast v3, $0x0;
	v2 =	vand.u32 $0xFFFFFFFE, v2;
	v6 =	vld [tilespmem:s20+$0xFFFFFE10]  }
0x45a: {  	v2 =	vbroadcast v2, $0x0;
	v7 =	vld [tilespmem:s20+$0xFFFFFE20]  }
0x45b: {  	v8 =	vld [tilespmem:s20+$0xFFFFFE30]  }
0x45c: {  	v9 =	vld [tilespmem:s20+$0xFFFFFE40]  }
0x45d: {  	v10 =	vld [tilespmem:s20+$0xFFFFFE50]  }
0x45e: {  	v11 =	vld [tilespmem:s20+$0xFFFFFE60]  }
0x45f: {  	v3 =	vld.idx.msk [tilespmem:v3+s16+$0x0], $0xffff  }
0x460: {  	v2 =	vld.idx.msk [tilespmem:v2+s16+$0x0], $0xffff  }
0x461: {  	v13 =	vld [tilespmem:s20+$0xFFFFFE80];
	v5 =	vmul.f32 v5, v1  }
0x462: {  	v14 =	vld [tilespmem:s20+$0xFFFFFE90];
	v6 =	vmul.f32 v6, v1  }
0x463: {  	s24 =	simm.s32 $0x2;
	v15 =	vld [tilespmem:s20+$0xFFFFFEA0];
	v8 =	vmul.f32 v8, v1;
	[tilespmem:s20+$0xFFFFFE00] =	vst v5  }
0x464: {  	v12 =	vmov s24;
	v16 =	vld [tilespmem:s20+$0xFFFFFEB0];
	v9 =	vmul.f32 v9, v1;
	[tilespmem:s20+$0xFFFFFE10] =	vst v6  }
0x465: {  	v4 =	vmul.f32 v4, v2;
	v5 =	vadd.s32 $0xC0, v12;
	v12 =	vld [tilespmem:s20+$0xFFFFFE70];
	[tilespmem:s20+$0xFFFFFE30] =	vst v8  }
0x466: {  	v6 =	vmul.f32 v13, v3;
	v13 =	vld [tilespmem:s20+$0xFFFFFED0];
	[tilespmem:s20+$0xFFFFFE40] =	vst v9  }
0x467: {  	v8 =	vmul.f32 v10, v1;
	v10 =	vld [tilespmem:s20+$0xFFFFFEF0];
	v5 =	vand.u32 $0xFFFFFFFA, v5;
	[tilespmem:s20+$0x170] =	vst v4  }
0x468: {  	v9 =	vmul.f32 v11, v1;
	v11 =	vld [tilespmem:s20+$0xFFFFFF00];
	v5 =	vbroadcast v5, $0x0;
	[tilespmem:s20+$0xFFFFFE80] =	vst v6  }
0x469: {  	v4 =	vmul.f32 v7, v1;
	v7 =	vld [tilespmem:s20+$0xFFFFFEC0];
	[tilespmem:s20+$0xFFFFFE50] =	vst v8  }
0x46a: {  	s8 =	simm.s32 $0x3;
	v8 =	vld [tilespmem:s20+$0xFFFFFF10];
	[tilespmem:s20+$0xFFFFFE60] =	vst v9;
	v9 =	vmul.f32 v14, v3  }
0x46b: {  	v17 =	vmov s8;
	v14 =	vld [tilespmem:s20+$0xFFFFFF30];
	[tilespmem:s20+$0xFFFFFE20] =	vst v4  }
0x46c: {  	v6 =	vadd.s32 $0xC0, v17;
	v4 =	vld [tilespmem:s20+$0xFFFFFEE0];
	[tilespmem:s20+$0xFFFFFE90] =	vst v9;
	v9 =	vmul.f32 v16, v3  }
0x46d: {  	v6 =	vand.u32 $0xFFFFFFFB, v6;
	v1 =	vmul.f32 v12, v1;
	v12 =	vld [tilespmem:s20+$0xFFFFFF20]  }
0x46e: {  	v6 =	vbroadcast v6, $0x0;
	v13 =	vmul.f32 v13, v3;
	[tilespmem:s20+$0xFFFFFEB0] =	vst v9;
	v5 =	vld.idx.msk [tilespmem:v5+s16+$0x0], $0xffff  }
0x46f: {  	v7 =	vmul.f32 v7, v3;
	v9 =	vld [tilespmem:s20+$0xFFFFFF60];
	[tilespmem:s20+$0xFFFFFE70] =	vst v1  }
0x470: {  	v1 =	vmul.f32 v15, v3;
	v15 =	vld [tilespmem:s20+$0xFFFFFF40];
	[tilespmem:s20+$0xFFFFFED0] =	vst v13  }
0x471: {  	v13 =	vld [tilespmem:s20+$0xFFFFFFB0];
	[tilespmem:s20+$0xFFFFFEC0] =	vst v7;
	v4 =	vmul.f32 v4, v3  }
0x472: {  	v7 =	vld [tilespmem:s20+$0xFFFFFF70];
	v3 =	vmul.f32 v10, v3;
	[tilespmem:s20+$0xFFFFFEA0] =	vst v1  }
0x473: {  	v10 =	vld [tilespmem:s20+$0xFFFFFF80];
	[tilespmem:s20+$0xFFFFFEE0] =	vst v4;
	v1 =	vmul.f32 v11, v5  }
0x474: {  	s12 =	simm.s32 $0x4;
	v6 =	vld.idx.msk [tilespmem:v6+s16+$0x0], $0xffff;
	[tilespmem:s20+$0xFFFFFEF0] =	vst v3;
	v4 =	vmul.f32 v8, v5  }
0x475: {  	v16 =	vmov s12;
	v11 =	vld [tilespmem:s20+$0xFFFFFF50];
	v3 =	vmul.f32 v12, v5;
	[tilespmem:s20+$0xFFFFFF00] =	vst v1  }
0x476: {  	v8 =	vld [tilespmem:s20+$0xFFFFFF90];
	v9 =	vmul.f32 v9, v5;
	v1 =	vadd.s32 $0xC0, v16;
	[tilespmem:s20+$0xFFFFFF10] =	vst v4  }
0x477: {  	v12 =	vld [tilespmem:s20+$0xFFFFFFA0];
	v4 =	vmul.f32 v14, v5;
	[tilespmem:s20+$0xFFFFFF20] =	vst v3;
	v1 =	vand.u32 $0xFFFFFFFC, v1  }
0x478: {  	v3 =	vmul.f32 v15, v5;
	v14 =	vld [tilespmem:s20+$0xFFFFFFC0];
	[tilespmem:s20+$0xFFFFFF60] =	vst v9;
	v1 =	vbroadcast v1, $0x0  }
0x479: {  	v9 =	vld [tilespmem:s20+$0x0];
	[tilespmem:s20+$0xFFFFFF30] =	vst v4;
	v4 =	vmul.f32 v10, v6  }
0x47a: {  	v10 =	vld [tilespmem:s20+$0xFFFFFFD0];
	[tilespmem:s20+$0xFFFFFF40] =	vst v3;
	v11 =	vmul.f32 v11, v5  }
0x47b: {  	s24 =	simm.s32 $0x5;
	v3 =	vld [tilespmem:s20+$0xFFFFFFE0];
	v5 =	vmul.f32 v7, v5;
	[tilespmem:s20+$0xFFFFFF80] =	vst v4  }
0x47c: {  	v15 =	vmov s24;
	v7 =	vld [tilespmem:s20+$0xFFFFFFF0];
	v8 =	vmul.f32 v8, v6;
	[tilespmem:s20+$0xFFFFFF50] =	vst v11  }
0x47d: {  	v4 =	vadd.s32 $0xC0, v15;
	[tilespmem:s20+$0xFFFFFF70] =	vst v5;
	v5 =	vmul.f32 v12, v6;
	v11 =	vld [tilespmem:s20+$0x10]  }
0x47e: {  	v4 =	vand.u32 $0xFFFFFFFD, v4;
	[tilespmem:s20+$0xFFFFFF90] =	vst v8;
	v8 =	vmul.f32 v13, v6;
	v1 =	vld.idx.msk [tilespmem:v1+s16+$0x0], $0xffff  }
0x47f: {  	v12 =	vld [tilespmem:s20+$0x20];
	v4 =	vbroadcast v4, $0x0;
	[tilespmem:s20+$0xFFFFFFA0] =	vst v5;
	v5 =	vmul.f32 v14, v6  }
0x480: {  	v13 =	vld [tilespmem:s20+$0x30];
	[tilespmem:s20+$0xFFFFFFB0] =	vst v8;
	v8 =	vmul.f32 v10, v6  }
0x481: {  	v3 =	vmul.f32 v3, v6;
	v6 =	vmul.f32 v7, v6;
	v7 =	vld [tilespmem:s20+$0x70];
	[tilespmem:s20+$0xFFFFFFC0] =	vst v5  }
0x482: {  	v10 =	vld [tilespmem:s20+$0x40];
	[tilespmem:s20+$0xFFFFFFD0] =	vst v8  }
0x483: {  	v8 =	vld [tilespmem:s20+$0x60];
	[tilespmem:s20+$0xFFFFFFE0] =	vst v3;
	v5 =	vmul.f32 v9, v1  }
0x484: {  	[tilespmem:s20+$0xFFFFFFF0] =	vst v6;
	v9 =	vld [tilespmem:s20+$0x50];
	v3 =	vmul.f32 v11, v1  }
0x485: {  	s8 =	simm.s32 $0x7;
	v4 =	vld.idx.msk [tilespmem:v4+s16+$0x0], $0xffff;
	v6 =	vmul.f32 v12, v1;
	[tilespmem:s20+$0x0] =	vst v5  }
0x486: {  	v11 =	vld [tilespmem:s20+$0x80];
	v7 =	vmul.f32 v7, v1;
	v5 =	vmov s8;
	[tilespmem:s20+$0x10] =	vst v3  }
0x487: {  	v12 =	vld [tilespmem:s20+$0x90];
	v3 =	vmul.f32 v13, v1;
	[tilespmem:s20+$0x20] =	vst v6;
	v5 =	vadd.s32 $0xC0, v5  }
0x488: {  	v6 =	vmul.f32 v10, v1;
	v10 =	vld [tilespmem:s20+$0xA0];
	[tilespmem:s20+$0x70] =	vst v7;
	v5 =	vbroadcast v5, $0x0  }
0x489: {  	v7 =	vld [tilespmem:s20+$0xF0];
	[tilespmem:s20+$0x30] =	vst v3;
	v3 =	vmul.f32 v9, v1  }
0x48a: {  	[tilespmem:s20+$0x40] =	vst v6;
	v6 =	vmul.f32 v8, v1;
	v8 =	vld [tilespmem:s20+$0xC0]  }
0x48b: {  	v9 =	vld [tilespmem:s20+$0xB0];
	[tilespmem:s20+$0x50] =	vst v3;
	v3 =	vmul.f32 v11, v4  }
0x48c: {  	[tilespmem:s20+$0x60] =	vst v6;
	v6 =	vld [tilespmem:s20+$0xE0]  }
0x48d: {  	v11 =	vld [tilespmem:s20+$0xD0];
	[tilespmem:s20+$0x80] =	vst v3;
	v3 =	vmul.f32 v10, v4  }
0x48e: {  	v1 =	vld.idx.msk [tilespmem:v5+s16+$0x0], $0xffff;
	v5 =	vmul.f32 v12, v4  }
0x48f: {  	[tilespmem:s20+$0xA0] =	vst v3;
	v3 =	vmul.f32 v8, v4;
	v8 =	vld [tilespmem:s20+$0x110]  }
0x490: {  	s8 =	simm.s32 $0xF;
	[tilespmem:s20+$0x90] =	vst v5;
	v5 =	vmul.f32 v9, v4;
	v9 =	vld [tilespmem:s20+$0x100]  }
0x491: {  	s12 =	simm.s32 $0x8;
	s24 =	simm.s32 $0x9;
	v13 =	vmov s8;
	[tilespmem:s20+$0xC0] =	vst v3;
	v3 =	vmul.f32 v6, v4  }
0x492: {  	v10 =	vmov s12;
	s12 =	simm.s32 $0xA;
	v12 =	vmov s24;
	s24 =	simm.s32 $0xB;
	v6 =	vld [tilespmem:s20+$0x130];
	[tilespmem:s20+$0xB0] =	vst v5;
	v5 =	vmul.f32 v11, v4  }
0x493: {  	v14 =	vmov s12;
	s12 =	simm.s32 $0xC;
	v15 =	vmov s24;
	s24 =	simm.s32 $0xD;
	v11 =	vld [tilespmem:s20+$0x120];
	v4 =	vmul.f32 v7, v4;
	[tilespmem:s20+$0xE0] =	vst v3  }
0x494: {  	v10 =	vadd.s32 $0xC0, v10;
	v16 =	vmov s12;
	v17 =	vmov s24;
	[tilespmem:s20+$0xD0] =	vst v5;
	v5 =	vld [tilespmem:s20+$0x140]  }
0x495: {  	v7 =	vand.u32 $0xFFFFFFF8, v10;
	[tilespmem:s20+$0xF0] =	vst v4;
	v4 =	vmul.f32 v8, v2;
	v3 =	vmul.f32 v9, v2;
	v9 =	vld [tilespmem:s20+$0x150]  }
0x496: {  	v63 =	vld [tilespmem:s20+$0x160];
	v10 =	vadd.s32 $0xC0, v13;
	v13 =	vadd.s32 $0xC0, v14;
	v14 =	vadd.s32 $0xC0, v16  }
0x497: {  	v16 =	vadd.s32 $0xC0, v17;
	v8 =	vadd.s32 $0xC0, v15;
	v15 =	vld [tilespmem:s20+$0x180];
	[tilespmem:s20+$0x110] =	vst v4;
	v17 =	vmul.f32 v6, v2  }
0x498: {  	v12 =	vadd.s32 $0xC0, v12;
	v6 =	vld [tilespmem:s20+$0x190];
	v4 =	vbroadcast v10, $0x0;
	[tilespmem:s20+$0x100] =	vst v3;
	v11 =	vmul.f32 v11, v2  }
0x499: {  	v12 =	vand.u32 $0xFFFFFFF9, v12;
	v3 =	vbroadcast v7, $0x0;
	v7 =	vld [tilespmem:s20+$0x1A0];
	[tilespmem:s20+$0x130] =	vst v17;
	v10 =	vmul.f32 v5, v2  }
0x49a: {  	[tilespmem:s20+$0x120] =	vst v11;
	v11 =	vand.u32 $0xFFFFFFFA, v13;
	v13 =	vand.u32 $0xFFFFFFFB, v8;
	v8 =	vld [tilespmem:s20+$0x1B0];
	v17 =	vmul.f32 v9, v2  }
0x49b: {  	v14 =	vand.u32 $0xFFFFFFFC, v14;
	v5 =	vbroadcast v12, $0x0;
	v12 =	vmul.f32 v63, v2;
	v9 =	vld [tilespmem:s20+$0x1C0];
	[tilespmem:s20+$0x140] =	vst v10  }
0x49c: {  	s12 =	simm.s32 $0xE;
	s24 =	simm.s32 $0x10;
	v15 =	vmul.f32 v15, v1;
	v11 =	vbroadcast v11, $0x0;
	v2 =	vand.u32 $0xFFFFFFFD, v16;
	v10 =	vld [tilespmem:s20+$0x1D0];
	[tilespmem:s20+$0x150] =	vst v17  }
.LBB2_11:
0x49d: {  	p0 =	slt.u32 s24, $0x38;
	v13 =	vbroadcast v13, $0x0;
	v16 =	vmov s12;
	[tilespmem:s20+$0x160] =	vst v12;
	v6 =	vmul.f32 v6, v1;
	v12 =	vld [tilespmem:s20+$0x1E0]  }
0x49e: {  	v14 =	vbroadcast v14, $0x0;
	v16 =	vadd.s32 $0xC0, v16;
	[tilespmem:s20+$0x180] =	vst v15;
	v7 =	vmul.f32 v7, v1;
	v15 =	vld [tilespmem:s20+$0x1F0]  }
0x49f: {  	v2 =	vbroadcast v2, $0x0;
	v17 =	vld.idx.msk [tilespmem:v3+s16+$0x0], $0xffff;
	v3 =	vand.u32 $0xFFFFFFFE, v16;
	[tilespmem:s20+$0x190] =	vst v6;
	v6 =	vmul.f32 v8, v1  }
0x4a0: {  	v8 =	vbroadcast v3, $0x0;
	v16 =	vld.idx.msk [tilespmem:v4+s16+$0x0], $0xffff;
	[tilespmem:s20+$0x1A0] =	vst v7;
	v3 =	vmul.f32 v9, v1  }
0x4a1: {  	v7 =	vld.idx.msk [tilespmem:v5+s16+$0x0], $0xffff;
	[tilespmem:s20+$0x1B0] =	vst v6;
	v4 =	vmul.f32 v10, v1  }
0x4a2: {  	v6 =	vld.idx.msk [tilespmem:v11+s16+$0x0], $0xffff;
	[tilespmem:s20+$0x1C0] =	vst v3;
	v3 =	vmul.f32 v12, v1  }
0x4a3: {  	v5 =	vld.idx.msk [tilespmem:v13+s16+$0x0], $0xffff;
	[tilespmem:s20+$0x1D0] =	vst v4;
	v9 =	vmul.f32 v15, v1  }
0x4a4: {  	v4 =	vld.idx.msk [tilespmem:v14+s16+$0x0], $0xffff;
	[tilespmem:s20+$0x1E0] =	vst v3  }
0x4a5: {  	v3 =	vld.idx.msk [tilespmem:v2+s16+$0x0], $0xffff;
	[tilespmem:s20+$0x1F0] =	vst v9  }
0x4a6: {  	s20 =	sadd.s32 $0x400, s20;
	v1 =	vmov v16;
	v2 =	vld.idx.msk [tilespmem:v8+s16+$0x0], $0xffff  }
0x4a7: {  	v8 =	vld [tilespmem:s20+$0x170]  }
0x4a8: {  	v9 =	vld [tilespmem:s20+$0xFFFFFE00]  }
0x4a9: {  	v10 =	vld [tilespmem:s20+$0xFFFFFE10]  }
0x4aa: {  	v11 =	vld [tilespmem:s20+$0xFFFFFE20]  }
0x4ab: {  	v12 =	vld [tilespmem:s20+$0xFFFFFE30]  }
0x4ac: {  	v13 =	vld [tilespmem:s20+$0xFFFFFE40];
	v8 =	vmul.f32 v8, v2  }
0x4ad: {  	v9 =	vmul.f32 v9, v17;
	v14 =	vld [tilespmem:s20+$0xFFFFFE50]  }
0x4ae: {  	v10 =	vmul.f32 v10, v17;
	v15 =	vld [tilespmem:s20+$0xFFFFFE60];
	[tilespmem:s20+$0x170] =	vst v8  }
0x4af: {  	[tilespmem:s20+$0xFFFFFE00] =	vst v9;
	v8 =	vmul.f32 v11, v17;
	v9 =	vld [tilespmem:s20+$0xFFFFFE70]  }
0x4b0: {  	[tilespmem:s20+$0xFFFFFE10] =	vst v10;
	v10 =	vmul.f32 v12, v17;
	v11 =	vld [tilespmem:s20+$0xFFFFFE80]  }
0x4b1: {  	[tilespmem:s20+$0xFFFFFE20] =	vst v8;
	v8 =	vmul.f32 v13, v17;
	v12 =	vld [tilespmem:s20+$0xFFFFFE90]  }
0x4b2: {  	[tilespmem:s20+$0xFFFFFE30] =	vst v10;
	v10 =	vmul.f32 v14, v17;
	v13 =	vld [tilespmem:s20+$0xFFFFFEA0]  }
0x4b3: {  	[tilespmem:s20+$0xFFFFFE40] =	vst v8;
	v8 =	vmul.f32 v15, v17;
	v14 =	vld [tilespmem:s20+$0xFFFFFEB0]  }
0x4b4: {  	[tilespmem:s20+$0xFFFFFE50] =	vst v10;
	v9 =	vmul.f32 v9, v17;
	v10 =	vld [tilespmem:s20+$0xFFFFFEC0]  }
0x4b5: {  	[tilespmem:s20+$0xFFFFFE60] =	vst v8;
	v8 =	vmul.f32 v11, v7;
	v11 =	vld [tilespmem:s20+$0xFFFFFED0]  }
0x4b6: {  	[tilespmem:s20+$0xFFFFFE70] =	vst v9;
	v9 =	vmul.f32 v12, v7;
	v12 =	vld [tilespmem:s20+$0xFFFFFEE0]  }
0x4b7: {  	[tilespmem:s20+$0xFFFFFE80] =	vst v8;
	v8 =	vmul.f32 v13, v7;
	v13 =	vld [tilespmem:s20+$0xFFFFFEF0]  }
0x4b8: {  	[tilespmem:s20+$0xFFFFFE90] =	vst v9;
	v9 =	vmul.f32 v14, v7;
	v14 =	vld [tilespmem:s20+$0xFFFFFF00]  }
0x4b9: {  	[tilespmem:s20+$0xFFFFFEA0] =	vst v8;
	v8 =	vmul.f32 v10, v7;
	v10 =	vld [tilespmem:s20+$0xFFFFFF10]  }
0x4ba: {  	[tilespmem:s20+$0xFFFFFEB0] =	vst v9;
	v9 =	vmul.f32 v11, v7;
	v11 =	vld [tilespmem:s20+$0xFFFFFF20]  }
0x4bb: {  	[tilespmem:s20+$0xFFFFFEC0] =	vst v8;
	v8 =	vmul.f32 v12, v7;
	v12 =	vld [tilespmem:s20+$0xFFFFFF30]  }
0x4bc: {  	[tilespmem:s20+$0xFFFFFED0] =	vst v9;
	v7 =	vmul.f32 v13, v7;
	v9 =	vld [tilespmem:s20+$0xFFFFFF40]  }
0x4bd: {  	[tilespmem:s20+$0xFFFFFEE0] =	vst v8;
	v8 =	vmul.f32 v14, v6;
	v13 =	vld [tilespmem:s20+$0xFFFFFF50]  }
0x4be: {  	[tilespmem:s20+$0xFFFFFEF0] =	vst v7;
	v7 =	vmul.f32 v10, v6;
	v10 =	vld [tilespmem:s20+$0xFFFFFF60]  }
0x4bf: {  	[tilespmem:s20+$0xFFFFFF00] =	vst v8;
	v8 =	vmul.f32 v11, v6;
	v11 =	vld [tilespmem:s20+$0xFFFFFF70]  }
0x4c0: {  	[tilespmem:s20+$0xFFFFFF10] =	vst v7;
	v7 =	vmul.f32 v12, v6;
	v12 =	vld [tilespmem:s20+$0xFFFFFF80]  }
0x4c1: {  	[tilespmem:s20+$0xFFFFFF20] =	vst v8;
	v8 =	vmul.f32 v9, v6;
	v9 =	vld [tilespmem:s20+$0xFFFFFF90]  }
0x4c2: {  	[tilespmem:s20+$0xFFFFFF30] =	vst v7;
	v7 =	vmul.f32 v13, v6;
	v13 =	vld [tilespmem:s20+$0xFFFFFFA0]  }
0x4c3: {  	[tilespmem:s20+$0xFFFFFF40] =	vst v8;
	v8 =	vmul.f32 v10, v6;
	v10 =	vld [tilespmem:s20+$0xFFFFFFB0]  }
0x4c4: {  	[tilespmem:s20+$0xFFFFFF50] =	vst v7;
	v6 =	vmul.f32 v11, v6;
	v7 =	vld [tilespmem:s20+$0xFFFFFFC0]  }
0x4c5: {  	[tilespmem:s20+$0xFFFFFF60] =	vst v8;
	v8 =	vmul.f32 v12, v5;
	v11 =	vld [tilespmem:s20+$0xFFFFFFD0]  }
0x4c6: {  	[tilespmem:s20+$0xFFFFFF70] =	vst v6;
	v6 =	vmul.f32 v9, v5;
	v9 =	vld [tilespmem:s20+$0xFFFFFFE0]  }
0x4c7: {  	[tilespmem:s20+$0xFFFFFF80] =	vst v8;
	v8 =	vmul.f32 v13, v5;
	v12 =	vld [tilespmem:s20+$0xFFFFFFF0]  }
0x4c8: {  	[tilespmem:s20+$0xFFFFFF90] =	vst v6;
	v6 =	vmul.f32 v10, v5;
	v10 =	vld [tilespmem:s20+$0x0]  }
0x4c9: {  	[tilespmem:s20+$0xFFFFFFA0] =	vst v8;
	v7 =	vmul.f32 v7, v5;
	v8 =	vld [tilespmem:s20+$0x10]  }
0x4ca: {  	[tilespmem:s20+$0xFFFFFFB0] =	vst v6;
	v6 =	vmul.f32 v11, v5;
	v11 =	vld [tilespmem:s20+$0x20]  }
0x4cb: {  	[tilespmem:s20+$0xFFFFFFC0] =	vst v7;
	v7 =	vmul.f32 v9, v5;
	v9 =	vld [tilespmem:s20+$0x30]  }
0x4cc: {  	[tilespmem:s20+$0xFFFFFFD0] =	vst v6;
	v5 =	vmul.f32 v12, v5;
	v6 =	vld [tilespmem:s20+$0x40]  }
0x4cd: {  	[tilespmem:s20+$0xFFFFFFE0] =	vst v7;
	v7 =	vmul.f32 v10, v4;
	v10 =	vld [tilespmem:s20+$0x50]  }
0x4ce: {  	[tilespmem:s20+$0xFFFFFFF0] =	vst v5;
	v5 =	vmul.f32 v8, v4;
	v8 =	vld [tilespmem:s20+$0x60]  }
0x4cf: {  	[tilespmem:s20+$0x0] =	vst v7;
	v7 =	vmul.f32 v11, v4;
	v11 =	vld [tilespmem:s20+$0x70]  }
0x4d0: {  	[tilespmem:s20+$0x10] =	vst v5;
	v5 =	vmul.f32 v9, v4;
	v9 =	vld [tilespmem:s20+$0x80]  }
0x4d1: {  	[tilespmem:s20+$0x20] =	vst v7;
	v6 =	vmul.f32 v6, v4;
	v7 =	vld [tilespmem:s20+$0x90]  }
0x4d2: {  	[tilespmem:s20+$0x30] =	vst v5;
	v5 =	vmul.f32 v10, v4;
	v10 =	vld [tilespmem:s20+$0xA0]  }
0x4d3: {  	[tilespmem:s20+$0x40] =	vst v6;
	v6 =	vmul.f32 v8, v4;
	v8 =	vld [tilespmem:s20+$0xB0]  }
0x4d4: {  	[tilespmem:s20+$0x50] =	vst v5;
	v4 =	vmul.f32 v11, v4;
	v5 =	vld [tilespmem:s20+$0xC0]  }
0x4d5: {  	[tilespmem:s20+$0x60] =	vst v6;
	v6 =	vmul.f32 v9, v3;
	v9 =	vld [tilespmem:s20+$0xD0]  }
0x4d6: {  	[tilespmem:s20+$0x70] =	vst v4;
	v4 =	vmul.f32 v7, v3;
	v7 =	vld [tilespmem:s20+$0xE0]  }
0x4d7: {  	[tilespmem:s20+$0x80] =	vst v6;
	v6 =	vmul.f32 v10, v3;
	v10 =	vld [tilespmem:s20+$0xF0]  }
0x4d8: {  	v11 =	vmov s24;
	[tilespmem:s20+$0x90] =	vst v4;
	v4 =	vmul.f32 v8, v3;
	v8 =	vld [tilespmem:s20+$0x100]  }
0x4d9: {  	s7 =	sadd.s32 $0x1, s24;
	s8 =	sadd.s32 $0x7, s24;
	v11 =	vadd.s32 $0xC0, v11;
	[tilespmem:s20+$0xA0] =	vst v6;
	v5 =	vmul.f32 v5, v3;
	v6 =	vld [tilespmem:s20+$0x110]  }
0x4da: {  	s12 =	sadd.s32 $0x3, s24;
	v13 =	vmov s8;
	v12 =	vmov s7;
	s7 =	sadd.s32 $0x2, s24;
	[tilespmem:s20+$0xB0] =	vst v4;
	v4 =	vmul.f32 v9, v3;
	v9 =	vld [tilespmem:s20+$0x120]  }
0x4db: {  	v15 =	vmov s12;
	s8 =	sadd.s32 $0x5, s24;
	v14 =	vmov s7;
	s7 =	sadd.s32 $0x4, s24;
	[tilespmem:s20+$0xC0] =	vst v5;
	v5 =	vmul.f32 v7, v3;
	v7 =	vld [tilespmem:s20+$0x130]  }
0x4dc: {  	v17 =	vmov s8;
	v16 =	vmov s7;
	[tilespmem:s20+$0xD0] =	vst v4;
	v3 =	vmul.f32 v10, v3;
	v10 =	vld [tilespmem:s20+$0x140]  }
0x4dd: {  	v4 =	vand.u32 $0xFFFFFFF8, v11;
	v11 =	vadd.s32 $0xC0, v13;
	[tilespmem:s20+$0xE0] =	vst v5;
	v5 =	vmul.f32 v8, v2;
	v8 =	vld [tilespmem:s20+$0x150]  }
0x4de: {  	v12 =	vadd.s32 $0xC0, v12;
	v13 =	vadd.s32 $0xC0, v14;
	[tilespmem:s20+$0xF0] =	vst v3;
	v6 =	vmul.f32 v6, v2;
	v18 =	vld [tilespmem:s20+$0x160]  }
0x4df: {  	v14 =	vadd.s32 $0xC0, v15;
	v15 =	vadd.s32 $0xC0, v16;
	[tilespmem:s20+$0x100] =	vst v5;
	v5 =	vmul.f32 v9, v2;
	v16 =	vld [tilespmem:s20+$0x180]  }
.Ltmp4:
0x4e0: {  	v17 =	vadd.s32 $0xC0, v17;
	v3 =	vbroadcast v4, $0x0;
	[tilespmem:s20+$0x110] =	vst v6;
	v9 =	vmul.f32 v7, v2;
	v6 =	vld [tilespmem:s20+$0x190];
	(pc) =	sbr.rel @p0 .LBB2_11-.Ltmp4, $4  }
0x4e1: {  	v12 =	vand.u32 $0xFFFFFFF9, v12;
	v4 =	vbroadcast v11, $0x0;
	[tilespmem:s20+$0x120] =	vst v5;
	v10 =	vmul.f32 v10, v2;
	v7 =	vld [tilespmem:s20+$0x1A0]  }
0x4e2: {  	v11 =	vand.u32 $0xFFFFFFFA, v13;
	v13 =	vand.u32 $0xFFFFFFFB, v14;
	[tilespmem:s20+$0x130] =	vst v9;
	v19 =	vmul.f32 v8, v2;
	v8 =	vld [tilespmem:s20+$0x1B0]  }
0x4e3: {  	v14 =	vand.u32 $0xFFFFFFFC, v15;
	v5 =	vbroadcast v12, $0x0;
	[tilespmem:s20+$0x140] =	vst v10;
	v12 =	vmul.f32 v18, v2;
	v9 =	vld [tilespmem:s20+$0x1C0]  }
0x4e4: {  	s12 =	sadd.s32 $0x6, s24;
	s24 =	sadd.s32 $0x8, s24;
	v11 =	vbroadcast v11, $0x0;
	v2 =	vand.u32 $0xFFFFFFFD, v17;
	[tilespmem:s20+$0x150] =	vst v19;
	v15 =	vmul.f32 v16, v1;
	v10 =	vld [tilespmem:s20+$0x1D0]  }
0x4e5: {  	_ =	sdelay $0x1  }
0x4e6: {  	v16 =	vld [tilespmem:s20+$0x1E0]  }
0x4e7: {  	v21 =	vld [tilespmem:s20+$0x1F0]  }
0x4e8: {  	v18 =	vld.idx.msk [tilespmem:v3+s16+$0x0], $0xffff  }
0x4e9: {  	v19 =	vld.idx.msk [tilespmem:v5+s16+$0x0], $0xffff  }
0x4ea: {  	s24 =	sadd.s32 $0x400, s20;
	v11 =	vld.idx.msk [tilespmem:v11+s16+$0x0], $0xffff  }
0x4eb: {  	v25 =	vld [tilespmem:s24+$0xFFFFFE00]  }
0x4ec: {  	v27 =	vld [tilespmem:s24+$0xFFFFFE10]  }
0x4ed: {  	v29 =	vld [tilespmem:s24+$0xFFFFFE20]  }
0x4ee: {  	v6 =	vmul.f32 v6, v1;
	[tilespmem:s20+$0x160] =	vst v12;
	v30 =	vld [tilespmem:s24+$0xFFFFFE30]  }
0x4ef: {  	[tilespmem:s20+$0x180] =	vst v15;
	v7 =	vmul.f32 v7, v1;
	v31 =	vld [tilespmem:s24+$0xFFFFFE40]  }
0x4f0: {  	v32 =	vld [tilespmem:s24+$0xFFFFFE50];
	[tilespmem:s20+$0x190] =	vst v6;
	v22 =	vmul.f32 v8, v1  }
0x4f1: {  	v33 =	vld [tilespmem:s24+$0xFFFFFE60];
	[tilespmem:s20+$0x1A0] =	vst v7;
	v24 =	vmul.f32 v9, v1  }
0x4f2: {  	v34 =	vld [tilespmem:s24+$0xFFFFFE70];
	[tilespmem:s20+$0x1B0] =	vst v22;
	v26 =	vmul.f32 v10, v1  }
0x4f3: {  	v35 =	vld [tilespmem:s24+$0xFFFFFE80];
	[tilespmem:s20+$0x1C0] =	vst v24;
	v28 =	vmul.f32 v16, v1  }
0x4f4: {  	v36 =	vld [tilespmem:s24+$0xFFFFFE90];
	v1 =	vmul.f32 v21, v1;
	[tilespmem:s20+$0x1D0] =	vst v26  }
0x4f5: {  	v38 =	vld [tilespmem:s24+$0xFFFFFEA0];
	v10 =	vmul.f32 v27, v18;
	[tilespmem:s20+$0x1E0] =	vst v28  }
0x4f6: {  	v39 =	vld [tilespmem:s24+$0xFFFFFEB0];
	[tilespmem:s20+$0x1F0] =	vst v1;
	v1 =	vmul.f32 v25, v18  }
0x4f7: {  	v41 =	vld [tilespmem:s24+$0xFFFFFEC0];
	v6 =	vmul.f32 v30, v18;
	[tilespmem:s24+$0xFFFFFE10] =	vst v10  }
0x4f8: {  	v42 =	vld [tilespmem:s24+$0xFFFFFED0];
	[tilespmem:s24+$0xFFFFFE00] =	vst v1;
	v1 =	vmul.f32 v29, v18  }
0x4f9: {  	v44 =	vld [tilespmem:s24+$0xFFFFFEE0];
	v37 =	vmul.f32 v32, v18;
	[tilespmem:s24+$0xFFFFFE30] =	vst v6  }
0x4fa: {  	v45 =	vld [tilespmem:s24+$0xFFFFFEF0];
	[tilespmem:s24+$0xFFFFFE20] =	vst v1;
	v1 =	vmul.f32 v31, v18  }
0x4fb: {  	v47 =	vld [tilespmem:s24+$0xFFFFFF00];
	v40 =	vmul.f32 v34, v18;
	[tilespmem:s24+$0xFFFFFE50] =	vst v37  }
0x4fc: {  	v48 =	vld [tilespmem:s24+$0xFFFFFF10];
	[tilespmem:s24+$0xFFFFFE40] =	vst v1;
	v1 =	vmul.f32 v33, v18  }
0x4fd: {  	v50 =	vld [tilespmem:s24+$0xFFFFFF20];
	v43 =	vmul.f32 v36, v19;
	[tilespmem:s24+$0xFFFFFE70] =	vst v40  }
0x4fe: {  	v51 =	vld [tilespmem:s24+$0xFFFFFF30];
	[tilespmem:s24+$0xFFFFFE60] =	vst v1;
	v1 =	vmul.f32 v35, v19  }
0x4ff: {  	v53 =	vld [tilespmem:s24+$0xFFFFFF40];
	v46 =	vmul.f32 v39, v19;
	[tilespmem:s24+$0xFFFFFE90] =	vst v43  }
0x500: {  	v54 =	vld [tilespmem:s24+$0xFFFFFF50];
	[tilespmem:s24+$0xFFFFFE80] =	vst v1;
	v1 =	vmul.f32 v38, v19  }
0x501: {  	v56 =	vld [tilespmem:s24+$0xFFFFFF60];
	v49 =	vmul.f32 v42, v19;
	[tilespmem:s24+$0xFFFFFEB0] =	vst v46  }
0x502: {  	v13 =	vbroadcast v13, $0x0;
	v57 =	vld [tilespmem:s24+$0xFFFFFF70];
	[tilespmem:s24+$0xFFFFFEA0] =	vst v1;
	v1 =	vmul.f32 v41, v19  }
0x503: {  	v17 =	vmov s12;
	v59 =	vld [tilespmem:s24+$0xFFFFFF80];
	v52 =	vmul.f32 v45, v19;
	[tilespmem:s24+$0xFFFFFED0] =	vst v49  }
0x504: {  	v14 =	vbroadcast v14, $0x0;
	v63 =	vadd.s32 $0xC0, v17;
	v60 =	vld [tilespmem:s24+$0xFFFFFF90];
	[tilespmem:s24+$0xFFFFFEC0] =	vst v1;
	v1 =	vmul.f32 v44, v19  }
0x505: {  	v3 =	vbroadcast v2, $0x0;
	v62 =	vld [tilespmem:s24+$0xFFFFFFA0];
	v2 =	vand.u32 $0xFFFFFFFE, v63;
	v55 =	vmul.f32 v48, v11;
	[tilespmem:s24+$0xFFFFFEF0] =	vst v52  }
0x506: {  	v63 =	vld [tilespmem:s24+$0xFFFFFFB0];
	v15 =	vbroadcast v2, $0x0;
	[tilespmem:s24+$0xFFFFFEE0] =	vst v1;
	v1 =	vmul.f32 v47, v11  }
0x507: {  	v2 =	vld.idx.msk [tilespmem:v4+s16+$0x0], $0xffff;
	v58 =	vmul.f32 v51, v11;
	[tilespmem:s24+$0xFFFFFF10] =	vst v55  }
0x508: {  	v13 =	vld.idx.msk [tilespmem:v13+s16+$0x0], $0xffff;
	[tilespmem:s24+$0xFFFFFF00] =	vst v1;
	v1 =	vmul.f32 v50, v11  }
0x509: {  	v22 =	vld [tilespmem:s24+$0x10];
	v61 =	vmul.f32 v54, v11;
	[tilespmem:s24+$0xFFFFFF30] =	vst v58  }
0x50a: {  	v5 =	vld.idx.msk [tilespmem:v14+s16+$0x0], $0xffff;
	[tilespmem:s24+$0xFFFFFF20] =	vst v1;
	v1 =	vmul.f32 v53, v11  }
0x50b: {  	v4 =	vld.idx.msk [tilespmem:v3+s16+$0x0], $0xffff;
	v14 =	vmul.f32 v57, v11;
	[tilespmem:s24+$0xFFFFFF50] =	vst v61  }
0x50c: {  	v3 =	vld.idx.msk [tilespmem:v15+s16+$0x0], $0xffff;
	[tilespmem:s24+$0xFFFFFF40] =	vst v1;
	v1 =	vmul.f32 v56, v11  }
0x50d: {  	[tilespmem:s24+$0xFFFFFF70] =	vst v14;
	v15 =	vld [tilespmem:s24+$0xFFFFFFC0];
	v17 =	vmul.f32 v60, v13  }
0x50e: {  	v34 =	vld [tilespmem:s24+$0x90];
	[tilespmem:s24+$0xFFFFFF60] =	vst v1;
	v1 =	vmul.f32 v59, v13  }
0x50f: {  	v20 =	vmul.f32 v63, v13;
	v18 =	vld [tilespmem:s24+$0xFFFFFFE0];
	[tilespmem:s24+$0xFFFFFF90] =	vst v17  }
0x510: {  	v39 =	vld [tilespmem:s24+$0xD0];
	[tilespmem:s24+$0xFFFFFF80] =	vst v1;
	v1 =	vmul.f32 v62, v13  }
0x511: {  	v21 =	vld [tilespmem:s24+$0x0];
	v29 =	vmul.f32 v22, v5;
	[tilespmem:s24+$0xFFFFFFB0] =	vst v20  }
0x512: {  	v25 =	vld [tilespmem:s24+$0x30];
	[tilespmem:s24+$0xFFFFFFA0] =	vst v1;
	v1 =	vmul.f32 v15, v13  }
0x513: {  	v24 =	vld [tilespmem:s24+$0x20];
	v40 =	vmul.f32 v34, v4;
	[tilespmem:s24+$0x10] =	vst v29  }
0x514: {  	v37 =	vld [tilespmem:s24+$0xB0];
	[tilespmem:s24+$0xFFFFFFC0] =	vst v1;
	v1 =	vmul.f32 v18, v13  }
0x515: {  	v27 =	vld [tilespmem:s24+$0x40];
	v46 =	vmul.f32 v39, v4;
	[tilespmem:s24+$0x90] =	vst v40  }
0x516: {  	v23 =	vld [tilespmem:s24+$0x170];
	[tilespmem:s24+$0xFFFFFFE0] =	vst v1;
	v1 =	vmul.f32 v21, v5  }
0x517: {  	v30 =	vld [tilespmem:s24+$0x60];
	v32 =	vmul.f32 v25, v5;
	[tilespmem:s24+$0xD0] =	vst v46  }
0x518: {  	v16 =	vld [tilespmem:s24+$0xFFFFFFD0];
	[tilespmem:s24+$0x0] =	vst v1;
	v1 =	vmul.f32 v24, v5  }
0x519: {  	v33 =	vld [tilespmem:s24+$0x80];
	v43 =	vmul.f32 v37, v4;
	[tilespmem:s24+$0x30] =	vst v32  }
0x51a: {  	v45 =	vld [tilespmem:s24+$0x110];
	[tilespmem:s24+$0x20] =	vst v1;
	v1 =	vmul.f32 v27, v5  }
0x51b: {  	v36 =	vld [tilespmem:s24+$0xA0];
	v8 =	vmul.f32 v23, v3;
	[tilespmem:s24+$0xB0] =	vst v43  }
0x51c: {  	v48 =	vld [tilespmem:s24+$0x130];
	[tilespmem:s24+$0x40] =	vst v1;
	v1 =	vmul.f32 v30, v5  }
0x51d: {  	v23 =	vmul.f32 v16, v13;
	[tilespmem:s24+$0x170] =	vst v8;
	v38 =	vld [tilespmem:s24+$0xC0]  }
0x51e: {  	v28 =	vld [tilespmem:s24+$0x50];
	[tilespmem:s24+$0x60] =	vst v1;
	v1 =	vmul.f32 v33, v4  }
0x51f: {  	v51 =	vmul.f32 v45, v3;
	[tilespmem:s24+$0xFFFFFFD0] =	vst v23;
	v41 =	vld [tilespmem:s24+$0xE0]  }
0x520: {  	v19 =	vld [tilespmem:s24+$0xFFFFFFF0];
	[tilespmem:s24+$0x80] =	vst v1;
	v1 =	vmul.f32 v36, v4  }
0x521: {  	v54 =	vmul.f32 v48, v3;
	[tilespmem:s24+$0x110] =	vst v51;
	v44 =	vld [tilespmem:s24+$0x100]  }
0x522: {  	v50 =	vld [tilespmem:s24+$0x150];
	[tilespmem:s24+$0xA0] =	vst v1;
	v1 =	vmul.f32 v38, v4  }
0x523: {  	v35 =	vmul.f32 v28, v5;
	[tilespmem:s24+$0x130] =	vst v54;
	v47 =	vld [tilespmem:s24+$0x120]  }
0x524: {  	v53 =	vld [tilespmem:s24+$0x180];
	[tilespmem:s24+$0xC0] =	vst v1;
	v1 =	vmul.f32 v41, v4  }
0x525: {  	v49 =	vld [tilespmem:s24+$0x140];
	[tilespmem:s24+$0x50] =	vst v35;
	v26 =	vmul.f32 v19, v13  }
0x526: {  	v56 =	vld [tilespmem:s24+$0x1A0];
	[tilespmem:s24+$0xE0] =	vst v1;
	v1 =	vmul.f32 v44, v3  }
0x527: {  	v52 =	vld [tilespmem:s24+$0x160];
	[tilespmem:s24+$0xFFFFFFF0] =	vst v26;
	v57 =	vmul.f32 v50, v3  }
0x528: {  	v31 =	vld [tilespmem:s24+$0x70];
	[tilespmem:s24+$0x100] =	vst v1;
	v1 =	vmul.f32 v47, v3  }
0x529: {  	v55 =	vld [tilespmem:s24+$0x190];
	[tilespmem:s24+$0x150] =	vst v57;
	v59 =	vmul.f32 v53, v2  }
0x52a: {  	v42 =	vld [tilespmem:s24+$0xF0];
	[tilespmem:s24+$0x120] =	vst v1;
	v1 =	vmul.f32 v49, v3  }
0x52b: {  	v58 =	vld [tilespmem:s24+$0x1B0];
	[tilespmem:s24+$0x180] =	vst v59;
	v62 =	vmul.f32 v56, v2  }
0x52c: {  	[tilespmem:s24+$0x140] =	vst v1;
	v1 =	vmul.f32 v52, v3;
	v3 =	vld [tilespmem:s24+$0x1C0]  }
0x52d: {  	v60 =	vld [tilespmem:s24+$0x1D0];
	[tilespmem:s24+$0x1A0] =	vst v62;
	v5 =	vmul.f32 v31, v5  }
0x52e: {  	v61 =	vld [tilespmem:s24+$0x1E0];
	[tilespmem:s24+$0x160] =	vst v1;
	v1 =	vmul.f32 v55, v2  }
0x52f: {  	v63 =	vld [tilespmem:s24+$0x1F0];
	[tilespmem:s24+$0x70] =	vst v5;
	v4 =	vmul.f32 v42, v4  }
0x530: {  	[tilespmem:s24+$0x190] =	vst v1;
	v1 =	vmul.f32 v58, v2  }
0x531: {  	[tilespmem:s24+$0xF0] =	vst v4;
	v3 =	vmul.f32 v3, v2  }
0x532: {  	[tilespmem:s24+$0x1B0] =	vst v1;
	v1 =	vmul.f32 v60, v2  }
0x533: {  	[tilespmem:s24+$0x1C0] =	vst v3;
	v3 =	vmul.f32 v61, v2  }
0x534: {  	[tilespmem:s24+$0x1D0] =	vst v1;
	v1 =	vmul.f32 v63, v2  }
0x535: {  	[tilespmem:s24+$0x1E0] =	vst v3  }
0x536: {  	[tilespmem:s24+$0x1F0] =	vst v1  }
0x537: {  	[spmem:s2] =	stream.indirect.scatter.add.f32 [tilespmem:s31], [sflag:$0x4], $0x80, s23, s10, $0xb8;
	[tilespmem:$0x1FC80] =	vst v63  }
0x538: {  	_ =	swait.ge [sflag:s1], $0x2000  }
0x539: {  	[sflag:s1] =	ssyncset.done $0x0  }
0x53a: {  	[sflag:s1] =	ssyncadd.s32 $0xFFFFE000  }
0x53b: {  	_ =	swait.ge [sflag:s9], $0x2000  }
0x53c: {  	[sflag:s9] =	ssyncset.done $0x0  }
0x53d: {  	[sflag:s9] =	ssyncadd.s32 $0xFFFFE000  }
0x53e: {  	_ =	swait.ge [sflag:s21], $0x2000  }
0x53f: {  	[sflag:s21] =	ssyncset.done $0x0  }
0x540: {  	[sflag:s21] =	ssyncadd.s32 $0xFFFFE000  }
0x541: {  	_ =	swait.ge [sflag:s11], $0x40  }
0x542: {  	[sflag:s11] =	ssyncset.done $0x0  }
0x543: {  	[sflag:s11] =	ssyncadd.s32 $0xFFFFFFC0  }
0x544: {  	_ =	swait.ge [sflag:s11], $0x40  }
0x545: {  	[sflag:s11] =	ssyncset.done $0x0  }
0x546: {  	s18 =	sadd.s32 $0x1, s18;
	[sflag:s11] =	ssyncadd.s32 $0xFFFFFFC0  }
0x547: {  	p0 =	sne.s32 s18, $0x28;
	_ =	swait.ge [sflag:s11], $0x40  }
.Ltmp5:
0x548: {  	[sflag:s11] =	ssyncset.done $0x0;
	(pc) =	sbr.rel @p0 .LBB2_4-.Ltmp5, $4  }
0x549: {  	[sflag:s11] =	ssyncadd.s32 $0xFFFFFFC0  }
0x54a: {  	_ =	swait.ge [sflag:s11], $0x40  }
0x54b: {  	[sflag:s11] =	ssyncset.done $0x0  }
0x54c: {  	[sflag:s11] =	ssyncadd.s32 $0xFFFFFFC0  }
0x54d: {  	s7 =	stileid.u32;
	[bflag:$0x0] =	sbarrier.arrive $0xFFFF  }
0x54e: {  	s7 =	sshll.u32 s7, $0x6;
	s12 =	rddreg [dreg:$0xa]  }
0x54f: {  	s14 =	rddreg [dreg:$0x14];
	s7 =	sor.u32 $0x1C08, s7;
	s8 =	sshrl.u32 s12, $0x3  }
0x550: {  	[hbm:s14], [sflag:s7] =	dma.local [spmem:s8], $0x2800  }
0x551: {  	s18 =	simm.s32 $0x20;
	_ =	swait.ge [sflag:s28], $0x2800  }
0x552: {  	s24 =	simm.s32 $0x10;
	[sflag:s28] =	ssyncset.done $0x0;
	s20 =	rddreg [dreg:$0x13]  }
0x553: {  	s14 =	rddreg [dreg:$0x15];
	[sflag:s28] =	ssyncadd.s32 $0xFFFFD800;
	s8 =	sshrl.u32 s20, $0x3  }
0x554: {  	[hbm:s14@s18], [sflag:s7] =	dma.strided [spmem:s8@s24], $0x50, s25, $0x10   }
0x555: {  	_ =	swait.ge [sflag:s28], $0x50  }
0x556: {  	s18 =	rddreg [dreg:$0x18]  }
0x557: {  	s24 =	rddreg [dreg:$0x16];
	s8 =	sadd.s32 $0x1, s18  }
0x558: {  	p0 =	sne.s32 s8, s24  }
.Ltmp6:
0x559: {  	_ = 	snop;
	(pc) =	sbr.rel @p0 .LBB2_1-.Ltmp6, $3  }
0x55a: {  	_ =	sdelay $0x1  }
0x55b: {  	[sflag:s28] =	ssyncset.done $0x0  }
0x55c: {  	[sflag:s28] =	ssyncadd.s32 $0xFFFFFFB0  }
0x55d: {  	_ =	sfence.sel $0x180000  }
0x55e: {  	[bflag:$0x0] =	sbarrier.arrive $0xFFFF  }
0x55f: {  	_ =	strace $0x90000047  }
0x560: {  	s0 =	stileid.u32;
	[bflag:$0x2] =	sbarrier.arrive $0xFFFF  }
0x561: {  	p0 =	sne.s32 s0, $0x0;
	s0 =	rddreg [dreg:$0x4]  }
0x562: {  	s0 =	sadd.s32 @!p0 $0x100000, s0  }
0x563: {  	[sflag:s0] =	ssyncadd.tile.s32 @!p0 $0x1;
	_ =	shalt  }
.Lfunc_end2:
_tile_overlayer_lowered:
.L_overlay_start_2:
0x564: {  	(tag) =	ssettag $0x2  }
0x565: {  	s0 =	rddreg [dreg:$0x0];
	s2 =	stileid.u32  }
0x566: {  	s1 =	rddreg [dreg:$0x1];
	p0 =	sne.s32 s2, $0x0  }
0x567: {  	s3 =	rddreg [dreg:$0x2];
	[bflag:$0x3] =	sbarrier.arrive $0xFFFF;
	s2 =	simm.s32 @!p0 $0x1C08  }
0x568: {  	[timem:s3], [sflag:s2] =	dma.local @!p0 [hbm:s0], s1  }
0x569: {  	s0 =	simm.s32 @!p0 $0x8  }
0x56a: {  	_ =	swait.ge @!p0 [sflag:s0], s1  }
0x56b: {  	s1 =	ssub.s32 @!p0 $0x0, s1;
	[sflag:s0] =	ssyncset.done @!p0 $0x0  }
0x56c: {  	[sflag:s0] =	ssyncadd.s32 @!p0 s1  }
0x56d: {  	[bflag:$0x3] =	sbarrier.arrive $0xFFFF  }
0x56e: {  	_ =	shalt  }

</sc_bundles>
